<compile_context>
chip_gen: v7x
topology: tpu7x:2x2x1
jax: 0.10.2.dev20260603
libtpu: 0.0.44.dev20260713+nightly
codegen_flags: <defaults>
</compile_context>

<pallas_src>
import functools

import jax
import jax.numpy as jnp
from jax import lax
from jax.experimental import pallas as pl
from jax.experimental.pallas import tpu as pltpu
from jax.experimental.pallas import tpu_sc as plsc

N_NODES = 10000
IN_DIM = 256
HALF = 128
N_EDGES = 160000
E_PAD = 163840
CHUNK = 128
E_ROWS = E_PAD // CHUNK
NC, NS = 2, 16
TILE_ROWS = E_ROWS // NS
C_CHUNK = 64
NCHUNKS = TILE_ROWS * (CHUNK // C_CHUNK)
NBUF = 4
A_ROWS = E_ROWS // (NC * NS)
PACK_SHIFT = 14
PACK_MASK = (1 << PACK_SHIFT) - 1
DEG_N = 10240
DEG_SPAN = 640
DEG_W = 128
ACC_ROWS = 10008
ROW_SPAN = 632
BR = 2000


@functools.cache
def _sc_mesh():
  return plsc.VectorSubcoreMesh(
      core_axis_name="c", subcore_axis_name="s", num_cores=NC, num_subcores=NS)


def _deg_body(col2d, ones_c, deg_out, deg_sh, colbuf, onesv, zsem):
  c = lax.axis_index("c")
  s = lax.axis_index("s")
  wid = c * NS + s
  pltpu.sync_copy(ones_c.at[pl.ds(CHUNK, DEG_SPAN)],
                  deg_sh.at[pl.ds(s * DEG_SPAN, DEG_SPAN)])
  pltpu.sync_copy(ones_c.at[pl.ds(0, CHUNK)], onesv)
  pltpu.sync_copy(col2d.at[pl.ds(wid * A_ROWS, A_ROWS)], colbuf)
  plsc.subcore_barrier()

  def step(j, carry):
    pltpu.sync_copy(onesv, deg_sh.at[colbuf.at[j]], add=True)
    return carry

  lax.fori_loop(0, A_ROWS, step, 0)
  plsc.subcore_barrier()
  pltpu.sync_copy(deg_sh.at[pl.ds(s * DEG_SPAN, DEG_SPAN)],
                  deg_out.at[c, pl.ds(s * DEG_SPAN, DEG_SPAN)])
  del zsem


@functools.cache
def _deg_call():
  return pl.kernel(
      _deg_body,
      out_type=jax.ShapeDtypeStruct((NC, DEG_N, DEG_W), jnp.float32),
      mesh=_sc_mesh(),
      scratch_types=[
          pltpu.VMEM_SHARED((DEG_N, DEG_W), jnp.float32),
          pltpu.VMEM((A_ROWS, CHUNK), jnp.int32),
          pltpu.VMEM((CHUNK, DEG_W), jnp.float32),
          pltpu.SemaphoreType.DMA,
      ],
  )


def _hs_body(x_ref, w_ref, dp_ref, hs0_ref, hs1_ref):
  h = jnp.dot(x_ref[...], w_ref[...], preferred_element_type=jnp.float32)
  deg = dp_ref[0, :, 0:1] + dp_ref[1, :, 0:1] + 1.0
  hs = h * lax.rsqrt(deg)
  hs0_ref[...] = hs[:, :HALF]
  hs1_ref[...] = hs[:, HALF:]


def _hs_call(x, w, degp):
  return pl.pallas_call(
      _hs_body,
      grid=(N_NODES // BR,),
      in_specs=[
          pl.BlockSpec((BR, IN_DIM), lambda j: (j, 0)),
          pl.BlockSpec((IN_DIM, IN_DIM), lambda j: (0, 0)),
          pl.BlockSpec((NC, BR, DEG_W), lambda j: (0, j, 0)),
      ],
      out_specs=[
          pl.BlockSpec((BR, HALF), lambda j: (j, 0)),
          pl.BlockSpec((BR, HALF), lambda j: (j, 0)),
      ],
      out_shape=[
          jax.ShapeDtypeStruct((N_NODES, HALF), jnp.float32),
          jax.ShapeDtypeStruct((N_NODES, HALF), jnp.float32),
      ],
  )(x, w, degp)


def _gcn_body(hs0, hs1, pk2d, out0, out1,
              acc_sh, pbuf, rows_v, ridx, cidx, gsem, ssem):
  c = lax.axis_index("c")
  s = lax.axis_index("s")

  def run(hs, out):
    @pl.when(s < NS - 1)
    def _():
      pltpu.sync_copy(hs.at[pl.ds(s * ROW_SPAN, ROW_SPAN)],
                      acc_sh.at[pl.ds(s * ROW_SPAN, ROW_SPAN)])

    @pl.when(s == NS - 1)
    def _():
      pltpu.sync_copy(hs.at[pl.ds(9480, 520)], acc_sh.at[pl.ds(9480, 520)])

    pltpu.sync_copy(pk2d.at[pl.ds(s * TILE_ROWS, TILE_ROWS)], pbuf)
    plsc.subcore_barrier()

    def unpack(b, j):
      jr = j // 2
      jo = (j % 2) * C_CHUNK
      for k in range(C_CHUNK // 16):
        pk = pbuf[jr, pl.ds(jo + k * 16, 16)]
        ridx[b, pl.ds(k * 16, 16)] = lax.shift_right_logical(pk, PACK_SHIFT)
        cidx[b, pl.ds(k * 16, 16)] = lax.bitwise_and(pk, PACK_MASK)

    def gstart(b):
      pltpu.async_copy(hs.at[ridx.at[b]], rows_v.at[b], gsem.at[b])

    def gwait(b):
      pltpu.make_async_copy(hs.at[ridx.at[b]], rows_v.at[b],
                            gsem.at[b]).wait()

    def sstart(b):
      pltpu.async_copy(rows_v.at[b], acc_sh.at[cidx.at[b]], ssem.at[b],
                       add=True)

    def swait(b):
      pltpu.make_async_copy(rows_v.at[b], acc_sh.at[cidx.at[b]],
                            ssem.at[b]).wait()

    for b in range(NBUF):
      unpack(b, b)
      gstart(b)

    def group(g, carry):
      j0 = g * NBUF
      for b in range(NBUF):
        gwait(b)
        sstart(b)
      for b in range(NBUF):
        swait(b)

        @pl.when(j0 + NBUF + b < NCHUNKS)
        def _():
          unpack(b, j0 + NBUF + b)
          gstart(b)

      return carry

    lax.fori_loop(0, NCHUNKS // NBUF, group, 0)
    plsc.subcore_barrier()

    @pl.when(s < NS - 1)
    def _():
      pltpu.sync_copy(acc_sh.at[pl.ds(s * ROW_SPAN, ROW_SPAN)],
                      out.at[pl.ds(s * ROW_SPAN, ROW_SPAN)])

    @pl.when(s == NS - 1)
    def _():
      pltpu.sync_copy(acc_sh.at[pl.ds(9480, 520)], out.at[pl.ds(9480, 520)])

  @pl.when(c == 0)
  def _():
    run(hs0, out0)

  @pl.when(c == 1)
  def _():
    run(hs1, out1)


@functools.cache
def _gcn_call():
  return pl.kernel(
      _gcn_body,
      out_type=[
          jax.ShapeDtypeStruct((N_NODES, HALF), jnp.float32),
          jax.ShapeDtypeStruct((N_NODES, HALF), jnp.float32),
      ],
      mesh=_sc_mesh(),
      scratch_types=[
          pltpu.VMEM_SHARED((ACC_ROWS, HALF), jnp.float32),
          pltpu.VMEM((TILE_ROWS, CHUNK), jnp.int32),
          pltpu.VMEM((NBUF, C_CHUNK, HALF), jnp.float32),
          pltpu.VMEM((NBUF, C_CHUNK), jnp.int32),
          pltpu.VMEM((NBUF, C_CHUNK), jnp.int32),
          pltpu.SemaphoreType.DMA((NBUF,)),
          pltpu.SemaphoreType.DMA((NBUF,)),
      ],
  )


def _bn_body(acc0, acc1, dp_ref, b_ref, g_ref, be_ref, y_ref, s_ref, q_ref):
  p = pl.program_id(0)

  deg = dp_ref[0, :, 0:1] + dp_ref[1, :, 0:1] + 1.0
  dis = lax.rsqrt(deg)
  o0 = jnp.maximum(acc0[...] * dis + b_ref[:, :HALF], 0.0)
  o1 = jnp.maximum(acc1[...] * dis + b_ref[:, HALF:], 0.0)
  o = jnp.concatenate([o0, o1], axis=1)

  @pl.when((p == 0) & (pl.program_id(1) == 0))
  def _():
    s_ref[...] = jnp.zeros_like(s_ref)
    q_ref[...] = jnp.zeros_like(q_ref)

  @pl.when(p == 0)
  def _():
    s_ref[...] += jnp.sum(o, axis=0, keepdims=True)
    q_ref[...] += jnp.sum(o * o, axis=0, keepdims=True)
    y_ref[...] = o

  @pl.when(p == 1)
  def _():
    mean = s_ref[...] * (1.0 / N_NODES)
    var = q_ref[...] * (1.0 / N_NODES) - mean * mean
    rstd = lax.rsqrt(var + 1e-5)
    y_ref[...] = g_ref[...] * (o - mean) * rstd + be_ref[...]


def _bn_call(acc0, acc1, degp, b2, g2, be2):
  return pl.pallas_call(
      _bn_body,
      grid=(2, N_NODES // BR),
      in_specs=[
          pl.BlockSpec((BR, HALF), lambda p, j: (j, 0)),
          pl.BlockSpec((BR, HALF), lambda p, j: (j, 0)),
          pl.BlockSpec((NC, BR, DEG_W), lambda p, j: (0, j, 0)),
          pl.BlockSpec((1, IN_DIM), lambda p, j: (0, 0)),
          pl.BlockSpec((1, IN_DIM), lambda p, j: (0, 0)),
          pl.BlockSpec((1, IN_DIM), lambda p, j: (0, 0)),
      ],
      out_specs=pl.BlockSpec((BR, IN_DIM), lambda p, j: (j, 0)),
      out_shape=jax.ShapeDtypeStruct((N_NODES, IN_DIM), jnp.float32),
      scratch_shapes=[
          pltpu.VMEM((1, IN_DIM), jnp.float32),
          pltpu.VMEM((1, IN_DIM), jnp.float32),
      ],
  )(acc0, acc1, degp, b2, g2, be2)


def kernel(x, edge_index, edge_attr, W, b, gamma, beta):
  del edge_attr
  ei = edge_index.astype(jnp.int32)
  pad = E_PAD - N_EDGES
  row = jnp.concatenate([ei[0], jnp.zeros((pad,), jnp.int32)])
  col = jnp.concatenate([ei[1], jnp.full((pad,), N_NODES, jnp.int32)])
  pk2d = ((row << PACK_SHIFT) | col).reshape(E_ROWS, CHUNK)
  col2d = col.reshape(E_ROWS, CHUNK)
  ones_c = jnp.concatenate([
      jnp.ones((CHUNK, DEG_W), jnp.float32),
      jnp.zeros((DEG_SPAN, DEG_W), jnp.float32),
  ])

  degp = _deg_call()(col2d, ones_c)
  hs0, hs1 = _hs_call(x, W, degp)
  acc0, acc1 = _gcn_call()(hs0, hs1, pk2d)
  y = _bn_call(acc0, acc1, degp,
               b.reshape(1, IN_DIM), gamma.reshape(1, IN_DIM),
               beta.reshape(1, IN_DIM))
  return y

# --- scband reference (transcript-rebuilt; emitter-appended) ---
"""Pipeline reference for scband-gcnblock-309237645713 (READ-ONLY COPY).

The authoritative reference and input builder live on the scoring server;
editing this copy changes nothing except your own understanding.
"""

import jax, jax.numpy as jnp
import numpy as np

N_NODES = 10000
IN_DIM = 256
HIDDEN_DIM = 256
N_EDGES = 160000
D_EDGE = 16


def setup_inputs(seed: int = 0) -> dict:
    key = jax.random.key(seed)
    k1, k2, k3, k4, k5, k6, k7 = jax.random.split(key, 7)
    x = jax.random.normal(k1, (N_NODES, IN_DIM), dtype=jnp.float32)
    edge_index = jax.random.randint(k2, (2, N_EDGES), 0, N_NODES, dtype=jnp.int64)
    edge_attr = jax.random.normal(k3, (N_EDGES, D_EDGE), dtype=jnp.float32)
    # GCNConv parameters (glorot-style init for W, zeros for bias)
    W = jax.random.normal(k4, (IN_DIM, HIDDEN_DIM), dtype=jnp.float32) * (1.0 / np.sqrt(IN_DIM))
    b = jnp.zeros((HIDDEN_DIM,), dtype=jnp.float32)
    # BatchNorm1d parameters
    gamma = jnp.ones((HIDDEN_DIM,), dtype=jnp.float32)
    beta = jnp.zeros((HIDDEN_DIM,), dtype=jnp.float32)
    return {"x": x, "edge_index": edge_index, "edge_attr": edge_attr, "W": W, "b": b, "gamma": gamma, "beta": beta}


def reference(x, edge_index, edge_attr, W, b, gamma, beta):
    # GCNConv (PyG semantics): add self-loops, symmetric normalization,
    # linear transform, scatter-add aggregation, bias. edge_attr is accepted
    # by the forward signature but unused by GCNConv (as in the torch module).
    N = x.shape[0]
    row = edge_index[0]
    col = edge_index[1]
    loop = jnp.arange(N, dtype=row.dtype)
    row = jnp.concatenate([row, loop])
    col = jnp.concatenate([col, loop])
    # degree from edge weights (all ones) computed on destination index
    deg = jnp.zeros((N,), dtype=jnp.float32).at[col].add(1.0)
    deg_inv_sqrt = deg ** -0.5
    norm = deg_inv_sqrt[row] * deg_inv_sqrt[col]
    # linear transform then message passing (gather -> scale -> scatter-add)
    h = x @ W
    msg = h[row] * norm[:, None]
    out = jnp.zeros((N, h.shape[1]), dtype=h.dtype).at[col].add(msg)
    out = out + b
    # ReLU
    out = jax.nn.relu(out)
    # BatchNorm1d (training mode: batch statistics, biased variance, eps=1e-5)
    mean = jnp.mean(out, axis=0)
    var = jnp.var(out, axis=0)
    y = gamma * (out - mean) / jnp.sqrt(var + 1e-5) + beta
    return y

if __name__ == "__main__":
    import jax
    _d = setup_inputs()
    print(jax.jit(kernel)(*tuple(_d.values())))

</pallas_src>

<mosaic_0001>
#map = affine_map<(d0, d1) -> (0, 0)>
#map1 = affine_map<(d0, d1) -> (0, 0, 0)>
module attributes {stable_mosaic.version = 14 : i64} {
  func.func @_deg_body(%arg0: i32, %arg1: i32, %arg2: memref<1280x128xi32, #tpu.memory_space<hbm>>, %arg3: memref<768x128xf32, #tpu.memory_space<hbm>>, %arg4: memref<2x10240x128xf32, #tpu.memory_space<hbm>>, %arg5: memref<10240x128xf32, #tpu.memory_space<vmem_shared>>, %arg6: memref<40x128xi32, #tpu.memory_space<vmem>>, %arg7: memref<128x128xf32, #tpu.memory_space<vmem>>, %arg8: memref<!tpu.dma_semaphore, #tpu.memory_space<semaphore_mem>>) attributes {dimension_semantics = [#tpu.dimension_semantics<core_parallel>, #tpu.dimension_semantics<subcore_parallel>], iteration_bounds = array<i64: 2, 16>, scalar_prefetch = 0 : i64, scratch_operands = 4 : i64, tpu.core_type = #tpu.core_type<sc_vector_subcore>, window_params = [{transform_indices = #map}, {transform_indices = #map}, {transform_indices = #map1}]} {
    %mul3A = arith.constant 16 : i32
    %mul3A_0 = arith.muli %arg0, %mul3A : i32
    %add3A = arith.addi %mul3A_0, %arg1 : i32
    %mul3A_1 = arith.constant 640 : i32
    %mul3A_2 = arith.muli %arg1, %mul3A_1 : i32
    "tpu.region"() ({
      %run_scoped3A = tpu.sem_alloc : memref<!tpu.dma_semaphore, #tpu.memory_space<semaphore_mem>>
      %dma_start3A = arith.constant 0 : i32
      %dma_start3A_15 = tpu.memref_slice %arg5[%mul3A_2, %dma_start3A] : memref<10240x128xf32, #tpu.memory_space<vmem_shared>> -> memref<640x128xf32, #tpu.memory_space<vmem_shared>>
      %dma_start3A_16 = arith.constant 128 : i32
      %dma_start3A_17 = arith.constant 0 : i32
      %dma_start3A_18 = tpu.memref_slice %arg3[%dma_start3A_16, %dma_start3A_17] : memref<768x128xf32, #tpu.memory_space<hbm>> -> memref<640x128xf32, #tpu.memory_space<hbm>>
      tpu.enqueue_dma source(%dma_start3A_18 : memref<640x128xf32, #tpu.memory_space<hbm>>) target(%dma_start3A_15 : memref<640x128xf32, #tpu.memory_space<vmem_shared>>) target_semaphore(%run_scoped3A : memref<!tpu.dma_semaphore, #tpu.memory_space<semaphore_mem>>)
      %dma_wait3A = arith.constant 0 : i32
      %dma_wait3A_19 = tpu.memref_slice %arg5[%mul3A_2, %dma_wait3A] : memref<10240x128xf32, #tpu.memory_space<vmem_shared>> -> memref<640x128xf32, #tpu.memory_space<vmem_shared>>
      %dma_wait3A_20 = arith.constant 128 : i32
      %dma_wait3A_21 = arith.constant 0 : i32
      %dma_wait3A_22 = tpu.memref_slice %arg3[%dma_wait3A_20, %dma_wait3A_21] : memref<768x128xf32, #tpu.memory_space<hbm>> -> memref<640x128xf32, #tpu.memory_space<hbm>>
      tpu.wait_dma2 semaphore(%run_scoped3A : memref<!tpu.dma_semaphore, #tpu.memory_space<semaphore_mem>>) src(%dma_wait3A_22 : memref<640x128xf32, #tpu.memory_space<hbm>>) dst(%dma_wait3A_19 : memref<640x128xf32, #tpu.memory_space<vmem_shared>>)
      tpu.yield
    }) : () -> ()
    "tpu.region"() ({
      %run_scoped3A = tpu.sem_alloc : memref<!tpu.dma_semaphore, #tpu.memory_space<semaphore_mem>>
      %dma_start3A = arith.constant 0 : i32
      %dma_start3A_15 = arith.constant 0 : i32
      %dma_start3A_16 = tpu.memref_slice %arg3[%dma_start3A, %dma_start3A_15] : memref<768x128xf32, #tpu.memory_space<hbm>> -> memref<128x128xf32, #tpu.memory_space<hbm>>
      %dma_start3A_17 = arith.constant 0 : i32
      %dma_start3A_18 = arith.constant 0 : i32
      %dma_start3A_19 = tpu.memref_slice %arg3[%dma_start3A_17, %dma_start3A_18] : memref<768x128xf32, #tpu.memory_space<hbm>> -> memref<128x128xf32, #tpu.memory_space<hbm>>
      tpu.enqueue_dma source(%dma_start3A_19 : memref<128x128xf32, #tpu.memory_space<hbm>>) target(%arg7 : memref<128x128xf32, #tpu.memory_space<vmem>>) target_semaphore(%run_scoped3A : memref<!tpu.dma_semaphore, #tpu.memory_space<semaphore_mem>>)
      %dma_wait3A = arith.constant 0 : i32
      %dma_wait3A_20 = arith.constant 0 : i32
      %dma_wait3A_21 = tpu.memref_slice %arg3[%dma_wait3A, %dma_wait3A_20] : memref<768x128xf32, #tpu.memory_space<hbm>> -> memref<128x128xf32, #tpu.memory_space<hbm>>
      %dma_wait3A_22 = arith.constant 0 : i32
      %dma_wait3A_23 = arith.constant 0 : i32
      %dma_wait3A_24 = tpu.memref_slice %arg3[%dma_wait3A_22, %dma_wait3A_23] : memref<768x128xf32, #tpu.memory_space<hbm>> -> memref<128x128xf32, #tpu.memory_space<hbm>>
      tpu.wait_dma2 semaphore(%run_scoped3A : memref<!tpu.dma_semaphore, #tpu.memory_space<semaphore_mem>>) src(%dma_wait3A_24 : memref<128x128xf32, #tpu.memory_space<hbm>>) dst(%arg7 : memref<128x128xf32, #tpu.memory_space<vmem>>)
      tpu.yield
    }) : () -> ()
    %mul3A_3 = arith.constant 40 : i32
    %mul3A_4 = arith.muli %add3A, %mul3A_3 : i32
    "tpu.region"() ({
      %run_scoped3A = tpu.sem_alloc : memref<!tpu.dma_semaphore, #tpu.memory_space<semaphore_mem>>
      %dma_start3A = arith.constant 0 : i32
      %dma_start3A_15 = tpu.memref_slice %arg2[%mul3A_4, %dma_start3A] : memref<1280x128xi32, #tpu.memory_space<hbm>> -> memref<40x128xi32, #tpu.memory_space<hbm>>
      %dma_start3A_16 = arith.constant 0 : i32
      %dma_start3A_17 = tpu.memref_slice %arg2[%mul3A_4, %dma_start3A_16] : memref<1280x128xi32, #tpu.memory_space<hbm>> -> memref<40x128xi32, #tpu.memory_space<hbm>>
      tpu.enqueue_dma source(%dma_start3A_17 : memref<40x128xi32, #tpu.memory_space<hbm>>) target(%arg6 : memref<40x128xi32, #tpu.memory_space<vmem>>) target_semaphore(%run_scoped3A : memref<!tpu.dma_semaphore, #tpu.memory_space<semaphore_mem>>)
      %dma_wait3A = arith.constant 0 : i32
      %dma_wait3A_18 = tpu.memref_slice %arg2[%mul3A_4, %dma_wait3A] : memref<1280x128xi32, #tpu.memory_space<hbm>> -> memref<40x128xi32, #tpu.memory_space<hbm>>
      %dma_wait3A_19 = arith.constant 0 : i32
      %dma_wait3A_20 = tpu.memref_slice %arg2[%mul3A_4, %dma_wait3A_19] : memref<1280x128xi32, #tpu.memory_space<hbm>> -> memref<40x128xi32, #tpu.memory_space<hbm>>
      tpu.wait_dma2 semaphore(%run_scoped3A : memref<!tpu.dma_semaphore, #tpu.memory_space<semaphore_mem>>) src(%dma_wait3A_20 : memref<40x128xi32, #tpu.memory_space<hbm>>) dst(%arg6 : memref<40x128xi32, #tpu.memory_space<vmem>>)
      tpu.yield
    }) : () -> ()
    %barrier3A = arith.constant 0 : index
    tpu.barrier barrier_id(%barrier3A)
    %scan3A = arith.constant 0 : i32
    %scan3A_5 = arith.constant 0 : i32
    %scan3A_6 = arith.constant 40 : i32
    %scan3A_7 = arith.addi %scan3A_5, %scan3A_6 : i32
    %scan3A_8 = arith.constant 1 : i32
    scf.for %scan3A_15 = %scan3A_5 to %scan3A_7 step %scan3A_8  : i32 {
      "tpu.region"() ({
        %run_scoped3A = tpu.sem_alloc : memref<!tpu.dma_semaphore, #tpu.memory_space<semaphore_mem>>
        %dma_start3A = arith.constant 0 : i32
        %dma_start3A_16 = tpu.memref_slice %arg6[%scan3A_15, %dma_start3A] : memref<40x128xi32, #tpu.memory_space<vmem>> -> memref<1x128xi32, #tpu.memory_space<vmem>>
        %dma_start3A_17 = tpu.memref_squeeze %dma_start3A_16 : memref<1x128xi32, #tpu.memory_space<vmem>> -> memref<128xi32, #tpu.memory_space<vmem>>
        %dma_start3A_18 = arith.constant 0 : i32
        %dma_start3A_19 = arith.constant 0 : i32
        %dma_start3A_20 = tpu.memref_slice %arg5[%dma_start3A_18, %dma_start3A_19] : memref<10240x128xf32, #tpu.memory_space<vmem_shared>> -> memref<10240x128xf32, #tpu.memory_space<vmem_shared>>
        tpu.enqueue_indirect_dma source(%arg7 : memref<128x128xf32, #tpu.memory_space<vmem>>) target(%dma_start3A_20 : memref<10240x128xf32, #tpu.memory_space<vmem_shared>>) offsets(%dma_start3A_17 : memref<128xi32, #tpu.memory_space<vmem>>) semaphore(%run_scoped3A : memref<!tpu.dma_semaphore, #tpu.memory_space<semaphore_mem>>) {add = true}
        %dma_wait3A = arith.constant 0 : i32
        %dma_wait3A_21 = tpu.memref_slice %arg6[%scan3A_15, %dma_wait3A] : memref<40x128xi32, #tpu.memory_space<vmem>> -> memref<1x128xi32, #tpu.memory_space<vmem>>
        %dma_wait3A_22 = tpu.memref_squeeze %dma_wait3A_21 : memref<1x128xi32, #tpu.memory_space<vmem>> -> memref<128xi32, #tpu.memory_space<vmem>>
        %dma_wait3A_23 = arith.constant 0 : i32
        %dma_wait3A_24 = arith.constant 0 : i32
        %dma_wait3A_25 = tpu.memref_slice %arg5[%dma_wait3A_23, %dma_wait3A_24] : memref<10240x128xf32, #tpu.memory_space<vmem_shared>> -> memref<10240x128xf32, #tpu.memory_space<vmem_shared>>
        tpu.wait_indirect_dma semaphore(%run_scoped3A : memref<!tpu.dma_semaphore, #tpu.memory_space<semaphore_mem>>) src(%arg7 : memref<128x128xf32, #tpu.memory_space<vmem>>) dst(%dma_wait3A_25 : memref<10240x128xf32, #tpu.memory_space<vmem_shared>>)
        tpu.yield
      }) : () -> ()
    }
    %scan3A_9 = arith.constant 40 : i32
    %barrier3A_10 = arith.constant 0 : index
    tpu.barrier barrier_id(%barrier3A_10)
    %mul3A_11 = arith.constant 640 : i32
    %mul3A_12 = arith.muli %arg1, %mul3A_11 : i32
    %mul3A_13 = arith.constant 640 : i32
    %mul3A_14 = arith.muli %arg1, %mul3A_13 : i32
    "tpu.region"() ({
      %run_scoped3A = tpu.sem_alloc : memref<!tpu.dma_semaphore, #tpu.memory_space<semaphore_mem>>
      %dma_start3A = arith.constant 0 : i32
      %dma_start3A_15 = tpu.memref_slice %arg4[%arg0, %mul3A_14, %dma_start3A] : memref<2x10240x128xf32, #tpu.memory_space<hbm>> -> memref<1x640x128xf32, #tpu.memory_space<hbm>>
      %dma_start3A_16 = tpu.memref_squeeze %dma_start3A_15 : memref<1x640x128xf32, #tpu.memory_space<hbm>> -> memref<640x128xf32, #tpu.memory_space<hbm>>
      %dma_start3A_17 = arith.constant 0 : i32
      %dma_start3A_18 = tpu.memref_slice %arg5[%mul3A_12, %dma_start3A_17] : memref<10240x128xf32, #tpu.memory_space<vmem_shared>> -> memref<640x128xf32, #tpu.memory_space<vmem_shared>>
      tpu.enqueue_dma source(%dma_start3A_18 : memref<640x128xf32, #tpu.memory_space<vmem_shared>>) target(%dma_start3A_16 : memref<640x128xf32, #tpu.memory_space<hbm>>) target_semaphore(%run_scoped3A : memref<!tpu.dma_semaphore, #tpu.memory_space<semaphore_mem>>)
      %dma_wait3A = arith.constant 0 : i32
      %dma_wait3A_19 = tpu.memref_slice %arg4[%arg0, %mul3A_14, %dma_wait3A] : memref<2x10240x128xf32, #tpu.memory_space<hbm>> -> memref<1x640x128xf32, #tpu.memory_space<hbm>>
      %dma_wait3A_20 = tpu.memref_squeeze %dma_wait3A_19 : memref<1x640x128xf32, #tpu.memory_space<hbm>> -> memref<640x128xf32, #tpu.memory_space<hbm>>
      %dma_wait3A_21 = arith.constant 0 : i32
      %dma_wait3A_22 = tpu.memref_slice %arg5[%mul3A_12, %dma_wait3A_21] : memref<10240x128xf32, #tpu.memory_space<vmem_shared>> -> memref<640x128xf32, #tpu.memory_space<vmem_shared>>
      tpu.wait_dma2 semaphore(%run_scoped3A : memref<!tpu.dma_semaphore, #tpu.memory_space<semaphore_mem>>) src(%dma_wait3A_22 : memref<640x128xf32, #tpu.memory_space<vmem_shared>>) dst(%dma_wait3A_20 : memref<640x128xf32, #tpu.memory_space<hbm>>)
      tpu.yield
    }) : () -> ()
    return
  }
}

#map = affine_map<(d0, d1) -> (0, 0)>
module attributes {stable_mosaic.version = 14 : i64} {
  func.func @_gcn_body(%arg0: i32, %arg1: i32, %arg2: memref<10000x128xf32, #tpu.memory_space<hbm>>, %arg3: memref<10000x128xf32, #tpu.memory_space<hbm>>, %arg4: memref<1280x128xi32, #tpu.memory_space<hbm>>, %arg5: memref<10000x128xf32, #tpu.memory_space<hbm>>, %arg6: memref<10000x128xf32, #tpu.memory_space<hbm>>, %arg7: memref<10008x128xf32, #tpu.memory_space<vmem_shared>>, %arg8: memref<80x128xi32, #tpu.memory_space<vmem>>, %arg9: memref<4x64x128xf32, #tpu.memory_space<vmem>>, %arg10: memref<4x64xi32, #tpu.memory_space<vmem>>, %arg11: memref<4x64xi32, #tpu.memory_space<vmem>>, %arg12: memref<4x!tpu.dma_semaphore, #tpu.memory_space<semaphore_mem>>, %arg13: memref<4x!tpu.dma_semaphore, #tpu.memory_space<semaphore_mem>>) attributes {dimension_semantics = [#tpu.dimension_semantics<core_parallel>, #tpu.dimension_semantics<subcore_parallel>], iteration_bounds = array<i64: 2, 16>, scalar_prefetch = 0 : i64, scratch_operands = 7 : i64, tpu.core_type = #tpu.core_type<sc_vector_subcore>, window_params = [{transform_indices = #map}, {transform_indices = #map}, {transform_indices = #map}, {transform_indices = #map}, {transform_indices = #map}]} {
    %eq3A = arith.constant 0 : i32
    %eq3A_0 = arith.cmpi eq, %arg0, %eq3A : i32
    %convert_element_type3A = arith.extui %eq3A_0 : i1 to i32
    %cond3A = arith.constant 0 : i32
    %cond3A_1 = arith.cmpi ne, %convert_element_type3A, %cond3A : i32
    scf.if %cond3A_1 {
      %lt3A = arith.constant 15 : i32
      %lt3A_7 = arith.cmpi slt, %arg1, %lt3A : i32
      %convert_element_type3A_8 = arith.extui %lt3A_7 : i1 to i32
      %cond3A_9 = arith.constant 0 : i32
      %cond3A_10 = arith.cmpi ne, %convert_element_type3A_8, %cond3A_9 : i32
      scf.if %cond3A_10 {
        %mul3A_456 = arith.constant 632 : i32
        %mul3A_457 = arith.muli %arg1, %mul3A_456 : i32
        %mul3A_458 = arith.constant 632 : i32
        %mul3A_459 = arith.muli %arg1, %mul3A_458 : i32
        "tpu.region"() ({
          %run_scoped3A = tpu.sem_alloc : memref<!tpu.dma_semaphore, #tpu.memory_space<semaphore_mem>>
          %dma_start3A_460 = arith.constant 0 : i32
          %dma_start3A_461 = tpu.memref_slice %arg7[%mul3A_459, %dma_start3A_460] : memref<10008x128xf32, #tpu.memory_space<vmem_shared>> -> memref<632x128xf32, #tpu.memory_space<vmem_shared>>
          %dma_start3A_462 = arith.constant 0 : i32
          %dma_start3A_463 = tpu.memref_slice %arg2[%mul3A_457, %dma_start3A_462] : memref<10000x128xf32, #tpu.memory_space<hbm>> -> memref<632x128xf32, #tpu.memory_space<hbm>>
          tpu.enqueue_dma source(%dma_start3A_463 : memref<632x128xf32, #tpu.memory_space<hbm>>) target(%dma_start3A_461 : memref<632x128xf32, #tpu.memory_space<vmem_shared>>) target_semaphore(%run_scoped3A : memref<!tpu.dma_semaphore, #tpu.memory_space<semaphore_mem>>)
          %dma_wait3A = arith.constant 0 : i32
          %dma_wait3A_464 = tpu.memref_slice %arg7[%mul3A_459, %dma_wait3A] : memref<10008x128xf32, #tpu.memory_space<vmem_shared>> -> memref<632x128xf32, #tpu.memory_space<vmem_shared>>
          %dma_wait3A_465 = arith.constant 0 : i32
          %dma_wait3A_466 = tpu.memref_slice %arg2[%mul3A_457, %dma_wait3A_465] : memref<10000x128xf32, #tpu.memory_space<hbm>> -> memref<632x128xf32, #tpu.memory_space<hbm>>
          tpu.wait_dma2 semaphore(%run_scoped3A : memref<!tpu.dma_semaphore, #tpu.memory_space<semaphore_mem>>) src(%dma_wait3A_466 : memref<632x128xf32, #tpu.memory_space<hbm>>) dst(%dma_wait3A_464 : memref<632x128xf32, #tpu.memory_space<vmem_shared>>)
          tpu.yield
        }) : () -> ()
      } else {
      }
      %eq3A_11 = arith.constant 15 : i32
      %eq3A_12 = arith.cmpi eq, %arg1, %eq3A_11 : i32
      %convert_element_type3A_13 = arith.extui %eq3A_12 : i1 to i32
      %cond3A_14 = arith.constant 0 : i32
      %cond3A_15 = arith.cmpi ne, %convert_element_type3A_13, %cond3A_14 : i32
      scf.if %cond3A_15 {
        "tpu.region"() ({
          %run_scoped3A = tpu.sem_alloc : memref<!tpu.dma_semaphore, #tpu.memory_space<semaphore_mem>>
          %dma_start3A_456 = arith.constant 9480 : i32
          %dma_start3A_457 = arith.constant 0 : i32
          %dma_start3A_458 = tpu.memref_slice %arg7[%dma_start3A_456, %dma_start3A_457] : memref<10008x128xf32, #tpu.memory_space<vmem_shared>> -> memref<520x128xf32, #tpu.memory_space<vmem_shared>>
          %dma_start3A_459 = arith.constant 9480 : i32
          %dma_start3A_460 = arith.constant 0 : i32
          %dma_start3A_461 = tpu.memref_slice %arg2[%dma_start3A_459, %dma_start3A_460] : memref<10000x128xf32, #tpu.memory_space<hbm>> -> memref<520x128xf32, #tpu.memory_space<hbm>>
          tpu.enqueue_dma source(%dma_start3A_461 : memref<520x128xf32, #tpu.memory_space<hbm>>) target(%dma_start3A_458 : memref<520x128xf32, #tpu.memory_space<vmem_shared>>) target_semaphore(%run_scoped3A : memref<!tpu.dma_semaphore, #tpu.memory_space<semaphore_mem>>)
          %dma_wait3A = arith.constant 9480 : i32
          %dma_wait3A_462 = arith.constant 0 : i32
          %dma_wait3A_463 = tpu.memref_slice %arg7[%dma_wait3A, %dma_wait3A_462] : memref<10008x128xf32, #tpu.memory_space<vmem_shared>> -> memref<520x128xf32, #tpu.memory_space<vmem_shared>>
          %dma_wait3A_464 = arith.constant 9480 : i32
          %dma_wait3A_465 = arith.constant 0 : i32
          %dma_wait3A_466 = tpu.memref_slice %arg2[%dma_wait3A_464, %dma_wait3A_465] : memref<10000x128xf32, #tpu.memory_space<hbm>> -> memref<520x128xf32, #tpu.memory_space<hbm>>
          tpu.wait_dma2 semaphore(%run_scoped3A : memref<!tpu.dma_semaphore, #tpu.memory_space<semaphore_mem>>) src(%dma_wait3A_466 : memref<520x128xf32, #tpu.memory_space<hbm>>) dst(%dma_wait3A_463 : memref<520x128xf32, #tpu.memory_space<vmem_shared>>)
          tpu.yield
        }) : () -> ()
      } else {
      }
      %mul3A = arith.constant 80 : i32
      %mul3A_16 = arith.muli %arg1, %mul3A : i32
      "tpu.region"() ({
        %run_scoped3A = tpu.sem_alloc : memref<!tpu.dma_semaphore, #tpu.memory_space<semaphore_mem>>
        %dma_start3A_456 = arith.constant 0 : i32
        %dma_start3A_457 = tpu.memref_slice %arg4[%mul3A_16, %dma_start3A_456] : memref<1280x128xi32, #tpu.memory_space<hbm>> -> memref<80x128xi32, #tpu.memory_space<hbm>>
        %dma_start3A_458 = arith.constant 0 : i32
        %dma_start3A_459 = tpu.memref_slice %arg4[%mul3A_16, %dma_start3A_458] : memref<1280x128xi32, #tpu.memory_space<hbm>> -> memref<80x128xi32, #tpu.memory_space<hbm>>
        tpu.enqueue_dma source(%dma_start3A_459 : memref<80x128xi32, #tpu.memory_space<hbm>>) target(%arg8 : memref<80x128xi32, #tpu.memory_space<vmem>>) target_semaphore(%run_scoped3A : memref<!tpu.dma_semaphore, #tpu.memory_space<semaphore_mem>>)
        %dma_wait3A = arith.constant 0 : i32
        %dma_wait3A_460 = tpu.memref_slice %arg4[%mul3A_16, %dma_wait3A] : memref<1280x128xi32, #tpu.memory_space<hbm>> -> memref<80x128xi32, #tpu.memory_space<hbm>>
        %dma_wait3A_461 = arith.constant 0 : i32
        %dma_wait3A_462 = tpu.memref_slice %arg4[%mul3A_16, %dma_wait3A_461] : memref<1280x128xi32, #tpu.memory_space<hbm>> -> memref<80x128xi32, #tpu.memory_space<hbm>>
        tpu.wait_dma2 semaphore(%run_scoped3A : memref<!tpu.dma_semaphore, #tpu.memory_space<semaphore_mem>>) src(%dma_wait3A_462 : memref<80x128xi32, #tpu.memory_space<hbm>>) dst(%arg8 : memref<80x128xi32, #tpu.memory_space<vmem>>)
        tpu.yield
      }) : () -> ()
      %barrier3A = arith.constant 0 : index
      tpu.barrier barrier_id(%barrier3A)
      %get3A = arith.constant 0 : i32
      %get3A_17 = arith.index_cast %get3A : i32 to index
      %get3A_18 = arith.constant 0 : index
      %get3A_19 = tpu.vector_load %arg8[%get3A_17, %get3A_18] {strides = array<i32>} : memref<80x128xi32, #tpu.memory_space<vmem>>, vector<1x16xi32>,
      %get3A_20 = vector.shape_cast %get3A_19 : vector<1x16xi32> to vector<16xi32>
      %shift_right_logical3A = arith.constant 14 : i32
      %shift_right_logical3A_21 = vector.broadcast %shift_right_logical3A : i32 to vector<16xi32>
      %shift_right_logical3A_22 = arith.shrui %get3A_20, %shift_right_logical3A_21 : vector<16xi32>
      %swap3A = arith.constant 0 : i32
      %swap3A_23 = arith.index_cast %swap3A : i32 to index
      %swap3A_24 = arith.constant 0 : index
      %swap3A_25 = tpu.vector_load %arg10[%swap3A_23, %swap3A_24] {strides = array<i32>} : memref<4x64xi32, #tpu.memory_space<vmem>>, vector<1x16xi32>,
      %swap3A_26 = vector.shape_cast %swap3A_25 : vector<1x16xi32> to vector<16xi32>
      %swap3A_27 = vector.shape_cast %shift_right_logical3A_22 : vector<16xi32> to vector<1x16xi32>
      tpu.vector_store %arg10[%swap3A_23, %swap3A_24], %swap3A_27 {strides = array<i32>} : memref<4x64xi32, #tpu.memory_space<vmem>>, vector<1x16xi32>,
      %and3A = arith.constant 16383 : i32
      %and3A_28 = vector.broadcast %and3A : i32 to vector<16xi32>
      %and3A_29 = arith.andi %get3A_20, %and3A_28 : vector<16xi32>
      %swap3A_30 = arith.constant 0 : i32
      %swap3A_31 = arith.index_cast %swap3A_30 : i32 to index
      %swap3A_32 = arith.constant 0 : index
      %swap3A_33 = tpu.vector_load %arg11[%swap3A_31, %swap3A_32] {strides = array<i32>} : memref<4x64xi32, #tpu.memory_space<vmem>>, vector<1x16xi32>,
      %swap3A_34 = vector.shape_cast %swap3A_33 : vector<1x16xi32> to vector<16xi32>
      %swap3A_35 = vector.shape_cast %and3A_29 : vector<16xi32> to vector<1x16xi32>
      tpu.vector_store %arg11[%swap3A_31, %swap3A_32], %swap3A_35 {strides = array<i32>} : memref<4x64xi32, #tpu.memory_space<vmem>>, vector<1x16xi32>,
      %get3A_36 = arith.constant 0 : i32
      %get3A_37 = arith.index_cast %get3A_36 : i32 to index
      %get3A_38 = arith.constant 16 : index
      %get3A_39 = tpu.vector_load %arg8[%get3A_37, %get3A_38] {strides = array<i32>} : memref<80x128xi32, #tpu.memory_space<vmem>>, vector<1x16xi32>,
      %get3A_40 = vector.shape_cast %get3A_39 : vector<1x16xi32> to vector<16xi32>
      %shift_right_logical3A_41 = arith.constant 14 : i32
      %shift_right_logical3A_42 = vector.broadcast %shift_right_logical3A_41 : i32 to vector<16xi32>
      %shift_right_logical3A_43 = arith.shrui %get3A_40, %shift_right_logical3A_42 : vector<16xi32>
      %swap3A_44 = arith.constant 0 : i32
      %swap3A_45 = arith.index_cast %swap3A_44 : i32 to index
      %swap3A_46 = arith.constant 16 : index
      %swap3A_47 = tpu.vector_load %arg10[%swap3A_45, %swap3A_46] {strides = array<i32>} : memref<4x64xi32, #tpu.memory_space<vmem>>, vector<1x16xi32>,
      %swap3A_48 = vector.shape_cast %swap3A_47 : vector<1x16xi32> to vector<16xi32>
      %swap3A_49 = vector.shape_cast %shift_right_logical3A_43 : vector<16xi32> to vector<1x16xi32>
      tpu.vector_store %arg10[%swap3A_45, %swap3A_46], %swap3A_49 {strides = array<i32>} : memref<4x64xi32, #tpu.memory_space<vmem>>, vector<1x16xi32>,
      %and3A_50 = arith.constant 16383 : i32
      %and3A_51 = vector.broadcast %and3A_50 : i32 to vector<16xi32>
      %and3A_52 = arith.andi %get3A_40, %and3A_51 : vector<16xi32>
      %swap3A_53 = arith.constant 0 : i32
      %swap3A_54 = arith.index_cast %swap3A_53 : i32 to index
      %swap3A_55 = arith.constant 16 : index
      %swap3A_56 = tpu.vector_load %arg11[%swap3A_54, %swap3A_55] {strides = array<i32>} : memref<4x64xi32, #tpu.memory_space<vmem>>, vector<1x16xi32>,
      %swap3A_57 = vector.shape_cast %swap3A_56 : vector<1x16xi32> to vector<16xi32>
      %swap3A_58 = vector.shape_cast %and3A_52 : vector<16xi32> to vector<1x16xi32>
      tpu.vector_store %arg11[%swap3A_54, %swap3A_55], %swap3A_58 {strides = array<i32>} : memref<4x64xi32, #tpu.memory_space<vmem>>, vector<1x16xi32>,
      %get3A_59 = arith.constant 0 : i32
      %get3A_60 = arith.index_cast %get3A_59 : i32 to index
      %get3A_61 = arith.constant 32 : index
      %get3A_62 = tpu.vector_load %arg8[%get3A_60, %get3A_61] {strides = array<i32>} : memref<80x128xi32, #tpu.memory_space<vmem>>, vector<1x16xi32>,
      %get3A_63 = vector.shape_cast %get3A_62 : vector<1x16xi32> to vector<16xi32>
      %shift_right_logical3A_64 = arith.constant 14 : i32
      %shift_right_logical3A_65 = vector.broadcast %shift_right_logical3A_64 : i32 to vector<16xi32>
      %shift_right_logical3A_66 = arith.shrui %get3A_63, %shift_right_logical3A_65 : vector<16xi32>
      %swap3A_67 = arith.constant 0 : i32
      %swap3A_68 = arith.index_cast %swap3A_67 : i32 to index
      %swap3A_69 = arith.constant 32 : index
      %swap3A_70 = tpu.vector_load %arg10[%swap3A_68, %swap3A_69] {strides = array<i32>} : memref<4x64xi32, #tpu.memory_space<vmem>>, vector<1x16xi32>,
      %swap3A_71 = vector.shape_cast %swap3A_70 : vector<1x16xi32> to vector<16xi32>
      %swap3A_72 = vector.shape_cast %shift_right_logical3A_66 : vector<16xi32> to vector<1x16xi32>
      tpu.vector_store %arg10[%swap3A_68, %swap3A_69], %swap3A_72 {strides = array<i32>} : memref<4x64xi32, #tpu.memory_space<vmem>>, vector<1x16xi32>,
      %and3A_73 = arith.constant 16383 : i32
      %and3A_74 = vector.broadcast %and3A_73 : i32 to vector<16xi32>
      %and3A_75 = arith.andi %get3A_63, %and3A_74 : vector<16xi32>
      %swap3A_76 = arith.constant 0 : i32
      %swap3A_77 = arith.index_cast %swap3A_76 : i32 to index
      %swap3A_78 = arith.constant 32 : index
      %swap3A_79 = tpu.vector_load %arg11[%swap3A_77, %swap3A_78] {strides = array<i32>} : memref<4x64xi32, #tpu.memory_space<vmem>>, vector<1x16xi32>,
      %swap3A_80 = vector.shape_cast %swap3A_79 : vector<1x16xi32> to vector<16xi32>
      %swap3A_81 = vector.shape_cast %and3A_75 : vector<16xi32> to vector<1x16xi32>
      tpu.vector_store %arg11[%swap3A_77, %swap3A_78], %swap3A_81 {strides = array<i32>} : memref<4x64xi32, #tpu.memory_space<vmem>>, vector<1x16xi32>,
      %get3A_82 = arith.constant 0 : i32
      %get3A_83 = arith.index_cast %get3A_82 : i32 to index
      %get3A_84 = arith.constant 48 : index
      %get3A_85 = tpu.vector_load %arg8[%get3A_83, %get3A_84] {strides = array<i32>} : memref<80x128xi32, #tpu.memory_space<vmem>>, vector<1x16xi32>,
      %get3A_86 = vector.shape_cast %get3A_85 : vector<1x16xi32> to vector<16xi32>
      %shift_right_logical3A_87 = arith.constant 14 : i32
      %shift_right_logical3A_88 = vector.broadcast %shift_right_logical3A_87 : i32 to vector<16xi32>
      %shift_right_logical3A_89 = arith.shrui %get3A_86, %shift_right_logical3A_88 : vector<16xi32>
      %swap3A_90 = arith.constant 0 : i32
      %swap3A_91 = arith.index_cast %swap3A_90 : i32 to index
      %swap3A_92 = arith.constant 48 : index
      %swap3A_93 = tpu.vector_load %arg10[%swap3A_91, %swap3A_92] {strides = array<i32>} : memref<4x64xi32, #tpu.memory_space<vmem>>, vector<1x16xi32>,
      %swap3A_94 = vector.shape_cast %swap3A_93 : vector<1x16xi32> to vector<16xi32>
      %swap3A_95 = vector.shape_cast %shift_right_logical3A_89 : vector<16xi32> to vector<1x16xi32>
      tpu.vector_store %arg10[%swap3A_91, %swap3A_92], %swap3A_95 {strides = array<i32>} : memref<4x64xi32, #tpu.memory_space<vmem>>, vector<1x16xi32>,
      %and3A_96 = arith.constant 16383 : i32
      %and3A_97 = vector.broadcast %and3A_96 : i32 to vector<16xi32>
      %and3A_98 = arith.andi %get3A_86, %and3A_97 : vector<16xi32>
      %swap3A_99 = arith.constant 0 : i32
      %swap3A_100 = arith.index_cast %swap3A_99 : i32 to index
      %swap3A_101 = arith.constant 48 : index
      %swap3A_102 = tpu.vector_load %arg11[%swap3A_100, %swap3A_101] {strides = array<i32>} : memref<4x64xi32, #tpu.memory_space<vmem>>, vector<1x16xi32>,
      %swap3A_103 = vector.shape_cast %swap3A_102 : vector<1x16xi32> to vector<16xi32>
      %swap3A_104 = vector.shape_cast %and3A_98 : vector<16xi32> to vector<1x16xi32>
      tpu.vector_store %arg11[%swap3A_100, %swap3A_101], %swap3A_104 {strides = array<i32>} : memref<4x64xi32, #tpu.memory_space<vmem>>, vector<1x16xi32>,
      %dma_start3A = arith.constant 0 : i32
      %dma_start3A_105 = arith.constant 0 : i32
      %dma_start3A_106 = arith.constant 0 : i32
      %dma_start3A_107 = arith.constant 0 : i32
      %dma_start3A_108 = arith.constant 0 : i32
      %dma_start3A_109 = tpu.memref_slice %arg9[%dma_start3A_105, %dma_start3A_107, %dma_start3A_108] : memref<4x64x128xf32, #tpu.memory_space<vmem>> -> memref<1x64x128xf32, #tpu.memory_space<vmem>>
      %dma_start3A_110 = tpu.memref_squeeze %dma_start3A_109 : memref<1x64x128xf32, #tpu.memory_space<vmem>> -> memref<64x128xf32, #tpu.memory_space<vmem>>
      %dma_start3A_111 = arith.constant 0 : i32
      %dma_start3A_112 = tpu.memref_slice %arg10[%dma_start3A, %dma_start3A_111] : memref<4x64xi32, #tpu.memory_space<vmem>> -> memref<1x64xi32, #tpu.memory_space<vmem>>
      %dma_start3A_113 = tpu.memref_squeeze %dma_start3A_112 : memref<1x64xi32, #tpu.memory_space<vmem>> -> memref<64xi32, #tpu.memory_space<vmem>>
      %dma_start3A_114 = arith.constant 0 : i32
      %dma_start3A_115 = arith.constant 0 : i32
      %dma_start3A_116 = tpu.memref_slice %arg2[%dma_start3A_114, %dma_start3A_115] : memref<10000x128xf32, #tpu.memory_space<hbm>> -> memref<10000x128xf32, #tpu.memory_space<hbm>>
      %dma_start3A_117 = tpu.memref_slice %arg12[%dma_start3A_106] : memref<4x!tpu.dma_semaphore, #tpu.memory_space<semaphore_mem>> -> memref<1x!tpu.dma_semaphore, #tpu.memory_space<semaphore_mem>>
      %dma_start3A_118 = tpu.memref_squeeze %dma_start3A_117 : memref<1x!tpu.dma_semaphore, #tpu.memory_space<semaphore_mem>> -> memref<!tpu.dma_semaphore, #tpu.memory_space<semaphore_mem>>
      tpu.enqueue_indirect_dma source(%dma_start3A_116 : memref<10000x128xf32, #tpu.memory_space<hbm>>) target(%dma_start3A_110 : memref<64x128xf32, #tpu.memory_space<vmem>>) offsets(%dma_start3A_113 : memref<64xi32, #tpu.memory_space<vmem>>) semaphore(%dma_start3A_118 : memref<!tpu.dma_semaphore, #tpu.memory_space<semaphore_mem>>)
      %get3A_119 = arith.constant 0 : i32
      %get3A_120 = arith.index_cast %get3A_119 : i32 to index
      %get3A_121 = arith.constant 64 : index
      %get3A_122 = tpu.vector_load %arg8[%get3A_120, %get3A_121] {strides = array<i32>} : memref<80x128xi32, #tpu.memory_space<vmem>>, vector<1x16xi32>,
      %get3A_123 = vector.shape_cast %get3A_122 : vector<1x16xi32> to vector<16xi32>
      %shift_right_logical3A_124 = arith.constant 14 : i32
      %shift_right_logical3A_125 = vector.broadcast %shift_right_logical3A_124 : i32 to vector<16xi32>
      %shift_right_logical3A_126 = arith.shrui %get3A_123, %shift_right_logical3A_125 : vector<16xi32>
      %swap3A_127 = arith.constant 1 : i32
      %swap3A_128 = arith.index_cast %swap3A_127 : i32 to index
      %swap3A_129 = arith.constant 0 : index
      %swap3A_130 = tpu.vector_load %arg10[%swap3A_128, %swap3A_129] {strides = array<i32>} : memref<4x64xi32, #tpu.memory_space<vmem>>, vector<1x16xi32>,
      %swap3A_131 = vector.shape_cast %swap3A_130 : vector<1x16xi32> to vector<16xi32>
      %swap3A_132 = vector.shape_cast %shift_right_logical3A_126 : vector<16xi32> to vector<1x16xi32>
      tpu.vector_store %arg10[%swap3A_128, %swap3A_129], %swap3A_132 {strides = array<i32>} : memref<4x64xi32, #tpu.memory_space<vmem>>, vector<1x16xi32>,
      %and3A_133 = arith.constant 16383 : i32
      %and3A_134 = vector.broadcast %and3A_133 : i32 to vector<16xi32>
      %and3A_135 = arith.andi %get3A_123, %and3A_134 : vector<16xi32>
      %swap3A_136 = arith.constant 1 : i32
      %swap3A_137 = arith.index_cast %swap3A_136 : i32 to index
      %swap3A_138 = arith.constant 0 : index
      %swap3A_139 = tpu.vector_load %arg11[%swap3A_137, %swap3A_138] {strides = array<i32>} : memref<4x64xi32, #tpu.memory_space<vmem>>, vector<1x16xi32>,
      %swap3A_140 = vector.shape_cast %swap3A_139 : vector<1x16xi32> to vector<16xi32>
      %swap3A_141 = vector.shape_cast %and3A_135 : vector<16xi32> to vector<1x16xi32>
      tpu.vector_store %arg11[%swap3A_137, %swap3A_138], %swap3A_141 {strides = array<i32>} : memref<4x64xi32, #tpu.memory_space<vmem>>, vector<1x16xi32>,
      %get3A_142 = arith.constant 0 : i32
      %get3A_143 = arith.index_cast %get3A_142 : i32 to index
      %get3A_144 = arith.constant 80 : index
      %get3A_145 = tpu.vector_load %arg8[%get3A_143, %get3A_144] {strides = array<i32>} : memref<80x128xi32, #tpu.memory_space<vmem>>, vector<1x16xi32>,
      %get3A_146 = vector.shape_cast %get3A_145 : vector<1x16xi32> to vector<16xi32>
      %shift_right_logical3A_147 = arith.constant 14 : i32
      %shift_right_logical3A_148 = vector.broadcast %shift_right_logical3A_147 : i32 to vector<16xi32>
      %shift_right_logical3A_149 = arith.shrui %get3A_146, %shift_right_logical3A_148 : vector<16xi32>
      %swap3A_150 = arith.constant 1 : i32
      %swap3A_151 = arith.index_cast %swap3A_150 : i32 to index
      %swap3A_152 = arith.constant 16 : index
      %swap3A_153 = tpu.vector_load %arg10[%swap3A_151, %swap3A_152] {strides = array<i32>} : memref<4x64xi32, #tpu.memory_space<vmem>>, vector<1x16xi32>,
      %swap3A_154 = vector.shape_cast %swap3A_153 : vector<1x16xi32> to vector<16xi32>
      %swap3A_155 = vector.shape_cast %shift_right_logical3A_149 : vector<16xi32> to vector<1x16xi32>
      tpu.vector_store %arg10[%swap3A_151, %swap3A_152], %swap3A_155 {strides = array<i32>} : memref<4x64xi32, #tpu.memory_space<vmem>>, vector<1x16xi32>,
      %and3A_156 = arith.constant 16383 : i32
      %and3A_157 = vector.broadcast %and3A_156 : i32 to vector<16xi32>
      %and3A_158 = arith.andi %get3A_146, %and3A_157 : vector<16xi32>
      %swap3A_159 = arith.constant 1 : i32
      %swap3A_160 = arith.index_cast %swap3A_159 : i32 to index
      %swap3A_161 = arith.constant 16 : index
      %swap3A_162 = tpu.vector_load %arg11[%swap3A_160, %swap3A_161] {strides = array<i32>} : memref<4x64xi32, #tpu.memory_space<vmem>>, vector<1x16xi32>,
      %swap3A_163 = vector.shape_cast %swap3A_162 : vector<1x16xi32> to vector<16xi32>
      %swap3A_164 = vector.shape_cast %and3A_158 : vector<16xi32> to vector<1x16xi32>
      tpu.vector_store %arg11[%swap3A_160, %swap3A_161], %swap3A_164 {strides = array<i32>} : memref<4x64xi32, #tpu.memory_space<vmem>>, vector<1x16xi32>,
      %get3A_165 = arith.constant 0 : i32
      %get3A_166 = arith.index_cast %get3A_165 : i32 to index
      %get3A_167 = arith.constant 96 : index
      %get3A_168 = tpu.vector_load %arg8[%get3A_166, %get3A_167] {strides = array<i32>} : memref<80x128xi32, #tpu.memory_space<vmem>>, vector<1x16xi32>,
      %get3A_169 = vector.shape_cast %get3A_168 : vector<1x16xi32> to vector<16xi32>
      %shift_right_logical3A_170 = arith.constant 14 : i32
      %shift_right_logical3A_171 = vector.broadcast %shift_right_logical3A_170 : i32 to vector<16xi32>
      %shift_right_logical3A_172 = arith.shrui %get3A_169, %shift_right_logical3A_171 : vector<16xi32>
      %swap3A_173 = arith.constant 1 : i32
      %swap3A_174 = arith.index_cast %swap3A_173 : i32 to index
      %swap3A_175 = arith.constant 32 : index
      %swap3A_176 = tpu.vector_load %arg10[%swap3A_174, %swap3A_175] {strides = array<i32>} : memref<4x64xi32, #tpu.memory_space<vmem>>, vector<1x16xi32>,
      %swap3A_177 = vector.shape_cast %swap3A_176 : vector<1x16xi32> to vector<16xi32>
      %swap3A_178 = vector.shape_cast %shift_right_logical3A_172 : vector<16xi32> to vector<1x16xi32>
      tpu.vector_store %arg10[%swap3A_174, %swap3A_175], %swap3A_178 {strides = array<i32>} : memref<4x64xi32, #tpu.memory_space<vmem>>, vector<1x16xi32>,
      %and3A_179 = arith.constant 16383 : i32
      %and3A_180 = vector.broadcast %and3A_179 : i32 to vector<16xi32>
      %and3A_181 = arith.andi %get3A_169, %and3A_180 : vector<16xi32>
      %swap3A_182 = arith.constant 1 : i32
      %swap3A_183 = arith.index_cast %swap3A_182 : i32 to index
      %swap3A_184 = arith.constant 32 : index
      %swap3A_185 = tpu.vector_load %arg11[%swap3A_183, %swap3A_184] {strides = array<i32>} : memref<4x64xi32, #tpu.memory_space<vmem>>, vector<1x16xi32>,
      %swap3A_186 = vector.shape_cast %swap3A_185 : vector<1x16xi32> to vector<16xi32>
      %swap3A_187 = vector.shape_cast %and3A_181 : vector<16xi32> to vector<1x16xi32>
      tpu.vector_store %arg11[%swap3A_183, %swap3A_184], %swap3A_187 {strides = array<i32>} : memref<4x64xi32, #tpu.memory_space<vmem>>, vector<1x16xi32>,
      %get3A_188 = arith.constant 0 : i32
      %get3A_189 = arith.index_cast %get3A_188 : i32 to index
      %get3A_190 = arith.constant 112 : index
      %get3A_191 = tpu.vector_load %arg8[%get3A_189, %get3A_190] {strides = array<i32>} : memref<80x128xi32, #tpu.memory_space<vmem>>, vector<1x16xi32>,
      %get3A_192 = vector.shape_cast %get3A_191 : vector<1x16xi32> to vector<16xi32>
      %shift_right_logical3A_193 = arith.constant 14 : i32
      %shift_right_logical3A_194 = vector.broadcast %shift_right_logical3A_193 : i32 to vector<16xi32>
      %shift_right_logical3A_195 = arith.shrui %get3A_192, %shift_right_logical3A_194 : vector<16xi32>
      %swap3A_196 = arith.constant 1 : i32
      %swap3A_197 = arith.index_cast %swap3A_196 : i32 to index
      %swap3A_198 = arith.constant 48 : index
      %swap3A_199 = tpu.vector_load %arg10[%swap3A_197, %swap3A_198] {strides = array<i32>} : memref<4x64xi32, #tpu.memory_space<vmem>>, vector<1x16xi32>,
      %swap3A_200 = vector.shape_cast %swap3A_199 : vector<1x16xi32> to vector<16xi32>
      %swap3A_201 = vector.shape_cast %shift_right_logical3A_195 : vector<16xi32> to vector<1x16xi32>
      tpu.vector_store %arg10[%swap3A_197, %swap3A_198], %swap3A_201 {strides = array<i32>} : memref<4x64xi32, #tpu.memory_space<vmem>>, vector<1x16xi32>,
      %and3A_202 = arith.constant 16383 : i32
      %and3A_203 = vector.broadcast %and3A_202 : i32 to vector<16xi32>
      %and3A_204 = arith.andi %get3A_192, %and3A_203 : vector<16xi32>
      %swap3A_205 = arith.constant 1 : i32
      %swap3A_206 = arith.index_cast %swap3A_205 : i32 to index
      %swap3A_207 = arith.constant 48 : index
      %swap3A_208 = tpu.vector_load %arg11[%swap3A_206, %swap3A_207] {strides = array<i32>} : memref<4x64xi32, #tpu.memory_space<vmem>>, vector<1x16xi32>,
      %swap3A_209 = vector.shape_cast %swap3A_208 : vector<1x16xi32> to vector<16xi32>
      %swap3A_210 = vector.shape_cast %and3A_204 : vector<16xi32> to vector<1x16xi32>
      tpu.vector_store %arg11[%swap3A_206, %swap3A_207], %swap3A_210 {strides = array<i32>} : memref<4x64xi32, #tpu.memory_space<vmem>>, vector<1x16xi32>,
      %dma_start3A_211 = arith.constant 1 : i32
      %dma_start3A_212 = arith.constant 1 : i32
      %dma_start3A_213 = arith.constant 1 : i32
      %dma_start3A_214 = arith.constant 0 : i32
      %dma_start3A_215 = arith.constant 0 : i32
      %dma_start3A_216 = tpu.memref_slice %arg9[%dma_start3A_212, %dma_start3A_214, %dma_start3A_215] : memref<4x64x128xf32, #tpu.memory_space<vmem>> -> memref<1x64x128xf32, #tpu.memory_space<vmem>>
      %dma_start3A_217 = tpu.memref_squeeze %dma_start3A_216 : memref<1x64x128xf32, #tpu.memory_space<vmem>> -> memref<64x128xf32, #tpu.memory_space<vmem>>
      %dma_start3A_218 = arith.constant 0 : i32
      %dma_start3A_219 = tpu.memref_slice %arg10[%dma_start3A_211, %dma_start3A_218] : memref<4x64xi32, #tpu.memory_space<vmem>> -> memref<1x64xi32, #tpu.memory_space<vmem>>
      %dma_start3A_220 = tpu.memref_squeeze %dma_start3A_219 : memref<1x64xi32, #tpu.memory_space<vmem>> -> memref<64xi32, #tpu.memory_space<vmem>>
      %dma_start3A_221 = arith.constant 0 : i32
      %dma_start3A_222 = arith.constant 0 : i32
      %dma_start3A_223 = tpu.memref_slice %arg2[%dma_start3A_221, %dma_start3A_222] : memref<10000x128xf32, #tpu.memory_space<hbm>> -> memref<10000x128xf32, #tpu.memory_space<hbm>>
      %dma_start3A_224 = tpu.memref_slice %arg12[%dma_start3A_213] : memref<4x!tpu.dma_semaphore, #tpu.memory_space<semaphore_mem>> -> memref<1x!tpu.dma_semaphore, #tpu.memory_space<semaphore_mem>>
      %dma_start3A_225 = tpu.memref_squeeze %dma_start3A_224 : memref<1x!tpu.dma_semaphore, #tpu.memory_space<semaphore_mem>> -> memref<!tpu.dma_semaphore, #tpu.memory_space<semaphore_mem>>
      tpu.enqueue_indirect_dma source(%dma_start3A_223 : memref<10000x128xf32, #tpu.memory_space<hbm>>) target(%dma_start3A_217 : memref<64x128xf32, #tpu.memory_space<vmem>>) offsets(%dma_start3A_220 : memref<64xi32, #tpu.memory_space<vmem>>) semaphore(%dma_start3A_225 : memref<!tpu.dma_semaphore, #tpu.memory_space<semaphore_mem>>)
      %get3A_226 = arith.constant 1 : i32
      %get3A_227 = arith.index_cast %get3A_226 : i32 to index
      %get3A_228 = arith.constant 0 : index
      %get3A_229 = tpu.vector_load %arg8[%get3A_227, %get3A_228] {strides = array<i32>} : memref<80x128xi32, #tpu.memory_space<vmem>>, vector<1x16xi32>,
      %get3A_230 = vector.shape_cast %get3A_229 : vector<1x16xi32> to vector<16xi32>
      %shift_right_logical3A_231 = arith.constant 14 : i32
      %shift_right_logical3A_232 = vector.broadcast %shift_right_logical3A_231 : i32 to vector<16xi32>
      %shift_right_logical3A_233 = arith.shrui %get3A_230, %shift_right_logical3A_232 : vector<16xi32>
      %swap3A_234 = arith.constant 2 : i32
      %swap3A_235 = arith.index_cast %swap3A_234 : i32 to index
      %swap3A_236 = arith.constant 0 : index
      %swap3A_237 = tpu.vector_load %arg10[%swap3A_235, %swap3A_236] {strides = array<i32>} : memref<4x64xi32, #tpu.memory_space<vmem>>, vector<1x16xi32>,
      %swap3A_238 = vector.shape_cast %swap3A_237 : vector<1x16xi32> to vector<16xi32>
      %swap3A_239 = vector.shape_cast %shift_right_logical3A_233 : vector<16xi32> to vector<1x16xi32>
      tpu.vector_store %arg10[%swap3A_235, %swap3A_236], %swap3A_239 {strides = array<i32>} : memref<4x64xi32, #tpu.memory_space<vmem>>, vector<1x16xi32>,
      %and3A_240 = arith.constant 16383 : i32
      %and3A_241 = vector.broadcast %and3A_240 : i32 to vector<16xi32>
      %and3A_242 = arith.andi %get3A_230, %and3A_241 : vector<16xi32>
      %swap3A_243 = arith.constant 2 : i32
      %swap3A_244 = arith.index_cast %swap3A_243 : i32 to index
      %swap3A_245 = arith.constant 0 : index
      %swap3A_246 = tpu.vector_load %arg11[%swap3A_244, %swap3A_245] {strides = array<i32>} : memref<4x64xi32, #tpu.memory_space<vmem>>, vector<1x16xi32>,
      %swap3A_247 = vector.shape_cast %swap3A_246 : vector<1x16xi32> to vector<16xi32>
      %swap3A_248 = vector.shape_cast %and3A_242 : vector<16xi32> to vector<1x16xi32>
      tpu.vector_store %arg11[%swap3A_244, %swap3A_245], %swap3A_248 {strides = array<i32>} : memref<4x64xi32, #tpu.memory_space<vmem>>, vector<1x16xi32>,
      %get3A_249 = arith.constant 1 : i32
      %get3A_250 = arith.index_cast %get3A_249 : i32 to index
      %get3A_251 = arith.constant 16 : index
      %get3A_252 = tpu.vector_load %arg8[%get3A_250, %get3A_251] {strides = array<i32>} : memref<80x128xi32, #tpu.memory_space<vmem>>, vector<1x16xi32>,
      %get3A_253 = vector.shape_cast %get3A_252 : vector<1x16xi32> to vector<16xi32>
      %shift_right_logical3A_254 = arith.constant 14 : i32
      %shift_right_logical3A_255 = vector.broadcast %shift_right_logical3A_254 : i32 to vector<16xi32>
      %shift_right_logical3A_256 = arith.shrui %get3A_253, %shift_right_logical3A_255 : vector<16xi32>
      %swap3A_257 = arith.constant 2 : i32
      %swap3A_258 = arith.index_cast %swap3A_257 : i32 to index
      %swap3A_259 = arith.constant 16 : index
      %swap3A_260 = tpu.vector_load %arg10[%swap3A_258, %swap3A_259] {strides = array<i32>} : memref<4x64xi32, #tpu.memory_space<vmem>>, vector<1x16xi32>,
      %swap3A_261 = vector.shape_cast %swap3A_260 : vector<1x16xi32> to vector<16xi32>
      %swap3A_262 = vector.shape_cast %shift_right_logical3A_256 : vector<16xi32> to vector<1x16xi32>
      tpu.vector_store %arg10[%swap3A_258, %swap3A_259], %swap3A_262 {strides = array<i32>} : memref<4x64xi32, #tpu.memory_space<vmem>>, vector<1x16xi32>,
      %and3A_263 = arith.constant 16383 : i32
      %and3A_264 = vector.broadcast %and3A_263 : i32 to vector<16xi32>
      %and3A_265 = arith.andi %get3A_253, %and3A_264 : vector<16xi32>
      %swap3A_266 = arith.constant 2 : i32
      %swap3A_267 = arith.index_cast %swap3A_266 : i32 to index
      %swap3A_268 = arith.constant 16 : index
      %swap3A_269 = tpu.vector_load %arg11[%swap3A_267, %swap3A_268] {strides = array<i32>} : memref<4x64xi32, #tpu.memory_space<vmem>>, vector<1x16xi32>,
      %swap3A_270 = vector.shape_cast %swap3A_269 : vector<1x16xi32> to vector<16xi32>
      %swap3A_271 = vector.shape_cast %and3A_265 : vector<16xi32> to vector<1x16xi32>
      tpu.vector_store %arg11[%swap3A_267, %swap3A_268], %swap3A_271 {strides = array<i32>} : memref<4x64xi32, #tpu.memory_space<vmem>>, vector<1x16xi32>,
      %get3A_272 = arith.constant 1 : i32
      %get3A_273 = arith.index_cast %get3A_272 : i32 to index
      %get3A_274 = arith.constant 32 : index
      %get3A_275 = tpu.vector_load %arg8[%get3A_273, %get3A_274] {strides = array<i32>} : memref<80x128xi32, #tpu.memory_space<vmem>>, vector<1x16xi32>,
      %get3A_276 = vector.shape_cast %get3A_275 : vector<1x16xi32> to vector<16xi32>
      %shift_right_logical3A_277 = arith.constant 14 : i32
      %shift_right_logical3A_278 = vector.broadcast %shift_right_logical3A_277 : i32 to vector<16xi32>
      %shift_right_logical3A_279 = arith.shrui %get3A_276, %shift_right_logical3A_278 : vector<16xi32>
      %swap3A_280 = arith.constant 2 : i32
      %swap3A_281 = arith.index_cast %swap3A_280 : i32 to index
      %swap3A_282 = arith.constant 32 : index
      %swap3A_283 = tpu.vector_load %arg10[%swap3A_281, %swap3A_282] {strides = array<i32>} : memref<4x64xi32, #tpu.memory_space<vmem>>, vector<1x16xi32>,
      %swap3A_284 = vector.shape_cast %swap3A_283 : vector<1x16xi32> to vector<16xi32>
      %swap3A_285 = vector.shape_cast %shift_right_logical3A_279 : vector<16xi32> to vector<1x16xi32>
      tpu.vector_store %arg10[%swap3A_281, %swap3A_282], %swap3A_285 {strides = array<i32>} : memref<4x64xi32, #tpu.memory_space<vmem>>, vector<1x16xi32>,
      %and3A_286 = arith.constant 16383 : i32
      %and3A_287 = vector.broadcast %and3A_286 : i32 to vector<16xi32>
      %and3A_288 = arith.andi %get3A_276, %and3A_287 : vector<16xi32>
      %swap3A_289 = arith.constant 2 : i32
      %swap3A_290 = arith.index_cast %swap3A_289 : i32 to index
      %swap3A_291 = arith.constant 32 : index
      %swap3A_292 = tpu.vector_load %arg11[%swap3A_290, %swap3A_291] {strides = array<i32>} : memref<4x64xi32, #tpu.memory_space<vmem>>, vector<1x16xi32>,
      %swap3A_293 = vector.shape_cast %swap3A_292 : vector<1x16xi32> to vector<16xi32>
      %swap3A_294 = vector.shape_cast %and3A_288 : vector<16xi32> to vector<1x16xi32>
      tpu.vector_store %arg11[%swap3A_290, %swap3A_291], %swap3A_294 {strides = array<i32>} : memref<4x64xi32, #tpu.memory_space<vmem>>, vector<1x16xi32>,
      %get3A_295 = arith.constant 1 : i32
      %get3A_296 = arith.index_cast %get3A_295 : i32 to index
      %get3A_297 = arith.constant 48 : index
      %get3A_298 = tpu.vector_load %arg8[%get3A_296, %get3A_297] {strides = array<i32>} : memref<80x128xi32, #tpu.memory_space<vmem>>, vector<1x16xi32>,
      %get3A_299 = vector.shape_cast %get3A_298 : vector<1x16xi32> to vector<16xi32>
      %shift_right_logical3A_300 = arith.constant 14 : i32
      %shift_right_logical3A_301 = vector.broadcast %shift_right_logical3A_300 : i32 to vector<16xi32>
      %shift_right_logical3A_302 = arith.shrui %get3A_299, %shift_right_logical3A_301 : vector<16xi32>
      %swap3A_303 = arith.constant 2 : i32
      %swap3A_304 = arith.index_cast %swap3A_303 : i32 to index
      %swap3A_305 = arith.constant 48 : index
      %swap3A_306 = tpu.vector_load %arg10[%swap3A_304, %swap3A_305] {strides = array<i32>} : memref<4x64xi32, #tpu.memory_space<vmem>>, vector<1x16xi32>,
      %swap3A_307 = vector.shape_cast %swap3A_306 : vector<1x16xi32> to vector<16xi32>
      %swap3A_308 = vector.shape_cast %shift_right_logical3A_302 : vector<16xi32> to vector<1x16xi32>
      tpu.vector_store %arg10[%swap3A_304, %swap3A_305], %swap3A_308 {strides = array<i32>} : memref<4x64xi32, #tpu.memory_space<vmem>>, vector<1x16xi32>,
      %and3A_309 = arith.constant 16383 : i32
      %and3A_310 = vector.broadcast %and3A_309 : i32 to vector<16xi32>
      %and3A_311 = arith.andi %get3A_299, %and3A_310 : vector<16xi32>
      %swap3A_312 = arith.constant 2 : i32
      %swap3A_313 = arith.index_cast %swap3A_312 : i32 to index
      %swap3A_314 = arith.constant 48 : index
      %swap3A_315 = tpu.vector_load %arg11[%swap3A_313, %swap3A_314] {strides = array<i32>} : memref<4x64xi32, #tpu.memory_space<vmem>>, vector<1x16xi32>,
      %swap3A_316 = vector.shape_cast %swap3A_315 : vector<1x16xi32> to vector<16xi32>
      %swap3A_317 = vector.shape_cast %and3A_311 : vector<16xi32> to vector<1x16xi32>
      tpu.vector_store %arg11[%swap3A_313, %swap3A_314], %swap3A_317 {strides = array<i32>} : memref<4x64xi32, #tpu.memory_space<vmem>>, vector<1x16xi32>,
      %dma_start3A_318 = arith.constant 2 : i32
      %dma_start3A_319 = arith.constant 2 : i32
      %dma_start3A_320 = arith.constant 2 : i32
      %dma_start3A_321 = arith.constant 0 : i32
      %dma_start3A_322 = arith.constant 0 : i32
      %dma_start3A_323 = tpu.memref_slice %arg9[%dma_start3A_319, %dma_start3A_321, %dma_start3A_322] : memref<4x64x128xf32, #tpu.memory_space<vmem>> -> memref<1x64x128xf32, #tpu.memory_space<vmem>>
      %dma_start3A_324 = tpu.memref_squeeze %dma_start3A_323 : memref<1x64x128xf32, #tpu.memory_space<vmem>> -> memref<64x128xf32, #tpu.memory_space<vmem>>
      %dma_start3A_325 = arith.constant 0 : i32
      %dma_start3A_326 = tpu.memref_slice %arg10[%dma_start3A_318, %dma_start3A_325] : memref<4x64xi32, #tpu.memory_space<vmem>> -> memref<1x64xi32, #tpu.memory_space<vmem>>
      %dma_start3A_327 = tpu.memref_squeeze %dma_start3A_326 : memref<1x64xi32, #tpu.memory_space<vmem>> -> memref<64xi32, #tpu.memory_space<vmem>>
      %dma_start3A_328 = arith.constant 0 : i32
      %dma_start3A_329 = arith.constant 0 : i32
      %dma_start3A_330 = tpu.memref_slice %arg2[%dma_start3A_328, %dma_start3A_329] : memref<10000x128xf32, #tpu.memory_space<hbm>> -> memref<10000x128xf32, #tpu.memory_space<hbm>>
      %dma_start3A_331 = tpu.memref_slice %arg12[%dma_start3A_320] : memref<4x!tpu.dma_semaphore, #tpu.memory_space<semaphore_mem>> -> memref<1x!tpu.dma_semaphore, #tpu.memory_space<semaphore_mem>>
      %dma_start3A_332 = tpu.memref_squeeze %dma_start3A_331 : memref<1x!tpu.dma_semaphore, #tpu.memory_space<semaphore_mem>> -> memref<!tpu.dma_semaphore, #tpu.memory_space<semaphore_mem>>
      tpu.enqueue_indirect_dma source(%dma_start3A_330 : memref<10000x128xf32, #tpu.memory_space<hbm>>) target(%dma_start3A_324 : memref<64x128xf32, #tpu.memory_space<vmem>>) offsets(%dma_start3A_327 : memref<64xi32, #tpu.memory_space<vmem>>) semaphore(%dma_start3A_332 : memref<!tpu.dma_semaphore, #tpu.memory_space<semaphore_mem>>)
      %get3A_333 = arith.constant 1 : i32
      %get3A_334 = arith.index_cast %get3A_333 : i32 to index
      %get3A_335 = arith.constant 64 : index
      %get3A_336 = tpu.vector_load %arg8[%get3A_334, %get3A_335] {strides = array<i32>} : memref<80x128xi32, #tpu.memory_space<vmem>>, vector<1x16xi32>,
      %get3A_337 = vector.shape_cast %get3A_336 : vector<1x16xi32> to vector<16xi32>
      %shift_right_logical3A_338 = arith.constant 14 : i32
      %shift_right_logical3A_339 = vector.broadcast %shift_right_logical3A_338 : i32 to vector<16xi32>
      %shift_right_logical3A_340 = arith.shrui %get3A_337, %shift_right_logical3A_339 : vector<16xi32>
      %swap3A_341 = arith.constant 3 : i32
      %swap3A_342 = arith.index_cast %swap3A_341 : i32 to index
      %swap3A_343 = arith.constant 0 : index
      %swap3A_344 = tpu.vector_load %arg10[%swap3A_342, %swap3A_343] {strides = array<i32>} : memref<4x64xi32, #tpu.memory_space<vmem>>, vector<1x16xi32>,
      %swap3A_345 = vector.shape_cast %swap3A_344 : vector<1x16xi32> to vector<16xi32>
      %swap3A_346 = vector.shape_cast %shift_right_logical3A_340 : vector<16xi32> to vector<1x16xi32>
      tpu.vector_store %arg10[%swap3A_342, %swap3A_343], %swap3A_346 {strides = array<i32>} : memref<4x64xi32, #tpu.memory_space<vmem>>, vector<1x16xi32>,
      %and3A_347 = arith.constant 16383 : i32
      %and3A_348 = vector.broadcast %and3A_347 : i32 to vector<16xi32>
      %and3A_349 = arith.andi %get3A_337, %and3A_348 : vector<16xi32>
      %swap3A_350 = arith.constant 3 : i32
      %swap3A_351 = arith.index_cast %swap3A_350 : i32 to index
      %swap3A_352 = arith.constant 0 : index
      %swap3A_353 = tpu.vector_load %arg11[%swap3A_351, %swap3A_352] {strides = array<i32>} : memref<4x64xi32, #tpu.memory_space<vmem>>, vector<1x16xi32>,
      %swap3A_354 = vector.shape_cast %swap3A_353 : vector<1x16xi32> to vector<16xi32>
      %swap3A_355 = vector.shape_cast %and3A_349 : vector<16xi32> to vector<1x16xi32>
      tpu.vector_store %arg11[%swap3A_351, %swap3A_352], %swap3A_355 {strides = array<i32>} : memref<4x64xi32, #tpu.memory_space<vmem>>, vector<1x16xi32>,
      %get3A_356 = arith.constant 1 : i32
      %get3A_357 = arith.index_cast %get3A_356 : i32 to index
      %get3A_358 = arith.constant 80 : index
      %get3A_359 = tpu.vector_load %arg8[%get3A_357, %get3A_358] {strides = array<i32>} : memref<80x128xi32, #tpu.memory_space<vmem>>, vector<1x16xi32>,
      %get3A_360 = vector.shape_cast %get3A_359 : vector<1x16xi32> to vector<16xi32>
      %shift_right_logical3A_361 = arith.constant 14 : i32
      %shift_right_logical3A_362 = vector.broadcast %shift_right_logical3A_361 : i32 to vector<16xi32>
      %shift_right_logical3A_363 = arith.shrui %get3A_360, %shift_right_logical3A_362 : vector<16xi32>
      %swap3A_364 = arith.constant 3 : i32
      %swap3A_365 = arith.index_cast %swap3A_364 : i32 to index
      %swap3A_366 = arith.constant 16 : index
      %swap3A_367 = tpu.vector_load %arg10[%swap3A_365, %swap3A_366] {strides = array<i32>} : memref<4x64xi32, #tpu.memory_space<vmem>>, vector<1x16xi32>,
      %swap3A_368 = vector.shape_cast %swap3A_367 : vector<1x16xi32> to vector<16xi32>
      %swap3A_369 = vector.shape_cast %shift_right_logical3A_363 : vector<16xi32> to vector<1x16xi32>
      tpu.vector_store %arg10[%swap3A_365, %swap3A_366], %swap3A_369 {strides = array<i32>} : memref<4x64xi32, #tpu.memory_space<vmem>>, vector<1x16xi32>,
      %and3A_370 = arith.constant 16383 : i32
      %and3A_371 = vector.broadcast %and3A_370 : i32 to vector<16xi32>
      %and3A_372 = arith.andi %get3A_360, %and3A_371 : vector<16xi32>
      %swap3A_373 = arith.constant 3 : i32
      %swap3A_374 = arith.index_cast %swap3A_373 : i32 to index
      %swap3A_375 = arith.constant 16 : index
      %swap3A_376 = tpu.vector_load %arg11[%swap3A_374, %swap3A_375] {strides = array<i32>} : memref<4x64xi32, #tpu.memory_space<vmem>>, vector<1x16xi32>,
      %swap3A_377 = vector.shape_cast %swap3A_376 : vector<1x16xi32> to vector<16xi32>
      %swap3A_378 = vector.shape_cast %and3A_372 : vector<16xi32> to vector<1x16xi32>
      tpu.vector_store %arg11[%swap3A_374, %swap3A_375], %swap3A_378 {strides = array<i32>} : memref<4x64xi32, #tpu.memory_space<vmem>>, vector<1x16xi32>,
      %get3A_379 = arith.constant 1 : i32
      %get3A_380 = arith.index_cast %get3A_379 : i32 to index
      %get3A_381 = arith.constant 96 : index
      %get3A_382 = tpu.vector_load %arg8[%get3A_380, %get3A_381] {strides = array<i32>} : memref<80x128xi32, #tpu.memory_space<vmem>>, vector<1x16xi32>,
      %get3A_383 = vector.shape_cast %get3A_382 : vector<1x16xi32> to vector<16xi32>
      %shift_right_logical3A_384 = arith.constant 14 : i32
      %shift_right_logical3A_385 = vector.broadcast %shift_right_logical3A_384 : i32 to vector<16xi32>
      %shift_right_logical3A_386 = arith.shrui %get3A_383, %shift_right_logical3A_385 : vector<16xi32>
      %swap3A_387 = arith.constant 3 : i32
      %swap3A_388 = arith.index_cast %swap3A_387 : i32 to index
      %swap3A_389 = arith.constant 32 : index
      %swap3A_390 = tpu.vector_load %arg10[%swap3A_388, %swap3A_389] {strides = array<i32>} : memref<4x64xi32, #tpu.memory_space<vmem>>, vector<1x16xi32>,
      %swap3A_391 = vector.shape_cast %swap3A_390 : vector<1x16xi32> to vector<16xi32>
      %swap3A_392 = vector.shape_cast %shift_right_logical3A_386 : vector<16xi32> to vector<1x16xi32>
      tpu.vector_store %arg10[%swap3A_388, %swap3A_389], %swap3A_392 {strides = array<i32>} : memref<4x64xi32, #tpu.memory_space<vmem>>, vector<1x16xi32>,
      %and3A_393 = arith.constant 16383 : i32
      %and3A_394 = vector.broadcast %and3A_393 : i32 to vector<16xi32>
      %and3A_395 = arith.andi %get3A_383, %and3A_394 : vector<16xi32>
      %swap3A_396 = arith.constant 3 : i32
      %swap3A_397 = arith.index_cast %swap3A_396 : i32 to index
      %swap3A_398 = arith.constant 32 : index
      %swap3A_399 = tpu.vector_load %arg11[%swap3A_397, %swap3A_398] {strides = array<i32>} : memref<4x64xi32, #tpu.memory_space<vmem>>, vector<1x16xi32>,
      %swap3A_400 = vector.shape_cast %swap3A_399 : vector<1x16xi32> to vector<16xi32>
      %swap3A_401 = vector.shape_cast %and3A_395 : vector<16xi32> to vector<1x16xi32>
      tpu.vector_store %arg11[%swap3A_397, %swap3A_398], %swap3A_401 {strides = array<i32>} : memref<4x64xi32, #tpu.memory_space<vmem>>, vector<1x16xi32>,
      %get3A_402 = arith.constant 1 : i32
      %get3A_403 = arith.index_cast %get3A_402 : i32 to index
      %get3A_404 = arith.constant 112 : index
      %get3A_405 = tpu.vector_load %arg8[%get3A_403, %get3A_404] {strides = array<i32>} : memref<80x128xi32, #tpu.memory_space<vmem>>, vector<1x16xi32>,
      %get3A_406 = vector.shape_cast %get3A_405 : vector<1x16xi32> to vector<16xi32>
      %shift_right_logical3A_407 = arith.constant 14 : i32
      %shift_right_logical3A_408 = vector.broadcast %shift_right_logical3A_407 : i32 to vector<16xi32>
      %shift_right_logical3A_409 = arith.shrui %get3A_406, %shift_right_logical3A_408 : vector<16xi32>
      %swap3A_410 = arith.constant 3 : i32
      %swap3A_411 = arith.index_cast %swap3A_410 : i32 to index
      %swap3A_412 = arith.constant 48 : index
      %swap3A_413 = tpu.vector_load %arg10[%swap3A_411, %swap3A_412] {strides = array<i32>} : memref<4x64xi32, #tpu.memory_space<vmem>>, vector<1x16xi32>,
      %swap3A_414 = vector.shape_cast %swap3A_413 : vector<1x16xi32> to vector<16xi32>
      %swap3A_415 = vector.shape_cast %shift_right_logical3A_409 : vector<16xi32> to vector<1x16xi32>
      tpu.vector_store %arg10[%swap3A_411, %swap3A_412], %swap3A_415 {strides = array<i32>} : memref<4x64xi32, #tpu.memory_space<vmem>>, vector<1x16xi32>,
      %and3A_416 = arith.constant 16383 : i32
      %and3A_417 = vector.broadcast %and3A_416 : i32 to vector<16xi32>
      %and3A_418 = arith.andi %get3A_406, %and3A_417 : vector<16xi32>
      %swap3A_419 = arith.constant 3 : i32
      %swap3A_420 = arith.index_cast %swap3A_419 : i32 to index
      %swap3A_421 = arith.constant 48 : index
      %swap3A_422 = tpu.vector_load %arg11[%swap3A_420, %swap3A_421] {strides = array<i32>} : memref<4x64xi32, #tpu.memory_space<vmem>>, vector<1x16xi32>,
      %swap3A_423 = vector.shape_cast %swap3A_422 : vector<1x16xi32> to vector<16xi32>
      %swap3A_424 = vector.shape_cast %and3A_418 : vector<16xi32> to vector<1x16xi32>
      tpu.vector_store %arg11[%swap3A_420, %swap3A_421], %swap3A_424 {strides = array<i32>} : memref<4x64xi32, #tpu.memory_space<vmem>>, vector<1x16xi32>,
      %dma_start3A_425 = arith.constant 3 : i32
      %dma_start3A_426 = arith.constant 3 : i32
      %dma_start3A_427 = arith.constant 3 : i32
      %dma_start3A_428 = arith.constant 0 : i32
      %dma_start3A_429 = arith.constant 0 : i32
      %dma_start3A_430 = tpu.memref_slice %arg9[%dma_start3A_426, %dma_start3A_428, %dma_start3A_429] : memref<4x64x128xf32, #tpu.memory_space<vmem>> -> memref<1x64x128xf32, #tpu.memory_space<vmem>>
      %dma_start3A_431 = tpu.memref_squeeze %dma_start3A_430 : memref<1x64x128xf32, #tpu.memory_space<vmem>> -> memref<64x128xf32, #tpu.memory_space<vmem>>
      %dma_start3A_432 = arith.constant 0 : i32
      %dma_start3A_433 = tpu.memref_slice %arg10[%dma_start3A_425, %dma_start3A_432] : memref<4x64xi32, #tpu.memory_space<vmem>> -> memref<1x64xi32, #tpu.memory_space<vmem>>
      %dma_start3A_434 = tpu.memref_squeeze %dma_start3A_433 : memref<1x64xi32, #tpu.memory_space<vmem>> -> memref<64xi32, #tpu.memory_space<vmem>>
      %dma_start3A_435 = arith.constant 0 : i32
      %dma_start3A_436 = arith.constant 0 : i32
      %dma_start3A_437 = tpu.memref_slice %arg2[%dma_start3A_435, %dma_start3A_436] : memref<10000x128xf32, #tpu.memory_space<hbm>> -> memref<10000x128xf32, #tpu.memory_space<hbm>>
      %dma_start3A_438 = tpu.memref_slice %arg12[%dma_start3A_427] : memref<4x!tpu.dma_semaphore, #tpu.memory_space<semaphore_mem>> -> memref<1x!tpu.dma_semaphore, #tpu.memory_space<semaphore_mem>>
      %dma_start3A_439 = tpu.memref_squeeze %dma_start3A_438 : memref<1x!tpu.dma_semaphore, #tpu.memory_space<semaphore_mem>> -> memref<!tpu.dma_semaphore, #tpu.memory_space<semaphore_mem>>
      tpu.enqueue_indirect_dma source(%dma_start3A_437 : memref<10000x128xf32, #tpu.memory_space<hbm>>) target(%dma_start3A_431 : memref<64x128xf32, #tpu.memory_space<vmem>>) offsets(%dma_start3A_434 : memref<64xi32, #tpu.memory_space<vmem>>) semaphore(%dma_start3A_439 : memref<!tpu.dma_semaphore, #tpu.memory_space<semaphore_mem>>)
      %scan3A = arith.constant 0 : i32
      %scan3A_440 = arith.constant 0 : i32
      %scan3A_441 = arith.constant 40 : i32
      %scan3A_442 = arith.addi %scan3A_440, %scan3A_441 : i32
      %scan3A_443 = arith.constant 1 : i32
      scf.for %scan3A_456 = %scan3A_440 to %scan3A_442 step %scan3A_443  : i32 {
        %mul3A_457 = arith.constant 4 : i32
        %mul3A_458 = arith.muli %scan3A_456, %mul3A_457 : i32
        %dma_wait3A = arith.constant 0 : i32
        %dma_wait3A_459 = arith.constant 0 : i32
        %dma_wait3A_460 = arith.constant 0 : i32
        %dma_wait3A_461 = arith.constant 0 : i32
        %dma_wait3A_462 = arith.constant 0 : i32
        %dma_wait3A_463 = tpu.memref_slice %arg9[%dma_wait3A_459, %dma_wait3A_461, %dma_wait3A_462] : memref<4x64x128xf32, #tpu.memory_space<vmem>> -> memref<1x64x128xf32, #tpu.memory_space<vmem>>
        %dma_wait3A_464 = tpu.memref_squeeze %dma_wait3A_463 : memref<1x64x128xf32, #tpu.memory_space<vmem>> -> memref<64x128xf32, #tpu.memory_space<vmem>>
        %dma_wait3A_465 = arith.constant 0 : i32
        %dma_wait3A_466 = tpu.memref_slice %arg10[%dma_wait3A, %dma_wait3A_465] : memref<4x64xi32, #tpu.memory_space<vmem>> -> memref<1x64xi32, #tpu.memory_space<vmem>>
        %dma_wait3A_467 = tpu.memref_squeeze %dma_wait3A_466 : memref<1x64xi32, #tpu.memory_space<vmem>> -> memref<64xi32, #tpu.memory_space<vmem>>
        %dma_wait3A_468 = arith.constant 0 : i32
        %dma_wait3A_469 = arith.constant 0 : i32
        %dma_wait3A_470 = tpu.memref_slice %arg2[%dma_wait3A_468, %dma_wait3A_469] : memref<10000x128xf32, #tpu.memory_space<hbm>> -> memref<10000x128xf32, #tpu.memory_space<hbm>>
        %dma_wait3A_471 = tpu.memref_slice %arg12[%dma_wait3A_460] : memref<4x!tpu.dma_semaphore, #tpu.memory_space<semaphore_mem>> -> memref<1x!tpu.dma_semaphore, #tpu.memory_space<semaphore_mem>>
        %dma_wait3A_472 = tpu.memref_squeeze %dma_wait3A_471 : memref<1x!tpu.dma_semaphore, #tpu.memory_space<semaphore_mem>> -> memref<!tpu.dma_semaphore, #tpu.memory_space<semaphore_mem>>
        tpu.wait_indirect_dma semaphore(%dma_wait3A_472 : memref<!tpu.dma_semaphore, #tpu.memory_space<semaphore_mem>>) src(%dma_wait3A_470 : memref<10000x128xf32, #tpu.memory_space<hbm>>) dst(%dma_wait3A_464 : memref<64x128xf32, #tpu.memory_space<vmem>>)
        %dma_start3A_473 = arith.constant 0 : i32
        %dma_start3A_474 = arith.constant 0 : i32
        %dma_start3A_475 = arith.constant 0 : i32
        %dma_start3A_476 = arith.constant 0 : i32
        %dma_start3A_477 = arith.constant 0 : i32
        %dma_start3A_478 = tpu.memref_slice %arg9[%dma_start3A_473, %dma_start3A_476, %dma_start3A_477] : memref<4x64x128xf32, #tpu.memory_space<vmem>> -> memref<1x64x128xf32, #tpu.memory_space<vmem>>
        %dma_start3A_479 = tpu.memref_squeeze %dma_start3A_478 : memref<1x64x128xf32, #tpu.memory_space<vmem>> -> memref<64x128xf32, #tpu.memory_space<vmem>>
        %dma_start3A_480 = arith.constant 0 : i32
        %dma_start3A_481 = tpu.memref_slice %arg11[%dma_start3A_474, %dma_start3A_480] : memref<4x64xi32, #tpu.memory_space<vmem>> -> memref<1x64xi32, #tpu.memory_space<vmem>>
        %dma_start3A_482 = tpu.memref_squeeze %dma_start3A_481 : memref<1x64xi32, #tpu.memory_space<vmem>> -> memref<64xi32, #tpu.memory_space<vmem>>
        %dma_start3A_483 = arith.constant 0 : i32
        %dma_start3A_484 = arith.constant 0 : i32
        %dma_start3A_485 = tpu.memref_slice %arg7[%dma_start3A_483, %dma_start3A_484] : memref<10008x128xf32, #tpu.memory_space<vmem_shared>> -> memref<10008x128xf32, #tpu.memory_space<vmem_shared>>
        %dma_start3A_486 = tpu.memref_slice %arg13[%dma_start3A_475] : memref<4x!tpu.dma_semaphore, #tpu.memory_space<semaphore_mem>> -> memref<1x!tpu.dma_semaphore, #tpu.memory_space<semaphore_mem>>
        %dma_start3A_487 = tpu.memref_squeeze %dma_start3A_486 : memref<1x!tpu.dma_semaphore, #tpu.memory_space<semaphore_mem>> -> memref<!tpu.dma_semaphore, #tpu.memory_space<semaphore_mem>>
        tpu.enqueue_indirect_dma source(%dma_start3A_479 : memref<64x128xf32, #tpu.memory_space<vmem>>) target(%dma_start3A_485 : memref<10008x128xf32, #tpu.memory_space<vmem_shared>>) offsets(%dma_start3A_482 : memref<64xi32, #tpu.memory_space<vmem>>) semaphore(%dma_start3A_487 : memref<!tpu.dma_semaphore, #tpu.memory_space<semaphore_mem>>) {add = true}
        %dma_wait3A_488 = arith.constant 1 : i32
        %dma_wait3A_489 = arith.constant 1 : i32
        %dma_wait3A_490 = arith.constant 1 : i32
        %dma_wait3A_491 = arith.constant 0 : i32
        %dma_wait3A_492 = arith.constant 0 : i32
        %dma_wait3A_493 = tpu.memref_slice %arg9[%dma_wait3A_489, %dma_wait3A_491, %dma_wait3A_492] : memref<4x64x128xf32, #tpu.memory_space<vmem>> -> memref<1x64x128xf32, #tpu.memory_space<vmem>>
        %dma_wait3A_494 = tpu.memref_squeeze %dma_wait3A_493 : memref<1x64x128xf32, #tpu.memory_space<vmem>> -> memref<64x128xf32, #tpu.memory_space<vmem>>
        %dma_wait3A_495 = arith.constant 0 : i32
        %dma_wait3A_496 = tpu.memref_slice %arg10[%dma_wait3A_488, %dma_wait3A_495] : memref<4x64xi32, #tpu.memory_space<vmem>> -> memref<1x64xi32, #tpu.memory_space<vmem>>
        %dma_wait3A_497 = tpu.memref_squeeze %dma_wait3A_496 : memref<1x64xi32, #tpu.memory_space<vmem>> -> memref<64xi32, #tpu.memory_space<vmem>>
        %dma_wait3A_498 = arith.constant 0 : i32
        %dma_wait3A_499 = arith.constant 0 : i32
        %dma_wait3A_500 = tpu.memref_slice %arg2[%dma_wait3A_498, %dma_wait3A_499] : memref<10000x128xf32, #tpu.memory_space<hbm>> -> memref<10000x128xf32, #tpu.memory_space<hbm>>
        %dma_wait3A_501 = tpu.memref_slice %arg12[%dma_wait3A_490] : memref<4x!tpu.dma_semaphore, #tpu.memory_space<semaphore_mem>> -> memref<1x!tpu.dma_semaphore, #tpu.memory_space<semaphore_mem>>
        %dma_wait3A_502 = tpu.memref_squeeze %dma_wait3A_501 : memref<1x!tpu.dma_semaphore, #tpu.memory_space<semaphore_mem>> -> memref<!tpu.dma_semaphore, #tpu.memory_space<semaphore_mem>>
        tpu.wait_indirect_dma semaphore(%dma_wait3A_502 : memref<!tpu.dma_semaphore, #tpu.memory_space<semaphore_mem>>) src(%dma_wait3A_500 : memref<10000x128xf32, #tpu.memory_space<hbm>>) dst(%dma_wait3A_494 : memref<64x128xf32, #tpu.memory_space<vmem>>)
        %dma_start3A_503 = arith.constant 1 : i32
        %dma_start3A_504 = arith.constant 1 : i32
        %dma_start3A_505 = arith.constant 1 : i32
        %dma_start3A_506 = arith.constant 0 : i32
        %dma_start3A_507 = arith.constant 0 : i32
        %dma_start3A_508 = tpu.memref_slice %arg9[%dma_start3A_503, %dma_start3A_506, %dma_start3A_507] : memref<4x64x128xf32, #tpu.memory_space<vmem>> -> memref<1x64x128xf32, #tpu.memory_space<vmem>>
        %dma_start3A_509 = tpu.memref_squeeze %dma_start3A_508 : memref<1x64x128xf32, #tpu.memory_space<vmem>> -> memref<64x128xf32, #tpu.memory_space<vmem>>
        %dma_start3A_510 = arith.constant 0 : i32
        %dma_start3A_511 = tpu.memref_slice %arg11[%dma_start3A_504, %dma_start3A_510] : memref<4x64xi32, #tpu.memory_space<vmem>> -> memref<1x64xi32, #tpu.memory_space<vmem>>
        %dma_start3A_512 = tpu.memref_squeeze %dma_start3A_511 : memref<1x64xi32, #tpu.memory_space<vmem>> -> memref<64xi32, #tpu.memory_space<vmem>>
        %dma_start3A_513 = arith.constant 0 : i32
        %dma_start3A_514 = arith.constant 0 : i32
        %dma_start3A_515 = tpu.memref_slice %arg7[%dma_start3A_513, %dma_start3A_514] : memref<10008x128xf32, #tpu.memory_space<vmem_shared>> -> memref<10008x128xf32, #tpu.memory_space<vmem_shared>>
        %dma_start3A_516 = tpu.memref_slice %arg13[%dma_start3A_505] : memref<4x!tpu.dma_semaphore, #tpu.memory_space<semaphore_mem>> -> memref<1x!tpu.dma_semaphore, #tpu.memory_space<semaphore_mem>>
        %dma_start3A_517 = tpu.memref_squeeze %dma_start3A_516 : memref<1x!tpu.dma_semaphore, #tpu.memory_space<semaphore_mem>> -> memref<!tpu.dma_semaphore, #tpu.memory_space<semaphore_mem>>
        tpu.enqueue_indirect_dma source(%dma_start3A_509 : memref<64x128xf32, #tpu.memory_space<vmem>>) target(%dma_start3A_515 : memref<10008x128xf32, #tpu.memory_space<vmem_shared>>) offsets(%dma_start3A_512 : memref<64xi32, #tpu.memory_space<vmem>>) semaphore(%dma_start3A_517 : memref<!tpu.dma_semaphore, #tpu.memory_space<semaphore_mem>>) {add = true}
        %dma_wait3A_518 = arith.constant 2 : i32
        %dma_wait3A_519 = arith.constant 2 : i32
        %dma_wait3A_520 = arith.constant 2 : i32
        %dma_wait3A_521 = arith.constant 0 : i32
        %dma_wait3A_522 = arith.constant 0 : i32
        %dma_wait3A_523 = tpu.memref_slice %arg9[%dma_wait3A_519, %dma_wait3A_521, %dma_wait3A_522] : memref<4x64x128xf32, #tpu.memory_space<vmem>> -> memref<1x64x128xf32, #tpu.memory_space<vmem>>
        %dma_wait3A_524 = tpu.memref_squeeze %dma_wait3A_523 : memref<1x64x128xf32, #tpu.memory_space<vmem>> -> memref<64x128xf32, #tpu.memory_space<vmem>>
        %dma_wait3A_525 = arith.constant 0 : i32
        %dma_wait3A_526 = tpu.memref_slice %arg10[%dma_wait3A_518, %dma_wait3A_525] : memref<4x64xi32, #tpu.memory_space<vmem>> -> memref<1x64xi32, #tpu.memory_space<vmem>>
        %dma_wait3A_527 = tpu.memref_squeeze %dma_wait3A_526 : memref<1x64xi32, #tpu.memory_space<vmem>> -> memref<64xi32, #tpu.memory_space<vmem>>
        %dma_wait3A_528 = arith.constant 0 : i32
        %dma_wait3A_529 = arith.constant 0 : i32
        %dma_wait3A_530 = tpu.memref_slice %arg2[%dma_wait3A_528, %dma_wait3A_529] : memref<10000x128xf32, #tpu.memory_space<hbm>> -> memref<10000x128xf32, #tpu.memory_space<hbm>>
        %dma_wait3A_531 = tpu.memref_slice %arg12[%dma_wait3A_520] : memref<4x!tpu.dma_semaphore, #tpu.memory_space<semaphore_mem>> -> memref<1x!tpu.dma_semaphore, #tpu.memory_space<semaphore_mem>>
        %dma_wait3A_532 = tpu.memref_squeeze %dma_wait3A_531 : memref<1x!tpu.dma_semaphore, #tpu.memory_space<semaphore_mem>> -> memref<!tpu.dma_semaphore, #tpu.memory_space<semaphore_mem>>
        tpu.wait_indirect_dma semaphore(%dma_wait3A_532 : memref<!tpu.dma_semaphore, #tpu.memory_space<semaphore_mem>>) src(%dma_wait3A_530 : memref<10000x128xf32, #tpu.memory_space<hbm>>) dst(%dma_wait3A_524 : memref<64x128xf32, #tpu.memory_space<vmem>>)
        %dma_start3A_533 = arith.constant 2 : i32
        %dma_start3A_534 = arith.constant 2 : i32
        %dma_start3A_535 = arith.constant 2 : i32
        %dma_start3A_536 = arith.constant 0 : i32
        %dma_start3A_537 = arith.constant 0 : i32
        %dma_start3A_538 = tpu.memref_slice %arg9[%dma_start3A_533, %dma_start3A_536, %dma_start3A_537] : memref<4x64x128xf32, #tpu.memory_space<vmem>> -> memref<1x64x128xf32, #tpu.memory_space<vmem>>
        %dma_start3A_539 = tpu.memref_squeeze %dma_start3A_538 : memref<1x64x128xf32, #tpu.memory_space<vmem>> -> memref<64x128xf32, #tpu.memory_space<vmem>>
        %dma_start3A_540 = arith.constant 0 : i32
        %dma_start3A_541 = tpu.memref_slice %arg11[%dma_start3A_534, %dma_start3A_540] : memref<4x64xi32, #tpu.memory_space<vmem>> -> memref<1x64xi32, #tpu.memory_space<vmem>>
        %dma_start3A_542 = tpu.memref_squeeze %dma_start3A_541 : memref<1x64xi32, #tpu.memory_space<vmem>> -> memref<64xi32, #tpu.memory_space<vmem>>
        %dma_start3A_543 = arith.constant 0 : i32
        %dma_start3A_544 = arith.constant 0 : i32
        %dma_start3A_545 = tpu.memref_slice %arg7[%dma_start3A_543, %dma_start3A_544] : memref<10008x128xf32, #tpu.memory_space<vmem_shared>> -> memref<10008x128xf32, #tpu.memory_space<vmem_shared>>
        %dma_start3A_546 = tpu.memref_slice %arg13[%dma_start3A_535] : memref<4x!tpu.dma_semaphore, #tpu.memory_space<semaphore_mem>> -> memref<1x!tpu.dma_semaphore, #tpu.memory_space<semaphore_mem>>
        %dma_start3A_547 = tpu.memref_squeeze %dma_start3A_546 : memref<1x!tpu.dma_semaphore, #tpu.memory_space<semaphore_mem>> -> memref<!tpu.dma_semaphore, #tpu.memory_space<semaphore_mem>>
        tpu.enqueue_indirect_dma source(%dma_start3A_539 : memref<64x128xf32, #tpu.memory_space<vmem>>) target(%dma_start3A_545 : memref<10008x128xf32, #tpu.memory_space<vmem_shared>>) offsets(%dma_start3A_542 : memref<64xi32, #tpu.memory_space<vmem>>) semaphore(%dma_start3A_547 : memref<!tpu.dma_semaphore, #tpu.memory_space<semaphore_mem>>) {add = true}
        %dma_wait3A_548 = arith.constant 3 : i32
        %dma_wait3A_549 = arith.constant 3 : i32
        %dma_wait3A_550 = arith.constant 3 : i32
        %dma_wait3A_551 = arith.constant 0 : i32
        %dma_wait3A_552 = arith.constant 0 : i32
        %dma_wait3A_553 = tpu.memref_slice %arg9[%dma_wait3A_549, %dma_wait3A_551, %dma_wait3A_552] : memref<4x64x128xf32, #tpu.memory_space<vmem>> -> memref<1x64x128xf32, #tpu.memory_space<vmem>>
        %dma_wait3A_554 = tpu.memref_squeeze %dma_wait3A_553 : memref<1x64x128xf32, #tpu.memory_space<vmem>> -> memref<64x128xf32, #tpu.memory_space<vmem>>
        %dma_wait3A_555 = arith.constant 0 : i32
        %dma_wait3A_556 = tpu.memref_slice %arg10[%dma_wait3A_548, %dma_wait3A_555] : memref<4x64xi32, #tpu.memory_space<vmem>> -> memref<1x64xi32, #tpu.memory_space<vmem>>
        %dma_wait3A_557 = tpu.memref_squeeze %dma_wait3A_556 : memref<1x64xi32, #tpu.memory_space<vmem>> -> memref<64xi32, #tpu.memory_space<vmem>>
        %dma_wait3A_558 = arith.constant 0 : i32
        %dma_wait3A_559 = arith.constant 0 : i32
        %dma_wait3A_560 = tpu.memref_slice %arg2[%dma_wait3A_558, %dma_wait3A_559] : memref<10000x128xf32, #tpu.memory_space<hbm>> -> memref<10000x128xf32, #tpu.memory_space<hbm>>
        %dma_wait3A_561 = tpu.memref_slice %arg12[%dma_wait3A_550] : memref<4x!tpu.dma_semaphore, #tpu.memory_space<semaphore_mem>> -> memref<1x!tpu.dma_semaphore, #tpu.memory_space<semaphore_mem>>
        %dma_wait3A_562 = tpu.memref_squeeze %dma_wait3A_561 : memref<1x!tpu.dma_semaphore, #tpu.memory_space<semaphore_mem>> -> memref<!tpu.dma_semaphore, #tpu.memory_space<semaphore_mem>>
        tpu.wait_indirect_dma semaphore(%dma_wait3A_562 : memref<!tpu.dma_semaphore, #tpu.memory_space<semaphore_mem>>) src(%dma_wait3A_560 : memref<10000x128xf32, #tpu.memory_space<hbm>>) dst(%dma_wait3A_554 : memref<64x128xf32, #tpu.memory_space<vmem>>)
        %dma_start3A_563 = arith.constant 3 : i32
        %dma_start3A_564 = arith.constant 3 : i32
        %dma_start3A_565 = arith.constant 3 : i32
        %dma_start3A_566 = arith.constant 0 : i32
        %dma_start3A_567 = arith.constant 0 : i32
        %dma_start3A_568 = tpu.memref_slice %arg9[%dma_start3A_563, %dma_start3A_566, %dma_start3A_567] : memref<4x64x128xf32, #tpu.memory_space<vmem>> -> memref<1x64x128xf32, #tpu.memory_space<vmem>>
        %dma_start3A_569 = tpu.memref_squeeze %dma_start3A_568 : memref<1x64x128xf32, #tpu.memory_space<vmem>> -> memref<64x128xf32, #tpu.memory_space<vmem>>
        %dma_start3A_570 = arith.constant 0 : i32
        %dma_start3A_571 = tpu.memref_slice %arg11[%dma_start3A_564, %dma_start3A_570] : memref<4x64xi32, #tpu.memory_space<vmem>> -> memref<1x64xi32, #tpu.memory_space<vmem>>
        %dma_start3A_572 = tpu.memref_squeeze %dma_start3A_571 : memref<1x64xi32, #tpu.memory_space<vmem>> -> memref<64xi32, #tpu.memory_space<vmem>>
        %dma_start3A_573 = arith.constant 0 : i32
        %dma_start3A_574 = arith.constant 0 : i32
        %dma_start3A_575 = tpu.memref_slice %arg7[%dma_start3A_573, %dma_start3A_574] : memref<10008x128xf32, #tpu.memory_space<vmem_shared>> -> memref<10008x128xf32, #tpu.memory_space<vmem_shared>>
        %dma_start3A_576 = tpu.memref_slice %arg13[%dma_start3A_565] : memref<4x!tpu.dma_semaphore, #tpu.memory_space<semaphore_mem>> -> memref<1x!tpu.dma_semaphore, #tpu.memory_space<semaphore_mem>>
        %dma_start3A_577 = tpu.memref_squeeze %dma_start3A_576 : memref<1x!tpu.dma_semaphore, #tpu.memory_space<semaphore_mem>> -> memref<!tpu.dma_semaphore, #tpu.memory_space<semaphore_mem>>
        tpu.enqueue_indirect_dma source(%dma_start3A_569 : memref<64x128xf32, #tpu.memory_space<vmem>>) target(%dma_start3A_575 : memref<10008x128xf32, #tpu.memory_space<vmem_shared>>) offsets(%dma_start3A_572 : memref<64xi32, #tpu.memory_space<vmem>>) semaphore(%dma_start3A_577 : memref<!tpu.dma_semaphore, #tpu.memory_space<semaphore_mem>>) {add = true}
        %dma_wait3A_578 = arith.constant 0 : i32
        %dma_wait3A_579 = arith.constant 0 : i32
        %dma_wait3A_580 = arith.constant 0 : i32
        %dma_wait3A_581 = arith.constant 0 : i32
        %dma_wait3A_582 = arith.constant 0 : i32
        %dma_wait3A_583 = tpu.memref_slice %arg9[%dma_wait3A_578, %dma_wait3A_581, %dma_wait3A_582] : memref<4x64x128xf32, #tpu.memory_space<vmem>> -> memref<1x64x128xf32, #tpu.memory_space<vmem>>
        %dma_wait3A_584 = tpu.memref_squeeze %dma_wait3A_583 : memref<1x64x128xf32, #tpu.memory_space<vmem>> -> memref<64x128xf32, #tpu.memory_space<vmem>>
        %dma_wait3A_585 = arith.constant 0 : i32
        %dma_wait3A_586 = tpu.memref_slice %arg11[%dma_wait3A_579, %dma_wait3A_585] : memref<4x64xi32, #tpu.memory_space<vmem>> -> memref<1x64xi32, #tpu.memory_space<vmem>>
        %dma_wait3A_587 = tpu.memref_squeeze %dma_wait3A_586 : memref<1x64xi32, #tpu.memory_space<vmem>> -> memref<64xi32, #tpu.memory_space<vmem>>
        %dma_wait3A_588 = arith.constant 0 : i32
        %dma_wait3A_589 = arith.constant 0 : i32
        %dma_wait3A_590 = tpu.memref_slice %arg7[%dma_wait3A_588, %dma_wait3A_589] : memref<10008x128xf32, #tpu.memory_space<vmem_shared>> -> memref<10008x128xf32, #tpu.memory_space<vmem_shared>>
        %dma_wait3A_591 = tpu.memref_slice %arg13[%dma_wait3A_580] : memref<4x!tpu.dma_semaphore, #tpu.memory_space<semaphore_mem>> -> memref<1x!tpu.dma_semaphore, #tpu.memory_space<semaphore_mem>>
        %dma_wait3A_592 = tpu.memref_squeeze %dma_wait3A_591 : memref<1x!tpu.dma_semaphore, #tpu.memory_space<semaphore_mem>> -> memref<!tpu.dma_semaphore, #tpu.memory_space<semaphore_mem>>
        tpu.wait_indirect_dma semaphore(%dma_wait3A_592 : memref<!tpu.dma_semaphore, #tpu.memory_space<semaphore_mem>>) src(%dma_wait3A_584 : memref<64x128xf32, #tpu.memory_space<vmem>>) dst(%dma_wait3A_590 : memref<10008x128xf32, #tpu.memory_space<vmem_shared>>)
        %add3A = arith.constant 4 : i32
        %add3A_593 = arith.addi %mul3A_458, %add3A : i32
        %add3A_594 = arith.constant 0 : i32
        %add3A_595 = arith.addi %add3A_593, %add3A_594 : i32
        %lt3A_596 = arith.constant 160 : i32
        %lt3A_597 = arith.cmpi slt, %add3A_595, %lt3A_596 : i32
        %convert_element_type3A_598 = arith.extui %lt3A_597 : i1 to i32
        %cond3A_599 = arith.constant 0 : i32
        %cond3A_600 = arith.cmpi ne, %convert_element_type3A_598, %cond3A_599 : i32
        scf.if %cond3A_600 {
          %add3A_673 = arith.constant 4 : i32
          %add3A_674 = arith.addi %mul3A_458, %add3A_673 : i32
          %add3A_675 = arith.constant 0 : i32
          %add3A_676 = arith.addi %add3A_674, %add3A_675 : i32
          %jit3A = arith.constant 2 : i32
          %div3A = arith.divsi %add3A_676, %jit3A : i32
          %sign3A = arith.constant 0 : i32
          %sign3A_677 = arith.cmpi sgt, %add3A_676, %sign3A : i32
          %sign3A_678 = arith.extui %sign3A_677 : i1 to i32
          %sign3A_679 = arith.constant 0 : i32
          %sign3A_680 = arith.cmpi slt, %add3A_676, %sign3A_679 : i32
          %sign3A_681 = arith.extui %sign3A_680 : i1 to i32
          %sign3A_682 = arith.subi %sign3A_678, %sign3A_681 : i32
          %sign3A_683 = arith.constant 0 : i32
          %sign3A_684 = arith.cmpi sgt, %jit3A, %sign3A_683 : i32
          %sign3A_685 = arith.extui %sign3A_684 : i1 to i32
          %sign3A_686 = arith.constant 0 : i32
          %sign3A_687 = arith.cmpi slt, %jit3A, %sign3A_686 : i32
          %sign3A_688 = arith.extui %sign3A_687 : i1 to i32
          %sign3A_689 = arith.subi %sign3A_685, %sign3A_688 : i32
          %ne3A = arith.cmpi ne, %sign3A_682, %sign3A_689 : i32
          %rem3A = arith.remsi %add3A_676, %jit3A : i32
          %ne3A_690 = arith.constant 0 : i32
          %ne3A_691 = arith.cmpi ne, %rem3A, %ne3A_690 : i32
          %and3A_692 = arith.andi %ne3A, %ne3A_691 : i1
          %sub3A = arith.constant 1 : i32
          %sub3A_693 = arith.subi %div3A, %sub3A : i32
          %select_n3A = arith.select %and3A_692, %sub3A_693, %div3A : i32
          %jit3A_694 = arith.constant 2 : i32
          %eq3A_695 = arith.constant 0 : i32
          %eq3A_696 = arith.cmpi eq, %jit3A_694, %eq3A_695 : i32
          %jit3A_697 = arith.constant 1 : i32
          %select_n3A_698 = arith.select %eq3A_696, %jit3A_697, %jit3A_694 : i32
          %rem3A_699 = arith.remsi %add3A_676, %select_n3A_698 : i32
          %ne3A_700 = arith.constant 0 : i32
          %ne3A_701 = arith.cmpi ne, %rem3A_699, %ne3A_700 : i32
          %lt3A_702 = arith.constant 0 : i32
          %lt3A_703 = arith.cmpi slt, %rem3A_699, %lt3A_702 : i32
          %lt3A_704 = arith.constant 0 : i32
          %lt3A_705 = arith.cmpi slt, %select_n3A_698, %lt3A_704 : i32
          %ne3A_706 = arith.xori %lt3A_703, %lt3A_705 : i1
          %and3A_707 = arith.andi %ne3A_706, %ne3A_701 : i1
          %add3A_708 = arith.addi %rem3A_699, %select_n3A_698 : i32
          %select_n3A_709 = arith.select %and3A_707, %add3A_708, %rem3A_699 : i32
          %mul3A_710 = arith.constant 64 : i32
          %mul3A_711 = arith.muli %select_n3A_709, %mul3A_710 : i32
          %add3A_712 = arith.constant 0 : i32
          %add3A_713 = arith.addi %mul3A_711, %add3A_712 : i32
          %get3A_714 = arith.index_cast %select_n3A : i32 to index
          %get3A_715 = arith.index_cast %add3A_713 : i32 to index
          %get3A_716 = tpu.vector_load %arg8[%get3A_714, %get3A_715] {strides = array<i32>} : memref<80x128xi32, #tpu.memory_space<vmem>>, vector<1x16xi32>,
          %get3A_717 = vector.shape_cast %get3A_716 : vector<1x16xi32> to vector<16xi32>
          %shift_right_logical3A_718 = arith.constant 14 : i32
          %shift_right_logical3A_719 = vector.broadcast %shift_right_logical3A_718 : i32 to vector<16xi32>
          %shift_right_logical3A_720 = arith.shrui %get3A_717, %shift_right_logical3A_719 : vector<16xi32>
          %swap3A_721 = arith.constant 0 : i32
          %swap3A_722 = arith.index_cast %swap3A_721 : i32 to index
          %swap3A_723 = arith.constant 0 : index
          %swap3A_724 = tpu.vector_load %arg10[%swap3A_722, %swap3A_723] {strides = array<i32>} : memref<4x64xi32, #tpu.memory_space<vmem>>, vector<1x16xi32>,
          %swap3A_725 = vector.shape_cast %swap3A_724 : vector<1x16xi32> to vector<16xi32>
          %swap3A_726 = vector.shape_cast %shift_right_logical3A_720 : vector<16xi32> to vector<1x16xi32>
          tpu.vector_store %arg10[%swap3A_722, %swap3A_723], %swap3A_726 {strides = array<i32>} : memref<4x64xi32, #tpu.memory_space<vmem>>, vector<1x16xi32>,
          %and3A_727 = arith.constant 16383 : i32
          %and3A_728 = vector.broadcast %and3A_727 : i32 to vector<16xi32>
          %and3A_729 = arith.andi %get3A_717, %and3A_728 : vector<16xi32>
          %swap3A_730 = arith.constant 0 : i32
          %swap3A_731 = arith.index_cast %swap3A_730 : i32 to index
          %swap3A_732 = arith.constant 0 : index
          %swap3A_733 = tpu.vector_load %arg11[%swap3A_731, %swap3A_732] {strides = array<i32>} : memref<4x64xi32, #tpu.memory_space<vmem>>, vector<1x16xi32>,
          %swap3A_734 = vector.shape_cast %swap3A_733 : vector<1x16xi32> to vector<16xi32>
          %swap3A_735 = vector.shape_cast %and3A_729 : vector<16xi32> to vector<1x16xi32>
          tpu.vector_store %arg11[%swap3A_731, %swap3A_732], %swap3A_735 {strides = array<i32>} : memref<4x64xi32, #tpu.memory_space<vmem>>, vector<1x16xi32>,
          %add3A_736 = arith.constant 16 : i32
          %add3A_737 = arith.addi %mul3A_711, %add3A_736 : i32
          %get3A_738 = arith.index_cast %select_n3A : i32 to index
          %get3A_739 = arith.index_cast %add3A_737 : i32 to index
          %get3A_740 = tpu.vector_load %arg8[%get3A_738, %get3A_739] {strides = array<i32>} : memref<80x128xi32, #tpu.memory_space<vmem>>, vector<1x16xi32>,
          %get3A_741 = vector.shape_cast %get3A_740 : vector<1x16xi32> to vector<16xi32>
          %shift_right_logical3A_742 = arith.constant 14 : i32
          %shift_right_logical3A_743 = vector.broadcast %shift_right_logical3A_742 : i32 to vector<16xi32>
          %shift_right_logical3A_744 = arith.shrui %get3A_741, %shift_right_logical3A_743 : vector<16xi32>
          %swap3A_745 = arith.constant 0 : i32
          %swap3A_746 = arith.index_cast %swap3A_745 : i32 to index
          %swap3A_747 = arith.constant 16 : index
          %swap3A_748 = tpu.vector_load %arg10[%swap3A_746, %swap3A_747] {strides = array<i32>} : memref<4x64xi32, #tpu.memory_space<vmem>>, vector<1x16xi32>,
          %swap3A_749 = vector.shape_cast %swap3A_748 : vector<1x16xi32> to vector<16xi32>
          %swap3A_750 = vector.shape_cast %shift_right_logical3A_744 : vector<16xi32> to vector<1x16xi32>
          tpu.vector_store %arg10[%swap3A_746, %swap3A_747], %swap3A_750 {strides = array<i32>} : memref<4x64xi32, #tpu.memory_space<vmem>>, vector<1x16xi32>,
          %and3A_751 = arith.constant 16383 : i32
          %and3A_752 = vector.broadcast %and3A_751 : i32 to vector<16xi32>
          %and3A_753 = arith.andi %get3A_741, %and3A_752 : vector<16xi32>
          %swap3A_754 = arith.constant 0 : i32
          %swap3A_755 = arith.index_cast %swap3A_754 : i32 to index
          %swap3A_756 = arith.constant 16 : index
          %swap3A_757 = tpu.vector_load %arg11[%swap3A_755, %swap3A_756] {strides = array<i32>} : memref<4x64xi32, #tpu.memory_space<vmem>>, vector<1x16xi32>,
          %swap3A_758 = vector.shape_cast %swap3A_757 : vector<1x16xi32> to vector<16xi32>
          %swap3A_759 = vector.shape_cast %and3A_753 : vector<16xi32> to vector<1x16xi32>
          tpu.vector_store %arg11[%swap3A_755, %swap3A_756], %swap3A_759 {strides = array<i32>} : memref<4x64xi32, #tpu.memory_space<vmem>>, vector<1x16xi32>,
          %add3A_760 = arith.constant 32 : i32
          %add3A_761 = arith.addi %mul3A_711, %add3A_760 : i32
          %get3A_762 = arith.index_cast %select_n3A : i32 to index
          %get3A_763 = arith.index_cast %add3A_761 : i32 to index
          %get3A_764 = tpu.vector_load %arg8[%get3A_762, %get3A_763] {strides = array<i32>} : memref<80x128xi32, #tpu.memory_space<vmem>>, vector<1x16xi32>,
          %get3A_765 = vector.shape_cast %get3A_764 : vector<1x16xi32> to vector<16xi32>
          %shift_right_logical3A_766 = arith.constant 14 : i32
          %shift_right_logical3A_767 = vector.broadcast %shift_right_logical3A_766 : i32 to vector<16xi32>
          %shift_right_logical3A_768 = arith.shrui %get3A_765, %shift_right_logical3A_767 : vector<16xi32>
          %swap3A_769 = arith.constant 0 : i32
          %swap3A_770 = arith.index_cast %swap3A_769 : i32 to index
          %swap3A_771 = arith.constant 32 : index
          %swap3A_772 = tpu.vector_load %arg10[%swap3A_770, %swap3A_771] {strides = array<i32>} : memref<4x64xi32, #tpu.memory_space<vmem>>, vector<1x16xi32>,
          %swap3A_773 = vector.shape_cast %swap3A_772 : vector<1x16xi32> to vector<16xi32>
          %swap3A_774 = vector.shape_cast %shift_right_logical3A_768 : vector<16xi32> to vector<1x16xi32>
          tpu.vector_store %arg10[%swap3A_770, %swap3A_771], %swap3A_774 {strides = array<i32>} : memref<4x64xi32, #tpu.memory_space<vmem>>, vector<1x16xi32>,
          %and3A_775 = arith.constant 16383 : i32
          %and3A_776 = vector.broadcast %and3A_775 : i32 to vector<16xi32>
          %and3A_777 = arith.andi %get3A_765, %and3A_776 : vector<16xi32>
          %swap3A_778 = arith.constant 0 : i32
          %swap3A_779 = arith.index_cast %swap3A_778 : i32 to index
          %swap3A_780 = arith.constant 32 : index
          %swap3A_781 = tpu.vector_load %arg11[%swap3A_779, %swap3A_780] {strides = array<i32>} : memref<4x64xi32, #tpu.memory_space<vmem>>, vector<1x16xi32>,
          %swap3A_782 = vector.shape_cast %swap3A_781 : vector<1x16xi32> to vector<16xi32>
          %swap3A_783 = vector.shape_cast %and3A_777 : vector<16xi32> to vector<1x16xi32>
          tpu.vector_store %arg11[%swap3A_779, %swap3A_780], %swap3A_783 {strides = array<i32>} : memref<4x64xi32, #tpu.memory_space<vmem>>, vector<1x16xi32>,
          %add3A_784 = arith.constant 48 : i32
          %add3A_785 = arith.addi %mul3A_711, %add3A_784 : i32
          %get3A_786 = arith.index_cast %select_n3A : i32 to index
          %get3A_787 = arith.index_cast %add3A_785 : i32 to index
          %get3A_788 = tpu.vector_load %arg8[%get3A_786, %get3A_787] {strides = array<i32>} : memref<80x128xi32, #tpu.memory_space<vmem>>, vector<1x16xi32>,
          %get3A_789 = vector.shape_cast %get3A_788 : vector<1x16xi32> to vector<16xi32>
          %shift_right_logical3A_790 = arith.constant 14 : i32
          %shift_right_logical3A_791 = vector.broadcast %shift_right_logical3A_790 : i32 to vector<16xi32>
          %shift_right_logical3A_792 = arith.shrui %get3A_789, %shift_right_logical3A_791 : vector<16xi32>
          %swap3A_793 = arith.constant 0 : i32
          %swap3A_794 = arith.index_cast %swap3A_793 : i32 to index
          %swap3A_795 = arith.constant 48 : index
          %swap3A_796 = tpu.vector_load %arg10[%swap3A_794, %swap3A_795] {strides = array<i32>} : memref<4x64xi32, #tpu.memory_space<vmem>>, vector<1x16xi32>,
          %swap3A_797 = vector.shape_cast %swap3A_796 : vector<1x16xi32> to vector<16xi32>
          %swap3A_798 = vector.shape_cast %shift_right_logical3A_792 : vector<16xi32> to vector<1x16xi32>
          tpu.vector_store %arg10[%swap3A_794, %swap3A_795], %swap3A_798 {strides = array<i32>} : memref<4x64xi32, #tpu.memory_space<vmem>>, vector<1x16xi32>,
          %and3A_799 = arith.constant 16383 : i32
          %and3A_800 = vector.broadcast %and3A_799 : i32 to vector<16xi32>
          %and3A_801 = arith.andi %get3A_789, %and3A_800 : vector<16xi32>
          %swap3A_802 = arith.constant 0 : i32
          %swap3A_803 = arith.index_cast %swap3A_802 : i32 to index
          %swap3A_804 = arith.constant 48 : index
          %swap3A_805 = tpu.vector_load %arg11[%swap3A_803, %swap3A_804] {strides = array<i32>} : memref<4x64xi32, #tpu.memory_space<vmem>>, vector<1x16xi32>,
          %swap3A_806 = vector.shape_cast %swap3A_805 : vector<1x16xi32> to vector<16xi32>
          %swap3A_807 = vector.shape_cast %and3A_801 : vector<16xi32> to vector<1x16xi32>
          tpu.vector_store %arg11[%swap3A_803, %swap3A_804], %swap3A_807 {strides = array<i32>} : memref<4x64xi32, #tpu.memory_space<vmem>>, vector<1x16xi32>,
          %dma_start3A_808 = arith.constant 0 : i32
          %dma_start3A_809 = arith.constant 0 : i32
          %dma_start3A_810 = arith.constant 0 : i32
          %dma_start3A_811 = arith.constant 0 : i32
          %dma_start3A_812 = arith.constant 0 : i32
          %dma_start3A_813 = tpu.memref_slice %arg9[%dma_start3A_809, %dma_start3A_811, %dma_start3A_812] : memref<4x64x128xf32, #tpu.memory_space<vmem>> -> memref<1x64x128xf32, #tpu.memory_space<vmem>>
          %dma_start3A_814 = tpu.memref_squeeze %dma_start3A_813 : memref<1x64x128xf32, #tpu.memory_space<vmem>> -> memref<64x128xf32, #tpu.memory_space<vmem>>
          %dma_start3A_815 = arith.constant 0 : i32
          %dma_start3A_816 = tpu.memref_slice %arg10[%dma_start3A_808, %dma_start3A_815] : memref<4x64xi32, #tpu.memory_space<vmem>> -> memref<1x64xi32, #tpu.memory_space<vmem>>
          %dma_start3A_817 = tpu.memref_squeeze %dma_start3A_816 : memref<1x64xi32, #tpu.memory_space<vmem>> -> memref<64xi32, #tpu.memory_space<vmem>>
          %dma_start3A_818 = arith.constant 0 : i32
          %dma_start3A_819 = arith.constant 0 : i32
          %dma_start3A_820 = tpu.memref_slice %arg2[%dma_start3A_818, %dma_start3A_819] : memref<10000x128xf32, #tpu.memory_space<hbm>> -> memref<10000x128xf32, #tpu.memory_space<hbm>>
          %dma_start3A_821 = tpu.memref_slice %arg12[%dma_start3A_810] : memref<4x!tpu.dma_semaphore, #tpu.memory_space<semaphore_mem>> -> memref<1x!tpu.dma_semaphore, #tpu.memory_space<semaphore_mem>>
          %dma_start3A_822 = tpu.memref_squeeze %dma_start3A_821 : memref<1x!tpu.dma_semaphore, #tpu.memory_space<semaphore_mem>> -> memref<!tpu.dma_semaphore, #tpu.memory_space<semaphore_mem>>
          tpu.enqueue_indirect_dma source(%dma_start3A_820 : memref<10000x128xf32, #tpu.memory_space<hbm>>) target(%dma_start3A_814 : memref<64x128xf32, #tpu.memory_space<vmem>>) offsets(%dma_start3A_817 : memref<64xi32, #tpu.memory_space<vmem>>) semaphore(%dma_start3A_822 : memref<!tpu.dma_semaphore, #tpu.memory_space<semaphore_mem>>)
        } else {
        }
        %dma_wait3A_601 = arith.constant 1 : i32
        %dma_wait3A_602 = arith.constant 1 : i32
        %dma_wait3A_603 = arith.constant 1 : i32
        %dma_wait3A_604 = arith.constant 0 : i32
        %dma_wait3A_605 = arith.constant 0 : i32
        %dma_wait3A_606 = tpu.memref_slice %arg9[%dma_wait3A_601, %dma_wait3A_604, %dma_wait3A_605] : memref<4x64x128xf32, #tpu.memory_space<vmem>> -> memref<1x64x128xf32, #tpu.memory_space<vmem>>
        %dma_wait3A_607 = tpu.memref_squeeze %dma_wait3A_606 : memref<1x64x128xf32, #tpu.memory_space<vmem>> -> memref<64x128xf32, #tpu.memory_space<vmem>>
        %dma_wait3A_608 = arith.constant 0 : i32
        %dma_wait3A_609 = tpu.memref_slice %arg11[%dma_wait3A_602, %dma_wait3A_608] : memref<4x64xi32, #tpu.memory_space<vmem>> -> memref<1x64xi32, #tpu.memory_space<vmem>>
        %dma_wait3A_610 = tpu.memref_squeeze %dma_wait3A_609 : memref<1x64xi32, #tpu.memory_space<vmem>> -> memref<64xi32, #tpu.memory_space<vmem>>
        %dma_wait3A_611 = arith.constant 0 : i32
        %dma_wait3A_612 = arith.constant 0 : i32
        %dma_wait3A_613 = tpu.memref_slice %arg7[%dma_wait3A_611, %dma_wait3A_612] : memref<10008x128xf32, #tpu.memory_space<vmem_shared>> -> memref<10008x128xf32, #tpu.memory_space<vmem_shared>>
        %dma_wait3A_614 = tpu.memref_slice %arg13[%dma_wait3A_603] : memref<4x!tpu.dma_semaphore, #tpu.memory_space<semaphore_mem>> -> memref<1x!tpu.dma_semaphore, #tpu.memory_space<semaphore_mem>>
        %dma_wait3A_615 = tpu.memref_squeeze %dma_wait3A_614 : memref<1x!tpu.dma_semaphore, #tpu.memory_space<semaphore_mem>> -> memref<!tpu.dma_semaphore, #tpu.memory_space<semaphore_mem>>
        tpu.wait_indirect_dma semaphore(%dma_wait3A_615 : memref<!tpu.dma_semaphore, #tpu.memory_space<semaphore_mem>>) src(%dma_wait3A_607 : memref<64x128xf32, #tpu.memory_space<vmem>>) dst(%dma_wait3A_613 : memref<10008x128xf32, #tpu.memory_space<vmem_shared>>)
        %add3A_616 = arith.constant 4 : i32
        %add3A_617 = arith.addi %mul3A_458, %add3A_616 : i32
        %add3A_618 = arith.constant 1 : i32
        %add3A_619 = arith.addi %add3A_617, %add3A_618 : i32
        %lt3A_620 = arith.constant 160 : i32
        %lt3A_621 = arith.cmpi slt, %add3A_619, %lt3A_620 : i32
        %convert_element_type3A_622 = arith.extui %lt3A_621 : i1 to i32
        %cond3A_623 = arith.constant 0 : i32
        %cond3A_624 = arith.cmpi ne, %convert_element_type3A_622, %cond3A_623 : i32
        scf.if %cond3A_624 {
          %add3A_673 = arith.constant 4 : i32
          %add3A_674 = arith.addi %mul3A_458, %add3A_673 : i32
          %add3A_675 = arith.constant 1 : i32
          %add3A_676 = arith.addi %add3A_674, %add3A_675 : i32
          %jit3A = arith.constant 2 : i32
          %div3A = arith.divsi %add3A_676, %jit3A : i32
          %sign3A = arith.constant 0 : i32
          %sign3A_677 = arith.cmpi sgt, %add3A_676, %sign3A : i32
          %sign3A_678 = arith.extui %sign3A_677 : i1 to i32
          %sign3A_679 = arith.constant 0 : i32
          %sign3A_680 = arith.cmpi slt, %add3A_676, %sign3A_679 : i32
          %sign3A_681 = arith.extui %sign3A_680 : i1 to i32
          %sign3A_682 = arith.subi %sign3A_678, %sign3A_681 : i32
          %sign3A_683 = arith.constant 0 : i32
          %sign3A_684 = arith.cmpi sgt, %jit3A, %sign3A_683 : i32
          %sign3A_685 = arith.extui %sign3A_684 : i1 to i32
          %sign3A_686 = arith.constant 0 : i32
          %sign3A_687 = arith.cmpi slt, %jit3A, %sign3A_686 : i32
          %sign3A_688 = arith.extui %sign3A_687 : i1 to i32
          %sign3A_689 = arith.subi %sign3A_685, %sign3A_688 : i32
          %ne3A = arith.cmpi ne, %sign3A_682, %sign3A_689 : i32
          %rem3A = arith.remsi %add3A_676, %jit3A : i32
          %ne3A_690 = arith.constant 0 : i32
          %ne3A_691 = arith.cmpi ne, %rem3A, %ne3A_690 : i32
          %and3A_692 = arith.andi %ne3A, %ne3A_691 : i1
          %sub3A = arith.constant 1 : i32
          %sub3A_693 = arith.subi %div3A, %sub3A : i32
          %select_n3A = arith.select %and3A_692, %sub3A_693, %div3A : i32
          %jit3A_694 = arith.constant 2 : i32
          %eq3A_695 = arith.constant 0 : i32
          %eq3A_696 = arith.cmpi eq, %jit3A_694, %eq3A_695 : i32
          %jit3A_697 = arith.constant 1 : i32
          %select_n3A_698 = arith.select %eq3A_696, %jit3A_697, %jit3A_694 : i32
          %rem3A_699 = arith.remsi %add3A_676, %select_n3A_698 : i32
          %ne3A_700 = arith.constant 0 : i32
          %ne3A_701 = arith.cmpi ne, %rem3A_699, %ne3A_700 : i32
          %lt3A_702 = arith.constant 0 : i32
          %lt3A_703 = arith.cmpi slt, %rem3A_699, %lt3A_702 : i32
          %lt3A_704 = arith.constant 0 : i32
          %lt3A_705 = arith.cmpi slt, %select_n3A_698, %lt3A_704 : i32
          %ne3A_706 = arith.xori %lt3A_703, %lt3A_705 : i1
          %and3A_707 = arith.andi %ne3A_706, %ne3A_701 : i1
          %add3A_708 = arith.addi %rem3A_699, %select_n3A_698 : i32
          %select_n3A_709 = arith.select %and3A_707, %add3A_708, %rem3A_699 : i32
          %mul3A_710 = arith.constant 64 : i32
          %mul3A_711 = arith.muli %select_n3A_709, %mul3A_710 : i32
          %add3A_712 = arith.constant 0 : i32
          %add3A_713 = arith.addi %mul3A_711, %add3A_712 : i32
          %get3A_714 = arith.index_cast %select_n3A : i32 to index
          %get3A_715 = arith.index_cast %add3A_713 : i32 to index
          %get3A_716 = tpu.vector_load %arg8[%get3A_714, %get3A_715] {strides = array<i32>} : memref<80x128xi32, #tpu.memory_space<vmem>>, vector<1x16xi32>,
          %get3A_717 = vector.shape_cast %get3A_716 : vector<1x16xi32> to vector<16xi32>
          %shift_right_logical3A_718 = arith.constant 14 : i32
          %shift_right_logical3A_719 = vector.broadcast %shift_right_logical3A_718 : i32 to vector<16xi32>
          %shift_right_logical3A_720 = arith.shrui %get3A_717, %shift_right_logical3A_719 : vector<16xi32>
          %swap3A_721 = arith.constant 1 : i32
          %swap3A_722 = arith.index_cast %swap3A_721 : i32 to index
          %swap3A_723 = arith.constant 0 : index
          %swap3A_724 = tpu.vector_load %arg10[%swap3A_722, %swap3A_723] {strides = array<i32>} : memref<4x64xi32, #tpu.memory_space<vmem>>, vector<1x16xi32>,
          %swap3A_725 = vector.shape_cast %swap3A_724 : vector<1x16xi32> to vector<16xi32>
          %swap3A_726 = vector.shape_cast %shift_right_logical3A_720 : vector<16xi32> to vector<1x16xi32>
          tpu.vector_store %arg10[%swap3A_722, %swap3A_723], %swap3A_726 {strides = array<i32>} : memref<4x64xi32, #tpu.memory_space<vmem>>, vector<1x16xi32>,
          %and3A_727 = arith.constant 16383 : i32
          %and3A_728 = vector.broadcast %and3A_727 : i32 to vector<16xi32>
          %and3A_729 = arith.andi %get3A_717, %and3A_728 : vector<16xi32>
          %swap3A_730 = arith.constant 1 : i32
          %swap3A_731 = arith.index_cast %swap3A_730 : i32 to index
          %swap3A_732 = arith.constant 0 : index
          %swap3A_733 = tpu.vector_load %arg11[%swap3A_731, %swap3A_732] {strides = array<i32>} : memref<4x64xi32, #tpu.memory_space<vmem>>, vector<1x16xi32>,
          %swap3A_734 = vector.shape_cast %swap3A_733 : vector<1x16xi32> to vector<16xi32>
          %swap3A_735 = vector.shape_cast %and3A_729 : vector<16xi32> to vector<1x16xi32>
          tpu.vector_store %arg11[%swap3A_731, %swap3A_732], %swap3A_735 {strides = array<i32>} : memref<4x64xi32, #tpu.memory_space<vmem>>, vector<1x16xi32>,
          %add3A_736 = arith.constant 16 : i32
          %add3A_737 = arith.addi %mul3A_711, %add3A_736 : i32
          %get3A_738 = arith.index_cast %select_n3A : i32 to index
          %get3A_739 = arith.index_cast %add3A_737 : i32 to index
          %get3A_740 = tpu.vector_load %arg8[%get3A_738, %get3A_739] {strides = array<i32>} : memref<80x128xi32, #tpu.memory_space<vmem>>, vector<1x16xi32>,
          %get3A_741 = vector.shape_cast %get3A_740 : vector<1x16xi32> to vector<16xi32>
          %shift_right_logical3A_742 = arith.constant 14 : i32
          %shift_right_logical3A_743 = vector.broadcast %shift_right_logical3A_742 : i32 to vector<16xi32>
          %shift_right_logical3A_744 = arith.shrui %get3A_741, %shift_right_logical3A_743 : vector<16xi32>
          %swap3A_745 = arith.constant 1 : i32
          %swap3A_746 = arith.index_cast %swap3A_745 : i32 to index
          %swap3A_747 = arith.constant 16 : index
          %swap3A_748 = tpu.vector_load %arg10[%swap3A_746, %swap3A_747] {strides = array<i32>} : memref<4x64xi32, #tpu.memory_space<vmem>>, vector<1x16xi32>,
          %swap3A_749 = vector.shape_cast %swap3A_748 : vector<1x16xi32> to vector<16xi32>
          %swap3A_750 = vector.shape_cast %shift_right_logical3A_744 : vector<16xi32> to vector<1x16xi32>
          tpu.vector_store %arg10[%swap3A_746, %swap3A_747], %swap3A_750 {strides = array<i32>} : memref<4x64xi32, #tpu.memory_space<vmem>>, vector<1x16xi32>,
          %and3A_751 = arith.constant 16383 : i32
          %and3A_752 = vector.broadcast %and3A_751 : i32 to vector<16xi32>
          %and3A_753 = arith.andi %get3A_741, %and3A_752 : vector<16xi32>
          %swap3A_754 = arith.constant 1 : i32
          %swap3A_755 = arith.index_cast %swap3A_754 : i32 to index
          %swap3A_756 = arith.constant 16 : index
          %swap3A_757 = tpu.vector_load %arg11[%swap3A_755, %swap3A_756] {strides = array<i32>} : memref<4x64xi32, #tpu.memory_space<vmem>>, vector<1x16xi32>,
          %swap3A_758 = vector.shape_cast %swap3A_757 : vector<1x16xi32> to vector<16xi32>
          %swap3A_759 = vector.shape_cast %and3A_753 : vector<16xi32> to vector<1x16xi32>
          tpu.vector_store %arg11[%swap3A_755, %swap3A_756], %swap3A_759 {strides = array<i32>} : memref<4x64xi32, #tpu.memory_space<vmem>>, vector<1x16xi32>,
          %add3A_760 = arith.constant 32 : i32
          %add3A_761 = arith.addi %mul3A_711, %add3A_760 : i32
          %get3A_762 = arith.index_cast %select_n3A : i32 to index
          %get3A_763 = arith.index_cast %add3A_761 : i32 to index
          %get3A_764 = tpu.vector_load %arg8[%get3A_762, %get3A_763] {strides = array<i32>} : memref<80x128xi32, #tpu.memory_space<vmem>>, vector<1x16xi32>,
          %get3A_765 = vector.shape_cast %get3A_764 : vector<1x16xi32> to vector<16xi32>
          %shift_right_logical3A_766 = arith.constant 14 : i32
          %shift_right_logical3A_767 = vector.broadcast %shift_right_logical3A_766 : i32 to vector<16xi32>
          %shift_right_logical3A_768 = arith.shrui %get3A_765, %shift_right_logical3A_767 : vector<16xi32>
          %swap3A_769 = arith.constant 1 : i32
          %swap3A_770 = arith.index_cast %swap3A_769 : i32 to index
          %swap3A_771 = arith.constant 32 : index
          %swap3A_772 = tpu.vector_load %arg10[%swap3A_770, %swap3A_771] {strides = array<i32>} : memref<4x64xi32, #tpu.memory_space<vmem>>, vector<1x16xi32>,
          %swap3A_773 = vector.shape_cast %swap3A_772 : vector<1x16xi32> to vector<16xi32>
          %swap3A_774 = vector.shape_cast %shift_right_logical3A_768 : vector<16xi32> to vector<1x16xi32>
          tpu.vector_store %arg10[%swap3A_770, %swap3A_771], %swap3A_774 {strides = array<i32>} : memref<4x64xi32, #tpu.memory_space<vmem>>, vector<1x16xi32>,
          %and3A_775 = arith.constant 16383 : i32
          %and3A_776 = vector.broadcast %and3A_775 : i32 to vector<16xi32>
          %and3A_777 = arith.andi %get3A_765, %and3A_776 : vector<16xi32>
          %swap3A_778 = arith.constant 1 : i32
          %swap3A_779 = arith.index_cast %swap3A_778 : i32 to index
          %swap3A_780 = arith.constant 32 : index
          %swap3A_781 = tpu.vector_load %arg11[%swap3A_779, %swap3A_780] {strides = array<i32>} : memref<4x64xi32, #tpu.memory_space<vmem>>, vector<1x16xi32>,
          %swap3A_782 = vector.shape_cast %swap3A_781 : vector<1x16xi32> to vector<16xi32>
          %swap3A_783 = vector.shape_cast %and3A_777 : vector<16xi32> to vector<1x16xi32>
          tpu.vector_store %arg11[%swap3A_779, %swap3A_780], %swap3A_783 {strides = array<i32>} : memref<4x64xi32, #tpu.memory_space<vmem>>, vector<1x16xi32>,
          %add3A_784 = arith.constant 48 : i32
          %add3A_785 = arith.addi %mul3A_711, %add3A_784 : i32
          %get3A_786 = arith.index_cast %select_n3A : i32 to index
          %get3A_787 = arith.index_cast %add3A_785 : i32 to index
          %get3A_788 = tpu.vector_load %arg8[%get3A_786, %get3A_787] {strides = array<i32>} : memref<80x128xi32, #tpu.memory_space<vmem>>, vector<1x16xi32>,
          %get3A_789 = vector.shape_cast %get3A_788 : vector<1x16xi32> to vector<16xi32>
          %shift_right_logical3A_790 = arith.constant 14 : i32
          %shift_right_logical3A_791 = vector.broadcast %shift_right_logical3A_790 : i32 to vector<16xi32>
          %shift_right_logical3A_792 = arith.shrui %get3A_789, %shift_right_logical3A_791 : vector<16xi32>
          %swap3A_793 = arith.constant 1 : i32
          %swap3A_794 = arith.index_cast %swap3A_793 : i32 to index
          %swap3A_795 = arith.constant 48 : index
          %swap3A_796 = tpu.vector_load %arg10[%swap3A_794, %swap3A_795] {strides = array<i32>} : memref<4x64xi32, #tpu.memory_space<vmem>>, vector<1x16xi32>,
          %swap3A_797 = vector.shape_cast %swap3A_796 : vector<1x16xi32> to vector<16xi32>
          %swap3A_798 = vector.shape_cast %shift_right_logical3A_792 : vector<16xi32> to vector<1x16xi32>
          tpu.vector_store %arg10[%swap3A_794, %swap3A_795], %swap3A_798 {strides = array<i32>} : memref<4x64xi32, #tpu.memory_space<vmem>>, vector<1x16xi32>,
          %and3A_799 = arith.constant 16383 : i32
          %and3A_800 = vector.broadcast %and3A_799 : i32 to vector<16xi32>
          %and3A_801 = arith.andi %get3A_789, %and3A_800 : vector<16xi32>
          %swap3A_802 = arith.constant 1 : i32
          %swap3A_803 = arith.index_cast %swap3A_802 : i32 to index
          %swap3A_804 = arith.constant 48 : index
          %swap3A_805 = tpu.vector_load %arg11[%swap3A_803, %swap3A_804] {strides = array<i32>} : memref<4x64xi32, #tpu.memory_space<vmem>>, vector<1x16xi32>,
          %swap3A_806 = vector.shape_cast %swap3A_805 : vector<1x16xi32> to vector<16xi32>
          %swap3A_807 = vector.shape_cast %and3A_801 : vector<16xi32> to vector<1x16xi32>
          tpu.vector_store %arg11[%swap3A_803, %swap3A_804], %swap3A_807 {strides = array<i32>} : memref<4x64xi32, #tpu.memory_space<vmem>>, vector<1x16xi32>,
          %dma_start3A_808 = arith.constant 1 : i32
          %dma_start3A_809 = arith.constant 1 : i32
          %dma_start3A_810 = arith.constant 1 : i32
          %dma_start3A_811 = arith.constant 0 : i32
          %dma_start3A_812 = arith.constant 0 : i32
          %dma_start3A_813 = tpu.memref_slice %arg9[%dma_start3A_809, %dma_start3A_811, %dma_start3A_812] : memref<4x64x128xf32, #tpu.memory_space<vmem>> -> memref<1x64x128xf32, #tpu.memory_space<vmem>>
          %dma_start3A_814 = tpu.memref_squeeze %dma_start3A_813 : memref<1x64x128xf32, #tpu.memory_space<vmem>> -> memref<64x128xf32, #tpu.memory_space<vmem>>
          %dma_start3A_815 = arith.constant 0 : i32
          %dma_start3A_816 = tpu.memref_slice %arg10[%dma_start3A_808, %dma_start3A_815] : memref<4x64xi32, #tpu.memory_space<vmem>> -> memref<1x64xi32, #tpu.memory_space<vmem>>
          %dma_start3A_817 = tpu.memref_squeeze %dma_start3A_816 : memref<1x64xi32, #tpu.memory_space<vmem>> -> memref<64xi32, #tpu.memory_space<vmem>>
          %dma_start3A_818 = arith.constant 0 : i32
          %dma_start3A_819 = arith.constant 0 : i32
          %dma_start3A_820 = tpu.memref_slice %arg2[%dma_start3A_818, %dma_start3A_819] : memref<10000x128xf32, #tpu.memory_space<hbm>> -> memref<10000x128xf32, #tpu.memory_space<hbm>>
          %dma_start3A_821 = tpu.memref_slice %arg12[%dma_start3A_810] : memref<4x!tpu.dma_semaphore, #tpu.memory_space<semaphore_mem>> -> memref<1x!tpu.dma_semaphore, #tpu.memory_space<semaphore_mem>>
          %dma_start3A_822 = tpu.memref_squeeze %dma_start3A_821 : memref<1x!tpu.dma_semaphore, #tpu.memory_space<semaphore_mem>> -> memref<!tpu.dma_semaphore, #tpu.memory_space<semaphore_mem>>
          tpu.enqueue_indirect_dma source(%dma_start3A_820 : memref<10000x128xf32, #tpu.memory_space<hbm>>) target(%dma_start3A_814 : memref<64x128xf32, #tpu.memory_space<vmem>>) offsets(%dma_start3A_817 : memref<64xi32, #tpu.memory_space<vmem>>) semaphore(%dma_start3A_822 : memref<!tpu.dma_semaphore, #tpu.memory_space<semaphore_mem>>)
        } else {
        }
        %dma_wait3A_625 = arith.constant 2 : i32
        %dma_wait3A_626 = arith.constant 2 : i32
        %dma_wait3A_627 = arith.constant 2 : i32
        %dma_wait3A_628 = arith.constant 0 : i32
        %dma_wait3A_629 = arith.constant 0 : i32
        %dma_wait3A_630 = tpu.memref_slice %arg9[%dma_wait3A_625, %dma_wait3A_628, %dma_wait3A_629] : memref<4x64x128xf32, #tpu.memory_space<vmem>> -> memref<1x64x128xf32, #tpu.memory_space<vmem>>
        %dma_wait3A_631 = tpu.memref_squeeze %dma_wait3A_630 : memref<1x64x128xf32, #tpu.memory_space<vmem>> -> memref<64x128xf32, #tpu.memory_space<vmem>>
        %dma_wait3A_632 = arith.constant 0 : i32
        %dma_wait3A_633 = tpu.memref_slice %arg11[%dma_wait3A_626, %dma_wait3A_632] : memref<4x64xi32, #tpu.memory_space<vmem>> -> memref<1x64xi32, #tpu.memory_space<vmem>>
        %dma_wait3A_634 = tpu.memref_squeeze %dma_wait3A_633 : memref<1x64xi32, #tpu.memory_space<vmem>> -> memref<64xi32, #tpu.memory_space<vmem>>
        %dma_wait3A_635 = arith.constant 0 : i32
        %dma_wait3A_636 = arith.constant 0 : i32
        %dma_wait3A_637 = tpu.memref_slice %arg7[%dma_wait3A_635, %dma_wait3A_636] : memref<10008x128xf32, #tpu.memory_space<vmem_shared>> -> memref<10008x128xf32, #tpu.memory_space<vmem_shared>>
        %dma_wait3A_638 = tpu.memref_slice %arg13[%dma_wait3A_627] : memref<4x!tpu.dma_semaphore, #tpu.memory_space<semaphore_mem>> -> memref<1x!tpu.dma_semaphore, #tpu.memory_space<semaphore_mem>>
        %dma_wait3A_639 = tpu.memref_squeeze %dma_wait3A_638 : memref<1x!tpu.dma_semaphore, #tpu.memory_space<semaphore_mem>> -> memref<!tpu.dma_semaphore, #tpu.memory_space<semaphore_mem>>
        tpu.wait_indirect_dma semaphore(%dma_wait3A_639 : memref<!tpu.dma_semaphore, #tpu.memory_space<semaphore_mem>>) src(%dma_wait3A_631 : memref<64x128xf32, #tpu.memory_space<vmem>>) dst(%dma_wait3A_637 : memref<10008x128xf32, #tpu.memory_space<vmem_shared>>)
        %add3A_640 = arith.constant 4 : i32
        %add3A_641 = arith.addi %mul3A_458, %add3A_640 : i32
        %add3A_642 = arith.constant 2 : i32
        %add3A_643 = arith.addi %add3A_641, %add3A_642 : i32
        %lt3A_644 = arith.constant 160 : i32
        %lt3A_645 = arith.cmpi slt, %add3A_643, %lt3A_644 : i32
        %convert_element_type3A_646 = arith.extui %lt3A_645 : i1 to i32
        %cond3A_647 = arith.constant 0 : i32
        %cond3A_648 = arith.cmpi ne, %convert_element_type3A_646, %cond3A_647 : i32
        scf.if %cond3A_648 {
          %add3A_673 = arith.constant 4 : i32
          %add3A_674 = arith.addi %mul3A_458, %add3A_673 : i32
          %add3A_675 = arith.constant 2 : i32
          %add3A_676 = arith.addi %add3A_674, %add3A_675 : i32
          %jit3A = arith.constant 2 : i32
          %div3A = arith.divsi %add3A_676, %jit3A : i32
          %sign3A = arith.constant 0 : i32
          %sign3A_677 = arith.cmpi sgt, %add3A_676, %sign3A : i32
          %sign3A_678 = arith.extui %sign3A_677 : i1 to i32
          %sign3A_679 = arith.constant 0 : i32
          %sign3A_680 = arith.cmpi slt, %add3A_676, %sign3A_679 : i32
          %sign3A_681 = arith.extui %sign3A_680 : i1 to i32
          %sign3A_682 = arith.subi %sign3A_678, %sign3A_681 : i32
          %sign3A_683 = arith.constant 0 : i32
          %sign3A_684 = arith.cmpi sgt, %jit3A, %sign3A_683 : i32
          %sign3A_685 = arith.extui %sign3A_684 : i1 to i32
          %sign3A_686 = arith.constant 0 : i32
          %sign3A_687 = arith.cmpi slt, %jit3A, %sign3A_686 : i32
          %sign3A_688 = arith.extui %sign3A_687 : i1 to i32
          %sign3A_689 = arith.subi %sign3A_685, %sign3A_688 : i32
          %ne3A = arith.cmpi ne, %sign3A_682, %sign3A_689 : i32
          %rem3A = arith.remsi %add3A_676, %jit3A : i32
          %ne3A_690 = arith.constant 0 : i32
          %ne3A_691 = arith.cmpi ne, %rem3A, %ne3A_690 : i32
          %and3A_692 = arith.andi %ne3A, %ne3A_691 : i1
          %sub3A = arith.constant 1 : i32
          %sub3A_693 = arith.subi %div3A, %sub3A : i32
          %select_n3A = arith.select %and3A_692, %sub3A_693, %div3A : i32
          %jit3A_694 = arith.constant 2 : i32
          %eq3A_695 = arith.constant 0 : i32
          %eq3A_696 = arith.cmpi eq, %jit3A_694, %eq3A_695 : i32
          %jit3A_697 = arith.constant 1 : i32
          %select_n3A_698 = arith.select %eq3A_696, %jit3A_697, %jit3A_694 : i32
          %rem3A_699 = arith.remsi %add3A_676, %select_n3A_698 : i32
          %ne3A_700 = arith.constant 0 : i32
          %ne3A_701 = arith.cmpi ne, %rem3A_699, %ne3A_700 : i32
          %lt3A_702 = arith.constant 0 : i32
          %lt3A_703 = arith.cmpi slt, %rem3A_699, %lt3A_702 : i32
          %lt3A_704 = arith.constant 0 : i32
          %lt3A_705 = arith.cmpi slt, %select_n3A_698, %lt3A_704 : i32
          %ne3A_706 = arith.xori %lt3A_703, %lt3A_705 : i1
          %and3A_707 = arith.andi %ne3A_706, %ne3A_701 : i1
          %add3A_708 = arith.addi %rem3A_699, %select_n3A_698 : i32
          %select_n3A_709 = arith.select %and3A_707, %add3A_708, %rem3A_699 : i32
          %mul3A_710 = arith.constant 64 : i32
          %mul3A_711 = arith.muli %select_n3A_709, %mul3A_710 : i32
          %add3A_712 = arith.constant 0 : i32
          %add3A_713 = arith.addi %mul3A_711, %add3A_712 : i32
          %get3A_714 = arith.index_cast %select_n3A : i32 to index
          %get3A_715 = arith.index_cast %add3A_713 : i32 to index
          %get3A_716 = tpu.vector_load %arg8[%get3A_714, %get3A_715] {strides = array<i32>} : memref<80x128xi32, #tpu.memory_space<vmem>>, vector<1x16xi32>,
          %get3A_717 = vector.shape_cast %get3A_716 : vector<1x16xi32> to vector<16xi32>
          %shift_right_logical3A_718 = arith.constant 14 : i32
          %shift_right_logical3A_719 = vector.broadcast %shift_right_logical3A_718 : i32 to vector<16xi32>
          %shift_right_logical3A_720 = arith.shrui %get3A_717, %shift_right_logical3A_719 : vector<16xi32>
          %swap3A_721 = arith.constant 2 : i32
          %swap3A_722 = arith.index_cast %swap3A_721 : i32 to index
          %swap3A_723 = arith.constant 0 : index
          %swap3A_724 = tpu.vector_load %arg10[%swap3A_722, %swap3A_723] {strides = array<i32>} : memref<4x64xi32, #tpu.memory_space<vmem>>, vector<1x16xi32>,
          %swap3A_725 = vector.shape_cast %swap3A_724 : vector<1x16xi32> to vector<16xi32>
          %swap3A_726 = vector.shape_cast %shift_right_logical3A_720 : vector<16xi32> to vector<1x16xi32>
          tpu.vector_store %arg10[%swap3A_722, %swap3A_723], %swap3A_726 {strides = array<i32>} : memref<4x64xi32, #tpu.memory_space<vmem>>, vector<1x16xi32>,
          %and3A_727 = arith.constant 16383 : i32
          %and3A_728 = vector.broadcast %and3A_727 : i32 to vector<16xi32>
          %and3A_729 = arith.andi %get3A_717, %and3A_728 : vector<16xi32>
          %swap3A_730 = arith.constant 2 : i32
          %swap3A_731 = arith.index_cast %swap3A_730 : i32 to index
          %swap3A_732 = arith.constant 0 : index
          %swap3A_733 = tpu.vector_load %arg11[%swap3A_731, %swap3A_732] {strides = array<i32>} : memref<4x64xi32, #tpu.memory_space<vmem>>, vector<1x16xi32>,
          %swap3A_734 = vector.shape_cast %swap3A_733 : vector<1x16xi32> to vector<16xi32>
          %swap3A_735 = vector.shape_cast %and3A_729 : vector<16xi32> to vector<1x16xi32>
          tpu.vector_store %arg11[%swap3A_731, %swap3A_732], %swap3A_735 {strides = array<i32>} : memref<4x64xi32, #tpu.memory_space<vmem>>, vector<1x16xi32>,
          %add3A_736 = arith.constant 16 : i32
          %add3A_737 = arith.addi %mul3A_711, %add3A_736 : i32
          %get3A_738 = arith.index_cast %select_n3A : i32 to index
          %get3A_739 = arith.index_cast %add3A_737 : i32 to index
          %get3A_740 = tpu.vector_load %arg8[%get3A_738, %get3A_739] {strides = array<i32>} : memref<80x128xi32, #tpu.memory_space<vmem>>, vector<1x16xi32>,
          %get3A_741 = vector.shape_cast %get3A_740 : vector<1x16xi32> to vector<16xi32>
          %shift_right_logical3A_742 = arith.constant 14 : i32
          %shift_right_logical3A_743 = vector.broadcast %shift_right_logical3A_742 : i32 to vector<16xi32>
          %shift_right_logical3A_744 = arith.shrui %get3A_741, %shift_right_logical3A_743 : vector<16xi32>
          %swap3A_745 = arith.constant 2 : i32
          %swap3A_746 = arith.index_cast %swap3A_745 : i32 to index
          %swap3A_747 = arith.constant 16 : index
          %swap3A_748 = tpu.vector_load %arg10[%swap3A_746, %swap3A_747] {strides = array<i32>} : memref<4x64xi32, #tpu.memory_space<vmem>>, vector<1x16xi32>,
          %swap3A_749 = vector.shape_cast %swap3A_748 : vector<1x16xi32> to vector<16xi32>
          %swap3A_750 = vector.shape_cast %shift_right_logical3A_744 : vector<16xi32> to vector<1x16xi32>
          tpu.vector_store %arg10[%swap3A_746, %swap3A_747], %swap3A_750 {strides = array<i32>} : memref<4x64xi32, #tpu.memory_space<vmem>>, vector<1x16xi32>,
          %and3A_751 = arith.constant 16383 : i32
          %and3A_752 = vector.broadcast %and3A_751 : i32 to vector<16xi32>
          %and3A_753 = arith.andi %get3A_741, %and3A_752 : vector<16xi32>
          %swap3A_754 = arith.constant 2 : i32
          %swap3A_755 = arith.index_cast %swap3A_754 : i32 to index
          %swap3A_756 = arith.constant 16 : index
          %swap3A_757 = tpu.vector_load %arg11[%swap3A_755, %swap3A_756] {strides = array<i32>} : memref<4x64xi32, #tpu.memory_space<vmem>>, vector<1x16xi32>,
          %swap3A_758 = vector.shape_cast %swap3A_757 : vector<1x16xi32> to vector<16xi32>
          %swap3A_759 = vector.shape_cast %and3A_753 : vector<16xi32> to vector<1x16xi32>
          tpu.vector_store %arg11[%swap3A_755, %swap3A_756], %swap3A_759 {strides = array<i32>} : memref<4x64xi32, #tpu.memory_space<vmem>>, vector<1x16xi32>,
          %add3A_760 = arith.constant 32 : i32
          %add3A_761 = arith.addi %mul3A_711, %add3A_760 : i32
          %get3A_762 = arith.index_cast %select_n3A : i32 to index
          %get3A_763 = arith.index_cast %add3A_761 : i32 to index
          %get3A_764 = tpu.vector_load %arg8[%get3A_762, %get3A_763] {strides = array<i32>} : memref<80x128xi32, #tpu.memory_space<vmem>>, vector<1x16xi32>,
          %get3A_765 = vector.shape_cast %get3A_764 : vector<1x16xi32> to vector<16xi32>
          %shift_right_logical3A_766 = arith.constant 14 : i32
          %shift_right_logical3A_767 = vector.broadcast %shift_right_logical3A_766 : i32 to vector<16xi32>
          %shift_right_logical3A_768 = arith.shrui %get3A_765, %shift_right_logical3A_767 : vector<16xi32>
          %swap3A_769 = arith.constant 2 : i32
          %swap3A_770 = arith.index_cast %swap3A_769 : i32 to index
          %swap3A_771 = arith.constant 32 : index
          %swap3A_772 = tpu.vector_load %arg10[%swap3A_770, %swap3A_771] {strides = array<i32>} : memref<4x64xi32, #tpu.memory_space<vmem>>, vector<1x16xi32>,
          %swap3A_773 = vector.shape_cast %swap3A_772 : vector<1x16xi32> to vector<16xi32>
          %swap3A_774 = vector.shape_cast %shift_right_logical3A_768 : vector<16xi32> to vector<1x16xi32>
          tpu.vector_store %arg10[%swap3A_770, %swap3A_771], %swap3A_774 {strides = array<i32>} : memref<4x64xi32, #tpu.memory_space<vmem>>, vector<1x16xi32>,
          %and3A_775 = arith.constant 16383 : i32
          %and3A_776 = vector.broadcast %and3A_775 : i32 to vector<16xi32>
          %and3A_777 = arith.andi %get3A_765, %and3A_776 : vector<16xi32>
          %swap3A_778 = arith.constant 2 : i32
          %swap3A_779 = arith.index_cast %swap3A_778 : i32 to index
          %swap3A_780 = arith.constant 32 : index
          %swap3A_781 = tpu.vector_load %arg11[%swap3A_779, %swap3A_780] {strides = array<i32>} : memref<4x64xi32, #tpu.memory_space<vmem>>, vector<1x16xi32>,
          %swap3A_782 = vector.shape_cast %swap3A_781 : vector<1x16xi32> to vector<16xi32>
          %swap3A_783 = vector.shape_cast %and3A_777 : vector<16xi32> to vector<1x16xi32>
          tpu.vector_store %arg11[%swap3A_779, %swap3A_780], %swap3A_783 {strides = array<i32>} : memref<4x64xi32, #tpu.memory_space<vmem>>, vector<1x16xi32>,
          %add3A_784 = arith.constant 48 : i32
          %add3A_785 = arith.addi %mul3A_711, %add3A_784 : i32
          %get3A_786 = arith.index_cast %select_n3A : i32 to index
          %get3A_787 = arith.index_cast %add3A_785 : i32 to index
          %get3A_788 = tpu.vector_load %arg8[%get3A_786, %get3A_787] {strides = array<i32>} : memref<80x128xi32, #tpu.memory_space<vmem>>, vector<1x16xi32>,
          %get3A_789 = vector.shape_cast %get3A_788 : vector<1x16xi32> to vector<16xi32>
          %shift_right_logical3A_790 = arith.constant 14 : i32
          %shift_right_logical3A_791 = vector.broadcast %shift_right_logical3A_790 : i32 to vector<16xi32>
          %shift_right_logical3A_792 = arith.shrui %get3A_789, %shift_right_logical3A_791 : vector<16xi32>
          %swap3A_793 = arith.constant 2 : i32
          %swap3A_794 = arith.index_cast %swap3A_793 : i32 to index
          %swap3A_795 = arith.constant 48 : index
          %swap3A_796 = tpu.vector_load %arg10[%swap3A_794, %swap3A_795] {strides = array<i32>} : memref<4x64xi32, #tpu.memory_space<vmem>>, vector<1x16xi32>,
          %swap3A_797 = vector.shape_cast %swap3A_796 : vector<1x16xi32> to vector<16xi32>
          %swap3A_798 = vector.shape_cast %shift_right_logical3A_792 : vector<16xi32> to vector<1x16xi32>
          tpu.vector_store %arg10[%swap3A_794, %swap3A_795], %swap3A_798 {strides = array<i32>} : memref<4x64xi32, #tpu.memory_space<vmem>>, vector<1x16xi32>,
          %and3A_799 = arith.constant 16383 : i32
          %and3A_800 = vector.broadcast %and3A_799 : i32 to vector<16xi32>
          %and3A_801 = arith.andi %get3A_789, %and3A_800 : vector<16xi32>
          %swap3A_802 = arith.constant 2 : i32
          %swap3A_803 = arith.index_cast %swap3A_802 : i32 to index
          %swap3A_804 = arith.constant 48 : index
          %swap3A_805 = tpu.vector_load %arg11[%swap3A_803, %swap3A_804] {strides = array<i32>} : memref<4x64xi32, #tpu.memory_space<vmem>>, vector<1x16xi32>,
          %swap3A_806 = vector.shape_cast %swap3A_805 : vector<1x16xi32> to vector<16xi32>
          %swap3A_807 = vector.shape_cast %and3A_801 : vector<16xi32> to vector<1x16xi32>
          tpu.vector_store %arg11[%swap3A_803, %swap3A_804], %swap3A_807 {strides = array<i32>} : memref<4x64xi32, #tpu.memory_space<vmem>>, vector<1x16xi32>,
          %dma_start3A_808 = arith.constant 2 : i32
          %dma_start3A_809 = arith.constant 2 : i32
          %dma_start3A_810 = arith.constant 2 : i32
          %dma_start3A_811 = arith.constant 0 : i32
          %dma_start3A_812 = arith.constant 0 : i32
          %dma_start3A_813 = tpu.memref_slice %arg9[%dma_start3A_809, %dma_start3A_811, %dma_start3A_812] : memref<4x64x128xf32, #tpu.memory_space<vmem>> -> memref<1x64x128xf32, #tpu.memory_space<vmem>>
          %dma_start3A_814 = tpu.memref_squeeze %dma_start3A_813 : memref<1x64x128xf32, #tpu.memory_space<vmem>> -> memref<64x128xf32, #tpu.memory_space<vmem>>
          %dma_start3A_815 = arith.constant 0 : i32
          %dma_start3A_816 = tpu.memref_slice %arg10[%dma_start3A_808, %dma_start3A_815] : memref<4x64xi32, #tpu.memory_space<vmem>> -> memref<1x64xi32, #tpu.memory_space<vmem>>
          %dma_start3A_817 = tpu.memref_squeeze %dma_start3A_816 : memref<1x64xi32, #tpu.memory_space<vmem>> -> memref<64xi32, #tpu.memory_space<vmem>>
          %dma_start3A_818 = arith.constant 0 : i32
          %dma_start3A_819 = arith.constant 0 : i32
          %dma_start3A_820 = tpu.memref_slice %arg2[%dma_start3A_818, %dma_start3A_819] : memref<10000x128xf32, #tpu.memory_space<hbm>> -> memref<10000x128xf32, #tpu.memory_space<hbm>>
          %dma_start3A_821 = tpu.memref_slice %arg12[%dma_start3A_810] : memref<4x!tpu.dma_semaphore, #tpu.memory_space<semaphore_mem>> -> memref<1x!tpu.dma_semaphore, #tpu.memory_space<semaphore_mem>>
          %dma_start3A_822 = tpu.memref_squeeze %dma_start3A_821 : memref<1x!tpu.dma_semaphore, #tpu.memory_space<semaphore_mem>> -> memref<!tpu.dma_semaphore, #tpu.memory_space<semaphore_mem>>
          tpu.enqueue_indirect_dma source(%dma_start3A_820 : memref<10000x128xf32, #tpu.memory_space<hbm>>) target(%dma_start3A_814 : memref<64x128xf32, #tpu.memory_space<vmem>>) offsets(%dma_start3A_817 : memref<64xi32, #tpu.memory_space<vmem>>) semaphore(%dma_start3A_822 : memref<!tpu.dma_semaphore, #tpu.memory_space<semaphore_mem>>)
        } else {
        }
        %dma_wait3A_649 = arith.constant 3 : i32
        %dma_wait3A_650 = arith.constant 3 : i32
        %dma_wait3A_651 = arith.constant 3 : i32
        %dma_wait3A_652 = arith.constant 0 : i32
        %dma_wait3A_653 = arith.constant 0 : i32
        %dma_wait3A_654 = tpu.memref_slice %arg9[%dma_wait3A_649, %dma_wait3A_652, %dma_wait3A_653] : memref<4x64x128xf32, #tpu.memory_space<vmem>> -> memref<1x64x128xf32, #tpu.memory_space<vmem>>
        %dma_wait3A_655 = tpu.memref_squeeze %dma_wait3A_654 : memref<1x64x128xf32, #tpu.memory_space<vmem>> -> memref<64x128xf32, #tpu.memory_space<vmem>>
        %dma_wait3A_656 = arith.constant 0 : i32
        %dma_wait3A_657 = tpu.memref_slice %arg11[%dma_wait3A_650, %dma_wait3A_656] : memref<4x64xi32, #tpu.memory_space<vmem>> -> memref<1x64xi32, #tpu.memory_space<vmem>>
        %dma_wait3A_658 = tpu.memref_squeeze %dma_wait3A_657 : memref<1x64xi32, #tpu.memory_space<vmem>> -> memref<64xi32, #tpu.memory_space<vmem>>
        %dma_wait3A_659 = arith.constant 0 : i32
        %dma_wait3A_660 = arith.constant 0 : i32
        %dma_wait3A_661 = tpu.memref_slice %arg7[%dma_wait3A_659, %dma_wait3A_660] : memref<10008x128xf32, #tpu.memory_space<vmem_shared>> -> memref<10008x128xf32, #tpu.memory_space<vmem_shared>>
        %dma_wait3A_662 = tpu.memref_slice %arg13[%dma_wait3A_651] : memref<4x!tpu.dma_semaphore, #tpu.memory_space<semaphore_mem>> -> memref<1x!tpu.dma_semaphore, #tpu.memory_space<semaphore_mem>>
        %dma_wait3A_663 = tpu.memref_squeeze %dma_wait3A_662 : memref<1x!tpu.dma_semaphore, #tpu.memory_space<semaphore_mem>> -> memref<!tpu.dma_semaphore, #tpu.memory_space<semaphore_mem>>
        tpu.wait_indirect_dma semaphore(%dma_wait3A_663 : memref<!tpu.dma_semaphore, #tpu.memory_space<semaphore_mem>>) src(%dma_wait3A_655 : memref<64x128xf32, #tpu.memory_space<vmem>>) dst(%dma_wait3A_661 : memref<10008x128xf32, #tpu.memory_space<vmem_shared>>)
        %add3A_664 = arith.constant 4 : i32
        %add3A_665 = arith.addi %mul3A_458, %add3A_664 : i32
        %add3A_666 = arith.constant 3 : i32
        %add3A_667 = arith.addi %add3A_665, %add3A_666 : i32
        %lt3A_668 = arith.constant 160 : i32
        %lt3A_669 = arith.cmpi slt, %add3A_667, %lt3A_668 : i32
        %convert_element_type3A_670 = arith.extui %lt3A_669 : i1 to i32
        %cond3A_671 = arith.constant 0 : i32
        %cond3A_672 = arith.cmpi ne, %convert_element_type3A_670, %cond3A_671 : i32
        scf.if %cond3A_672 {
          %add3A_673 = arith.constant 4 : i32
          %add3A_674 = arith.addi %mul3A_458, %add3A_673 : i32
          %add3A_675 = arith.constant 3 : i32
          %add3A_676 = arith.addi %add3A_674, %add3A_675 : i32
          %jit3A = arith.constant 2 : i32
          %div3A = arith.divsi %add3A_676, %jit3A : i32
          %sign3A = arith.constant 0 : i32
          %sign3A_677 = arith.cmpi sgt, %add3A_676, %sign3A : i32
          %sign3A_678 = arith.extui %sign3A_677 : i1 to i32
          %sign3A_679 = arith.constant 0 : i32
          %sign3A_680 = arith.cmpi slt, %add3A_676, %sign3A_679 : i32
          %sign3A_681 = arith.extui %sign3A_680 : i1 to i32
          %sign3A_682 = arith.subi %sign3A_678, %sign3A_681 : i32
          %sign3A_683 = arith.constant 0 : i32
          %sign3A_684 = arith.cmpi sgt, %jit3A, %sign3A_683 : i32
          %sign3A_685 = arith.extui %sign3A_684 : i1 to i32
          %sign3A_686 = arith.constant 0 : i32
          %sign3A_687 = arith.cmpi slt, %jit3A, %sign3A_686 : i32
          %sign3A_688 = arith.extui %sign3A_687 : i1 to i32
          %sign3A_689 = arith.subi %sign3A_685, %sign3A_688 : i32
          %ne3A = arith.cmpi ne, %sign3A_682, %sign3A_689 : i32
          %rem3A = arith.remsi %add3A_676, %jit3A : i32
          %ne3A_690 = arith.constant 0 : i32
          %ne3A_691 = arith.cmpi ne, %rem3A, %ne3A_690 : i32
          %and3A_692 = arith.andi %ne3A, %ne3A_691 : i1
          %sub3A = arith.constant 1 : i32
          %sub3A_693 = arith.subi %div3A, %sub3A : i32
          %select_n3A = arith.select %and3A_692, %sub3A_693, %div3A : i32
          %jit3A_694 = arith.constant 2 : i32
          %eq3A_695 = arith.constant 0 : i32
          %eq3A_696 = arith.cmpi eq, %jit3A_694, %eq3A_695 : i32
          %jit3A_697 = arith.constant 1 : i32
          %select_n3A_698 = arith.select %eq3A_696, %jit3A_697, %jit3A_694 : i32
          %rem3A_699 = arith.remsi %add3A_676, %select_n3A_698 : i32
          %ne3A_700 = arith.constant 0 : i32
          %ne3A_701 = arith.cmpi ne, %rem3A_699, %ne3A_700 : i32
          %lt3A_702 = arith.constant 0 : i32
          %lt3A_703 = arith.cmpi slt, %rem3A_699, %lt3A_702 : i32
          %lt3A_704 = arith.constant 0 : i32
          %lt3A_705 = arith.cmpi slt, %select_n3A_698, %lt3A_704 : i32
          %ne3A_706 = arith.xori %lt3A_703, %lt3A_705 : i1
          %and3A_707 = arith.andi %ne3A_706, %ne3A_701 : i1
          %add3A_708 = arith.addi %rem3A_699, %select_n3A_698 : i32
          %select_n3A_709 = arith.select %and3A_707, %add3A_708, %rem3A_699 : i32
          %mul3A_710 = arith.constant 64 : i32
          %mul3A_711 = arith.muli %select_n3A_709, %mul3A_710 : i32
          %add3A_712 = arith.constant 0 : i32
          %add3A_713 = arith.addi %mul3A_711, %add3A_712 : i32
          %get3A_714 = arith.index_cast %select_n3A : i32 to index
          %get3A_715 = arith.index_cast %add3A_713 : i32 to index
          %get3A_716 = tpu.vector_load %arg8[%get3A_714, %get3A_715] {strides = array<i32>} : memref<80x128xi32, #tpu.memory_space<vmem>>, vector<1x16xi32>,
          %get3A_717 = vector.shape_cast %get3A_716 : vector<1x16xi32> to vector<16xi32>
          %shift_right_logical3A_718 = arith.constant 14 : i32
          %shift_right_logical3A_719 = vector.broadcast %shift_right_logical3A_718 : i32 to vector<16xi32>
          %shift_right_logical3A_720 = arith.shrui %get3A_717, %shift_right_logical3A_719 : vector<16xi32>
          %swap3A_721 = arith.constant 3 : i32
          %swap3A_722 = arith.index_cast %swap3A_721 : i32 to index
          %swap3A_723 = arith.constant 0 : index
          %swap3A_724 = tpu.vector_load %arg10[%swap3A_722, %swap3A_723] {strides = array<i32>} : memref<4x64xi32, #tpu.memory_space<vmem>>, vector<1x16xi32>,
          %swap3A_725 = vector.shape_cast %swap3A_724 : vector<1x16xi32> to vector<16xi32>
          %swap3A_726 = vector.shape_cast %shift_right_logical3A_720 : vector<16xi32> to vector<1x16xi32>
          tpu.vector_store %arg10[%swap3A_722, %swap3A_723], %swap3A_726 {strides = array<i32>} : memref<4x64xi32, #tpu.memory_space<vmem>>, vector<1x16xi32>,
          %and3A_727 = arith.constant 16383 : i32
          %and3A_728 = vector.broadcast %and3A_727 : i32 to vector<16xi32>
          %and3A_729 = arith.andi %get3A_717, %and3A_728 : vector<16xi32>
          %swap3A_730 = arith.constant 3 : i32
          %swap3A_731 = arith.index_cast %swap3A_730 : i32 to index
          %swap3A_732 = arith.constant 0 : index
          %swap3A_733 = tpu.vector_load %arg11[%swap3A_731, %swap3A_732] {strides = array<i32>} : memref<4x64xi32, #tpu.memory_space<vmem>>, vector<1x16xi32>,
          %swap3A_734 = vector.shape_cast %swap3A_733 : vector<1x16xi32> to vector<16xi32>
          %swap3A_735 = vector.shape_cast %and3A_729 : vector<16xi32> to vector<1x16xi32>
          tpu.vector_store %arg11[%swap3A_731, %swap3A_732], %swap3A_735 {strides = array<i32>} : memref<4x64xi32, #tpu.memory_space<vmem>>, vector<1x16xi32>,
          %add3A_736 = arith.constant 16 : i32
          %add3A_737 = arith.addi %mul3A_711, %add3A_736 : i32
          %get3A_738 = arith.index_cast %select_n3A : i32 to index
          %get3A_739 = arith.index_cast %add3A_737 : i32 to index
          %get3A_740 = tpu.vector_load %arg8[%get3A_738, %get3A_739] {strides = array<i32>} : memref<80x128xi32, #tpu.memory_space<vmem>>, vector<1x16xi32>,
          %get3A_741 = vector.shape_cast %get3A_740 : vector<1x16xi32> to vector<16xi32>
          %shift_right_logical3A_742 = arith.constant 14 : i32
          %shift_right_logical3A_743 = vector.broadcast %shift_right_logical3A_742 : i32 to vector<16xi32>
          %shift_right_logical3A_744 = arith.shrui %get3A_741, %shift_right_logical3A_743 : vector<16xi32>
          %swap3A_745 = arith.constant 3 : i32
          %swap3A_746 = arith.index_cast %swap3A_745 : i32 to index
          %swap3A_747 = arith.constant 16 : index
          %swap3A_748 = tpu.vector_load %arg10[%swap3A_746, %swap3A_747] {strides = array<i32>} : memref<4x64xi32, #tpu.memory_space<vmem>>, vector<1x16xi32>,
          %swap3A_749 = vector.shape_cast %swap3A_748 : vector<1x16xi32> to vector<16xi32>
          %swap3A_750 = vector.shape_cast %shift_right_logical3A_744 : vector<16xi32> to vector<1x16xi32>
          tpu.vector_store %arg10[%swap3A_746, %swap3A_747], %swap3A_750 {strides = array<i32>} : memref<4x64xi32, #tpu.memory_space<vmem>>, vector<1x16xi32>,
          %and3A_751 = arith.constant 16383 : i32
          %and3A_752 = vector.broadcast %and3A_751 : i32 to vector<16xi32>
          %and3A_753 = arith.andi %get3A_741, %and3A_752 : vector<16xi32>
          %swap3A_754 = arith.constant 3 : i32
          %swap3A_755 = arith.index_cast %swap3A_754 : i32 to index
          %swap3A_756 = arith.constant 16 : index
          %swap3A_757 = tpu.vector_load %arg11[%swap3A_755, %swap3A_756] {strides = array<i32>} : memref<4x64xi32, #tpu.memory_space<vmem>>, vector<1x16xi32>,
          %swap3A_758 = vector.shape_cast %swap3A_757 : vector<1x16xi32> to vector<16xi32>
          %swap3A_759 = vector.shape_cast %and3A_753 : vector<16xi32> to vector<1x16xi32>
          tpu.vector_store %arg11[%swap3A_755, %swap3A_756], %swap3A_759 {strides = array<i32>} : memref<4x64xi32, #tpu.memory_space<vmem>>, vector<1x16xi32>,
          %add3A_760 = arith.constant 32 : i32
          %add3A_761 = arith.addi %mul3A_711, %add3A_760 : i32
          %get3A_762 = arith.index_cast %select_n3A : i32 to index
          %get3A_763 = arith.index_cast %add3A_761 : i32 to index
          %get3A_764 = tpu.vector_load %arg8[%get3A_762, %get3A_763] {strides = array<i32>} : memref<80x128xi32, #tpu.memory_space<vmem>>, vector<1x16xi32>,
          %get3A_765 = vector.shape_cast %get3A_764 : vector<1x16xi32> to vector<16xi32>
          %shift_right_logical3A_766 = arith.constant 14 : i32
          %shift_right_logical3A_767 = vector.broadcast %shift_right_logical3A_766 : i32 to vector<16xi32>
          %shift_right_logical3A_768 = arith.shrui %get3A_765, %shift_right_logical3A_767 : vector<16xi32>
          %swap3A_769 = arith.constant 3 : i32
          %swap3A_770 = arith.index_cast %swap3A_769 : i32 to index
          %swap3A_771 = arith.constant 32 : index
          %swap3A_772 = tpu.vector_load %arg10[%swap3A_770, %swap3A_771] {strides = array<i32>} : memref<4x64xi32, #tpu.memory_space<vmem>>, vector<1x16xi32>,
          %swap3A_773 = vector.shape_cast %swap3A_772 : vector<1x16xi32> to vector<16xi32>
          %swap3A_774 = vector.shape_cast %shift_right_logical3A_768 : vector<16xi32> to vector<1x16xi32>
          tpu.vector_store %arg10[%swap3A_770, %swap3A_771], %swap3A_774 {strides = array<i32>} : memref<4x64xi32, #tpu.memory_space<vmem>>, vector<1x16xi32>,
          %and3A_775 = arith.constant 16383 : i32
          %and3A_776 = vector.broadcast %and3A_775 : i32 to vector<16xi32>
          %and3A_777 = arith.andi %get3A_765, %and3A_776 : vector<16xi32>
          %swap3A_778 = arith.constant 3 : i32
          %swap3A_779 = arith.index_cast %swap3A_778 : i32 to index
          %swap3A_780 = arith.constant 32 : index
          %swap3A_781 = tpu.vector_load %arg11[%swap3A_779, %swap3A_780] {strides = array<i32>} : memref<4x64xi32, #tpu.memory_space<vmem>>, vector<1x16xi32>,
          %swap3A_782 = vector.shape_cast %swap3A_781 : vector<1x16xi32> to vector<16xi32>
          %swap3A_783 = vector.shape_cast %and3A_777 : vector<16xi32> to vector<1x16xi32>
          tpu.vector_store %arg11[%swap3A_779, %swap3A_780], %swap3A_783 {strides = array<i32>} : memref<4x64xi32, #tpu.memory_space<vmem>>, vector<1x16xi32>,
          %add3A_784 = arith.constant 48 : i32
          %add3A_785 = arith.addi %mul3A_711, %add3A_784 : i32
          %get3A_786 = arith.index_cast %select_n3A : i32 to index
          %get3A_787 = arith.index_cast %add3A_785 : i32 to index
          %get3A_788 = tpu.vector_load %arg8[%get3A_786, %get3A_787] {strides = array<i32>} : memref<80x128xi32, #tpu.memory_space<vmem>>, vector<1x16xi32>,
          %get3A_789 = vector.shape_cast %get3A_788 : vector<1x16xi32> to vector<16xi32>
          %shift_right_logical3A_790 = arith.constant 14 : i32
          %shift_right_logical3A_791 = vector.broadcast %shift_right_logical3A_790 : i32 to vector<16xi32>
          %shift_right_logical3A_792 = arith.shrui %get3A_789, %shift_right_logical3A_791 : vector<16xi32>
          %swap3A_793 = arith.constant 3 : i32
          %swap3A_794 = arith.index_cast %swap3A_793 : i32 to index
          %swap3A_795 = arith.constant 48 : index
          %swap3A_796 = tpu.vector_load %arg10[%swap3A_794, %swap3A_795] {strides = array<i32>} : memref<4x64xi32, #tpu.memory_space<vmem>>, vector<1x16xi32>,
          %swap3A_797 = vector.shape_cast %swap3A_796 : vector<1x16xi32> to vector<16xi32>
          %swap3A_798 = vector.shape_cast %shift_right_logical3A_792 : vector<16xi32> to vector<1x16xi32>
          tpu.vector_store %arg10[%swap3A_794, %swap3A_795], %swap3A_798 {strides = array<i32>} : memref<4x64xi32, #tpu.memory_space<vmem>>, vector<1x16xi32>,
          %and3A_799 = arith.constant 16383 : i32
          %and3A_800 = vector.broadcast %and3A_799 : i32 to vector<16xi32>
          %and3A_801 = arith.andi %get3A_789, %and3A_800 : vector<16xi32>
          %swap3A_802 = arith.constant 3 : i32
          %swap3A_803 = arith.index_cast %swap3A_802 : i32 to index
          %swap3A_804 = arith.constant 48 : index
          %swap3A_805 = tpu.vector_load %arg11[%swap3A_803, %swap3A_804] {strides = array<i32>} : memref<4x64xi32, #tpu.memory_space<vmem>>, vector<1x16xi32>,
          %swap3A_806 = vector.shape_cast %swap3A_805 : vector<1x16xi32> to vector<16xi32>
          %swap3A_807 = vector.shape_cast %and3A_801 : vector<16xi32> to vector<1x16xi32>
          tpu.vector_store %arg11[%swap3A_803, %swap3A_804], %swap3A_807 {strides = array<i32>} : memref<4x64xi32, #tpu.memory_space<vmem>>, vector<1x16xi32>,
          %dma_start3A_808 = arith.constant 3 : i32
          %dma_start3A_809 = arith.constant 3 : i32
          %dma_start3A_810 = arith.constant 3 : i32
          %dma_start3A_811 = arith.constant 0 : i32
          %dma_start3A_812 = arith.constant 0 : i32
          %dma_start3A_813 = tpu.memref_slice %arg9[%dma_start3A_809, %dma_start3A_811, %dma_start3A_812] : memref<4x64x128xf32, #tpu.memory_space<vmem>> -> memref<1x64x128xf32, #tpu.memory_space<vmem>>
          %dma_start3A_814 = tpu.memref_squeeze %dma_start3A_813 : memref<1x64x128xf32, #tpu.memory_space<vmem>> -> memref<64x128xf32, #tpu.memory_space<vmem>>
          %dma_start3A_815 = arith.constant 0 : i32
          %dma_start3A_816 = tpu.memref_slice %arg10[%dma_start3A_808, %dma_start3A_815] : memref<4x64xi32, #tpu.memory_space<vmem>> -> memref<1x64xi32, #tpu.memory_space<vmem>>
          %dma_start3A_817 = tpu.memref_squeeze %dma_start3A_816 : memref<1x64xi32, #tpu.memory_space<vmem>> -> memref<64xi32, #tpu.memory_space<vmem>>
          %dma_start3A_818 = arith.constant 0 : i32
          %dma_start3A_819 = arith.constant 0 : i32
          %dma_start3A_820 = tpu.memref_slice %arg2[%dma_start3A_818, %dma_start3A_819] : memref<10000x128xf32, #tpu.memory_space<hbm>> -> memref<10000x128xf32, #tpu.memory_space<hbm>>
          %dma_start3A_821 = tpu.memref_slice %arg12[%dma_start3A_810] : memref<4x!tpu.dma_semaphore, #tpu.memory_space<semaphore_mem>> -> memref<1x!tpu.dma_semaphore, #tpu.memory_space<semaphore_mem>>
          %dma_start3A_822 = tpu.memref_squeeze %dma_start3A_821 : memref<1x!tpu.dma_semaphore, #tpu.memory_space<semaphore_mem>> -> memref<!tpu.dma_semaphore, #tpu.memory_space<semaphore_mem>>
          tpu.enqueue_indirect_dma source(%dma_start3A_820 : memref<10000x128xf32, #tpu.memory_space<hbm>>) target(%dma_start3A_814 : memref<64x128xf32, #tpu.memory_space<vmem>>) offsets(%dma_start3A_817 : memref<64xi32, #tpu.memory_space<vmem>>) semaphore(%dma_start3A_822 : memref<!tpu.dma_semaphore, #tpu.memory_space<semaphore_mem>>)
        } else {
        }
      }
      %scan3A_444 = arith.constant 40 : i32
      %barrier3A_445 = arith.constant 0 : index
      tpu.barrier barrier_id(%barrier3A_445)
      %lt3A_446 = arith.constant 15 : i32
      %lt3A_447 = arith.cmpi slt, %arg1, %lt3A_446 : i32
      %convert_element_type3A_448 = arith.extui %lt3A_447 : i1 to i32
      %cond3A_449 = arith.constant 0 : i32
      %cond3A_450 = arith.cmpi ne, %convert_element_type3A_448, %cond3A_449 : i32
      scf.if %cond3A_450 {
        %mul3A_456 = arith.constant 632 : i32
        %mul3A_457 = arith.muli %arg1, %mul3A_456 : i32
        %mul3A_458 = arith.constant 632 : i32
        %mul3A_459 = arith.muli %arg1, %mul3A_458 : i32
        "tpu.region"() ({
          %run_scoped3A = tpu.sem_alloc : memref<!tpu.dma_semaphore, #tpu.memory_space<semaphore_mem>>
          %dma_start3A_460 = arith.constant 0 : i32
          %dma_start3A_461 = tpu.memref_slice %arg5[%mul3A_459, %dma_start3A_460] : memref<10000x128xf32, #tpu.memory_space<hbm>> -> memref<632x128xf32, #tpu.memory_space<hbm>>
          %dma_start3A_462 = arith.constant 0 : i32
          %dma_start3A_463 = tpu.memref_slice %arg7[%mul3A_457, %dma_start3A_462] : memref<10008x128xf32, #tpu.memory_space<vmem_shared>> -> memref<632x128xf32, #tpu.memory_space<vmem_shared>>
          tpu.enqueue_dma source(%dma_start3A_463 : memref<632x128xf32, #tpu.memory_space<vmem_shared>>) target(%dma_start3A_461 : memref<632x128xf32, #tpu.memory_space<hbm>>) target_semaphore(%run_scoped3A : memref<!tpu.dma_semaphore, #tpu.memory_space<semaphore_mem>>)
          %dma_wait3A = arith.constant 0 : i32
          %dma_wait3A_464 = tpu.memref_slice %arg5[%mul3A_459, %dma_wait3A] : memref<10000x128xf32, #tpu.memory_space<hbm>> -> memref<632x128xf32, #tpu.memory_space<hbm>>
          %dma_wait3A_465 = arith.constant 0 : i32
          %dma_wait3A_466 = tpu.memref_slice %arg7[%mul3A_457, %dma_wait3A_465] : memref<10008x128xf32, #tpu.memory_space<vmem_shared>> -> memref<632x128xf32, #tpu.memory_space<vmem_shared>>
          tpu.wait_dma2 semaphore(%run_scoped3A : memref<!tpu.dma_semaphore, #tpu.memory_space<semaphore_mem>>) src(%dma_wait3A_466 : memref<632x128xf32, #tpu.memory_space<vmem_shared>>) dst(%dma_wait3A_464 : memref<632x128xf32, #tpu.memory_space<hbm>>)
          tpu.yield
        }) : () -> ()
      } else {
      }
      %eq3A_451 = arith.constant 15 : i32
      %eq3A_452 = arith.cmpi eq, %arg1, %eq3A_451 : i32
      %convert_element_type3A_453 = arith.extui %eq3A_452 : i1 to i32
      %cond3A_454 = arith.constant 0 : i32
      %cond3A_455 = arith.cmpi ne, %convert_element_type3A_453, %cond3A_454 : i32
      scf.if %cond3A_455 {
        "tpu.region"() ({
          %run_scoped3A = tpu.sem_alloc : memref<!tpu.dma_semaphore, #tpu.memory_space<semaphore_mem>>
          %dma_start3A_456 = arith.constant 9480 : i32
          %dma_start3A_457 = arith.constant 0 : i32
          %dma_start3A_458 = tpu.memref_slice %arg5[%dma_start3A_456, %dma_start3A_457] : memref<10000x128xf32, #tpu.memory_space<hbm>> -> memref<520x128xf32, #tpu.memory_space<hbm>>
          %dma_start3A_459 = arith.constant 9480 : i32
          %dma_start3A_460 = arith.constant 0 : i32
          %dma_start3A_461 = tpu.memref_slice %arg7[%dma_start3A_459, %dma_start3A_460] : memref<10008x128xf32, #tpu.memory_space<vmem_shared>> -> memref<520x128xf32, #tpu.memory_space<vmem_shared>>
          tpu.enqueue_dma source(%dma_start3A_461 : memref<520x128xf32, #tpu.memory_space<vmem_shared>>) target(%dma_start3A_458 : memref<520x128xf32, #tpu.memory_space<hbm>>) target_semaphore(%run_scoped3A : memref<!tpu.dma_semaphore, #tpu.memory_space<semaphore_mem>>)
          %dma_wait3A = arith.constant 9480 : i32
          %dma_wait3A_462 = arith.constant 0 : i32
          %dma_wait3A_463 = tpu.memref_slice %arg5[%dma_wait3A, %dma_wait3A_462] : memref<10000x128xf32, #tpu.memory_space<hbm>> -> memref<520x128xf32, #tpu.memory_space<hbm>>
          %dma_wait3A_464 = arith.constant 9480 : i32
          %dma_wait3A_465 = arith.constant 0 : i32
          %dma_wait3A_466 = tpu.memref_slice %arg7[%dma_wait3A_464, %dma_wait3A_465] : memref<10008x128xf32, #tpu.memory_space<vmem_shared>> -> memref<520x128xf32, #tpu.memory_space<vmem_shared>>
          tpu.wait_dma2 semaphore(%run_scoped3A : memref<!tpu.dma_semaphore, #tpu.memory_space<semaphore_mem>>) src(%dma_wait3A_466 : memref<520x128xf32, #tpu.memory_space<vmem_shared>>) dst(%dma_wait3A_463 : memref<520x128xf32, #tpu.memory_space<hbm>>)
          tpu.yield
        }) : () -> ()
      } else {
      }
    } else {
    }
    %eq3A_2 = arith.constant 1 : i32
    %eq3A_3 = arith.cmpi eq, %arg0, %eq3A_2 : i32
    %convert_element_type3A_4 = arith.extui %eq3A_3 : i1 to i32
    %cond3A_5 = arith.constant 0 : i32
    %cond3A_6 = arith.cmpi ne, %convert_element_type3A_4, %cond3A_5 : i32
    scf.if %cond3A_6 {
      %lt3A = arith.constant 15 : i32
      %lt3A_7 = arith.cmpi slt, %arg1, %lt3A : i32
      %convert_element_type3A_8 = arith.extui %lt3A_7 : i1 to i32
      %cond3A_9 = arith.constant 0 : i32
      %cond3A_10 = arith.cmpi ne, %convert_element_type3A_8, %cond3A_9 : i32
      scf.if %cond3A_10 {
        %mul3A_456 = arith.constant 632 : i32
        %mul3A_457 = arith.muli %arg1, %mul3A_456 : i32
        %mul3A_458 = arith.constant 632 : i32
        %mul3A_459 = arith.muli %arg1, %mul3A_458 : i32
        "tpu.region"() ({
          %run_scoped3A = tpu.sem_alloc : memref<!tpu.dma_semaphore, #tpu.memory_space<semaphore_mem>>
          %dma_start3A_460 = arith.constant 0 : i32
          %dma_start3A_461 = tpu.memref_slice %arg7[%mul3A_459, %dma_start3A_460] : memref<10008x128xf32, #tpu.memory_space<vmem_shared>> -> memref<632x128xf32, #tpu.memory_space<vmem_shared>>
          %dma_start3A_462 = arith.constant 0 : i32
          %dma_start3A_463 = tpu.memref_slice %arg3[%mul3A_457, %dma_start3A_462] : memref<10000x128xf32, #tpu.memory_space<hbm>> -> memref<632x128xf32, #tpu.memory_space<hbm>>
          tpu.enqueue_dma source(%dma_start3A_463 : memref<632x128xf32, #tpu.memory_space<hbm>>) target(%dma_start3A_461 : memref<632x128xf32, #tpu.memory_space<vmem_shared>>) target_semaphore(%run_scoped3A : memref<!tpu.dma_semaphore, #tpu.memory_space<semaphore_mem>>)
          %dma_wait3A = arith.constant 0 : i32
          %dma_wait3A_464 = tpu.memref_slice %arg7[%mul3A_459, %dma_wait3A] : memref<10008x128xf32, #tpu.memory_space<vmem_shared>> -> memref<632x128xf32, #tpu.memory_space<vmem_shared>>
          %dma_wait3A_465 = arith.constant 0 : i32
          %dma_wait3A_466 = tpu.memref_slice %arg3[%mul3A_457, %dma_wait3A_465] : memref<10000x128xf32, #tpu.memory_space<hbm>> -> memref<632x128xf32, #tpu.memory_space<hbm>>
          tpu.wait_dma2 semaphore(%run_scoped3A : memref<!tpu.dma_semaphore, #tpu.memory_space<semaphore_mem>>) src(%dma_wait3A_466 : memref<632x128xf32, #tpu.memory_space<hbm>>) dst(%dma_wait3A_464 : memref<632x128xf32, #tpu.memory_space<vmem_shared>>)
          tpu.yield
        }) : () -> ()
      } else {
      }
      %eq3A_11 = arith.constant 15 : i32
      %eq3A_12 = arith.cmpi eq, %arg1, %eq3A_11 : i32
      %convert_element_type3A_13 = arith.extui %eq3A_12 : i1 to i32
      %cond3A_14 = arith.constant 0 : i32
      %cond3A_15 = arith.cmpi ne, %convert_element_type3A_13, %cond3A_14 : i32
      scf.if %cond3A_15 {
        "tpu.region"() ({
          %run_scoped3A = tpu.sem_alloc : memref<!tpu.dma_semaphore, #tpu.memory_space<semaphore_mem>>
          %dma_start3A_456 = arith.constant 9480 : i32
          %dma_start3A_457 = arith.constant 0 : i32
          %dma_start3A_458 = tpu.memref_slice %arg7[%dma_start3A_456, %dma_start3A_457] : memref<10008x128xf32, #tpu.memory_space<vmem_shared>> -> memref<520x128xf32, #tpu.memory_space<vmem_shared>>
          %dma_start3A_459 = arith.constant 9480 : i32
          %dma_start3A_460 = arith.constant 0 : i32
          %dma_start3A_461 = tpu.memref_slice %arg3[%dma_start3A_459, %dma_start3A_460] : memref<10000x128xf32, #tpu.memory_space<hbm>> -> memref<520x128xf32, #tpu.memory_space<hbm>>
          tpu.enqueue_dma source(%dma_start3A_461 : memref<520x128xf32, #tpu.memory_space<hbm>>) target(%dma_start3A_458 : memref<520x128xf32, #tpu.memory_space<vmem_shared>>) target_semaphore(%run_scoped3A : memref<!tpu.dma_semaphore, #tpu.memory_space<semaphore_mem>>)
          %dma_wait3A = arith.constant 9480 : i32
          %dma_wait3A_462 = arith.constant 0 : i32
          %dma_wait3A_463 = tpu.memref_slice %arg7[%dma_wait3A, %dma_wait3A_462] : memref<10008x128xf32, #tpu.memory_space<vmem_shared>> -> memref<520x128xf32, #tpu.memory_space<vmem_shared>>
          %dma_wait3A_464 = arith.constant 9480 : i32
          %dma_wait3A_465 = arith.constant 0 : i32
          %dma_wait3A_466 = tpu.memref_slice %arg3[%dma_wait3A_464, %dma_wait3A_465] : memref<10000x128xf32, #tpu.memory_space<hbm>> -> memref<520x128xf32, #tpu.memory_space<hbm>>
          tpu.wait_dma2 semaphore(%run_scoped3A : memref<!tpu.dma_semaphore, #tpu.memory_space<semaphore_mem>>) src(%dma_wait3A_466 : memref<520x128xf32, #tpu.memory_space<hbm>>) dst(%dma_wait3A_463 : memref<520x128xf32, #tpu.memory_space<vmem_shared>>)
          tpu.yield
        }) : () -> ()
      } else {
      }
      %mul3A = arith.constant 80 : i32
      %mul3A_16 = arith.muli %arg1, %mul3A : i32
      "tpu.region"() ({
        %run_scoped3A = tpu.sem_alloc : memref<!tpu.dma_semaphore, #tpu.memory_space<semaphore_mem>>
        %dma_start3A_456 = arith.constant 0 : i32
        %dma_start3A_457 = tpu.memref_slice %arg4[%mul3A_16, %dma_start3A_456] : memref<1280x128xi32, #tpu.memory_space<hbm>> -> memref<80x128xi32, #tpu.memory_space<hbm>>
        %dma_start3A_458 = arith.constant 0 : i32
        %dma_start3A_459 = tpu.memref_slice %arg4[%mul3A_16, %dma_start3A_458] : memref<1280x128xi32, #tpu.memory_space<hbm>> -> memref<80x128xi32, #tpu.memory_space<hbm>>
        tpu.enqueue_dma source(%dma_start3A_459 : memref<80x128xi32, #tpu.memory_space<hbm>>) target(%arg8 : memref<80x128xi32, #tpu.memory_space<vmem>>) target_semaphore(%run_scoped3A : memref<!tpu.dma_semaphore, #tpu.memory_space<semaphore_mem>>)
        %dma_wait3A = arith.constant 0 : i32
        %dma_wait3A_460 = tpu.memref_slice %arg4[%mul3A_16, %dma_wait3A] : memref<1280x128xi32, #tpu.memory_space<hbm>> -> memref<80x128xi32, #tpu.memory_space<hbm>>
        %dma_wait3A_461 = arith.constant 0 : i32
        %dma_wait3A_462 = tpu.memref_slice %arg4[%mul3A_16, %dma_wait3A_461] : memref<1280x128xi32, #tpu.memory_space<hbm>> -> memref<80x128xi32, #tpu.memory_space<hbm>>
        tpu.wait_dma2 semaphore(%run_scoped3A : memref<!tpu.dma_semaphore, #tpu.memory_space<semaphore_mem>>) src(%dma_wait3A_462 : memref<80x128xi32, #tpu.memory_space<hbm>>) dst(%arg8 : memref<80x128xi32, #tpu.memory_space<vmem>>)
        tpu.yield
      }) : () -> ()
      %barrier3A = arith.constant 0 : index
      tpu.barrier barrier_id(%barrier3A)
      %get3A = arith.constant 0 : i32
      %get3A_17 = arith.index_cast %get3A : i32 to index
      %get3A_18 = arith.constant 0 : index
      %get3A_19 = tpu.vector_load %arg8[%get3A_17, %get3A_18] {strides = array<i32>} : memref<80x128xi32, #tpu.memory_space<vmem>>, vector<1x16xi32>,
      %get3A_20 = vector.shape_cast %get3A_19 : vector<1x16xi32> to vector<16xi32>
      %shift_right_logical3A = arith.constant 14 : i32
      %shift_right_logical3A_21 = vector.broadcast %shift_right_logical3A : i32 to vector<16xi32>
      %shift_right_logical3A_22 = arith.shrui %get3A_20, %shift_right_logical3A_21 : vector<16xi32>
      %swap3A = arith.constant 0 : i32
      %swap3A_23 = arith.index_cast %swap3A : i32 to index
      %swap3A_24 = arith.constant 0 : index
      %swap3A_25 = tpu.vector_load %arg10[%swap3A_23, %swap3A_24] {strides = array<i32>} : memref<4x64xi32, #tpu.memory_space<vmem>>, vector<1x16xi32>,
      %swap3A_26 = vector.shape_cast %swap3A_25 : vector<1x16xi32> to vector<16xi32>
      %swap3A_27 = vector.shape_cast %shift_right_logical3A_22 : vector<16xi32> to vector<1x16xi32>
      tpu.vector_store %arg10[%swap3A_23, %swap3A_24], %swap3A_27 {strides = array<i32>} : memref<4x64xi32, #tpu.memory_space<vmem>>, vector<1x16xi32>,
      %and3A = arith.constant 16383 : i32
      %and3A_28 = vector.broadcast %and3A : i32 to vector<16xi32>
      %and3A_29 = arith.andi %get3A_20, %and3A_28 : vector<16xi32>
      %swap3A_30 = arith.constant 0 : i32
      %swap3A_31 = arith.index_cast %swap3A_30 : i32 to index
      %swap3A_32 = arith.constant 0 : index
      %swap3A_33 = tpu.vector_load %arg11[%swap3A_31, %swap3A_32] {strides = array<i32>} : memref<4x64xi32, #tpu.memory_space<vmem>>, vector<1x16xi32>,
      %swap3A_34 = vector.shape_cast %swap3A_33 : vector<1x16xi32> to vector<16xi32>
      %swap3A_35 = vector.shape_cast %and3A_29 : vector<16xi32> to vector<1x16xi32>
      tpu.vector_store %arg11[%swap3A_31, %swap3A_32], %swap3A_35 {strides = array<i32>} : memref<4x64xi32, #tpu.memory_space<vmem>>, vector<1x16xi32>,
      %get3A_36 = arith.constant 0 : i32
      %get3A_37 = arith.index_cast %get3A_36 : i32 to index
      %get3A_38 = arith.constant 16 : index
      %get3A_39 = tpu.vector_load %arg8[%get3A_37, %get3A_38] {strides = array<i32>} : memref<80x128xi32, #tpu.memory_space<vmem>>, vector<1x16xi32>,
      %get3A_40 = vector.shape_cast %get3A_39 : vector<1x16xi32> to vector<16xi32>
      %shift_right_logical3A_41 = arith.constant 14 : i32
      %shift_right_logical3A_42 = vector.broadcast %shift_right_logical3A_41 : i32 to vector<16xi32>
      %shift_right_logical3A_43 = arith.shrui %get3A_40, %shift_right_logical3A_42 : vector<16xi32>
      %swap3A_44 = arith.constant 0 : i32
      %swap3A_45 = arith.index_cast %swap3A_44 : i32 to index
      %swap3A_46 = arith.constant 16 : index
      %swap3A_47 = tpu.vector_load %arg10[%swap3A_45, %swap3A_46] {strides = array<i32>} : memref<4x64xi32, #tpu.memory_space<vmem>>, vector<1x16xi32>,
      %swap3A_48 = vector.shape_cast %swap3A_47 : vector<1x16xi32> to vector<16xi32>
      %swap3A_49 = vector.shape_cast %shift_right_logical3A_43 : vector<16xi32> to vector<1x16xi32>
      tpu.vector_store %arg10[%swap3A_45, %swap3A_46], %swap3A_49 {strides = array<i32>} : memref<4x64xi32, #tpu.memory_space<vmem>>, vector<1x16xi32>,
      %and3A_50 = arith.constant 16383 : i32
      %and3A_51 = vector.broadcast %and3A_50 : i32 to vector<16xi32>
      %and3A_52 = arith.andi %get3A_40, %and3A_51 : vector<16xi32>
      %swap3A_53 = arith.constant 0 : i32
      %swap3A_54 = arith.index_cast %swap3A_53 : i32 to index
      %swap3A_55 = arith.constant 16 : index
      %swap3A_56 = tpu.vector_load %arg11[%swap3A_54, %swap3A_55] {strides = array<i32>} : memref<4x64xi32, #tpu.memory_space<vmem>>, vector<1x16xi32>,
      %swap3A_57 = vector.shape_cast %swap3A_56 : vector<1x16xi32> to vector<16xi32>
      %swap3A_58 = vector.shape_cast %and3A_52 : vector<16xi32> to vector<1x16xi32>
      tpu.vector_store %arg11[%swap3A_54, %swap3A_55], %swap3A_58 {strides = array<i32>} : memref<4x64xi32, #tpu.memory_space<vmem>>, vector<1x16xi32>,
      %get3A_59 = arith.constant 0 : i32
      %get3A_60 = arith.index_cast %get3A_59 : i32 to index
      %get3A_61 = arith.constant 32 : index
      %get3A_62 = tpu.vector_load %arg8[%get3A_60, %get3A_61] {strides = array<i32>} : memref<80x128xi32, #tpu.memory_space<vmem>>, vector<1x16xi32>,
      %get3A_63 = vector.shape_cast %get3A_62 : vector<1x16xi32> to vector<16xi32>
      %shift_right_logical3A_64 = arith.constant 14 : i32
      %shift_right_logical3A_65 = vector.broadcast %shift_right_logical3A_64 : i32 to vector<16xi32>
      %shift_right_logical3A_66 = arith.shrui %get3A_63, %shift_right_logical3A_65 : vector<16xi32>
      %swap3A_67 = arith.constant 0 : i32
      %swap3A_68 = arith.index_cast %swap3A_67 : i32 to index
      %swap3A_69 = arith.constant 32 : index
      %swap3A_70 = tpu.vector_load %arg10[%swap3A_68, %swap3A_69] {strides = array<i32>} : memref<4x64xi32, #tpu.memory_space<vmem>>, vector<1x16xi32>,
      %swap3A_71 = vector.shape_cast %swap3A_70 : vector<1x16xi32> to vector<16xi32>
      %swap3A_72 = vector.shape_cast %shift_right_logical3A_66 : vector<16xi32> to vector<1x16xi32>
      tpu.vector_store %arg10[%swap3A_68, %swap3A_69], %swap3A_72 {strides = array<i32>} : memref<4x64xi32, #tpu.memory_space<vmem>>, vector<1x16xi32>,
      %and3A_73 = arith.constant 16383 : i32
      %and3A_74 = vector.broadcast %and3A_73 : i32 to vector<16xi32>
      %and3A_75 = arith.andi %get3A_63, %and3A_74 : vector<16xi32>
      %swap3A_76 = arith.constant 0 : i32
      %swap3A_77 = arith.index_cast %swap3A_76 : i32 to index
      %swap3A_78 = arith.constant 32 : index
      %swap3A_79 = tpu.vector_load %arg11[%swap3A_77, %swap3A_78] {strides = array<i32>} : memref<4x64xi32, #tpu.memory_space<vmem>>, vector<1x16xi32>,
      %swap3A_80 = vector.shape_cast %swap3A_79 : vector<1x16xi32> to vector<16xi32>
      %swap3A_81 = vector.shape_cast %and3A_75 : vector<16xi32> to vector<1x16xi32>
      tpu.vector_store %arg11[%swap3A_77, %swap3A_78], %swap3A_81 {strides = array<i32>} : memref<4x64xi32, #tpu.memory_space<vmem>>, vector<1x16xi32>,
      %get3A_82 = arith.constant 0 : i32
      %get3A_83 = arith.index_cast %get3A_82 : i32 to index
      %get3A_84 = arith.constant 48 : index
      %get3A_85 = tpu.vector_load %arg8[%get3A_83, %get3A_84] {strides = array<i32>} : memref<80x128xi32, #tpu.memory_space<vmem>>, vector<1x16xi32>,
      %get3A_86 = vector.shape_cast %get3A_85 : vector<1x16xi32> to vector<16xi32>
      %shift_right_logical3A_87 = arith.constant 14 : i32
      %shift_right_logical3A_88 = vector.broadcast %shift_right_logical3A_87 : i32 to vector<16xi32>
      %shift_right_logical3A_89 = arith.shrui %get3A_86, %shift_right_logical3A_88 : vector<16xi32>
      %swap3A_90 = arith.constant 0 : i32
      %swap3A_91 = arith.index_cast %swap3A_90 : i32 to index
      %swap3A_92 = arith.constant 48 : index
      %swap3A_93 = tpu.vector_load %arg10[%swap3A_91, %swap3A_92] {strides = array<i32>} : memref<4x64xi32, #tpu.memory_space<vmem>>, vector<1x16xi32>,
      %swap3A_94 = vector.shape_cast %swap3A_93 : vector<1x16xi32> to vector<16xi32>
      %swap3A_95 = vector.shape_cast %shift_right_logical3A_89 : vector<16xi32> to vector<1x16xi32>
      tpu.vector_store %arg10[%swap3A_91, %swap3A_92], %swap3A_95 {strides = array<i32>} : memref<4x64xi32, #tpu.memory_space<vmem>>, vector<1x16xi32>,
      %and3A_96 = arith.constant 16383 : i32
      %and3A_97 = vector.broadcast %and3A_96 : i32 to vector<16xi32>
      %and3A_98 = arith.andi %get3A_86, %and3A_97 : vector<16xi32>
      %swap3A_99 = arith.constant 0 : i32
      %swap3A_100 = arith.index_cast %swap3A_99 : i32 to index
      %swap3A_101 = arith.constant 48 : index
      %swap3A_102 = tpu.vector_load %arg11[%swap3A_100, %swap3A_101] {strides = array<i32>} : memref<4x64xi32, #tpu.memory_space<vmem>>, vector<1x16xi32>,
      %swap3A_103 = vector.shape_cast %swap3A_102 : vector<1x16xi32> to vector<16xi32>
      %swap3A_104 = vector.shape_cast %and3A_98 : vector<16xi32> to vector<1x16xi32>
      tpu.vector_store %arg11[%swap3A_100, %swap3A_101], %swap3A_104 {strides = array<i32>} : memref<4x64xi32, #tpu.memory_space<vmem>>, vector<1x16xi32>,
      %dma_start3A = arith.constant 0 : i32
      %dma_start3A_105 = arith.constant 0 : i32
      %dma_start3A_106 = arith.constant 0 : i32
      %dma_start3A_107 = arith.constant 0 : i32
      %dma_start3A_108 = arith.constant 0 : i32
      %dma_start3A_109 = tpu.memref_slice %arg9[%dma_start3A_105, %dma_start3A_107, %dma_start3A_108] : memref<4x64x128xf32, #tpu.memory_space<vmem>> -> memref<1x64x128xf32, #tpu.memory_space<vmem>>
      %dma_start3A_110 = tpu.memref_squeeze %dma_start3A_109 : memref<1x64x128xf32, #tpu.memory_space<vmem>> -> memref<64x128xf32, #tpu.memory_space<vmem>>
      %dma_start3A_111 = arith.constant 0 : i32
      %dma_start3A_112 = tpu.memref_slice %arg10[%dma_start3A, %dma_start3A_111] : memref<4x64xi32, #tpu.memory_space<vmem>> -> memref<1x64xi32, #tpu.memory_space<vmem>>
      %dma_start3A_113 = tpu.memref_squeeze %dma_start3A_112 : memref<1x64xi32, #tpu.memory_space<vmem>> -> memref<64xi32, #tpu.memory_space<vmem>>
      %dma_start3A_114 = arith.constant 0 : i32
      %dma_start3A_115 = arith.constant 0 : i32
      %dma_start3A_116 = tpu.memref_slice %arg3[%dma_start3A_114, %dma_start3A_115] : memref<10000x128xf32, #tpu.memory_space<hbm>> -> memref<10000x128xf32, #tpu.memory_space<hbm>>
      %dma_start3A_117 = tpu.memref_slice %arg12[%dma_start3A_106] : memref<4x!tpu.dma_semaphore, #tpu.memory_space<semaphore_mem>> -> memref<1x!tpu.dma_semaphore, #tpu.memory_space<semaphore_mem>>
      %dma_start3A_118 = tpu.memref_squeeze %dma_start3A_117 : memref<1x!tpu.dma_semaphore, #tpu.memory_space<semaphore_mem>> -> memref<!tpu.dma_semaphore, #tpu.memory_space<semaphore_mem>>
      tpu.enqueue_indirect_dma source(%dma_start3A_116 : memref<10000x128xf32, #tpu.memory_space<hbm>>) target(%dma_start3A_110 : memref<64x128xf32, #tpu.memory_space<vmem>>) offsets(%dma_start3A_113 : memref<64xi32, #tpu.memory_space<vmem>>) semaphore(%dma_start3A_118 : memref<!tpu.dma_semaphore, #tpu.memory_space<semaphore_mem>>)
      %get3A_119 = arith.constant 0 : i32
      %get3A_120 = arith.index_cast %get3A_119 : i32 to index
      %get3A_121 = arith.constant 64 : index
      %get3A_122 = tpu.vector_load %arg8[%get3A_120, %get3A_121] {strides = array<i32>} : memref<80x128xi32, #tpu.memory_space<vmem>>, vector<1x16xi32>,
      %get3A_123 = vector.shape_cast %get3A_122 : vector<1x16xi32> to vector<16xi32>
      %shift_right_logical3A_124 = arith.constant 14 : i32
      %shift_right_logical3A_125 = vector.broadcast %shift_right_logical3A_124 : i32 to vector<16xi32>
      %shift_right_logical3A_126 = arith.shrui %get3A_123, %shift_right_logical3A_125 : vector<16xi32>
      %swap3A_127 = arith.constant 1 : i32
      %swap3A_128 = arith.index_cast %swap3A_127 : i32 to index
      %swap3A_129 = arith.constant 0 : index
      %swap3A_130 = tpu.vector_load %arg10[%swap3A_128, %swap3A_129] {strides = array<i32>} : memref<4x64xi32, #tpu.memory_space<vmem>>, vector<1x16xi32>,
      %swap3A_131 = vector.shape_cast %swap3A_130 : vector<1x16xi32> to vector<16xi32>
      %swap3A_132 = vector.shape_cast %shift_right_logical3A_126 : vector<16xi32> to vector<1x16xi32>
      tpu.vector_store %arg10[%swap3A_128, %swap3A_129], %swap3A_132 {strides = array<i32>} : memref<4x64xi32, #tpu.memory_space<vmem>>, vector<1x16xi32>,
      %and3A_133 = arith.constant 16383 : i32
      %and3A_134 = vector.broadcast %and3A_133 : i32 to vector<16xi32>
      %and3A_135 = arith.andi %get3A_123, %and3A_134 : vector<16xi32>
      %swap3A_136 = arith.constant 1 : i32
      %swap3A_137 = arith.index_cast %swap3A_136 : i32 to index
      %swap3A_138 = arith.constant 0 : index
      %swap3A_139 = tpu.vector_load %arg11[%swap3A_137, %swap3A_138] {strides = array<i32>} : memref<4x64xi32, #tpu.memory_space<vmem>>, vector<1x16xi32>,
      %swap3A_140 = vector.shape_cast %swap3A_139 : vector<1x16xi32> to vector<16xi32>
      %swap3A_141 = vector.shape_cast %and3A_135 : vector<16xi32> to vector<1x16xi32>
      tpu.vector_store %arg11[%swap3A_137, %swap3A_138], %swap3A_141 {strides = array<i32>} : memref<4x64xi32, #tpu.memory_space<vmem>>, vector<1x16xi32>,
      %get3A_142 = arith.constant 0 : i32
      %get3A_143 = arith.index_cast %get3A_142 : i32 to index
      %get3A_144 = arith.constant 80 : index
      %get3A_145 = tpu.vector_load %arg8[%get3A_143, %get3A_144] {strides = array<i32>} : memref<80x128xi32, #tpu.memory_space<vmem>>, vector<1x16xi32>,
      %get3A_146 = vector.shape_cast %get3A_145 : vector<1x16xi32> to vector<16xi32>
      %shift_right_logical3A_147 = arith.constant 14 : i32
      %shift_right_logical3A_148 = vector.broadcast %shift_right_logical3A_147 : i32 to vector<16xi32>
      %shift_right_logical3A_149 = arith.shrui %get3A_146, %shift_right_logical3A_148 : vector<16xi32>
      %swap3A_150 = arith.constant 1 : i32
      %swap3A_151 = arith.index_cast %swap3A_150 : i32 to index
      %swap3A_152 = arith.constant 16 : index
      %swap3A_153 = tpu.vector_load %arg10[%swap3A_151, %swap3A_152] {strides = array<i32>} : memref<4x64xi32, #tpu.memory_space<vmem>>, vector<1x16xi32>,
      %swap3A_154 = vector.shape_cast %swap3A_153 : vector<1x16xi32> to vector<16xi32>
      %swap3A_155 = vector.shape_cast %shift_right_logical3A_149 : vector<16xi32> to vector<1x16xi32>
      tpu.vector_store %arg10[%swap3A_151, %swap3A_152], %swap3A_155 {strides = array<i32>} : memref<4x64xi32, #tpu.memory_space<vmem>>, vector<1x16xi32>,
      %and3A_156 = arith.constant 16383 : i32
      %and3A_157 = vector.broadcast %and3A_156 : i32 to vector<16xi32>
      %and3A_158 = arith.andi %get3A_146, %and3A_157 : vector<16xi32>
      %swap3A_159 = arith.constant 1 : i32
      %swap3A_160 = arith.index_cast %swap3A_159 : i32 to index
      %swap3A_161 = arith.constant 16 : index
      %swap3A_162 = tpu.vector_load %arg11[%swap3A_160, %swap3A_161] {strides = array<i32>} : memref<4x64xi32, #tpu.memory_space<vmem>>, vector<1x16xi32>,
      %swap3A_163 = vector.shape_cast %swap3A_162 : vector<1x16xi32> to vector<16xi32>
      %swap3A_164 = vector.shape_cast %and3A_158 : vector<16xi32> to vector<1x16xi32>
      tpu.vector_store %arg11[%swap3A_160, %swap3A_161], %swap3A_164 {strides = array<i32>} : memref<4x64xi32, #tpu.memory_space<vmem>>, vector<1x16xi32>,
      %get3A_165 = arith.constant 0 : i32
      %get3A_166 = arith.index_cast %get3A_165 : i32 to index
      %get3A_167 = arith.constant 96 : index
      %get3A_168 = tpu.vector_load %arg8[%get3A_166, %get3A_167] {strides = array<i32>} : memref<80x128xi32, #tpu.memory_space<vmem>>, vector<1x16xi32>,
      %get3A_169 = vector.shape_cast %get3A_168 : vector<1x16xi32> to vector<16xi32>
      %shift_right_logical3A_170 = arith.constant 14 : i32
      %shift_right_logical3A_171 = vector.broadcast %shift_right_logical3A_170 : i32 to vector<16xi32>
      %shift_right_logical3A_172 = arith.shrui %get3A_169, %shift_right_logical3A_171 : vector<16xi32>
      %swap3A_173 = arith.constant 1 : i32
      %swap3A_174 = arith.index_cast %swap3A_173 : i32 to index
      %swap3A_175 = arith.constant 32 : index
      %swap3A_176 = tpu.vector_load %arg10[%swap3A_174, %swap3A_175] {strides = array<i32>} : memref<4x64xi32, #tpu.memory_space<vmem>>, vector<1x16xi32>,
      %swap3A_177 = vector.shape_cast %swap3A_176 : vector<1x16xi32> to vector<16xi32>
      %swap3A_178 = vector.shape_cast %shift_right_logical3A_172 : vector<16xi32> to vector<1x16xi32>
      tpu.vector_store %arg10[%swap3A_174, %swap3A_175], %swap3A_178 {strides = array<i32>} : memref<4x64xi32, #tpu.memory_space<vmem>>, vector<1x16xi32>,
      %and3A_179 = arith.constant 16383 : i32
      %and3A_180 = vector.broadcast %and3A_179 : i32 to vector<16xi32>
      %and3A_181 = arith.andi %get3A_169, %and3A_180 : vector<16xi32>
      %swap3A_182 = arith.constant 1 : i32
      %swap3A_183 = arith.index_cast %swap3A_182 : i32 to index
      %swap3A_184 = arith.constant 32 : index
      %swap3A_185 = tpu.vector_load %arg11[%swap3A_183, %swap3A_184] {strides = array<i32>} : memref<4x64xi32, #tpu.memory_space<vmem>>, vector<1x16xi32>,
      %swap3A_186 = vector.shape_cast %swap3A_185 : vector<1x16xi32> to vector<16xi32>
      %swap3A_187 = vector.shape_cast %and3A_181 : vector<16xi32> to vector<1x16xi32>
      tpu.vector_store %arg11[%swap3A_183, %swap3A_184], %swap3A_187 {strides = array<i32>} : memref<4x64xi32, #tpu.memory_space<vmem>>, vector<1x16xi32>,
      %get3A_188 = arith.constant 0 : i32
      %get3A_189 = arith.index_cast %get3A_188 : i32 to index
      %get3A_190 = arith.constant 112 : index
      %get3A_191 = tpu.vector_load %arg8[%get3A_189, %get3A_190] {strides = array<i32>} : memref<80x128xi32, #tpu.memory_space<vmem>>, vector<1x16xi32>,
      %get3A_192 = vector.shape_cast %get3A_191 : vector<1x16xi32> to vector<16xi32>
      %shift_right_logical3A_193 = arith.constant 14 : i32
      %shift_right_logical3A_194 = vector.broadcast %shift_right_logical3A_193 : i32 to vector<16xi32>
      %shift_right_logical3A_195 = arith.shrui %get3A_192, %shift_right_logical3A_194 : vector<16xi32>
      %swap3A_196 = arith.constant 1 : i32
      %swap3A_197 = arith.index_cast %swap3A_196 : i32 to index
      %swap3A_198 = arith.constant 48 : index
      %swap3A_199 = tpu.vector_load %arg10[%swap3A_197, %swap3A_198] {strides = array<i32>} : memref<4x64xi32, #tpu.memory_space<vmem>>, vector<1x16xi32>,
      %swap3A_200 = vector.shape_cast %swap3A_199 : vector<1x16xi32> to vector<16xi32>
      %swap3A_201 = vector.shape_cast %shift_right_logical3A_195 : vector<16xi32> to vector<1x16xi32>
      tpu.vector_store %arg10[%swap3A_197, %swap3A_198], %swap3A_201 {strides = array<i32>} : memref<4x64xi32, #tpu.memory_space<vmem>>, vector<1x16xi32>,
      %and3A_202 = arith.constant 16383 : i32
      %and3A_203 = vector.broadcast %and3A_202 : i32 to vector<16xi32>
      %and3A_204 = arith.andi %get3A_192, %and3A_203 : vector<16xi32>
      %swap3A_205 = arith.constant 1 : i32
      %swap3A_206 = arith.index_cast %swap3A_205 : i32 to index
      %swap3A_207 = arith.constant 48 : index
      %swap3A_208 = tpu.vector_load %arg11[%swap3A_206, %swap3A_207] {strides = array<i32>} : memref<4x64xi32, #tpu.memory_space<vmem>>, vector<1x16xi32>,
      %swap3A_209 = vector.shape_cast %swap3A_208 : vector<1x16xi32> to vector<16xi32>
      %swap3A_210 = vector.shape_cast %and3A_204 : vector<16xi32> to vector<1x16xi32>
      tpu.vector_store %arg11[%swap3A_206, %swap3A_207], %swap3A_210 {strides = array<i32>} : memref<4x64xi32, #tpu.memory_space<vmem>>, vector<1x16xi32>,
      %dma_start3A_211 = arith.constant 1 : i32
      %dma_start3A_212 = arith.constant 1 : i32
      %dma_start3A_213 = arith.constant 1 : i32
      %dma_start3A_214 = arith.constant 0 : i32
      %dma_start3A_215 = arith.constant 0 : i32
      %dma_start3A_216 = tpu.memref_slice %arg9[%dma_start3A_212, %dma_start3A_214, %dma_start3A_215] : memref<4x64x128xf32, #tpu.memory_space<vmem>> -> memref<1x64x128xf32, #tpu.memory_space<vmem>>
      %dma_start3A_217 = tpu.memref_squeeze %dma_start3A_216 : memref<1x64x128xf32, #tpu.memory_space<vmem>> -> memref<64x128xf32, #tpu.memory_space<vmem>>
      %dma_start3A_218 = arith.constant 0 : i32
      %dma_start3A_219 = tpu.memref_slice %arg10[%dma_start3A_211, %dma_start3A_218] : memref<4x64xi32, #tpu.memory_space<vmem>> -> memref<1x64xi32, #tpu.memory_space<vmem>>
      %dma_start3A_220 = tpu.memref_squeeze %dma_start3A_219 : memref<1x64xi32, #tpu.memory_space<vmem>> -> memref<64xi32, #tpu.memory_space<vmem>>
      %dma_start3A_221 = arith.constant 0 : i32
      %dma_start3A_222 = arith.constant 0 : i32
      %dma_start3A_223 = tpu.memref_slice %arg3[%dma_start3A_221, %dma_start3A_222] : memref<10000x128xf32, #tpu.memory_space<hbm>> -> memref<10000x128xf32, #tpu.memory_space<hbm>>
      %dma_start3A_224 = tpu.memref_slice %arg12[%dma_start3A_213] : memref<4x!tpu.dma_semaphore, #tpu.memory_space<semaphore_mem>> -> memref<1x!tpu.dma_semaphore, #tpu.memory_space<semaphore_mem>>
      %dma_start3A_225 = tpu.memref_squeeze %dma_start3A_224 : memref<1x!tpu.dma_semaphore, #tpu.memory_space<semaphore_mem>> -> memref<!tpu.dma_semaphore, #tpu.memory_space<semaphore_mem>>
      tpu.enqueue_indirect_dma source(%dma_start3A_223 : memref<10000x128xf32, #tpu.memory_space<hbm>>) target(%dma_start3A_217 : memref<64x128xf32, #tpu.memory_space<vmem>>) offsets(%dma_start3A_220 : memref<64xi32, #tpu.memory_space<vmem>>) semaphore(%dma_start3A_225 : memref<!tpu.dma_semaphore, #tpu.memory_space<semaphore_mem>>)
      %get3A_226 = arith.constant 1 : i32
      %get3A_227 = arith.index_cast %get3A_226 : i32 to index
      %get3A_228 = arith.constant 0 : index
      %get3A_229 = tpu.vector_load %arg8[%get3A_227, %get3A_228] {strides = array<i32>} : memref<80x128xi32, #tpu.memory_space<vmem>>, vector<1x16xi32>,
      %get3A_230 = vector.shape_cast %get3A_229 : vector<1x16xi32> to vector<16xi32>
      %shift_right_logical3A_231 = arith.constant 14 : i32
      %shift_right_logical3A_232 = vector.broadcast %shift_right_logical3A_231 : i32 to vector<16xi32>
      %shift_right_logical3A_233 = arith.shrui %get3A_230, %shift_right_logical3A_232 : vector<16xi32>
      %swap3A_234 = arith.constant 2 : i32
      %swap3A_235 = arith.index_cast %swap3A_234 : i32 to index
      %swap3A_236 = arith.constant 0 : index
      %swap3A_237 = tpu.vector_load %arg10[%swap3A_235, %swap3A_236] {strides = array<i32>} : memref<4x64xi32, #tpu.memory_space<vmem>>, vector<1x16xi32>,
      %swap3A_238 = vector.shape_cast %swap3A_237 : vector<1x16xi32> to vector<16xi32>
      %swap3A_239 = vector.shape_cast %shift_right_logical3A_233 : vector<16xi32> to vector<1x16xi32>
      tpu.vector_store %arg10[%swap3A_235, %swap3A_236], %swap3A_239 {strides = array<i32>} : memref<4x64xi32, #tpu.memory_space<vmem>>, vector<1x16xi32>,
      %and3A_240 = arith.constant 16383 : i32
      %and3A_241 = vector.broadcast %and3A_240 : i32 to vector<16xi32>
      %and3A_242 = arith.andi %get3A_230, %and3A_241 : vector<16xi32>
      %swap3A_243 = arith.constant 2 : i32
      %swap3A_244 = arith.index_cast %swap3A_243 : i32 to index
      %swap3A_245 = arith.constant 0 : index
      %swap3A_246 = tpu.vector_load %arg11[%swap3A_244, %swap3A_245] {strides = array<i32>} : memref<4x64xi32, #tpu.memory_space<vmem>>, vector<1x16xi32>,
      %swap3A_247 = vector.shape_cast %swap3A_246 : vector<1x16xi32> to vector<16xi32>
      %swap3A_248 = vector.shape_cast %and3A_242 : vector<16xi32> to vector<1x16xi32>
      tpu.vector_store %arg11[%swap3A_244, %swap3A_245], %swap3A_248 {strides = array<i32>} : memref<4x64xi32, #tpu.memory_space<vmem>>, vector<1x16xi32>,
      %get3A_249 = arith.constant 1 : i32
      %get3A_250 = arith.index_cast %get3A_249 : i32 to index
      %get3A_251 = arith.constant 16 : index
      %get3A_252 = tpu.vector_load %arg8[%get3A_250, %get3A_251] {strides = array<i32>} : memref<80x128xi32, #tpu.memory_space<vmem>>, vector<1x16xi32>,
      %get3A_253 = vector.shape_cast %get3A_252 : vector<1x16xi32> to vector<16xi32>
      %shift_right_logical3A_254 = arith.constant 14 : i32
      %shift_right_logical3A_255 = vector.broadcast %shift_right_logical3A_254 : i32 to vector<16xi32>
      %shift_right_logical3A_256 = arith.shrui %get3A_253, %shift_right_logical3A_255 : vector<16xi32>
      %swap3A_257 = arith.constant 2 : i32
      %swap3A_258 = arith.index_cast %swap3A_257 : i32 to index
      %swap3A_259 = arith.constant 16 : index
      %swap3A_260 = tpu.vector_load %arg10[%swap3A_258, %swap3A_259] {strides = array<i32>} : memref<4x64xi32, #tpu.memory_space<vmem>>, vector<1x16xi32>,
      %swap3A_261 = vector.shape_cast %swap3A_260 : vector<1x16xi32> to vector<16xi32>
      %swap3A_262 = vector.shape_cast %shift_right_logical3A_256 : vector<16xi32> to vector<1x16xi32>
      tpu.vector_store %arg10[%swap3A_258, %swap3A_259], %swap3A_262 {strides = array<i32>} : memref<4x64xi32, #tpu.memory_space<vmem>>, vector<1x16xi32>,
      %and3A_263 = arith.constant 16383 : i32
      %and3A_264 = vector.broadcast %and3A_263 : i32 to vector<16xi32>
      %and3A_265 = arith.andi %get3A_253, %and3A_264 : vector<16xi32>
      %swap3A_266 = arith.constant 2 : i32
      %swap3A_267 = arith.index_cast %swap3A_266 : i32 to index
      %swap3A_268 = arith.constant 16 : index
      %swap3A_269 = tpu.vector_load %arg11[%swap3A_267, %swap3A_268] {strides = array<i32>} : memref<4x64xi32, #tpu.memory_space<vmem>>, vector<1x16xi32>,
      %swap3A_270 = vector.shape_cast %swap3A_269 : vector<1x16xi32> to vector<16xi32>
      %swap3A_271 = vector.shape_cast %and3A_265 : vector<16xi32> to vector<1x16xi32>
      tpu.vector_store %arg11[%swap3A_267, %swap3A_268], %swap3A_271 {strides = array<i32>} : memref<4x64xi32, #tpu.memory_space<vmem>>, vector<1x16xi32>,
      %get3A_272 = arith.constant 1 : i32
      %get3A_273 = arith.index_cast %get3A_272 : i32 to index
      %get3A_274 = arith.constant 32 : index
      %get3A_275 = tpu.vector_load %arg8[%get3A_273, %get3A_274] {strides = array<i32>} : memref<80x128xi32, #tpu.memory_space<vmem>>, vector<1x16xi32>,
      %get3A_276 = vector.shape_cast %get3A_275 : vector<1x16xi32> to vector<16xi32>
      %shift_right_logical3A_277 = arith.constant 14 : i32
      %shift_right_logical3A_278 = vector.broadcast %shift_right_logical3A_277 : i32 to vector<16xi32>
      %shift_right_logical3A_279 = arith.shrui %get3A_276, %shift_right_logical3A_278 : vector<16xi32>
      %swap3A_280 = arith.constant 2 : i32
      %swap3A_281 = arith.index_cast %swap3A_280 : i32 to index
      %swap3A_282 = arith.constant 32 : index
      %swap3A_283 = tpu.vector_load %arg10[%swap3A_281, %swap3A_282] {strides = array<i32>} : memref<4x64xi32, #tpu.memory_space<vmem>>, vector<1x16xi32>,
      %swap3A_284 = vector.shape_cast %swap3A_283 : vector<1x16xi32> to vector<16xi32>
      %swap3A_285 = vector.shape_cast %shift_right_logical3A_279 : vector<16xi32> to vector<1x16xi32>
      tpu.vector_store %arg10[%swap3A_281, %swap3A_282], %swap3A_285 {strides = array<i32>} : memref<4x64xi32, #tpu.memory_space<vmem>>, vector<1x16xi32>,
      %and3A_286 = arith.constant 16383 : i32
      %and3A_287 = vector.broadcast %and3A_286 : i32 to vector<16xi32>
      %and3A_288 = arith.andi %get3A_276, %and3A_287 : vector<16xi32>
      %swap3A_289 = arith.constant 2 : i32
      %swap3A_290 = arith.index_cast %swap3A_289 : i32 to index
      %swap3A_291 = arith.constant 32 : index
      %swap3A_292 = tpu.vector_load %arg11[%swap3A_290, %swap3A_291] {strides = array<i32>} : memref<4x64xi32, #tpu.memory_space<vmem>>, vector<1x16xi32>,
      %swap3A_293 = vector.shape_cast %swap3A_292 : vector<1x16xi32> to vector<16xi32>
      %swap3A_294 = vector.shape_cast %and3A_288 : vector<16xi32> to vector<1x16xi32>
      tpu.vector_store %arg11[%swap3A_290, %swap3A_291], %swap3A_294 {strides = array<i32>} : memref<4x64xi32, #tpu.memory_space<vmem>>, vector<1x16xi32>,
      %get3A_295 = arith.constant 1 : i32
      %get3A_296 = arith.index_cast %get3A_295 : i32 to index
      %get3A_297 = arith.constant 48 : index
      %get3A_298 = tpu.vector_load %arg8[%get3A_296, %get3A_297] {strides = array<i32>} : memref<80x128xi32, #tpu.memory_space<vmem>>, vector<1x16xi32>,
      %get3A_299 = vector.shape_cast %get3A_298 : vector<1x16xi32> to vector<16xi32>
      %shift_right_logical3A_300 = arith.constant 14 : i32
      %shift_right_logical3A_301 = vector.broadcast %shift_right_logical3A_300 : i32 to vector<16xi32>
      %shift_right_logical3A_302 = arith.shrui %get3A_299, %shift_right_logical3A_301 : vector<16xi32>
      %swap3A_303 = arith.constant 2 : i32
      %swap3A_304 = arith.index_cast %swap3A_303 : i32 to index
      %swap3A_305 = arith.constant 48 : index
      %swap3A_306 = tpu.vector_load %arg10[%swap3A_304, %swap3A_305] {strides = array<i32>} : memref<4x64xi32, #tpu.memory_space<vmem>>, vector<1x16xi32>,
      %swap3A_307 = vector.shape_cast %swap3A_306 : vector<1x16xi32> to vector<16xi32>
      %swap3A_308 = vector.shape_cast %shift_right_logical3A_302 : vector<16xi32> to vector<1x16xi32>
      tpu.vector_store %arg10[%swap3A_304, %swap3A_305], %swap3A_308 {strides = array<i32>} : memref<4x64xi32, #tpu.memory_space<vmem>>, vector<1x16xi32>,
      %and3A_309 = arith.constant 16383 : i32
      %and3A_310 = vector.broadcast %and3A_309 : i32 to vector<16xi32>
      %and3A_311 = arith.andi %get3A_299, %and3A_310 : vector<16xi32>
      %swap3A_312 = arith.constant 2 : i32
      %swap3A_313 = arith.index_cast %swap3A_312 : i32 to index
      %swap3A_314 = arith.constant 48 : index
      %swap3A_315 = tpu.vector_load %arg11[%swap3A_313, %swap3A_314] {strides = array<i32>} : memref<4x64xi32, #tpu.memory_space<vmem>>, vector<1x16xi32>,
      %swap3A_316 = vector.shape_cast %swap3A_315 : vector<1x16xi32> to vector<16xi32>
      %swap3A_317 = vector.shape_cast %and3A_311 : vector<16xi32> to vector<1x16xi32>
      tpu.vector_store %arg11[%swap3A_313, %swap3A_314], %swap3A_317 {strides = array<i32>} : memref<4x64xi32, #tpu.memory_space<vmem>>, vector<1x16xi32>,
      %dma_start3A_318 = arith.constant 2 : i32
      %dma_start3A_319 = arith.constant 2 : i32
      %dma_start3A_320 = arith.constant 2 : i32
      %dma_start3A_321 = arith.constant 0 : i32
      %dma_start3A_322 = arith.constant 0 : i32
      %dma_start3A_323 = tpu.memref_slice %arg9[%dma_start3A_319, %dma_start3A_321, %dma_start3A_322] : memref<4x64x128xf32, #tpu.memory_space<vmem>> -> memref<1x64x128xf32, #tpu.memory_space<vmem>>
      %dma_start3A_324 = tpu.memref_squeeze %dma_start3A_323 : memref<1x64x128xf32, #tpu.memory_space<vmem>> -> memref<64x128xf32, #tpu.memory_space<vmem>>
      %dma_start3A_325 = arith.constant 0 : i32
      %dma_start3A_326 = tpu.memref_slice %arg10[%dma_start3A_318, %dma_start3A_325] : memref<4x64xi32, #tpu.memory_space<vmem>> -> memref<1x64xi32, #tpu.memory_space<vmem>>
      %dma_start3A_327 = tpu.memref_squeeze %dma_start3A_326 : memref<1x64xi32, #tpu.memory_space<vmem>> -> memref<64xi32, #tpu.memory_space<vmem>>
      %dma_start3A_328 = arith.constant 0 : i32
      %dma_start3A_329 = arith.constant 0 : i32
      %dma_start3A_330 = tpu.memref_slice %arg3[%dma_start3A_328, %dma_start3A_329] : memref<10000x128xf32, #tpu.memory_space<hbm>> -> memref<10000x128xf32, #tpu.memory_space<hbm>>
      %dma_start3A_331 = tpu.memref_slice %arg12[%dma_start3A_320] : memref<4x!tpu.dma_semaphore, #tpu.memory_space<semaphore_mem>> -> memref<1x!tpu.dma_semaphore, #tpu.memory_space<semaphore_mem>>
      %dma_start3A_332 = tpu.memref_squeeze %dma_start3A_331 : memref<1x!tpu.dma_semaphore, #tpu.memory_space<semaphore_mem>> -> memref<!tpu.dma_semaphore, #tpu.memory_space<semaphore_mem>>
      tpu.enqueue_indirect_dma source(%dma_start3A_330 : memref<10000x128xf32, #tpu.memory_space<hbm>>) target(%dma_start3A_324 : memref<64x128xf32, #tpu.memory_space<vmem>>) offsets(%dma_start3A_327 : memref<64xi32, #tpu.memory_space<vmem>>) semaphore(%dma_start3A_332 : memref<!tpu.dma_semaphore, #tpu.memory_space<semaphore_mem>>)
      %get3A_333 = arith.constant 1 : i32
      %get3A_334 = arith.index_cast %get3A_333 : i32 to index
      %get3A_335 = arith.constant 64 : index
      %get3A_336 = tpu.vector_load %arg8[%get3A_334, %get3A_335] {strides = array<i32>} : memref<80x128xi32, #tpu.memory_space<vmem>>, vector<1x16xi32>,
      %get3A_337 = vector.shape_cast %get3A_336 : vector<1x16xi32> to vector<16xi32>
      %shift_right_logical3A_338 = arith.constant 14 : i32
      %shift_right_logical3A_339 = vector.broadcast %shift_right_logical3A_338 : i32 to vector<16xi32>
      %shift_right_logical3A_340 = arith.shrui %get3A_337, %shift_right_logical3A_339 : vector<16xi32>
      %swap3A_341 = arith.constant 3 : i32
      %swap3A_342 = arith.index_cast %swap3A_341 : i32 to index
      %swap3A_343 = arith.constant 0 : index
      %swap3A_344 = tpu.vector_load %arg10[%swap3A_342, %swap3A_343] {strides = array<i32>} : memref<4x64xi32, #tpu.memory_space<vmem>>, vector<1x16xi32>,
      %swap3A_345 = vector.shape_cast %swap3A_344 : vector<1x16xi32> to vector<16xi32>
      %swap3A_346 = vector.shape_cast %shift_right_logical3A_340 : vector<16xi32> to vector<1x16xi32>
      tpu.vector_store %arg10[%swap3A_342, %swap3A_343], %swap3A_346 {strides = array<i32>} : memref<4x64xi32, #tpu.memory_space<vmem>>, vector<1x16xi32>,
      %and3A_347 = arith.constant 16383 : i32
      %and3A_348 = vector.broadcast %and3A_347 : i32 to vector<16xi32>
      %and3A_349 = arith.andi %get3A_337, %and3A_348 : vector<16xi32>
      %swap3A_350 = arith.constant 3 : i32
      %swap3A_351 = arith.index_cast %swap3A_350 : i32 to index
      %swap3A_352 = arith.constant 0 : index
      %swap3A_353 = tpu.vector_load %arg11[%swap3A_351, %swap3A_352] {strides = array<i32>} : memref<4x64xi32, #tpu.memory_space<vmem>>, vector<1x16xi32>,
      %swap3A_354 = vector.shape_cast %swap3A_353 : vector<1x16xi32> to vector<16xi32>
      %swap3A_355 = vector.shape_cast %and3A_349 : vector<16xi32> to vector<1x16xi32>
      tpu.vector_store %arg11[%swap3A_351, %swap3A_352], %swap3A_355 {strides = array<i32>} : memref<4x64xi32, #tpu.memory_space<vmem>>, vector<1x16xi32>,
      %get3A_356 = arith.constant 1 : i32
      %get3A_357 = arith.index_cast %get3A_356 : i32 to index
      %get3A_358 = arith.constant 80 : index
      %get3A_359 = tpu.vector_load %arg8[%get3A_357, %get3A_358] {strides = array<i32>} : memref<80x128xi32, #tpu.memory_space<vmem>>, vector<1x16xi32>,
      %get3A_360 = vector.shape_cast %get3A_359 : vector<1x16xi32> to vector<16xi32>
      %shift_right_logical3A_361 = arith.constant 14 : i32
      %shift_right_logical3A_362 = vector.broadcast %shift_right_logical3A_361 : i32 to vector<16xi32>
      %shift_right_logical3A_363 = arith.shrui %get3A_360, %shift_right_logical3A_362 : vector<16xi32>
      %swap3A_364 = arith.constant 3 : i32
      %swap3A_365 = arith.index_cast %swap3A_364 : i32 to index
      %swap3A_366 = arith.constant 16 : index
      %swap3A_367 = tpu.vector_load %arg10[%swap3A_365, %swap3A_366] {strides = array<i32>} : memref<4x64xi32, #tpu.memory_space<vmem>>, vector<1x16xi32>,
      %swap3A_368 = vector.shape_cast %swap3A_367 : vector<1x16xi32> to vector<16xi32>
      %swap3A_369 = vector.shape_cast %shift_right_logical3A_363 : vector<16xi32> to vector<1x16xi32>
      tpu.vector_store %arg10[%swap3A_365, %swap3A_366], %swap3A_369 {strides = array<i32>} : memref<4x64xi32, #tpu.memory_space<vmem>>, vector<1x16xi32>,
      %and3A_370 = arith.constant 16383 : i32
      %and3A_371 = vector.broadcast %and3A_370 : i32 to vector<16xi32>
      %and3A_372 = arith.andi %get3A_360, %and3A_371 : vector<16xi32>
      %swap3A_373 = arith.constant 3 : i32
      %swap3A_374 = arith.index_cast %swap3A_373 : i32 to index
      %swap3A_375 = arith.constant 16 : index
      %swap3A_376 = tpu.vector_load %arg11[%swap3A_374, %swap3A_375] {strides = array<i32>} : memref<4x64xi32, #tpu.memory_space<vmem>>, vector<1x16xi32>,
      %swap3A_377 = vector.shape_cast %swap3A_376 : vector<1x16xi32> to vector<16xi32>
      %swap3A_378 = vector.shape_cast %and3A_372 : vector<16xi32> to vector<1x16xi32>
      tpu.vector_store %arg11[%swap3A_374, %swap3A_375], %swap3A_378 {strides = array<i32>} : memref<4x64xi32, #tpu.memory_space<vmem>>, vector<1x16xi32>,
      %get3A_379 = arith.constant 1 : i32
      %get3A_380 = arith.index_cast %get3A_379 : i32 to index
      %get3A_381 = arith.constant 96 : index
      %get3A_382 = tpu.vector_load %arg8[%get3A_380, %get3A_381] {strides = array<i32>} : memref<80x128xi32, #tpu.memory_space<vmem>>, vector<1x16xi32>,
      %get3A_383 = vector.shape_cast %get3A_382 : vector<1x16xi32> to vector<16xi32>
      %shift_right_logical3A_384 = arith.constant 14 : i32
      %shift_right_logical3A_385 = vector.broadcast %shift_right_logical3A_384 : i32 to vector<16xi32>
      %shift_right_logical3A_386 = arith.shrui %get3A_383, %shift_right_logical3A_385 : vector<16xi32>
      %swap3A_387 = arith.constant 3 : i32
      %swap3A_388 = arith.index_cast %swap3A_387 : i32 to index
      %swap3A_389 = arith.constant 32 : index
      %swap3A_390 = tpu.vector_load %arg10[%swap3A_388, %swap3A_389] {strides = array<i32>} : memref<4x64xi32, #tpu.memory_space<vmem>>, vector<1x16xi32>,
      %swap3A_391 = vector.shape_cast %swap3A_390 : vector<1x16xi32> to vector<16xi32>
      %swap3A_392 = vector.shape_cast %shift_right_logical3A_386 : vector<16xi32> to vector<1x16xi32>
      tpu.vector_store %arg10[%swap3A_388, %swap3A_389], %swap3A_392 {strides = array<i32>} : memref<4x64xi32, #tpu.memory_space<vmem>>, vector<1x16xi32>,
      %and3A_393 = arith.constant 16383 : i32
      %and3A_394 = vector.broadcast %and3A_393 : i32 to vector<16xi32>
      %and3A_395 = arith.andi %get3A_383, %and3A_394 : vector<16xi32>
      %swap3A_396 = arith.constant 3 : i32
      %swap3A_397 = arith.index_cast %swap3A_396 : i32 to index
      %swap3A_398 = arith.constant 32 : index
      %swap3A_399 = tpu.vector_load %arg11[%swap3A_397, %swap3A_398] {strides = array<i32>} : memref<4x64xi32, #tpu.memory_space<vmem>>, vector<1x16xi32>,
      %swap3A_400 = vector.shape_cast %swap3A_399 : vector<1x16xi32> to vector<16xi32>
      %swap3A_401 = vector.shape_cast %and3A_395 : vector<16xi32> to vector<1x16xi32>
      tpu.vector_store %arg11[%swap3A_397, %swap3A_398], %swap3A_401 {strides = array<i32>} : memref<4x64xi32, #tpu.memory_space<vmem>>, vector<1x16xi32>,
      %get3A_402 = arith.constant 1 : i32
      %get3A_403 = arith.index_cast %get3A_402 : i32 to index
      %get3A_404 = arith.constant 112 : index
      %get3A_405 = tpu.vector_load %arg8[%get3A_403, %get3A_404] {strides = array<i32>} : memref<80x128xi32, #tpu.memory_space<vmem>>, vector<1x16xi32>,
      %get3A_406 = vector.shape_cast %get3A_405 : vector<1x16xi32> to vector<16xi32>
      %shift_right_logical3A_407 = arith.constant 14 : i32
      %shift_right_logical3A_408 = vector.broadcast %shift_right_logical3A_407 : i32 to vector<16xi32>
      %shift_right_logical3A_409 = arith.shrui %get3A_406, %shift_right_logical3A_408 : vector<16xi32>
      %swap3A_410 = arith.constant 3 : i32
      %swap3A_411 = arith.index_cast %swap3A_410 : i32 to index
      %swap3A_412 = arith.constant 48 : index
      %swap3A_413 = tpu.vector_load %arg10[%swap3A_411, %swap3A_412] {strides = array<i32>} : memref<4x64xi32, #tpu.memory_space<vmem>>, vector<1x16xi32>,
      %swap3A_414 = vector.shape_cast %swap3A_413 : vector<1x16xi32> to vector<16xi32>
      %swap3A_415 = vector.shape_cast %shift_right_logical3A_409 : vector<16xi32> to vector<1x16xi32>
      tpu.vector_store %arg10[%swap3A_411, %swap3A_412], %swap3A_415 {strides = array<i32>} : memref<4x64xi32, #tpu.memory_space<vmem>>, vector<1x16xi32>,
      %and3A_416 = arith.constant 16383 : i32
      %and3A_417 = vector.broadcast %and3A_416 : i32 to vector<16xi32>
      %and3A_418 = arith.andi %get3A_406, %and3A_417 : vector<16xi32>
      %swap3A_419 = arith.constant 3 : i32
      %swap3A_420 = arith.index_cast %swap3A_419 : i32 to index
      %swap3A_421 = arith.constant 48 : index
      %swap3A_422 = tpu.vector_load %arg11[%swap3A_420, %swap3A_421] {strides = array<i32>} : memref<4x64xi32, #tpu.memory_space<vmem>>, vector<1x16xi32>,
      %swap3A_423 = vector.shape_cast %swap3A_422 : vector<1x16xi32> to vector<16xi32>
      %swap3A_424 = vector.shape_cast %and3A_418 : vector<16xi32> to vector<1x16xi32>
      tpu.vector_store %arg11[%swap3A_420, %swap3A_421], %swap3A_424 {strides = array<i32>} : memref<4x64xi32, #tpu.memory_space<vmem>>, vector<1x16xi32>,
      %dma_start3A_425 = arith.constant 3 : i32
      %dma_start3A_426 = arith.constant 3 : i32
      %dma_start3A_427 = arith.constant 3 : i32
      %dma_start3A_428 = arith.constant 0 : i32
      %dma_start3A_429 = arith.constant 0 : i32
      %dma_start3A_430 = tpu.memref_slice %arg9[%dma_start3A_426, %dma_start3A_428, %dma_start3A_429] : memref<4x64x128xf32, #tpu.memory_space<vmem>> -> memref<1x64x128xf32, #tpu.memory_space<vmem>>
      %dma_start3A_431 = tpu.memref_squeeze %dma_start3A_430 : memref<1x64x128xf32, #tpu.memory_space<vmem>> -> memref<64x128xf32, #tpu.memory_space<vmem>>
      %dma_start3A_432 = arith.constant 0 : i32
      %dma_start3A_433 = tpu.memref_slice %arg10[%dma_start3A_425, %dma_start3A_432] : memref<4x64xi32, #tpu.memory_space<vmem>> -> memref<1x64xi32, #tpu.memory_space<vmem>>
      %dma_start3A_434 = tpu.memref_squeeze %dma_start3A_433 : memref<1x64xi32, #tpu.memory_space<vmem>> -> memref<64xi32, #tpu.memory_space<vmem>>
      %dma_start3A_435 = arith.constant 0 : i32
      %dma_start3A_436 = arith.constant 0 : i32
      %dma_start3A_437 = tpu.memref_slice %arg3[%dma_start3A_435, %dma_start3A_436] : memref<10000x128xf32, #tpu.memory_space<hbm>> -> memref<10000x128xf32, #tpu.memory_space<hbm>>
      %dma_start3A_438 = tpu.memref_slice %arg12[%dma_start3A_427] : memref<4x!tpu.dma_semaphore, #tpu.memory_space<semaphore_mem>> -> memref<1x!tpu.dma_semaphore, #tpu.memory_space<semaphore_mem>>
      %dma_start3A_439 = tpu.memref_squeeze %dma_start3A_438 : memref<1x!tpu.dma_semaphore, #tpu.memory_space<semaphore_mem>> -> memref<!tpu.dma_semaphore, #tpu.memory_space<semaphore_mem>>
      tpu.enqueue_indirect_dma source(%dma_start3A_437 : memref<10000x128xf32, #tpu.memory_space<hbm>>) target(%dma_start3A_431 : memref<64x128xf32, #tpu.memory_space<vmem>>) offsets(%dma_start3A_434 : memref<64xi32, #tpu.memory_space<vmem>>) semaphore(%dma_start3A_439 : memref<!tpu.dma_semaphore, #tpu.memory_space<semaphore_mem>>)
      %scan3A = arith.constant 0 : i32
      %scan3A_440 = arith.constant 0 : i32
      %scan3A_441 = arith.constant 40 : i32
      %scan3A_442 = arith.addi %scan3A_440, %scan3A_441 : i32
      %scan3A_443 = arith.constant 1 : i32
      scf.for %scan3A_456 = %scan3A_440 to %scan3A_442 step %scan3A_443  : i32 {
        %mul3A_457 = arith.constant 4 : i32
        %mul3A_458 = arith.muli %scan3A_456, %mul3A_457 : i32
        %dma_wait3A = arith.constant 0 : i32
        %dma_wait3A_459 = arith.constant 0 : i32
        %dma_wait3A_460 = arith.constant 0 : i32
        %dma_wait3A_461 = arith.constant 0 : i32
        %dma_wait3A_462 = arith.constant 0 : i32
        %dma_wait3A_463 = tpu.memref_slice %arg9[%dma_wait3A_459, %dma_wait3A_461, %dma_wait3A_462] : memref<4x64x128xf32, #tpu.memory_space<vmem>> -> memref<1x64x128xf32, #tpu.memory_space<vmem>>
        %dma_wait3A_464 = tpu.memref_squeeze %dma_wait3A_463 : memref<1x64x128xf32, #tpu.memory_space<vmem>> -> memref<64x128xf32, #tpu.memory_space<vmem>>
        %dma_wait3A_465 = arith.constant 0 : i32
        %dma_wait3A_466 = tpu.memref_slice %arg10[%dma_wait3A, %dma_wait3A_465] : memref<4x64xi32, #tpu.memory_space<vmem>> -> memref<1x64xi32, #tpu.memory_space<vmem>>
        %dma_wait3A_467 = tpu.memref_squeeze %dma_wait3A_466 : memref<1x64xi32, #tpu.memory_space<vmem>> -> memref<64xi32, #tpu.memory_space<vmem>>
        %dma_wait3A_468 = arith.constant 0 : i32
        %dma_wait3A_469 = arith.constant 0 : i32
        %dma_wait3A_470 = tpu.memref_slice %arg3[%dma_wait3A_468, %dma_wait3A_469] : memref<10000x128xf32, #tpu.memory_space<hbm>> -> memref<10000x128xf32, #tpu.memory_space<hbm>>
        %dma_wait3A_471 = tpu.memref_slice %arg12[%dma_wait3A_460] : memref<4x!tpu.dma_semaphore, #tpu.memory_space<semaphore_mem>> -> memref<1x!tpu.dma_semaphore, #tpu.memory_space<semaphore_mem>>
        %dma_wait3A_472 = tpu.memref_squeeze %dma_wait3A_471 : memref<1x!tpu.dma_semaphore, #tpu.memory_space<semaphore_mem>> -> memref<!tpu.dma_semaphore, #tpu.memory_space<semaphore_mem>>
        tpu.wait_indirect_dma semaphore(%dma_wait3A_472 : memref<!tpu.dma_semaphore, #tpu.memory_space<semaphore_mem>>) src(%dma_wait3A_470 : memref<10000x128xf32, #tpu.memory_space<hbm>>) dst(%dma_wait3A_464 : memref<64x128xf32, #tpu.memory_space<vmem>>)
        %dma_start3A_473 = arith.constant 0 : i32
        %dma_start3A_474 = arith.constant 0 : i32
        %dma_start3A_475 = arith.constant 0 : i32
        %dma_start3A_476 = arith.constant 0 : i32
        %dma_start3A_477 = arith.constant 0 : i32
        %dma_start3A_478 = tpu.memref_slice %arg9[%dma_start3A_473, %dma_start3A_476, %dma_start3A_477] : memref<4x64x128xf32, #tpu.memory_space<vmem>> -> memref<1x64x128xf32, #tpu.memory_space<vmem>>
        %dma_start3A_479 = tpu.memref_squeeze %dma_start3A_478 : memref<1x64x128xf32, #tpu.memory_space<vmem>> -> memref<64x128xf32, #tpu.memory_space<vmem>>
        %dma_start3A_480 = arith.constant 0 : i32
        %dma_start3A_481 = tpu.memref_slice %arg11[%dma_start3A_474, %dma_start3A_480] : memref<4x64xi32, #tpu.memory_space<vmem>> -> memref<1x64xi32, #tpu.memory_space<vmem>>
        %dma_start3A_482 = tpu.memref_squeeze %dma_start3A_481 : memref<1x64xi32, #tpu.memory_space<vmem>> -> memref<64xi32, #tpu.memory_space<vmem>>
        %dma_start3A_483 = arith.constant 0 : i32
        %dma_start3A_484 = arith.constant 0 : i32
        %dma_start3A_485 = tpu.memref_slice %arg7[%dma_start3A_483, %dma_start3A_484] : memref<10008x128xf32, #tpu.memory_space<vmem_shared>> -> memref<10008x128xf32, #tpu.memory_space<vmem_shared>>
        %dma_start3A_486 = tpu.memref_slice %arg13[%dma_start3A_475] : memref<4x!tpu.dma_semaphore, #tpu.memory_space<semaphore_mem>> -> memref<1x!tpu.dma_semaphore, #tpu.memory_space<semaphore_mem>>
        %dma_start3A_487 = tpu.memref_squeeze %dma_start3A_486 : memref<1x!tpu.dma_semaphore, #tpu.memory_space<semaphore_mem>> -> memref<!tpu.dma_semaphore, #tpu.memory_space<semaphore_mem>>
        tpu.enqueue_indirect_dma source(%dma_start3A_479 : memref<64x128xf32, #tpu.memory_space<vmem>>) target(%dma_start3A_485 : memref<10008x128xf32, #tpu.memory_space<vmem_shared>>) offsets(%dma_start3A_482 : memref<64xi32, #tpu.memory_space<vmem>>) semaphore(%dma_start3A_487 : memref<!tpu.dma_semaphore, #tpu.memory_space<semaphore_mem>>) {add = true}
        %dma_wait3A_488 = arith.constant 1 : i32
        %dma_wait3A_489 = arith.constant 1 : i32
        %dma_wait3A_490 = arith.constant 1 : i32
        %dma_wait3A_491 = arith.constant 0 : i32
        %dma_wait3A_492 = arith.constant 0 : i32
        %dma_wait3A_493 = tpu.memref_slice %arg9[%dma_wait3A_489, %dma_wait3A_491, %dma_wait3A_492] : memref<4x64x128xf32, #tpu.memory_space<vmem>> -> memref<1x64x128xf32, #tpu.memory_space<vmem>>
        %dma_wait3A_494 = tpu.memref_squeeze %dma_wait3A_493 : memref<1x64x128xf32, #tpu.memory_space<vmem>> -> memref<64x128xf32, #tpu.memory_space<vmem>>
        %dma_wait3A_495 = arith.constant 0 : i32
        %dma_wait3A_496 = tpu.memref_slice %arg10[%dma_wait3A_488, %dma_wait3A_495] : memref<4x64xi32, #tpu.memory_space<vmem>> -> memref<1x64xi32, #tpu.memory_space<vmem>>
        %dma_wait3A_497 = tpu.memref_squeeze %dma_wait3A_496 : memref<1x64xi32, #tpu.memory_space<vmem>> -> memref<64xi32, #tpu.memory_space<vmem>>
        %dma_wait3A_498 = arith.constant 0 : i32
        %dma_wait3A_499 = arith.constant 0 : i32
        %dma_wait3A_500 = tpu.memref_slice %arg3[%dma_wait3A_498, %dma_wait3A_499] : memref<10000x128xf32, #tpu.memory_space<hbm>> -> memref<10000x128xf32, #tpu.memory_space<hbm>>
        %dma_wait3A_501 = tpu.memref_slice %arg12[%dma_wait3A_490] : memref<4x!tpu.dma_semaphore, #tpu.memory_space<semaphore_mem>> -> memref<1x!tpu.dma_semaphore, #tpu.memory_space<semaphore_mem>>
        %dma_wait3A_502 = tpu.memref_squeeze %dma_wait3A_501 : memref<1x!tpu.dma_semaphore, #tpu.memory_space<semaphore_mem>> -> memref<!tpu.dma_semaphore, #tpu.memory_space<semaphore_mem>>
        tpu.wait_indirect_dma semaphore(%dma_wait3A_502 : memref<!tpu.dma_semaphore, #tpu.memory_space<semaphore_mem>>) src(%dma_wait3A_500 : memref<10000x128xf32, #tpu.memory_space<hbm>>) dst(%dma_wait3A_494 : memref<64x128xf32, #tpu.memory_space<vmem>>)
        %dma_start3A_503 = arith.constant 1 : i32
        %dma_start3A_504 = arith.constant 1 : i32
        %dma_start3A_505 = arith.constant 1 : i32
        %dma_start3A_506 = arith.constant 0 : i32
        %dma_start3A_507 = arith.constant 0 : i32
        %dma_start3A_508 = tpu.memref_slice %arg9[%dma_start3A_503, %dma_start3A_506, %dma_start3A_507] : memref<4x64x128xf32, #tpu.memory_space<vmem>> -> memref<1x64x128xf32, #tpu.memory_space<vmem>>
        %dma_start3A_509 = tpu.memref_squeeze %dma_start3A_508 : memref<1x64x128xf32, #tpu.memory_space<vmem>> -> memref<64x128xf32, #tpu.memory_space<vmem>>
        %dma_start3A_510 = arith.constant 0 : i32
        %dma_start3A_511 = tpu.memref_slice %arg11[%dma_start3A_504, %dma_start3A_510] : memref<4x64xi32, #tpu.memory_space<vmem>> -> memref<1x64xi32, #tpu.memory_space<vmem>>
        %dma_start3A_512 = tpu.memref_squeeze %dma_start3A_511 : memref<1x64xi32, #tpu.memory_space<vmem>> -> memref<64xi32, #tpu.memory_space<vmem>>
        %dma_start3A_513 = arith.constant 0 : i32
        %dma_start3A_514 = arith.constant 0 : i32
        %dma_start3A_515 = tpu.memref_slice %arg7[%dma_start3A_513, %dma_start3A_514] : memref<10008x128xf32, #tpu.memory_space<vmem_shared>> -> memref<10008x128xf32, #tpu.memory_space<vmem_shared>>
        %dma_start3A_516 = tpu.memref_slice %arg13[%dma_start3A_505] : memref<4x!tpu.dma_semaphore, #tpu.memory_space<semaphore_mem>> -> memref<1x!tpu.dma_semaphore, #tpu.memory_space<semaphore_mem>>
        %dma_start3A_517 = tpu.memref_squeeze %dma_start3A_516 : memref<1x!tpu.dma_semaphore, #tpu.memory_space<semaphore_mem>> -> memref<!tpu.dma_semaphore, #tpu.memory_space<semaphore_mem>>
        tpu.enqueue_indirect_dma source(%dma_start3A_509 : memref<64x128xf32, #tpu.memory_space<vmem>>) target(%dma_start3A_515 : memref<10008x128xf32, #tpu.memory_space<vmem_shared>>) offsets(%dma_start3A_512 : memref<64xi32, #tpu.memory_space<vmem>>) semaphore(%dma_start3A_517 : memref<!tpu.dma_semaphore, #tpu.memory_space<semaphore_mem>>) {add = true}
        %dma_wait3A_518 = arith.constant 2 : i32
        %dma_wait3A_519 = arith.constant 2 : i32
        %dma_wait3A_520 = arith.constant 2 : i32
        %dma_wait3A_521 = arith.constant 0 : i32
        %dma_wait3A_522 = arith.constant 0 : i32
        %dma_wait3A_523 = tpu.memref_slice %arg9[%dma_wait3A_519, %dma_wait3A_521, %dma_wait3A_522] : memref<4x64x128xf32, #tpu.memory_space<vmem>> -> memref<1x64x128xf32, #tpu.memory_space<vmem>>
        %dma_wait3A_524 = tpu.memref_squeeze %dma_wait3A_523 : memref<1x64x128xf32, #tpu.memory_space<vmem>> -> memref<64x128xf32, #tpu.memory_space<vmem>>
        %dma_wait3A_525 = arith.constant 0 : i32
        %dma_wait3A_526 = tpu.memref_slice %arg10[%dma_wait3A_518, %dma_wait3A_525] : memref<4x64xi32, #tpu.memory_space<vmem>> -> memref<1x64xi32, #tpu.memory_space<vmem>>
        %dma_wait3A_527 = tpu.memref_squeeze %dma_wait3A_526 : memref<1x64xi32, #tpu.memory_space<vmem>> -> memref<64xi32, #tpu.memory_space<vmem>>
        %dma_wait3A_528 = arith.constant 0 : i32
        %dma_wait3A_529 = arith.constant 0 : i32
        %dma_wait3A_530 = tpu.memref_slice %arg3[%dma_wait3A_528, %dma_wait3A_529] : memref<10000x128xf32, #tpu.memory_space<hbm>> -> memref<10000x128xf32, #tpu.memory_space<hbm>>
        %dma_wait3A_531 = tpu.memref_slice %arg12[%dma_wait3A_520] : memref<4x!tpu.dma_semaphore, #tpu.memory_space<semaphore_mem>> -> memref<1x!tpu.dma_semaphore, #tpu.memory_space<semaphore_mem>>
        %dma_wait3A_532 = tpu.memref_squeeze %dma_wait3A_531 : memref<1x!tpu.dma_semaphore, #tpu.memory_space<semaphore_mem>> -> memref<!tpu.dma_semaphore, #tpu.memory_space<semaphore_mem>>
        tpu.wait_indirect_dma semaphore(%dma_wait3A_532 : memref<!tpu.dma_semaphore, #tpu.memory_space<semaphore_mem>>) src(%dma_wait3A_530 : memref<10000x128xf32, #tpu.memory_space<hbm>>) dst(%dma_wait3A_524 : memref<64x128xf32, #tpu.memory_space<vmem>>)
        %dma_start3A_533 = arith.constant 2 : i32
        %dma_start3A_534 = arith.constant 2 : i32
        %dma_start3A_535 = arith.constant 2 : i32
        %dma_start3A_536 = arith.constant 0 : i32
        %dma_start3A_537 = arith.constant 0 : i32
        %dma_start3A_538 = tpu.memref_slice %arg9[%dma_start3A_533, %dma_start3A_536, %dma_start3A_537] : memref<4x64x128xf32, #tpu.memory_space<vmem>> -> memref<1x64x128xf32, #tpu.memory_space<vmem>>
        %dma_start3A_539 = tpu.memref_squeeze %dma_start3A_538 : memref<1x64x128xf32, #tpu.memory_space<vmem>> -> memref<64x128xf32, #tpu.memory_space<vmem>>
        %dma_start3A_540 = arith.constant 0 : i32
        %dma_start3A_541 = tpu.memref_slice %arg11[%dma_start3A_534, %dma_start3A_540] : memref<4x64xi32, #tpu.memory_space<vmem>> -> memref<1x64xi32, #tpu.memory_space<vmem>>
        %dma_start3A_542 = tpu.memref_squeeze %dma_start3A_541 : memref<1x64xi32, #tpu.memory_space<vmem>> -> memref<64xi32, #tpu.memory_space<vmem>>
        %dma_start3A_543 = arith.constant 0 : i32
        %dma_start3A_544 = arith.constant 0 : i32
        %dma_start3A_545 = tpu.memref_slice %arg7[%dma_start3A_543, %dma_start3A_544] : memref<10008x128xf32, #tpu.memory_space<vmem_shared>> -> memref<10008x128xf32, #tpu.memory_space<vmem_shared>>
        %dma_start3A_546 = tpu.memref_slice %arg13[%dma_start3A_535] : memref<4x!tpu.dma_semaphore, #tpu.memory_space<semaphore_mem>> -> memref<1x!tpu.dma_semaphore, #tpu.memory_space<semaphore_mem>>
        %dma_start3A_547 = tpu.memref_squeeze %dma_start3A_546 : memref<1x!tpu.dma_semaphore, #tpu.memory_space<semaphore_mem>> -> memref<!tpu.dma_semaphore, #tpu.memory_space<semaphore_mem>>
        tpu.enqueue_indirect_dma source(%dma_start3A_539 : memref<64x128xf32, #tpu.memory_space<vmem>>) target(%dma_start3A_545 : memref<10008x128xf32, #tpu.memory_space<vmem_shared>>) offsets(%dma_start3A_542 : memref<64xi32, #tpu.memory_space<vmem>>) semaphore(%dma_start3A_547 : memref<!tpu.dma_semaphore, #tpu.memory_space<semaphore_mem>>) {add = true}
        %dma_wait3A_548 = arith.constant 3 : i32
        %dma_wait3A_549 = arith.constant 3 : i32
        %dma_wait3A_550 = arith.constant 3 : i32
        %dma_wait3A_551 = arith.constant 0 : i32
        %dma_wait3A_552 = arith.constant 0 : i32
        %dma_wait3A_553 = tpu.memref_slice %arg9[%dma_wait3A_549, %dma_wait3A_551, %dma_wait3A_552] : memref<4x64x128xf32, #tpu.memory_space<vmem>> -> memref<1x64x128xf32, #tpu.memory_space<vmem>>
        %dma_wait3A_554 = tpu.memref_squeeze %dma_wait3A_553 : memref<1x64x128xf32, #tpu.memory_space<vmem>> -> memref<64x128xf32, #tpu.memory_space<vmem>>
        %dma_wait3A_555 = arith.constant 0 : i32
        %dma_wait3A_556 = tpu.memref_slice %arg10[%dma_wait3A_548, %dma_wait3A_555] : memref<4x64xi32, #tpu.memory_space<vmem>> -> memref<1x64xi32, #tpu.memory_space<vmem>>
        %dma_wait3A_557 = tpu.memref_squeeze %dma_wait3A_556 : memref<1x64xi32, #tpu.memory_space<vmem>> -> memref<64xi32, #tpu.memory_space<vmem>>
        %dma_wait3A_558 = arith.constant 0 : i32
        %dma_wait3A_559 = arith.constant 0 : i32
        %dma_wait3A_560 = tpu.memref_slice %arg3[%dma_wait3A_558, %dma_wait3A_559] : memref<10000x128xf32, #tpu.memory_space<hbm>> -> memref<10000x128xf32, #tpu.memory_space<hbm>>
        %dma_wait3A_561 = tpu.memref_slice %arg12[%dma_wait3A_550] : memref<4x!tpu.dma_semaphore, #tpu.memory_space<semaphore_mem>> -> memref<1x!tpu.dma_semaphore, #tpu.memory_space<semaphore_mem>>
        %dma_wait3A_562 = tpu.memref_squeeze %dma_wait3A_561 : memref<1x!tpu.dma_semaphore, #tpu.memory_space<semaphore_mem>> -> memref<!tpu.dma_semaphore, #tpu.memory_space<semaphore_mem>>
        tpu.wait_indirect_dma semaphore(%dma_wait3A_562 : memref<!tpu.dma_semaphore, #tpu.memory_space<semaphore_mem>>) src(%dma_wait3A_560 : memref<10000x128xf32, #tpu.memory_space<hbm>>) dst(%dma_wait3A_554 : memref<64x128xf32, #tpu.memory_space<vmem>>)
        %dma_start3A_563 = arith.constant 3 : i32
        %dma_start3A_564 = arith.constant 3 : i32
        %dma_start3A_565 = arith.constant 3 : i32
        %dma_start3A_566 = arith.constant 0 : i32
        %dma_start3A_567 = arith.constant 0 : i32
        %dma_start3A_568 = tpu.memref_slice %arg9[%dma_start3A_563, %dma_start3A_566, %dma_start3A_567] : memref<4x64x128xf32, #tpu.memory_space<vmem>> -> memref<1x64x128xf32, #tpu.memory_space<vmem>>
        %dma_start3A_569 = tpu.memref_squeeze %dma_start3A_568 : memref<1x64x128xf32, #tpu.memory_space<vmem>> -> memref<64x128xf32, #tpu.memory_space<vmem>>
        %dma_start3A_570 = arith.constant 0 : i32
        %dma_start3A_571 = tpu.memref_slice %arg11[%dma_start3A_564, %dma_start3A_570] : memref<4x64xi32, #tpu.memory_space<vmem>> -> memref<1x64xi32, #tpu.memory_space<vmem>>
        %dma_start3A_572 = tpu.memref_squeeze %dma_start3A_571 : memref<1x64xi32, #tpu.memory_space<vmem>> -> memref<64xi32, #tpu.memory_space<vmem>>
        %dma_start3A_573 = arith.constant 0 : i32
        %dma_start3A_574 = arith.constant 0 : i32
        %dma_start3A_575 = tpu.memref_slice %arg7[%dma_start3A_573, %dma_start3A_574] : memref<10008x128xf32, #tpu.memory_space<vmem_shared>> -> memref<10008x128xf32, #tpu.memory_space<vmem_shared>>
        %dma_start3A_576 = tpu.memref_slice %arg13[%dma_start3A_565] : memref<4x!tpu.dma_semaphore, #tpu.memory_space<semaphore_mem>> -> memref<1x!tpu.dma_semaphore, #tpu.memory_space<semaphore_mem>>
        %dma_start3A_577 = tpu.memref_squeeze %dma_start3A_576 : memref<1x!tpu.dma_semaphore, #tpu.memory_space<semaphore_mem>> -> memref<!tpu.dma_semaphore, #tpu.memory_space<semaphore_mem>>
        tpu.enqueue_indirect_dma source(%dma_start3A_569 : memref<64x128xf32, #tpu.memory_space<vmem>>) target(%dma_start3A_575 : memref<10008x128xf32, #tpu.memory_space<vmem_shared>>) offsets(%dma_start3A_572 : memref<64xi32, #tpu.memory_space<vmem>>) semaphore(%dma_start3A_577 : memref<!tpu.dma_semaphore, #tpu.memory_space<semaphore_mem>>) {add = true}
        %dma_wait3A_578 = arith.constant 0 : i32
        %dma_wait3A_579 = arith.constant 0 : i32
        %dma_wait3A_580 = arith.constant 0 : i32
        %dma_wait3A_581 = arith.constant 0 : i32
        %dma_wait3A_582 = arith.constant 0 : i32
        %dma_wait3A_583 = tpu.memref_slice %arg9[%dma_wait3A_578, %dma_wait3A_581, %dma_wait3A_582] : memref<4x64x128xf32, #tpu.memory_space<vmem>> -> memref<1x64x128xf32, #tpu.memory_space<vmem>>
        %dma_wait3A_584 = tpu.memref_squeeze %dma_wait3A_583 : memref<1x64x128xf32, #tpu.memory_space<vmem>> -> memref<64x128xf32, #tpu.memory_space<vmem>>
        %dma_wait3A_585 = arith.constant 0 : i32
        %dma_wait3A_586 = tpu.memref_slice %arg11[%dma_wait3A_579, %dma_wait3A_585] : memref<4x64xi32, #tpu.memory_space<vmem>> -> memref<1x64xi32, #tpu.memory_space<vmem>>
        %dma_wait3A_587 = tpu.memref_squeeze %dma_wait3A_586 : memref<1x64xi32, #tpu.memory_space<vmem>> -> memref<64xi32, #tpu.memory_space<vmem>>
        %dma_wait3A_588 = arith.constant 0 : i32
        %dma_wait3A_589 = arith.constant 0 : i32
        %dma_wait3A_590 = tpu.memref_slice %arg7[%dma_wait3A_588, %dma_wait3A_589] : memref<10008x128xf32, #tpu.memory_space<vmem_shared>> -> memref<10008x128xf32, #tpu.memory_space<vmem_shared>>
        %dma_wait3A_591 = tpu.memref_slice %arg13[%dma_wait3A_580] : memref<4x!tpu.dma_semaphore, #tpu.memory_space<semaphore_mem>> -> memref<1x!tpu.dma_semaphore, #tpu.memory_space<semaphore_mem>>
        %dma_wait3A_592 = tpu.memref_squeeze %dma_wait3A_591 : memref<1x!tpu.dma_semaphore, #tpu.memory_space<semaphore_mem>> -> memref<!tpu.dma_semaphore, #tpu.memory_space<semaphore_mem>>
        tpu.wait_indirect_dma semaphore(%dma_wait3A_592 : memref<!tpu.dma_semaphore, #tpu.memory_space<semaphore_mem>>) src(%dma_wait3A_584 : memref<64x128xf32, #tpu.memory_space<vmem>>) dst(%dma_wait3A_590 : memref<10008x128xf32, #tpu.memory_space<vmem_shared>>)
        %add3A = arith.constant 4 : i32
        %add3A_593 = arith.addi %mul3A_458, %add3A : i32
        %add3A_594 = arith.constant 0 : i32
        %add3A_595 = arith.addi %add3A_593, %add3A_594 : i32
        %lt3A_596 = arith.constant 160 : i32
        %lt3A_597 = arith.cmpi slt, %add3A_595, %lt3A_596 : i32
        %convert_element_type3A_598 = arith.extui %lt3A_597 : i1 to i32
        %cond3A_599 = arith.constant 0 : i32
        %cond3A_600 = arith.cmpi ne, %convert_element_type3A_598, %cond3A_599 : i32
        scf.if %cond3A_600 {
          %add3A_673 = arith.constant 4 : i32
          %add3A_674 = arith.addi %mul3A_458, %add3A_673 : i32
          %add3A_675 = arith.constant 0 : i32
          %add3A_676 = arith.addi %add3A_674, %add3A_675 : i32
          %jit3A = arith.constant 2 : i32
          %div3A = arith.divsi %add3A_676, %jit3A : i32
          %sign3A = arith.constant 0 : i32
          %sign3A_677 = arith.cmpi sgt, %add3A_676, %sign3A : i32
          %sign3A_678 = arith.extui %sign3A_677 : i1 to i32
          %sign3A_679 = arith.constant 0 : i32
          %sign3A_680 = arith.cmpi slt, %add3A_676, %sign3A_679 : i32
          %sign3A_681 = arith.extui %sign3A_680 : i1 to i32
          %sign3A_682 = arith.subi %sign3A_678, %sign3A_681 : i32
          %sign3A_683 = arith.constant 0 : i32
          %sign3A_684 = arith.cmpi sgt, %jit3A, %sign3A_683 : i32
          %sign3A_685 = arith.extui %sign3A_684 : i1 to i32
          %sign3A_686 = arith.constant 0 : i32
          %sign3A_687 = arith.cmpi slt, %jit3A, %sign3A_686 : i32
          %sign3A_688 = arith.extui %sign3A_687 : i1 to i32
          %sign3A_689 = arith.subi %sign3A_685, %sign3A_688 : i32
          %ne3A = arith.cmpi ne, %sign3A_682, %sign3A_689 : i32
          %rem3A = arith.remsi %add3A_676, %jit3A : i32
          %ne3A_690 = arith.constant 0 : i32
          %ne3A_691 = arith.cmpi ne, %rem3A, %ne3A_690 : i32
          %and3A_692 = arith.andi %ne3A, %ne3A_691 : i1
          %sub3A = arith.constant 1 : i32
          %sub3A_693 = arith.subi %div3A, %sub3A : i32
          %select_n3A = arith.select %and3A_692, %sub3A_693, %div3A : i32
          %jit3A_694 = arith.constant 2 : i32
          %eq3A_695 = arith.constant 0 : i32
          %eq3A_696 = arith.cmpi eq, %jit3A_694, %eq3A_695 : i32
          %jit3A_697 = arith.constant 1 : i32
          %select_n3A_698 = arith.select %eq3A_696, %jit3A_697, %jit3A_694 : i32
          %rem3A_699 = arith.remsi %add3A_676, %select_n3A_698 : i32
          %ne3A_700 = arith.constant 0 : i32
          %ne3A_701 = arith.cmpi ne, %rem3A_699, %ne3A_700 : i32
          %lt3A_702 = arith.constant 0 : i32
          %lt3A_703 = arith.cmpi slt, %rem3A_699, %lt3A_702 : i32
          %lt3A_704 = arith.constant 0 : i32
          %lt3A_705 = arith.cmpi slt, %select_n3A_698, %lt3A_704 : i32
          %ne3A_706 = arith.xori %lt3A_703, %lt3A_705 : i1
          %and3A_707 = arith.andi %ne3A_706, %ne3A_701 : i1
          %add3A_708 = arith.addi %rem3A_699, %select_n3A_698 : i32
          %select_n3A_709 = arith.select %and3A_707, %add3A_708, %rem3A_699 : i32
          %mul3A_710 = arith.constant 64 : i32
          %mul3A_711 = arith.muli %select_n3A_709, %mul3A_710 : i32
          %add3A_712 = arith.constant 0 : i32
          %add3A_713 = arith.addi %mul3A_711, %add3A_712 : i32
          %get3A_714 = arith.index_cast %select_n3A : i32 to index
          %get3A_715 = arith.index_cast %add3A_713 : i32 to index
          %get3A_716 = tpu.vector_load %arg8[%get3A_714, %get3A_715] {strides = array<i32>} : memref<80x128xi32, #tpu.memory_space<vmem>>, vector<1x16xi32>,
          %get3A_717 = vector.shape_cast %get3A_716 : vector<1x16xi32> to vector<16xi32>
          %shift_right_logical3A_718 = arith.constant 14 : i32
          %shift_right_logical3A_719 = vector.broadcast %shift_right_logical3A_718 : i32 to vector<16xi32>
          %shift_right_logical3A_720 = arith.shrui %get3A_717, %shift_right_logical3A_719 : vector<16xi32>
          %swap3A_721 = arith.constant 0 : i32
          %swap3A_722 = arith.index_cast %swap3A_721 : i32 to index
          %swap3A_723 = arith.constant 0 : index
          %swap3A_724 = tpu.vector_load %arg10[%swap3A_722, %swap3A_723] {strides = array<i32>} : memref<4x64xi32, #tpu.memory_space<vmem>>, vector<1x16xi32>,
          %swap3A_725 = vector.shape_cast %swap3A_724 : vector<1x16xi32> to vector<16xi32>
          %swap3A_726 = vector.shape_cast %shift_right_logical3A_720 : vector<16xi32> to vector<1x16xi32>
          tpu.vector_store %arg10[%swap3A_722, %swap3A_723], %swap3A_726 {strides = array<i32>} : memref<4x64xi32, #tpu.memory_space<vmem>>, vector<1x16xi32>,
          %and3A_727 = arith.constant 16383 : i32
          %and3A_728 = vector.broadcast %and3A_727 : i32 to vector<16xi32>
          %and3A_729 = arith.andi %get3A_717, %and3A_728 : vector<16xi32>
          %swap3A_730 = arith.constant 0 : i32
          %swap3A_731 = arith.index_cast %swap3A_730 : i32 to index
          %swap3A_732 = arith.constant 0 : index
          %swap3A_733 = tpu.vector_load %arg11[%swap3A_731, %swap3A_732] {strides = array<i32>} : memref<4x64xi32, #tpu.memory_space<vmem>>, vector<1x16xi32>,
          %swap3A_734 = vector.shape_cast %swap3A_733 : vector<1x16xi32> to vector<16xi32>
          %swap3A_735 = vector.shape_cast %and3A_729 : vector<16xi32> to vector<1x16xi32>
          tpu.vector_store %arg11[%swap3A_731, %swap3A_732], %swap3A_735 {strides = array<i32>} : memref<4x64xi32, #tpu.memory_space<vmem>>, vector<1x16xi32>,
          %add3A_736 = arith.constant 16 : i32
          %add3A_737 = arith.addi %mul3A_711, %add3A_736 : i32
          %get3A_738 = arith.index_cast %select_n3A : i32 to index
          %get3A_739 = arith.index_cast %add3A_737 : i32 to index
          %get3A_740 = tpu.vector_load %arg8[%get3A_738, %get3A_739] {strides = array<i32>} : memref<80x128xi32, #tpu.memory_space<vmem>>, vector<1x16xi32>,
          %get3A_741 = vector.shape_cast %get3A_740 : vector<1x16xi32> to vector<16xi32>
          %shift_right_logical3A_742 = arith.constant 14 : i32
          %shift_right_logical3A_743 = vector.broadcast %shift_right_logical3A_742 : i32 to vector<16xi32>
          %shift_right_logical3A_744 = arith.shrui %get3A_741, %shift_right_logical3A_743 : vector<16xi32>
          %swap3A_745 = arith.constant 0 : i32
          %swap3A_746 = arith.index_cast %swap3A_745 : i32 to index
          %swap3A_747 = arith.constant 16 : index
          %swap3A_748 = tpu.vector_load %arg10[%swap3A_746, %swap3A_747] {strides = array<i32>} : memref<4x64xi32, #tpu.memory_space<vmem>>, vector<1x16xi32>,
          %swap3A_749 = vector.shape_cast %swap3A_748 : vector<1x16xi32> to vector<16xi32>
          %swap3A_750 = vector.shape_cast %shift_right_logical3A_744 : vector<16xi32> to vector<1x16xi32>
          tpu.vector_store %arg10[%swap3A_746, %swap3A_747], %swap3A_750 {strides = array<i32>} : memref<4x64xi32, #tpu.memory_space<vmem>>, vector<1x16xi32>,
          %and3A_751 = arith.constant 16383 : i32
          %and3A_752 = vector.broadcast %and3A_751 : i32 to vector<16xi32>
          %and3A_753 = arith.andi %get3A_741, %and3A_752 : vector<16xi32>
          %swap3A_754 = arith.constant 0 : i32
          %swap3A_755 = arith.index_cast %swap3A_754 : i32 to index
          %swap3A_756 = arith.constant 16 : index
          %swap3A_757 = tpu.vector_load %arg11[%swap3A_755, %swap3A_756] {strides = array<i32>} : memref<4x64xi32, #tpu.memory_space<vmem>>, vector<1x16xi32>,
          %swap3A_758 = vector.shape_cast %swap3A_757 : vector<1x16xi32> to vector<16xi32>
          %swap3A_759 = vector.shape_cast %and3A_753 : vector<16xi32> to vector<1x16xi32>
          tpu.vector_store %arg11[%swap3A_755, %swap3A_756], %swap3A_759 {strides = array<i32>} : memref<4x64xi32, #tpu.memory_space<vmem>>, vector<1x16xi32>,
          %add3A_760 = arith.constant 32 : i32
          %add3A_761 = arith.addi %mul3A_711, %add3A_760 : i32
          %get3A_762 = arith.index_cast %select_n3A : i32 to index
          %get3A_763 = arith.index_cast %add3A_761 : i32 to index
          %get3A_764 = tpu.vector_load %arg8[%get3A_762, %get3A_763] {strides = array<i32>} : memref<80x128xi32, #tpu.memory_space<vmem>>, vector<1x16xi32>,
          %get3A_765 = vector.shape_cast %get3A_764 : vector<1x16xi32> to vector<16xi32>
          %shift_right_logical3A_766 = arith.constant 14 : i32
          %shift_right_logical3A_767 = vector.broadcast %shift_right_logical3A_766 : i32 to vector<16xi32>
          %shift_right_logical3A_768 = arith.shrui %get3A_765, %shift_right_logical3A_767 : vector<16xi32>
          %swap3A_769 = arith.constant 0 : i32
          %swap3A_770 = arith.index_cast %swap3A_769 : i32 to index
          %swap3A_771 = arith.constant 32 : index
          %swap3A_772 = tpu.vector_load %arg10[%swap3A_770, %swap3A_771] {strides = array<i32>} : memref<4x64xi32, #tpu.memory_space<vmem>>, vector<1x16xi32>,
          %swap3A_773 = vector.shape_cast %swap3A_772 : vector<1x16xi32> to vector<16xi32>
          %swap3A_774 = vector.shape_cast %shift_right_logical3A_768 : vector<16xi32> to vector<1x16xi32>
          tpu.vector_store %arg10[%swap3A_770, %swap3A_771], %swap3A_774 {strides = array<i32>} : memref<4x64xi32, #tpu.memory_space<vmem>>, vector<1x16xi32>,
          %and3A_775 = arith.constant 16383 : i32
          %and3A_776 = vector.broadcast %and3A_775 : i32 to vector<16xi32>
          %and3A_777 = arith.andi %get3A_765, %and3A_776 : vector<16xi32>
          %swap3A_778 = arith.constant 0 : i32
          %swap3A_779 = arith.index_cast %swap3A_778 : i32 to index
          %swap3A_780 = arith.constant 32 : index
          %swap3A_781 = tpu.vector_load %arg11[%swap3A_779, %swap3A_780] {strides = array<i32>} : memref<4x64xi32, #tpu.memory_space<vmem>>, vector<1x16xi32>,
          %swap3A_782 = vector.shape_cast %swap3A_781 : vector<1x16xi32> to vector<16xi32>
          %swap3A_783 = vector.shape_cast %and3A_777 : vector<16xi32> to vector<1x16xi32>
          tpu.vector_store %arg11[%swap3A_779, %swap3A_780], %swap3A_783 {strides = array<i32>} : memref<4x64xi32, #tpu.memory_space<vmem>>, vector<1x16xi32>,
          %add3A_784 = arith.constant 48 : i32
          %add3A_785 = arith.addi %mul3A_711, %add3A_784 : i32
          %get3A_786 = arith.index_cast %select_n3A : i32 to index
          %get3A_787 = arith.index_cast %add3A_785 : i32 to index
          %get3A_788 = tpu.vector_load %arg8[%get3A_786, %get3A_787] {strides = array<i32>} : memref<80x128xi32, #tpu.memory_space<vmem>>, vector<1x16xi32>,
          %get3A_789 = vector.shape_cast %get3A_788 : vector<1x16xi32> to vector<16xi32>
          %shift_right_logical3A_790 = arith.constant 14 : i32
          %shift_right_logical3A_791 = vector.broadcast %shift_right_logical3A_790 : i32 to vector<16xi32>
          %shift_right_logical3A_792 = arith.shrui %get3A_789, %shift_right_logical3A_791 : vector<16xi32>
          %swap3A_793 = arith.constant 0 : i32
          %swap3A_794 = arith.index_cast %swap3A_793 : i32 to index
          %swap3A_795 = arith.constant 48 : index
          %swap3A_796 = tpu.vector_load %arg10[%swap3A_794, %swap3A_795] {strides = array<i32>} : memref<4x64xi32, #tpu.memory_space<vmem>>, vector<1x16xi32>,
          %swap3A_797 = vector.shape_cast %swap3A_796 : vector<1x16xi32> to vector<16xi32>
          %swap3A_798 = vector.shape_cast %shift_right_logical3A_792 : vector<16xi32> to vector<1x16xi32>
          tpu.vector_store %arg10[%swap3A_794, %swap3A_795], %swap3A_798 {strides = array<i32>} : memref<4x64xi32, #tpu.memory_space<vmem>>, vector<1x16xi32>,
          %and3A_799 = arith.constant 16383 : i32
          %and3A_800 = vector.broadcast %and3A_799 : i32 to vector<16xi32>
          %and3A_801 = arith.andi %get3A_789, %and3A_800 : vector<16xi32>
          %swap3A_802 = arith.constant 0 : i32
          %swap3A_803 = arith.index_cast %swap3A_802 : i32 to index
          %swap3A_804 = arith.constant 48 : index
          %swap3A_805 = tpu.vector_load %arg11[%swap3A_803, %swap3A_804] {strides = array<i32>} : memref<4x64xi32, #tpu.memory_space<vmem>>, vector<1x16xi32>,
          %swap3A_806 = vector.shape_cast %swap3A_805 : vector<1x16xi32> to vector<16xi32>
          %swap3A_807 = vector.shape_cast %and3A_801 : vector<16xi32> to vector<1x16xi32>
          tpu.vector_store %arg11[%swap3A_803, %swap3A_804], %swap3A_807 {strides = array<i32>} : memref<4x64xi32, #tpu.memory_space<vmem>>, vector<1x16xi32>,
          %dma_start3A_808 = arith.constant 0 : i32
          %dma_start3A_809 = arith.constant 0 : i32
          %dma_start3A_810 = arith.constant 0 : i32
          %dma_start3A_811 = arith.constant 0 : i32
          %dma_start3A_812 = arith.constant 0 : i32
          %dma_start3A_813 = tpu.memref_slice %arg9[%dma_start3A_809, %dma_start3A_811, %dma_start3A_812] : memref<4x64x128xf32, #tpu.memory_space<vmem>> -> memref<1x64x128xf32, #tpu.memory_space<vmem>>
          %dma_start3A_814 = tpu.memref_squeeze %dma_start3A_813 : memref<1x64x128xf32, #tpu.memory_space<vmem>> -> memref<64x128xf32, #tpu.memory_space<vmem>>
          %dma_start3A_815 = arith.constant 0 : i32
          %dma_start3A_816 = tpu.memref_slice %arg10[%dma_start3A_808, %dma_start3A_815] : memref<4x64xi32, #tpu.memory_space<vmem>> -> memref<1x64xi32, #tpu.memory_space<vmem>>
          %dma_start3A_817 = tpu.memref_squeeze %dma_start3A_816 : memref<1x64xi32, #tpu.memory_space<vmem>> -> memref<64xi32, #tpu.memory_space<vmem>>
          %dma_start3A_818 = arith.constant 0 : i32
          %dma_start3A_819 = arith.constant 0 : i32
          %dma_start3A_820 = tpu.memref_slice %arg3[%dma_start3A_818, %dma_start3A_819] : memref<10000x128xf32, #tpu.memory_space<hbm>> -> memref<10000x128xf32, #tpu.memory_space<hbm>>
          %dma_start3A_821 = tpu.memref_slice %arg12[%dma_start3A_810] : memref<4x!tpu.dma_semaphore, #tpu.memory_space<semaphore_mem>> -> memref<1x!tpu.dma_semaphore, #tpu.memory_space<semaphore_mem>>
          %dma_start3A_822 = tpu.memref_squeeze %dma_start3A_821 : memref<1x!tpu.dma_semaphore, #tpu.memory_space<semaphore_mem>> -> memref<!tpu.dma_semaphore, #tpu.memory_space<semaphore_mem>>
          tpu.enqueue_indirect_dma source(%dma_start3A_820 : memref<10000x128xf32, #tpu.memory_space<hbm>>) target(%dma_start3A_814 : memref<64x128xf32, #tpu.memory_space<vmem>>) offsets(%dma_start3A_817 : memref<64xi32, #tpu.memory_space<vmem>>) semaphore(%dma_start3A_822 : memref<!tpu.dma_semaphore, #tpu.memory_space<semaphore_mem>>)
        } else {
        }
        %dma_wait3A_601 = arith.constant 1 : i32
        %dma_wait3A_602 = arith.constant 1 : i32
        %dma_wait3A_603 = arith.constant 1 : i32
        %dma_wait3A_604 = arith.constant 0 : i32
        %dma_wait3A_605 = arith.constant 0 : i32
        %dma_wait3A_606 = tpu.memref_slice %arg9[%dma_wait3A_601, %dma_wait3A_604, %dma_wait3A_605] : memref<4x64x128xf32, #tpu.memory_space<vmem>> -> memref<1x64x128xf32, #tpu.memory_space<vmem>>
        %dma_wait3A_607 = tpu.memref_squeeze %dma_wait3A_606 : memref<1x64x128xf32, #tpu.memory_space<vmem>> -> memref<64x128xf32, #tpu.memory_space<vmem>>
        %dma_wait3A_608 = arith.constant 0 : i32
        %dma_wait3A_609 = tpu.memref_slice %arg11[%dma_wait3A_602, %dma_wait3A_608] : memref<4x64xi32, #tpu.memory_space<vmem>> -> memref<1x64xi32, #tpu.memory_space<vmem>>
        %dma_wait3A_610 = tpu.memref_squeeze %dma_wait3A_609 : memref<1x64xi32, #tpu.memory_space<vmem>> -> memref<64xi32, #tpu.memory_space<vmem>>
        %dma_wait3A_611 = arith.constant 0 : i32
        %dma_wait3A_612 = arith.constant 0 : i32
        %dma_wait3A_613 = tpu.memref_slice %arg7[%dma_wait3A_611, %dma_wait3A_612] : memref<10008x128xf32, #tpu.memory_space<vmem_shared>> -> memref<10008x128xf32, #tpu.memory_space<vmem_shared>>
        %dma_wait3A_614 = tpu.memref_slice %arg13[%dma_wait3A_603] : memref<4x!tpu.dma_semaphore, #tpu.memory_space<semaphore_mem>> -> memref<1x!tpu.dma_semaphore, #tpu.memory_space<semaphore_mem>>
        %dma_wait3A_615 = tpu.memref_squeeze %dma_wait3A_614 : memref<1x!tpu.dma_semaphore, #tpu.memory_space<semaphore_mem>> -> memref<!tpu.dma_semaphore, #tpu.memory_space<semaphore_mem>>
        tpu.wait_indirect_dma semaphore(%dma_wait3A_615 : memref<!tpu.dma_semaphore, #tpu.memory_space<semaphore_mem>>) src(%dma_wait3A_607 : memref<64x128xf32, #tpu.memory_space<vmem>>) dst(%dma_wait3A_613 : memref<10008x128xf32, #tpu.memory_space<vmem_shared>>)
        %add3A_616 = arith.constant 4 : i32
        %add3A_617 = arith.addi %mul3A_458, %add3A_616 : i32
        %add3A_618 = arith.constant 1 : i32
        %add3A_619 = arith.addi %add3A_617, %add3A_618 : i32
        %lt3A_620 = arith.constant 160 : i32
        %lt3A_621 = arith.cmpi slt, %add3A_619, %lt3A_620 : i32
        %convert_element_type3A_622 = arith.extui %lt3A_621 : i1 to i32
        %cond3A_623 = arith.constant 0 : i32
        %cond3A_624 = arith.cmpi ne, %convert_element_type3A_622, %cond3A_623 : i32
        scf.if %cond3A_624 {
          %add3A_673 = arith.constant 4 : i32
          %add3A_674 = arith.addi %mul3A_458, %add3A_673 : i32
          %add3A_675 = arith.constant 1 : i32
          %add3A_676 = arith.addi %add3A_674, %add3A_675 : i32
          %jit3A = arith.constant 2 : i32
          %div3A = arith.divsi %add3A_676, %jit3A : i32
          %sign3A = arith.constant 0 : i32
          %sign3A_677 = arith.cmpi sgt, %add3A_676, %sign3A : i32
          %sign3A_678 = arith.extui %sign3A_677 : i1 to i32
          %sign3A_679 = arith.constant 0 : i32
          %sign3A_680 = arith.cmpi slt, %add3A_676, %sign3A_679 : i32
          %sign3A_681 = arith.extui %sign3A_680 : i1 to i32
          %sign3A_682 = arith.subi %sign3A_678, %sign3A_681 : i32
          %sign3A_683 = arith.constant 0 : i32
          %sign3A_684 = arith.cmpi sgt, %jit3A, %sign3A_683 : i32
          %sign3A_685 = arith.extui %sign3A_684 : i1 to i32
          %sign3A_686 = arith.constant 0 : i32
          %sign3A_687 = arith.cmpi slt, %jit3A, %sign3A_686 : i32
          %sign3A_688 = arith.extui %sign3A_687 : i1 to i32
          %sign3A_689 = arith.subi %sign3A_685, %sign3A_688 : i32
          %ne3A = arith.cmpi ne, %sign3A_682, %sign3A_689 : i32
          %rem3A = arith.remsi %add3A_676, %jit3A : i32
          %ne3A_690 = arith.constant 0 : i32
          %ne3A_691 = arith.cmpi ne, %rem3A, %ne3A_690 : i32
          %and3A_692 = arith.andi %ne3A, %ne3A_691 : i1
          %sub3A = arith.constant 1 : i32
          %sub3A_693 = arith.subi %div3A, %sub3A : i32
          %select_n3A = arith.select %and3A_692, %sub3A_693, %div3A : i32
          %jit3A_694 = arith.constant 2 : i32
          %eq3A_695 = arith.constant 0 : i32
          %eq3A_696 = arith.cmpi eq, %jit3A_694, %eq3A_695 : i32
          %jit3A_697 = arith.constant 1 : i32
          %select_n3A_698 = arith.select %eq3A_696, %jit3A_697, %jit3A_694 : i32
          %rem3A_699 = arith.remsi %add3A_676, %select_n3A_698 : i32
          %ne3A_700 = arith.constant 0 : i32
          %ne3A_701 = arith.cmpi ne, %rem3A_699, %ne3A_700 : i32
          %lt3A_702 = arith.constant 0 : i32
          %lt3A_703 = arith.cmpi slt, %rem3A_699, %lt3A_702 : i32
          %lt3A_704 = arith.constant 0 : i32
          %lt3A_705 = arith.cmpi slt, %select_n3A_698, %lt3A_704 : i32
          %ne3A_706 = arith.xori %lt3A_703, %lt3A_705 : i1
          %and3A_707 = arith.andi %ne3A_706, %ne3A_701 : i1
          %add3A_708 = arith.addi %rem3A_699, %select_n3A_698 : i32
          %select_n3A_709 = arith.select %and3A_707, %add3A_708, %rem3A_699 : i32
          %mul3A_710 = arith.constant 64 : i32
          %mul3A_711 = arith.muli %select_n3A_709, %mul3A_710 : i32
          %add3A_712 = arith.constant 0 : i32
          %add3A_713 = arith.addi %mul3A_711, %add3A_712 : i32
          %get3A_714 = arith.index_cast %select_n3A : i32 to index
          %get3A_715 = arith.index_cast %add3A_713 : i32 to index
          %get3A_716 = tpu.vector_load %arg8[%get3A_714, %get3A_715] {strides = array<i32>} : memref<80x128xi32, #tpu.memory_space<vmem>>, vector<1x16xi32>,
          %get3A_717 = vector.shape_cast %get3A_716 : vector<1x16xi32> to vector<16xi32>
          %shift_right_logical3A_718 = arith.constant 14 : i32
          %shift_right_logical3A_719 = vector.broadcast %shift_right_logical3A_718 : i32 to vector<16xi32>
          %shift_right_logical3A_720 = arith.shrui %get3A_717, %shift_right_logical3A_719 : vector<16xi32>
          %swap3A_721 = arith.constant 1 : i32
          %swap3A_722 = arith.index_cast %swap3A_721 : i32 to index
          %swap3A_723 = arith.constant 0 : index
          %swap3A_724 = tpu.vector_load %arg10[%swap3A_722, %swap3A_723] {strides = array<i32>} : memref<4x64xi32, #tpu.memory_space<vmem>>, vector<1x16xi32>,
          %swap3A_725 = vector.shape_cast %swap3A_724 : vector<1x16xi32> to vector<16xi32>
          %swap3A_726 = vector.shape_cast %shift_right_logical3A_720 : vector<16xi32> to vector<1x16xi32>
          tpu.vector_store %arg10[%swap3A_722, %swap3A_723], %swap3A_726 {strides = array<i32>} : memref<4x64xi32, #tpu.memory_space<vmem>>, vector<1x16xi32>,
          %and3A_727 = arith.constant 16383 : i32
          %and3A_728 = vector.broadcast %and3A_727 : i32 to vector<16xi32>
          %and3A_729 = arith.andi %get3A_717, %and3A_728 : vector<16xi32>
          %swap3A_730 = arith.constant 1 : i32
          %swap3A_731 = arith.index_cast %swap3A_730 : i32 to index
          %swap3A_732 = arith.constant 0 : index
          %swap3A_733 = tpu.vector_load %arg11[%swap3A_731, %swap3A_732] {strides = array<i32>} : memref<4x64xi32, #tpu.memory_space<vmem>>, vector<1x16xi32>,
          %swap3A_734 = vector.shape_cast %swap3A_733 : vector<1x16xi32> to vector<16xi32>
          %swap3A_735 = vector.shape_cast %and3A_729 : vector<16xi32> to vector<1x16xi32>
          tpu.vector_store %arg11[%swap3A_731, %swap3A_732], %swap3A_735 {strides = array<i32>} : memref<4x64xi32, #tpu.memory_space<vmem>>, vector<1x16xi32>,
          %add3A_736 = arith.constant 16 : i32
          %add3A_737 = arith.addi %mul3A_711, %add3A_736 : i32
          %get3A_738 = arith.index_cast %select_n3A : i32 to index
          %get3A_739 = arith.index_cast %add3A_737 : i32 to index
          %get3A_740 = tpu.vector_load %arg8[%get3A_738, %get3A_739] {strides = array<i32>} : memref<80x128xi32, #tpu.memory_space<vmem>>, vector<1x16xi32>,
          %get3A_741 = vector.shape_cast %get3A_740 : vector<1x16xi32> to vector<16xi32>
          %shift_right_logical3A_742 = arith.constant 14 : i32
          %shift_right_logical3A_743 = vector.broadcast %shift_right_logical3A_742 : i32 to vector<16xi32>
          %shift_right_logical3A_744 = arith.shrui %get3A_741, %shift_right_logical3A_743 : vector<16xi32>
          %swap3A_745 = arith.constant 1 : i32
          %swap3A_746 = arith.index_cast %swap3A_745 : i32 to index
          %swap3A_747 = arith.constant 16 : index
          %swap3A_748 = tpu.vector_load %arg10[%swap3A_746, %swap3A_747] {strides = array<i32>} : memref<4x64xi32, #tpu.memory_space<vmem>>, vector<1x16xi32>,
          %swap3A_749 = vector.shape_cast %swap3A_748 : vector<1x16xi32> to vector<16xi32>
          %swap3A_750 = vector.shape_cast %shift_right_logical3A_744 : vector<16xi32> to vector<1x16xi32>
          tpu.vector_store %arg10[%swap3A_746, %swap3A_747], %swap3A_750 {strides = array<i32>} : memref<4x64xi32, #tpu.memory_space<vmem>>, vector<1x16xi32>,
          %and3A_751 = arith.constant 16383 : i32
          %and3A_752 = vector.broadcast %and3A_751 : i32 to vector<16xi32>
          %and3A_753 = arith.andi %get3A_741, %and3A_752 : vector<16xi32>
          %swap3A_754 = arith.constant 1 : i32
          %swap3A_755 = arith.index_cast %swap3A_754 : i32 to index
          %swap3A_756 = arith.constant 16 : index
          %swap3A_757 = tpu.vector_load %arg11[%swap3A_755, %swap3A_756] {strides = array<i32>} : memref<4x64xi32, #tpu.memory_space<vmem>>, vector<1x16xi32>,
          %swap3A_758 = vector.shape_cast %swap3A_757 : vector<1x16xi32> to vector<16xi32>
          %swap3A_759 = vector.shape_cast %and3A_753 : vector<16xi32> to vector<1x16xi32>
          tpu.vector_store %arg11[%swap3A_755, %swap3A_756], %swap3A_759 {strides = array<i32>} : memref<4x64xi32, #tpu.memory_space<vmem>>, vector<1x16xi32>,
          %add3A_760 = arith.constant 32 : i32
          %add3A_761 = arith.addi %mul3A_711, %add3A_760 : i32
          %get3A_762 = arith.index_cast %select_n3A : i32 to index
          %get3A_763 = arith.index_cast %add3A_761 : i32 to index
          %get3A_764 = tpu.vector_load %arg8[%get3A_762, %get3A_763] {strides = array<i32>} : memref<80x128xi32, #tpu.memory_space<vmem>>, vector<1x16xi32>,
          %get3A_765 = vector.shape_cast %get3A_764 : vector<1x16xi32> to vector<16xi32>
          %shift_right_logical3A_766 = arith.constant 14 : i32
          %shift_right_logical3A_767 = vector.broadcast %shift_right_logical3A_766 : i32 to vector<16xi32>
          %shift_right_logical3A_768 = arith.shrui %get3A_765, %shift_right_logical3A_767 : vector<16xi32>
          %swap3A_769 = arith.constant 1 : i32
          %swap3A_770 = arith.index_cast %swap3A_769 : i32 to index
          %swap3A_771 = arith.constant 32 : index
          %swap3A_772 = tpu.vector_load %arg10[%swap3A_770, %swap3A_771] {strides = array<i32>} : memref<4x64xi32, #tpu.memory_space<vmem>>, vector<1x16xi32>,
          %swap3A_773 = vector.shape_cast %swap3A_772 : vector<1x16xi32> to vector<16xi32>
          %swap3A_774 = vector.shape_cast %shift_right_logical3A_768 : vector<16xi32> to vector<1x16xi32>
          tpu.vector_store %arg10[%swap3A_770, %swap3A_771], %swap3A_774 {strides = array<i32>} : memref<4x64xi32, #tpu.memory_space<vmem>>, vector<1x16xi32>,
          %and3A_775 = arith.constant 16383 : i32
          %and3A_776 = vector.broadcast %and3A_775 : i32 to vector<16xi32>
          %and3A_777 = arith.andi %get3A_765, %and3A_776 : vector<16xi32>
          %swap3A_778 = arith.constant 1 : i32
          %swap3A_779 = arith.index_cast %swap3A_778 : i32 to index
          %swap3A_780 = arith.constant 32 : index
          %swap3A_781 = tpu.vector_load %arg11[%swap3A_779, %swap3A_780] {strides = array<i32>} : memref<4x64xi32, #tpu.memory_space<vmem>>, vector<1x16xi32>,
          %swap3A_782 = vector.shape_cast %swap3A_781 : vector<1x16xi32> to vector<16xi32>
          %swap3A_783 = vector.shape_cast %and3A_777 : vector<16xi32> to vector<1x16xi32>
          tpu.vector_store %arg11[%swap3A_779, %swap3A_780], %swap3A_783 {strides = array<i32>} : memref<4x64xi32, #tpu.memory_space<vmem>>, vector<1x16xi32>,
          %add3A_784 = arith.constant 48 : i32
          %add3A_785 = arith.addi %mul3A_711, %add3A_784 : i32
          %get3A_786 = arith.index_cast %select_n3A : i32 to index
          %get3A_787 = arith.index_cast %add3A_785 : i32 to index
          %get3A_788 = tpu.vector_load %arg8[%get3A_786, %get3A_787] {strides = array<i32>} : memref<80x128xi32, #tpu.memory_space<vmem>>, vector<1x16xi32>,
          %get3A_789 = vector.shape_cast %get3A_788 : vector<1x16xi32> to vector<16xi32>
          %shift_right_logical3A_790 = arith.constant 14 : i32
          %shift_right_logical3A_791 = vector.broadcast %shift_right_logical3A_790 : i32 to vector<16xi32>
          %shift_right_logical3A_792 = arith.shrui %get3A_789, %shift_right_logical3A_791 : vector<16xi32>
          %swap3A_793 = arith.constant 1 : i32
          %swap3A_794 = arith.index_cast %swap3A_793 : i32 to index
          %swap3A_795 = arith.constant 48 : index
          %swap3A_796 = tpu.vector_load %arg10[%swap3A_794, %swap3A_795] {strides = array<i32>} : memref<4x64xi32, #tpu.memory_space<vmem>>, vector<1x16xi32>,
          %swap3A_797 = vector.shape_cast %swap3A_796 : vector<1x16xi32> to vector<16xi32>
          %swap3A_798 = vector.shape_cast %shift_right_logical3A_792 : vector<16xi32> to vector<1x16xi32>
          tpu.vector_store %arg10[%swap3A_794, %swap3A_795], %swap3A_798 {strides = array<i32>} : memref<4x64xi32, #tpu.memory_space<vmem>>, vector<1x16xi32>,
          %and3A_799 = arith.constant 16383 : i32
          %and3A_800 = vector.broadcast %and3A_799 : i32 to vector<16xi32>
          %and3A_801 = arith.andi %get3A_789, %and3A_800 : vector<16xi32>
          %swap3A_802 = arith.constant 1 : i32
          %swap3A_803 = arith.index_cast %swap3A_802 : i32 to index
          %swap3A_804 = arith.constant 48 : index
          %swap3A_805 = tpu.vector_load %arg11[%swap3A_803, %swap3A_804] {strides = array<i32>} : memref<4x64xi32, #tpu.memory_space<vmem>>, vector<1x16xi32>,
          %swap3A_806 = vector.shape_cast %swap3A_805 : vector<1x16xi32> to vector<16xi32>
          %swap3A_807 = vector.shape_cast %and3A_801 : vector<16xi32> to vector<1x16xi32>
          tpu.vector_store %arg11[%swap3A_803, %swap3A_804], %swap3A_807 {strides = array<i32>} : memref<4x64xi32, #tpu.memory_space<vmem>>, vector<1x16xi32>,
          %dma_start3A_808 = arith.constant 1 : i32
          %dma_start3A_809 = arith.constant 1 : i32
          %dma_start3A_810 = arith.constant 1 : i32
          %dma_start3A_811 = arith.constant 0 : i32
          %dma_start3A_812 = arith.constant 0 : i32
          %dma_start3A_813 = tpu.memref_slice %arg9[%dma_start3A_809, %dma_start3A_811, %dma_start3A_812] : memref<4x64x128xf32, #tpu.memory_space<vmem>> -> memref<1x64x128xf32, #tpu.memory_space<vmem>>
          %dma_start3A_814 = tpu.memref_squeeze %dma_start3A_813 : memref<1x64x128xf32, #tpu.memory_space<vmem>> -> memref<64x128xf32, #tpu.memory_space<vmem>>
          %dma_start3A_815 = arith.constant 0 : i32
          %dma_start3A_816 = tpu.memref_slice %arg10[%dma_start3A_808, %dma_start3A_815] : memref<4x64xi32, #tpu.memory_space<vmem>> -> memref<1x64xi32, #tpu.memory_space<vmem>>
          %dma_start3A_817 = tpu.memref_squeeze %dma_start3A_816 : memref<1x64xi32, #tpu.memory_space<vmem>> -> memref<64xi32, #tpu.memory_space<vmem>>
          %dma_start3A_818 = arith.constant 0 : i32
          %dma_start3A_819 = arith.constant 0 : i32
          %dma_start3A_820 = tpu.memref_slice %arg3[%dma_start3A_818, %dma_start3A_819] : memref<10000x128xf32, #tpu.memory_space<hbm>> -> memref<10000x128xf32, #tpu.memory_space<hbm>>
          %dma_start3A_821 = tpu.memref_slice %arg12[%dma_start3A_810] : memref<4x!tpu.dma_semaphore, #tpu.memory_space<semaphore_mem>> -> memref<1x!tpu.dma_semaphore, #tpu.memory_space<semaphore_mem>>
          %dma_start3A_822 = tpu.memref_squeeze %dma_start3A_821 : memref<1x!tpu.dma_semaphore, #tpu.memory_space<semaphore_mem>> -> memref<!tpu.dma_semaphore, #tpu.memory_space<semaphore_mem>>
          tpu.enqueue_indirect_dma source(%dma_start3A_820 : memref<10000x128xf32, #tpu.memory_space<hbm>>) target(%dma_start3A_814 : memref<64x128xf32, #tpu.memory_space<vmem>>) offsets(%dma_start3A_817 : memref<64xi32, #tpu.memory_space<vmem>>) semaphore(%dma_start3A_822 : memref<!tpu.dma_semaphore, #tpu.memory_space<semaphore_mem>>)
        } else {
        }
        %dma_wait3A_625 = arith.constant 2 : i32
        %dma_wait3A_626 = arith.constant 2 : i32
        %dma_wait3A_627 = arith.constant 2 : i32
        %dma_wait3A_628 = arith.constant 0 : i32
        %dma_wait3A_629 = arith.constant 0 : i32
        %dma_wait3A_630 = tpu.memref_slice %arg9[%dma_wait3A_625, %dma_wait3A_628, %dma_wait3A_629] : memref<4x64x128xf32, #tpu.memory_space<vmem>> -> memref<1x64x128xf32, #tpu.memory_space<vmem>>
        %dma_wait3A_631 = tpu.memref_squeeze %dma_wait3A_630 : memref<1x64x128xf32, #tpu.memory_space<vmem>> -> memref<64x128xf32, #tpu.memory_space<vmem>>
        %dma_wait3A_632 = arith.constant 0 : i32
        %dma_wait3A_633 = tpu.memref_slice %arg11[%dma_wait3A_626, %dma_wait3A_632] : memref<4x64xi32, #tpu.memory_space<vmem>> -> memref<1x64xi32, #tpu.memory_space<vmem>>
        %dma_wait3A_634 = tpu.memref_squeeze %dma_wait3A_633 : memref<1x64xi32, #tpu.memory_space<vmem>> -> memref<64xi32, #tpu.memory_space<vmem>>
        %dma_wait3A_635 = arith.constant 0 : i32
        %dma_wait3A_636 = arith.constant 0 : i32
        %dma_wait3A_637 = tpu.memref_slice %arg7[%dma_wait3A_635, %dma_wait3A_636] : memref<10008x128xf32, #tpu.memory_space<vmem_shared>> -> memref<10008x128xf32, #tpu.memory_space<vmem_shared>>
        %dma_wait3A_638 = tpu.memref_slice %arg13[%dma_wait3A_627] : memref<4x!tpu.dma_semaphore, #tpu.memory_space<semaphore_mem>> -> memref<1x!tpu.dma_semaphore, #tpu.memory_space<semaphore_mem>>
        %dma_wait3A_639 = tpu.memref_squeeze %dma_wait3A_638 : memref<1x!tpu.dma_semaphore, #tpu.memory_space<semaphore_mem>> -> memref<!tpu.dma_semaphore, #tpu.memory_space<semaphore_mem>>
        tpu.wait_indirect_dma semaphore(%dma_wait3A_639 : memref<!tpu.dma_semaphore, #tpu.memory_space<semaphore_mem>>) src(%dma_wait3A_631 : memref<64x128xf32, #tpu.memory_space<vmem>>) dst(%dma_wait3A_637 : memref<10008x128xf32, #tpu.memory_space<vmem_shared>>)
        %add3A_640 = arith.constant 4 : i32
        %add3A_641 = arith.addi %mul3A_458, %add3A_640 : i32
        %add3A_642 = arith.constant 2 : i32
        %add3A_643 = arith.addi %add3A_641, %add3A_642 : i32
        %lt3A_644 = arith.constant 160 : i32
        %lt3A_645 = arith.cmpi slt, %add3A_643, %lt3A_644 : i32
        %convert_element_type3A_646 = arith.extui %lt3A_645 : i1 to i32
        %cond3A_647 = arith.constant 0 : i32
        %cond3A_648 = arith.cmpi ne, %convert_element_type3A_646, %cond3A_647 : i32
        scf.if %cond3A_648 {
          %add3A_673 = arith.constant 4 : i32
          %add3A_674 = arith.addi %mul3A_458, %add3A_673 : i32
          %add3A_675 = arith.constant 2 : i32
          %add3A_676 = arith.addi %add3A_674, %add3A_675 : i32
          %jit3A = arith.constant 2 : i32
          %div3A = arith.divsi %add3A_676, %jit3A : i32
          %sign3A = arith.constant 0 : i32
          %sign3A_677 = arith.cmpi sgt, %add3A_676, %sign3A : i32
          %sign3A_678 = arith.extui %sign3A_677 : i1 to i32
          %sign3A_679 = arith.constant 0 : i32
          %sign3A_680 = arith.cmpi slt, %add3A_676, %sign3A_679 : i32
          %sign3A_681 = arith.extui %sign3A_680 : i1 to i32
          %sign3A_682 = arith.subi %sign3A_678, %sign3A_681 : i32
          %sign3A_683 = arith.constant 0 : i32
          %sign3A_684 = arith.cmpi sgt, %jit3A, %sign3A_683 : i32
          %sign3A_685 = arith.extui %sign3A_684 : i1 to i32
          %sign3A_686 = arith.constant 0 : i32
          %sign3A_687 = arith.cmpi slt, %jit3A, %sign3A_686 : i32
          %sign3A_688 = arith.extui %sign3A_687 : i1 to i32
          %sign3A_689 = arith.subi %sign3A_685, %sign3A_688 : i32
          %ne3A = arith.cmpi ne, %sign3A_682, %sign3A_689 : i32
          %rem3A = arith.remsi %add3A_676, %jit3A : i32
          %ne3A_690 = arith.constant 0 : i32
          %ne3A_691 = arith.cmpi ne, %rem3A, %ne3A_690 : i32
          %and3A_692 = arith.andi %ne3A, %ne3A_691 : i1
          %sub3A = arith.constant 1 : i32
          %sub3A_693 = arith.subi %div3A, %sub3A : i32
          %select_n3A = arith.select %and3A_692, %sub3A_693, %div3A : i32
          %jit3A_694 = arith.constant 2 : i32
          %eq3A_695 = arith.constant 0 : i32
          %eq3A_696 = arith.cmpi eq, %jit3A_694, %eq3A_695 : i32
          %jit3A_697 = arith.constant 1 : i32
          %select_n3A_698 = arith.select %eq3A_696, %jit3A_697, %jit3A_694 : i32
          %rem3A_699 = arith.remsi %add3A_676, %select_n3A_698 : i32
          %ne3A_700 = arith.constant 0 : i32
          %ne3A_701 = arith.cmpi ne, %rem3A_699, %ne3A_700 : i32
          %lt3A_702 = arith.constant 0 : i32
          %lt3A_703 = arith.cmpi slt, %rem3A_699, %lt3A_702 : i32
          %lt3A_704 = arith.constant 0 : i32
          %lt3A_705 = arith.cmpi slt, %select_n3A_698, %lt3A_704 : i32
          %ne3A_706 = arith.xori %lt3A_703, %lt3A_705 : i1
          %and3A_707 = arith.andi %ne3A_706, %ne3A_701 : i1
          %add3A_708 = arith.addi %rem3A_699, %select_n3A_698 : i32
          %select_n3A_709 = arith.select %and3A_707, %add3A_708, %rem3A_699 : i32
          %mul3A_710 = arith.constant 64 : i32
          %mul3A_711 = arith.muli %select_n3A_709, %mul3A_710 : i32
          %add3A_712 = arith.constant 0 : i32
          %add3A_713 = arith.addi %mul3A_711, %add3A_712 : i32
          %get3A_714 = arith.index_cast %select_n3A : i32 to index
          %get3A_715 = arith.index_cast %add3A_713 : i32 to index
          %get3A_716 = tpu.vector_load %arg8[%get3A_714, %get3A_715] {strides = array<i32>} : memref<80x128xi32, #tpu.memory_space<vmem>>, vector<1x16xi32>,
          %get3A_717 = vector.shape_cast %get3A_716 : vector<1x16xi32> to vector<16xi32>
          %shift_right_logical3A_718 = arith.constant 14 : i32
          %shift_right_logical3A_719 = vector.broadcast %shift_right_logical3A_718 : i32 to vector<16xi32>
          %shift_right_logical3A_720 = arith.shrui %get3A_717, %shift_right_logical3A_719 : vector<16xi32>
          %swap3A_721 = arith.constant 2 : i32
          %swap3A_722 = arith.index_cast %swap3A_721 : i32 to index
          %swap3A_723 = arith.constant 0 : index
          %swap3A_724 = tpu.vector_load %arg10[%swap3A_722, %swap3A_723] {strides = array<i32>} : memref<4x64xi32, #tpu.memory_space<vmem>>, vector<1x16xi32>,
          %swap3A_725 = vector.shape_cast %swap3A_724 : vector<1x16xi32> to vector<16xi32>
          %swap3A_726 = vector.shape_cast %shift_right_logical3A_720 : vector<16xi32> to vector<1x16xi32>
          tpu.vector_store %arg10[%swap3A_722, %swap3A_723], %swap3A_726 {strides = array<i32>} : memref<4x64xi32, #tpu.memory_space<vmem>>, vector<1x16xi32>,
          %and3A_727 = arith.constant 16383 : i32
          %and3A_728 = vector.broadcast %and3A_727 : i32 to vector<16xi32>
          %and3A_729 = arith.andi %get3A_717, %and3A_728 : vector<16xi32>
          %swap3A_730 = arith.constant 2 : i32
          %swap3A_731 = arith.index_cast %swap3A_730 : i32 to index
          %swap3A_732 = arith.constant 0 : index
          %swap3A_733 = tpu.vector_load %arg11[%swap3A_731, %swap3A_732] {strides = array<i32>} : memref<4x64xi32, #tpu.memory_space<vmem>>, vector<1x16xi32>,
          %swap3A_734 = vector.shape_cast %swap3A_733 : vector<1x16xi32> to vector<16xi32>
          %swap3A_735 = vector.shape_cast %and3A_729 : vector<16xi32> to vector<1x16xi32>
          tpu.vector_store %arg11[%swap3A_731, %swap3A_732], %swap3A_735 {strides = array<i32>} : memref<4x64xi32, #tpu.memory_space<vmem>>, vector<1x16xi32>,
          %add3A_736 = arith.constant 16 : i32
          %add3A_737 = arith.addi %mul3A_711, %add3A_736 : i32
          %get3A_738 = arith.index_cast %select_n3A : i32 to index
          %get3A_739 = arith.index_cast %add3A_737 : i32 to index
          %get3A_740 = tpu.vector_load %arg8[%get3A_738, %get3A_739] {strides = array<i32>} : memref<80x128xi32, #tpu.memory_space<vmem>>, vector<1x16xi32>,
          %get3A_741 = vector.shape_cast %get3A_740 : vector<1x16xi32> to vector<16xi32>
          %shift_right_logical3A_742 = arith.constant 14 : i32
          %shift_right_logical3A_743 = vector.broadcast %shift_right_logical3A_742 : i32 to vector<16xi32>
          %shift_right_logical3A_744 = arith.shrui %get3A_741, %shift_right_logical3A_743 : vector<16xi32>
          %swap3A_745 = arith.constant 2 : i32
          %swap3A_746 = arith.index_cast %swap3A_745 : i32 to index
          %swap3A_747 = arith.constant 16 : index
          %swap3A_748 = tpu.vector_load %arg10[%swap3A_746, %swap3A_747] {strides = array<i32>} : memref<4x64xi32, #tpu.memory_space<vmem>>, vector<1x16xi32>,
          %swap3A_749 = vector.shape_cast %swap3A_748 : vector<1x16xi32> to vector<16xi32>
          %swap3A_750 = vector.shape_cast %shift_right_logical3A_744 : vector<16xi32> to vector<1x16xi32>
          tpu.vector_store %arg10[%swap3A_746, %swap3A_747], %swap3A_750 {strides = array<i32>} : memref<4x64xi32, #tpu.memory_space<vmem>>, vector<1x16xi32>,
          %and3A_751 = arith.constant 16383 : i32
          %and3A_752 = vector.broadcast %and3A_751 : i32 to vector<16xi32>
          %and3A_753 = arith.andi %get3A_741, %and3A_752 : vector<16xi32>
          %swap3A_754 = arith.constant 2 : i32
          %swap3A_755 = arith.index_cast %swap3A_754 : i32 to index
          %swap3A_756 = arith.constant 16 : index
          %swap3A_757 = tpu.vector_load %arg11[%swap3A_755, %swap3A_756] {strides = array<i32>} : memref<4x64xi32, #tpu.memory_space<vmem>>, vector<1x16xi32>,
          %swap3A_758 = vector.shape_cast %swap3A_757 : vector<1x16xi32> to vector<16xi32>
          %swap3A_759 = vector.shape_cast %and3A_753 : vector<16xi32> to vector<1x16xi32>
          tpu.vector_store %arg11[%swap3A_755, %swap3A_756], %swap3A_759 {strides = array<i32>} : memref<4x64xi32, #tpu.memory_space<vmem>>, vector<1x16xi32>,
          %add3A_760 = arith.constant 32 : i32
          %add3A_761 = arith.addi %mul3A_711, %add3A_760 : i32
          %get3A_762 = arith.index_cast %select_n3A : i32 to index
          %get3A_763 = arith.index_cast %add3A_761 : i32 to index
          %get3A_764 = tpu.vector_load %arg8[%get3A_762, %get3A_763] {strides = array<i32>} : memref<80x128xi32, #tpu.memory_space<vmem>>, vector<1x16xi32>,
          %get3A_765 = vector.shape_cast %get3A_764 : vector<1x16xi32> to vector<16xi32>
          %shift_right_logical3A_766 = arith.constant 14 : i32
          %shift_right_logical3A_767 = vector.broadcast %shift_right_logical3A_766 : i32 to vector<16xi32>
          %shift_right_logical3A_768 = arith.shrui %get3A_765, %shift_right_logical3A_767 : vector<16xi32>
          %swap3A_769 = arith.constant 2 : i32
          %swap3A_770 = arith.index_cast %swap3A_769 : i32 to index
          %swap3A_771 = arith.constant 32 : index
          %swap3A_772 = tpu.vector_load %arg10[%swap3A_770, %swap3A_771] {strides = array<i32>} : memref<4x64xi32, #tpu.memory_space<vmem>>, vector<1x16xi32>,
          %swap3A_773 = vector.shape_cast %swap3A_772 : vector<1x16xi32> to vector<16xi32>
          %swap3A_774 = vector.shape_cast %shift_right_logical3A_768 : vector<16xi32> to vector<1x16xi32>
          tpu.vector_store %arg10[%swap3A_770, %swap3A_771], %swap3A_774 {strides = array<i32>} : memref<4x64xi32, #tpu.memory_space<vmem>>, vector<1x16xi32>,
          %and3A_775 = arith.constant 16383 : i32
          %and3A_776 = vector.broadcast %and3A_775 : i32 to vector<16xi32>
          %and3A_777 = arith.andi %get3A_765, %and3A_776 : vector<16xi32>
          %swap3A_778 = arith.constant 2 : i32
          %swap3A_779 = arith.index_cast %swap3A_778 : i32 to index
          %swap3A_780 = arith.constant 32 : index
          %swap3A_781 = tpu.vector_load %arg11[%swap3A_779, %swap3A_780] {strides = array<i32>} : memref<4x64xi32, #tpu.memory_space<vmem>>, vector<1x16xi32>,
          %swap3A_782 = vector.shape_cast %swap3A_781 : vector<1x16xi32> to vector<16xi32>
          %swap3A_783 = vector.shape_cast %and3A_777 : vector<16xi32> to vector<1x16xi32>
          tpu.vector_store %arg11[%swap3A_779, %swap3A_780], %swap3A_783 {strides = array<i32>} : memref<4x64xi32, #tpu.memory_space<vmem>>, vector<1x16xi32>,
          %add3A_784 = arith.constant 48 : i32
          %add3A_785 = arith.addi %mul3A_711, %add3A_784 : i32
          %get3A_786 = arith.index_cast %select_n3A : i32 to index
          %get3A_787 = arith.index_cast %add3A_785 : i32 to index
          %get3A_788 = tpu.vector_load %arg8[%get3A_786, %get3A_787] {strides = array<i32>} : memref<80x128xi32, #tpu.memory_space<vmem>>, vector<1x16xi32>,
          %get3A_789 = vector.shape_cast %get3A_788 : vector<1x16xi32> to vector<16xi32>
          %shift_right_logical3A_790 = arith.constant 14 : i32
          %shift_right_logical3A_791 = vector.broadcast %shift_right_logical3A_790 : i32 to vector<16xi32>
          %shift_right_logical3A_792 = arith.shrui %get3A_789, %shift_right_logical3A_791 : vector<16xi32>
          %swap3A_793 = arith.constant 2 : i32
          %swap3A_794 = arith.index_cast %swap3A_793 : i32 to index
          %swap3A_795 = arith.constant 48 : index
          %swap3A_796 = tpu.vector_load %arg10[%swap3A_794, %swap3A_795] {strides = array<i32>} : memref<4x64xi32, #tpu.memory_space<vmem>>, vector<1x16xi32>,
          %swap3A_797 = vector.shape_cast %swap3A_796 : vector<1x16xi32> to vector<16xi32>
          %swap3A_798 = vector.shape_cast %shift_right_logical3A_792 : vector<16xi32> to vector<1x16xi32>
          tpu.vector_store %arg10[%swap3A_794, %swap3A_795], %swap3A_798 {strides = array<i32>} : memref<4x64xi32, #tpu.memory_space<vmem>>, vector<1x16xi32>,
          %and3A_799 = arith.constant 16383 : i32
          %and3A_800 = vector.broadcast %and3A_799 : i32 to vector<16xi32>
          %and3A_801 = arith.andi %get3A_789, %and3A_800 : vector<16xi32>
          %swap3A_802 = arith.constant 2 : i32
          %swap3A_803 = arith.index_cast %swap3A_802 : i32 to index
          %swap3A_804 = arith.constant 48 : index
          %swap3A_805 = tpu.vector_load %arg11[%swap3A_803, %swap3A_804] {strides = array<i32>} : memref<4x64xi32, #tpu.memory_space<vmem>>, vector<1x16xi32>,
          %swap3A_806 = vector.shape_cast %swap3A_805 : vector<1x16xi32> to vector<16xi32>
          %swap3A_807 = vector.shape_cast %and3A_801 : vector<16xi32> to vector<1x16xi32>
          tpu.vector_store %arg11[%swap3A_803, %swap3A_804], %swap3A_807 {strides = array<i32>} : memref<4x64xi32, #tpu.memory_space<vmem>>, vector<1x16xi32>,
          %dma_start3A_808 = arith.constant 2 : i32
          %dma_start3A_809 = arith.constant 2 : i32
          %dma_start3A_810 = arith.constant 2 : i32
          %dma_start3A_811 = arith.constant 0 : i32
          %dma_start3A_812 = arith.constant 0 : i32
          %dma_start3A_813 = tpu.memref_slice %arg9[%dma_start3A_809, %dma_start3A_811, %dma_start3A_812] : memref<4x64x128xf32, #tpu.memory_space<vmem>> -> memref<1x64x128xf32, #tpu.memory_space<vmem>>
          %dma_start3A_814 = tpu.memref_squeeze %dma_start3A_813 : memref<1x64x128xf32, #tpu.memory_space<vmem>> -> memref<64x128xf32, #tpu.memory_space<vmem>>
          %dma_start3A_815 = arith.constant 0 : i32
          %dma_start3A_816 = tpu.memref_slice %arg10[%dma_start3A_808, %dma_start3A_815] : memref<4x64xi32, #tpu.memory_space<vmem>> -> memref<1x64xi32, #tpu.memory_space<vmem>>
          %dma_start3A_817 = tpu.memref_squeeze %dma_start3A_816 : memref<1x64xi32, #tpu.memory_space<vmem>> -> memref<64xi32, #tpu.memory_space<vmem>>
          %dma_start3A_818 = arith.constant 0 : i32
          %dma_start3A_819 = arith.constant 0 : i32
          %dma_start3A_820 = tpu.memref_slice %arg3[%dma_start3A_818, %dma_start3A_819] : memref<10000x128xf32, #tpu.memory_space<hbm>> -> memref<10000x128xf32, #tpu.memory_space<hbm>>
          %dma_start3A_821 = tpu.memref_slice %arg12[%dma_start3A_810] : memref<4x!tpu.dma_semaphore, #tpu.memory_space<semaphore_mem>> -> memref<1x!tpu.dma_semaphore, #tpu.memory_space<semaphore_mem>>
          %dma_start3A_822 = tpu.memref_squeeze %dma_start3A_821 : memref<1x!tpu.dma_semaphore, #tpu.memory_space<semaphore_mem>> -> memref<!tpu.dma_semaphore, #tpu.memory_space<semaphore_mem>>
          tpu.enqueue_indirect_dma source(%dma_start3A_820 : memref<10000x128xf32, #tpu.memory_space<hbm>>) target(%dma_start3A_814 : memref<64x128xf32, #tpu.memory_space<vmem>>) offsets(%dma_start3A_817 : memref<64xi32, #tpu.memory_space<vmem>>) semaphore(%dma_start3A_822 : memref<!tpu.dma_semaphore, #tpu.memory_space<semaphore_mem>>)
        } else {
        }
        %dma_wait3A_649 = arith.constant 3 : i32
        %dma_wait3A_650 = arith.constant 3 : i32
        %dma_wait3A_651 = arith.constant 3 : i32
        %dma_wait3A_652 = arith.constant 0 : i32
        %dma_wait3A_653 = arith.constant 0 : i32
        %dma_wait3A_654 = tpu.memref_slice %arg9[%dma_wait3A_649, %dma_wait3A_652, %dma_wait3A_653] : memref<4x64x128xf32, #tpu.memory_space<vmem>> -> memref<1x64x128xf32, #tpu.memory_space<vmem>>
        %dma_wait3A_655 = tpu.memref_squeeze %dma_wait3A_654 : memref<1x64x128xf32, #tpu.memory_space<vmem>> -> memref<64x128xf32, #tpu.memory_space<vmem>>
        %dma_wait3A_656 = arith.constant 0 : i32
        %dma_wait3A_657 = tpu.memref_slice %arg11[%dma_wait3A_650, %dma_wait3A_656] : memref<4x64xi32, #tpu.memory_space<vmem>> -> memref<1x64xi32, #tpu.memory_space<vmem>>
        %dma_wait3A_658 = tpu.memref_squeeze %dma_wait3A_657 : memref<1x64xi32, #tpu.memory_space<vmem>> -> memref<64xi32, #tpu.memory_space<vmem>>
        %dma_wait3A_659 = arith.constant 0 : i32
        %dma_wait3A_660 = arith.constant 0 : i32
        %dma_wait3A_661 = tpu.memref_slice %arg7[%dma_wait3A_659, %dma_wait3A_660] : memref<10008x128xf32, #tpu.memory_space<vmem_shared>> -> memref<10008x128xf32, #tpu.memory_space<vmem_shared>>
        %dma_wait3A_662 = tpu.memref_slice %arg13[%dma_wait3A_651] : memref<4x!tpu.dma_semaphore, #tpu.memory_space<semaphore_mem>> -> memref<1x!tpu.dma_semaphore, #tpu.memory_space<semaphore_mem>>
        %dma_wait3A_663 = tpu.memref_squeeze %dma_wait3A_662 : memref<1x!tpu.dma_semaphore, #tpu.memory_space<semaphore_mem>> -> memref<!tpu.dma_semaphore, #tpu.memory_space<semaphore_mem>>
        tpu.wait_indirect_dma semaphore(%dma_wait3A_663 : memref<!tpu.dma_semaphore, #tpu.memory_space<semaphore_mem>>) src(%dma_wait3A_655 : memref<64x128xf32, #tpu.memory_space<vmem>>) dst(%dma_wait3A_661 : memref<10008x128xf32, #tpu.memory_space<vmem_shared>>)
        %add3A_664 = arith.constant 4 : i32
        %add3A_665 = arith.addi %mul3A_458, %add3A_664 : i32
        %add3A_666 = arith.constant 3 : i32
        %add3A_667 = arith.addi %add3A_665, %add3A_666 : i32
        %lt3A_668 = arith.constant 160 : i32
        %lt3A_669 = arith.cmpi slt, %add3A_667, %lt3A_668 : i32
        %convert_element_type3A_670 = arith.extui %lt3A_669 : i1 to i32
        %cond3A_671 = arith.constant 0 : i32
        %cond3A_672 = arith.cmpi ne, %convert_element_type3A_670, %cond3A_671 : i32
        scf.if %cond3A_672 {
          %add3A_673 = arith.constant 4 : i32
          %add3A_674 = arith.addi %mul3A_458, %add3A_673 : i32
          %add3A_675 = arith.constant 3 : i32
          %add3A_676 = arith.addi %add3A_674, %add3A_675 : i32
          %jit3A = arith.constant 2 : i32
          %div3A = arith.divsi %add3A_676, %jit3A : i32
          %sign3A = arith.constant 0 : i32
          %sign3A_677 = arith.cmpi sgt, %add3A_676, %sign3A : i32
          %sign3A_678 = arith.extui %sign3A_677 : i1 to i32
          %sign3A_679 = arith.constant 0 : i32
          %sign3A_680 = arith.cmpi slt, %add3A_676, %sign3A_679 : i32
          %sign3A_681 = arith.extui %sign3A_680 : i1 to i32
          %sign3A_682 = arith.subi %sign3A_678, %sign3A_681 : i32
          %sign3A_683 = arith.constant 0 : i32
          %sign3A_684 = arith.cmpi sgt, %jit3A, %sign3A_683 : i32
          %sign3A_685 = arith.extui %sign3A_684 : i1 to i32
          %sign3A_686 = arith.constant 0 : i32
          %sign3A_687 = arith.cmpi slt, %jit3A, %sign3A_686 : i32
          %sign3A_688 = arith.extui %sign3A_687 : i1 to i32
          %sign3A_689 = arith.subi %sign3A_685, %sign3A_688 : i32
          %ne3A = arith.cmpi ne, %sign3A_682, %sign3A_689 : i32
          %rem3A = arith.remsi %add3A_676, %jit3A : i32
          %ne3A_690 = arith.constant 0 : i32
          %ne3A_691 = arith.cmpi ne, %rem3A, %ne3A_690 : i32
          %and3A_692 = arith.andi %ne3A, %ne3A_691 : i1
          %sub3A = arith.constant 1 : i32
          %sub3A_693 = arith.subi %div3A, %sub3A : i32
          %select_n3A = arith.select %and3A_692, %sub3A_693, %div3A : i32
          %jit3A_694 = arith.constant 2 : i32
          %eq3A_695 = arith.constant 0 : i32
          %eq3A_696 = arith.cmpi eq, %jit3A_694, %eq3A_695 : i32
          %jit3A_697 = arith.constant 1 : i32
          %select_n3A_698 = arith.select %eq3A_696, %jit3A_697, %jit3A_694 : i32
          %rem3A_699 = arith.remsi %add3A_676, %select_n3A_698 : i32
          %ne3A_700 = arith.constant 0 : i32
          %ne3A_701 = arith.cmpi ne, %rem3A_699, %ne3A_700 : i32
          %lt3A_702 = arith.constant 0 : i32
          %lt3A_703 = arith.cmpi slt, %rem3A_699, %lt3A_702 : i32
          %lt3A_704 = arith.constant 0 : i32
          %lt3A_705 = arith.cmpi slt, %select_n3A_698, %lt3A_704 : i32
          %ne3A_706 = arith.xori %lt3A_703, %lt3A_705 : i1
          %and3A_707 = arith.andi %ne3A_706, %ne3A_701 : i1
          %add3A_708 = arith.addi %rem3A_699, %select_n3A_698 : i32
          %select_n3A_709 = arith.select %and3A_707, %add3A_708, %rem3A_699 : i32
          %mul3A_710 = arith.constant 64 : i32
          %mul3A_711 = arith.muli %select_n3A_709, %mul3A_710 : i32
          %add3A_712 = arith.constant 0 : i32
          %add3A_713 = arith.addi %mul3A_711, %add3A_712 : i32
          %get3A_714 = arith.index_cast %select_n3A : i32 to index
          %get3A_715 = arith.index_cast %add3A_713 : i32 to index
          %get3A_716 = tpu.vector_load %arg8[%get3A_714, %get3A_715] {strides = array<i32>} : memref<80x128xi32, #tpu.memory_space<vmem>>, vector<1x16xi32>,
          %get3A_717 = vector.shape_cast %get3A_716 : vector<1x16xi32> to vector<16xi32>
          %shift_right_logical3A_718 = arith.constant 14 : i32
          %shift_right_logical3A_719 = vector.broadcast %shift_right_logical3A_718 : i32 to vector<16xi32>
          %shift_right_logical3A_720 = arith.shrui %get3A_717, %shift_right_logical3A_719 : vector<16xi32>
          %swap3A_721 = arith.constant 3 : i32
          %swap3A_722 = arith.index_cast %swap3A_721 : i32 to index
          %swap3A_723 = arith.constant 0 : index
          %swap3A_724 = tpu.vector_load %arg10[%swap3A_722, %swap3A_723] {strides = array<i32>} : memref<4x64xi32, #tpu.memory_space<vmem>>, vector<1x16xi32>,
          %swap3A_725 = vector.shape_cast %swap3A_724 : vector<1x16xi32> to vector<16xi32>
          %swap3A_726 = vector.shape_cast %shift_right_logical3A_720 : vector<16xi32> to vector<1x16xi32>
          tpu.vector_store %arg10[%swap3A_722, %swap3A_723], %swap3A_726 {strides = array<i32>} : memref<4x64xi32, #tpu.memory_space<vmem>>, vector<1x16xi32>,
          %and3A_727 = arith.constant 16383 : i32
          %and3A_728 = vector.broadcast %and3A_727 : i32 to vector<16xi32>
          %and3A_729 = arith.andi %get3A_717, %and3A_728 : vector<16xi32>
          %swap3A_730 = arith.constant 3 : i32
          %swap3A_731 = arith.index_cast %swap3A_730 : i32 to index
          %swap3A_732 = arith.constant 0 : index
          %swap3A_733 = tpu.vector_load %arg11[%swap3A_731, %swap3A_732] {strides = array<i32>} : memref<4x64xi32, #tpu.memory_space<vmem>>, vector<1x16xi32>,
          %swap3A_734 = vector.shape_cast %swap3A_733 : vector<1x16xi32> to vector<16xi32>
          %swap3A_735 = vector.shape_cast %and3A_729 : vector<16xi32> to vector<1x16xi32>
          tpu.vector_store %arg11[%swap3A_731, %swap3A_732], %swap3A_735 {strides = array<i32>} : memref<4x64xi32, #tpu.memory_space<vmem>>, vector<1x16xi32>,
          %add3A_736 = arith.constant 16 : i32
          %add3A_737 = arith.addi %mul3A_711, %add3A_736 : i32
          %get3A_738 = arith.index_cast %select_n3A : i32 to index
          %get3A_739 = arith.index_cast %add3A_737 : i32 to index
          %get3A_740 = tpu.vector_load %arg8[%get3A_738, %get3A_739] {strides = array<i32>} : memref<80x128xi32, #tpu.memory_space<vmem>>, vector<1x16xi32>,
          %get3A_741 = vector.shape_cast %get3A_740 : vector<1x16xi32> to vector<16xi32>
          %shift_right_logical3A_742 = arith.constant 14 : i32
          %shift_right_logical3A_743 = vector.broadcast %shift_right_logical3A_742 : i32 to vector<16xi32>
          %shift_right_logical3A_744 = arith.shrui %get3A_741, %shift_right_logical3A_743 : vector<16xi32>
          %swap3A_745 = arith.constant 3 : i32
          %swap3A_746 = arith.index_cast %swap3A_745 : i32 to index
          %swap3A_747 = arith.constant 16 : index
          %swap3A_748 = tpu.vector_load %arg10[%swap3A_746, %swap3A_747] {strides = array<i32>} : memref<4x64xi32, #tpu.memory_space<vmem>>, vector<1x16xi32>,
          %swap3A_749 = vector.shape_cast %swap3A_748 : vector<1x16xi32> to vector<16xi32>
          %swap3A_750 = vector.shape_cast %shift_right_logical3A_744 : vector<16xi32> to vector<1x16xi32>
          tpu.vector_store %arg10[%swap3A_746, %swap3A_747], %swap3A_750 {strides = array<i32>} : memref<4x64xi32, #tpu.memory_space<vmem>>, vector<1x16xi32>,
          %and3A_751 = arith.constant 16383 : i32
          %and3A_752 = vector.broadcast %and3A_751 : i32 to vector<16xi32>
          %and3A_753 = arith.andi %get3A_741, %and3A_752 : vector<16xi32>
          %swap3A_754 = arith.constant 3 : i32
          %swap3A_755 = arith.index_cast %swap3A_754 : i32 to index
          %swap3A_756 = arith.constant 16 : index
          %swap3A_757 = tpu.vector_load %arg11[%swap3A_755, %swap3A_756] {strides = array<i32>} : memref<4x64xi32, #tpu.memory_space<vmem>>, vector<1x16xi32>,
          %swap3A_758 = vector.shape_cast %swap3A_757 : vector<1x16xi32> to vector<16xi32>
          %swap3A_759 = vector.shape_cast %and3A_753 : vector<16xi32> to vector<1x16xi32>
          tpu.vector_store %arg11[%swap3A_755, %swap3A_756], %swap3A_759 {strides = array<i32>} : memref<4x64xi32, #tpu.memory_space<vmem>>, vector<1x16xi32>,
          %add3A_760 = arith.constant 32 : i32
          %add3A_761 = arith.addi %mul3A_711, %add3A_760 : i32
          %get3A_762 = arith.index_cast %select_n3A : i32 to index
          %get3A_763 = arith.index_cast %add3A_761 : i32 to index
          %get3A_764 = tpu.vector_load %arg8[%get3A_762, %get3A_763] {strides = array<i32>} : memref<80x128xi32, #tpu.memory_space<vmem>>, vector<1x16xi32>,
          %get3A_765 = vector.shape_cast %get3A_764 : vector<1x16xi32> to vector<16xi32>
          %shift_right_logical3A_766 = arith.constant 14 : i32
          %shift_right_logical3A_767 = vector.broadcast %shift_right_logical3A_766 : i32 to vector<16xi32>
          %shift_right_logical3A_768 = arith.shrui %get3A_765, %shift_right_logical3A_767 : vector<16xi32>
          %swap3A_769 = arith.constant 3 : i32
          %swap3A_770 = arith.index_cast %swap3A_769 : i32 to index
          %swap3A_771 = arith.constant 32 : index
          %swap3A_772 = tpu.vector_load %arg10[%swap3A_770, %swap3A_771] {strides = array<i32>} : memref<4x64xi32, #tpu.memory_space<vmem>>, vector<1x16xi32>,
          %swap3A_773 = vector.shape_cast %swap3A_772 : vector<1x16xi32> to vector<16xi32>
          %swap3A_774 = vector.shape_cast %shift_right_logical3A_768 : vector<16xi32> to vector<1x16xi32>
          tpu.vector_store %arg10[%swap3A_770, %swap3A_771], %swap3A_774 {strides = array<i32>} : memref<4x64xi32, #tpu.memory_space<vmem>>, vector<1x16xi32>,
          %and3A_775 = arith.constant 16383 : i32
          %and3A_776 = vector.broadcast %and3A_775 : i32 to vector<16xi32>
          %and3A_777 = arith.andi %get3A_765, %and3A_776 : vector<16xi32>
          %swap3A_778 = arith.constant 3 : i32
          %swap3A_779 = arith.index_cast %swap3A_778 : i32 to index
          %swap3A_780 = arith.constant 32 : index
          %swap3A_781 = tpu.vector_load %arg11[%swap3A_779, %swap3A_780] {strides = array<i32>} : memref<4x64xi32, #tpu.memory_space<vmem>>, vector<1x16xi32>,
          %swap3A_782 = vector.shape_cast %swap3A_781 : vector<1x16xi32> to vector<16xi32>
          %swap3A_783 = vector.shape_cast %and3A_777 : vector<16xi32> to vector<1x16xi32>
          tpu.vector_store %arg11[%swap3A_779, %swap3A_780], %swap3A_783 {strides = array<i32>} : memref<4x64xi32, #tpu.memory_space<vmem>>, vector<1x16xi32>,
          %add3A_784 = arith.constant 48 : i32
          %add3A_785 = arith.addi %mul3A_711, %add3A_784 : i32
          %get3A_786 = arith.index_cast %select_n3A : i32 to index
          %get3A_787 = arith.index_cast %add3A_785 : i32 to index
          %get3A_788 = tpu.vector_load %arg8[%get3A_786, %get3A_787] {strides = array<i32>} : memref<80x128xi32, #tpu.memory_space<vmem>>, vector<1x16xi32>,
          %get3A_789 = vector.shape_cast %get3A_788 : vector<1x16xi32> to vector<16xi32>
          %shift_right_logical3A_790 = arith.constant 14 : i32
          %shift_right_logical3A_791 = vector.broadcast %shift_right_logical3A_790 : i32 to vector<16xi32>
          %shift_right_logical3A_792 = arith.shrui %get3A_789, %shift_right_logical3A_791 : vector<16xi32>
          %swap3A_793 = arith.constant 3 : i32
          %swap3A_794 = arith.index_cast %swap3A_793 : i32 to index
          %swap3A_795 = arith.constant 48 : index
          %swap3A_796 = tpu.vector_load %arg10[%swap3A_794, %swap3A_795] {strides = array<i32>} : memref<4x64xi32, #tpu.memory_space<vmem>>, vector<1x16xi32>,
          %swap3A_797 = vector.shape_cast %swap3A_796 : vector<1x16xi32> to vector<16xi32>
          %swap3A_798 = vector.shape_cast %shift_right_logical3A_792 : vector<16xi32> to vector<1x16xi32>
          tpu.vector_store %arg10[%swap3A_794, %swap3A_795], %swap3A_798 {strides = array<i32>} : memref<4x64xi32, #tpu.memory_space<vmem>>, vector<1x16xi32>,
          %and3A_799 = arith.constant 16383 : i32
          %and3A_800 = vector.broadcast %and3A_799 : i32 to vector<16xi32>
          %and3A_801 = arith.andi %get3A_789, %and3A_800 : vector<16xi32>
          %swap3A_802 = arith.constant 3 : i32
          %swap3A_803 = arith.index_cast %swap3A_802 : i32 to index
          %swap3A_804 = arith.constant 48 : index
          %swap3A_805 = tpu.vector_load %arg11[%swap3A_803, %swap3A_804] {strides = array<i32>} : memref<4x64xi32, #tpu.memory_space<vmem>>, vector<1x16xi32>,
          %swap3A_806 = vector.shape_cast %swap3A_805 : vector<1x16xi32> to vector<16xi32>
          %swap3A_807 = vector.shape_cast %and3A_801 : vector<16xi32> to vector<1x16xi32>
          tpu.vector_store %arg11[%swap3A_803, %swap3A_804], %swap3A_807 {strides = array<i32>} : memref<4x64xi32, #tpu.memory_space<vmem>>, vector<1x16xi32>,
          %dma_start3A_808 = arith.constant 3 : i32
          %dma_start3A_809 = arith.constant 3 : i32
          %dma_start3A_810 = arith.constant 3 : i32
          %dma_start3A_811 = arith.constant 0 : i32
          %dma_start3A_812 = arith.constant 0 : i32
          %dma_start3A_813 = tpu.memref_slice %arg9[%dma_start3A_809, %dma_start3A_811, %dma_start3A_812] : memref<4x64x128xf32, #tpu.memory_space<vmem>> -> memref<1x64x128xf32, #tpu.memory_space<vmem>>
          %dma_start3A_814 = tpu.memref_squeeze %dma_start3A_813 : memref<1x64x128xf32, #tpu.memory_space<vmem>> -> memref<64x128xf32, #tpu.memory_space<vmem>>
          %dma_start3A_815 = arith.constant 0 : i32
          %dma_start3A_816 = tpu.memref_slice %arg10[%dma_start3A_808, %dma_start3A_815] : memref<4x64xi32, #tpu.memory_space<vmem>> -> memref<1x64xi32, #tpu.memory_space<vmem>>
          %dma_start3A_817 = tpu.memref_squeeze %dma_start3A_816 : memref<1x64xi32, #tpu.memory_space<vmem>> -> memref<64xi32, #tpu.memory_space<vmem>>
          %dma_start3A_818 = arith.constant 0 : i32
          %dma_start3A_819 = arith.constant 0 : i32
          %dma_start3A_820 = tpu.memref_slice %arg3[%dma_start3A_818, %dma_start3A_819] : memref<10000x128xf32, #tpu.memory_space<hbm>> -> memref<10000x128xf32, #tpu.memory_space<hbm>>
          %dma_start3A_821 = tpu.memref_slice %arg12[%dma_start3A_810] : memref<4x!tpu.dma_semaphore, #tpu.memory_space<semaphore_mem>> -> memref<1x!tpu.dma_semaphore, #tpu.memory_space<semaphore_mem>>
          %dma_start3A_822 = tpu.memref_squeeze %dma_start3A_821 : memref<1x!tpu.dma_semaphore, #tpu.memory_space<semaphore_mem>> -> memref<!tpu.dma_semaphore, #tpu.memory_space<semaphore_mem>>
          tpu.enqueue_indirect_dma source(%dma_start3A_820 : memref<10000x128xf32, #tpu.memory_space<hbm>>) target(%dma_start3A_814 : memref<64x128xf32, #tpu.memory_space<vmem>>) offsets(%dma_start3A_817 : memref<64xi32, #tpu.memory_space<vmem>>) semaphore(%dma_start3A_822 : memref<!tpu.dma_semaphore, #tpu.memory_space<semaphore_mem>>)
        } else {
        }
      }
      %scan3A_444 = arith.constant 40 : i32
      %barrier3A_445 = arith.constant 0 : index
      tpu.barrier barrier_id(%barrier3A_445)
      %lt3A_446 = arith.constant 15 : i32
      %lt3A_447 = arith.cmpi slt, %arg1, %lt3A_446 : i32
      %convert_element_type3A_448 = arith.extui %lt3A_447 : i1 to i32
      %cond3A_449 = arith.constant 0 : i32
      %cond3A_450 = arith.cmpi ne, %convert_element_type3A_448, %cond3A_449 : i32
      scf.if %cond3A_450 {
        %mul3A_456 = arith.constant 632 : i32
        %mul3A_457 = arith.muli %arg1, %mul3A_456 : i32
        %mul3A_458 = arith.constant 632 : i32
        %mul3A_459 = arith.muli %arg1, %mul3A_458 : i32
        "tpu.region"() ({
          %run_scoped3A = tpu.sem_alloc : memref<!tpu.dma_semaphore, #tpu.memory_space<semaphore_mem>>
          %dma_start3A_460 = arith.constant 0 : i32
          %dma_start3A_461 = tpu.memref_slice %arg6[%mul3A_459, %dma_start3A_460] : memref<10000x128xf32, #tpu.memory_space<hbm>> -> memref<632x128xf32, #tpu.memory_space<hbm>>
          %dma_start3A_462 = arith.constant 0 : i32
          %dma_start3A_463 = tpu.memref_slice %arg7[%mul3A_457, %dma_start3A_462] : memref<10008x128xf32, #tpu.memory_space<vmem_shared>> -> memref<632x128xf32, #tpu.memory_space<vmem_shared>>
          tpu.enqueue_dma source(%dma_start3A_463 : memref<632x128xf32, #tpu.memory_space<vmem_shared>>) target(%dma_start3A_461 : memref<632x128xf32, #tpu.memory_space<hbm>>) target_semaphore(%run_scoped3A : memref<!tpu.dma_semaphore, #tpu.memory_space<semaphore_mem>>)
          %dma_wait3A = arith.constant 0 : i32
          %dma_wait3A_464 = tpu.memref_slice %arg6[%mul3A_459, %dma_wait3A] : memref<10000x128xf32, #tpu.memory_space<hbm>> -> memref<632x128xf32, #tpu.memory_space<hbm>>
          %dma_wait3A_465 = arith.constant 0 : i32
          %dma_wait3A_466 = tpu.memref_slice %arg7[%mul3A_457, %dma_wait3A_465] : memref<10008x128xf32, #tpu.memory_space<vmem_shared>> -> memref<632x128xf32, #tpu.memory_space<vmem_shared>>
          tpu.wait_dma2 semaphore(%run_scoped3A : memref<!tpu.dma_semaphore, #tpu.memory_space<semaphore_mem>>) src(%dma_wait3A_466 : memref<632x128xf32, #tpu.memory_space<vmem_shared>>) dst(%dma_wait3A_464 : memref<632x128xf32, #tpu.memory_space<hbm>>)
          tpu.yield
        }) : () -> ()
      } else {
      }
      %eq3A_451 = arith.constant 15 : i32
      %eq3A_452 = arith.cmpi eq, %arg1, %eq3A_451 : i32
      %convert_element_type3A_453 = arith.extui %eq3A_452 : i1 to i32
      %cond3A_454 = arith.constant 0 : i32
      %cond3A_455 = arith.cmpi ne, %convert_element_type3A_453, %cond3A_454 : i32
      scf.if %cond3A_455 {
        "tpu.region"() ({
          %run_scoped3A = tpu.sem_alloc : memref<!tpu.dma_semaphore, #tpu.memory_space<semaphore_mem>>
          %dma_start3A_456 = arith.constant 9480 : i32
          %dma_start3A_457 = arith.constant 0 : i32
          %dma_start3A_458 = tpu.memref_slice %arg6[%dma_start3A_456, %dma_start3A_457] : memref<10000x128xf32, #tpu.memory_space<hbm>> -> memref<520x128xf32, #tpu.memory_space<hbm>>
          %dma_start3A_459 = arith.constant 9480 : i32
          %dma_start3A_460 = arith.constant 0 : i32
          %dma_start3A_461 = tpu.memref_slice %arg7[%dma_start3A_459, %dma_start3A_460] : memref<10008x128xf32, #tpu.memory_space<vmem_shared>> -> memref<520x128xf32, #tpu.memory_space<vmem_shared>>
          tpu.enqueue_dma source(%dma_start3A_461 : memref<520x128xf32, #tpu.memory_space<vmem_shared>>) target(%dma_start3A_458 : memref<520x128xf32, #tpu.memory_space<hbm>>) target_semaphore(%run_scoped3A : memref<!tpu.dma_semaphore, #tpu.memory_space<semaphore_mem>>)
          %dma_wait3A = arith.constant 9480 : i32
          %dma_wait3A_462 = arith.constant 0 : i32
          %dma_wait3A_463 = tpu.memref_slice %arg6[%dma_wait3A, %dma_wait3A_462] : memref<10000x128xf32, #tpu.memory_space<hbm>> -> memref<520x128xf32, #tpu.memory_space<hbm>>
          %dma_wait3A_464 = arith.constant 9480 : i32
          %dma_wait3A_465 = arith.constant 0 : i32
          %dma_wait3A_466 = tpu.memref_slice %arg7[%dma_wait3A_464, %dma_wait3A_465] : memref<10008x128xf32, #tpu.memory_space<vmem_shared>> -> memref<520x128xf32, #tpu.memory_space<vmem_shared>>
          tpu.wait_dma2 semaphore(%run_scoped3A : memref<!tpu.dma_semaphore, #tpu.memory_space<semaphore_mem>>) src(%dma_wait3A_466 : memref<520x128xf32, #tpu.memory_space<vmem_shared>>) dst(%dma_wait3A_463 : memref<520x128xf32, #tpu.memory_space<hbm>>)
          tpu.yield
        }) : () -> ()
      } else {
      }
    } else {
    }
    return
  }
}

module attributes {stable_mosaic.version = 14 : i64} {
  func.func @_hs_body(%arg0: i32, %arg1: memref<2000x256xf32, #tpu.memory_space<vmem>>, %arg2: memref<256x256xf32, #tpu.memory_space<vmem>>, %arg3: memref<2x2000x128xf32, #tpu.memory_space<vmem>>, %arg4: memref<2000x128xf32, #tpu.memory_space<vmem>>, %arg5: memref<2000x128xf32, #tpu.memory_space<vmem>>) attributes {dimension_semantics = [#tpu.dimension_semantics<arbitrary>], iteration_bounds = array<i64: 5>, scalar_prefetch = 0 : i64, scratch_operands = 0 : i64, tpu.core_type = #tpu.core_type<tc>, window_params = [{transform_indices = @transform_0, window_bounds = array<i64: 2000, 256>}, {pipeline_mode = #tpu.pipeline_mode<synchronous>, transform_indices = @transform_1, window_bounds = array<i64: 256, 256>}, {transform_indices = @transform_2, window_bounds = array<i64: 2, 2000, 128>}, {transform_indices = @transform_3, window_bounds = array<i64: 2000, 128>}, {transform_indices = @transform_4, window_bounds = array<i64: 2000, 128>}]} {
    %get3A = arith.constant 0 : index
    %get3A_0 = arith.constant 0 : index
    %get3A_1 = vector.load %arg1[%get3A, %get3A_0] : memref<2000x256xf32, #tpu.memory_space<vmem>>, vector<2000x256xf32>
    %get3A_2 = arith.constant 0 : index
    %get3A_3 = arith.constant 0 : index
    %get3A_4 = vector.load %arg2[%get3A_2, %get3A_3] : memref<256x256xf32, #tpu.memory_space<vmem>>, vector<256x256xf32>
    %dot_general3A = arith.constant dense<0.000000e+00> : vector<2000x256xf32>
    %dot_general3A_5 = tpu.matmul %get3A_1, %get3A_4, %dot_general3A {dimension_numbers = #tpu.dot_dimension_numbers<[1], [0], [0], [1], [0, 0, 1, 1], [], []>, transpose_lhs_hint = false} : vector<2000x256xf32>, vector<256x256xf32>, vector<2000x256xf32> -> vector<2000x256xf32>
    %get3A_6 = arith.constant 0 : index
    %get3A_7 = arith.constant 0 : index
    %get3A_8 = arith.constant 0 : index
    %get3A_9 = vector.load %arg3[%get3A_6, %get3A_7, %get3A_8] : memref<2x2000x128xf32, #tpu.memory_space<vmem>>, vector<1x2000x1xf32>
    %get3A_10 = vector.shape_cast %get3A_9 : vector<1x2000x1xf32> to vector<2000x1xf32>
    %get3A_11 = arith.constant 1 : index
    %get3A_12 = arith.constant 0 : index
    %get3A_13 = arith.constant 0 : index
    %get3A_14 = vector.load %arg3[%get3A_11, %get3A_12, %get3A_13] : memref<2x2000x128xf32, #tpu.memory_space<vmem>>, vector<1x2000x1xf32>
    %get3A_15 = vector.shape_cast %get3A_14 : vector<1x2000x1xf32> to vector<2000x1xf32>
    %add3A = arith.addf %get3A_10, %get3A_15 : vector<2000x1xf32>
    %add3A_16 = arith.constant 1.000000e+00 : f32
    %add3A_17 = vector.broadcast %add3A_16 : f32 to vector<2000x1xf32>
    %add3A_18 = arith.addf %add3A, %add3A_17 : vector<2000x1xf32>
    %rsqrt3A = math.rsqrt %add3A_18 : vector<2000x1xf32>
    %mul3A = vector.broadcast %rsqrt3A : vector<2000x1xf32> to vector<2000x256xf32>
    %mul3A_19 = arith.mulf %dot_general3A_5, %mul3A : vector<2000x256xf32>
    %slice3A = vector.extract_strided_slice %mul3A_19 {offsets = [0, 0], sizes = [2000, 128], strides = [1, 1]} : vector<2000x256xf32> to vector<2000x128xf32>
    %swap3A = arith.constant 0 : index
    %swap3A_20 = arith.constant 0 : index
    %swap3A_21 = vector.load %arg4[%swap3A, %swap3A_20] : memref<2000x128xf32, #tpu.memory_space<vmem>>, vector<2000x128xf32>
    tpu.vector_store %arg4[%swap3A, %swap3A_20], %slice3A {strides = array<i32>} : memref<2000x128xf32, #tpu.memory_space<vmem>>, vector<2000x128xf32>,
    %slice3A_22 = vector.extract_strided_slice %mul3A_19 {offsets = [0, 128], sizes = [2000, 128], strides = [1, 1]} : vector<2000x256xf32> to vector<2000x128xf32>
    %swap3A_23 = arith.constant 0 : index
    %swap3A_24 = arith.constant 0 : index
    %swap3A_25 = vector.load %arg5[%swap3A_23, %swap3A_24] : memref<2000x128xf32, #tpu.memory_space<vmem>>, vector<2000x128xf32>
    tpu.vector_store %arg5[%swap3A_23, %swap3A_24], %slice3A_22 {strides = array<i32>} : memref<2000x128xf32, #tpu.memory_space<vmem>>, vector<2000x128xf32>,
    return
  }
  func.func @transform_0(%arg0: i32) -> (i32, i32) {
    %c0_i32 = arith.constant 0 : i32
    %c0_i32_0 = arith.constant 0 : i32
    return %arg0, %c0_i32 : i32, i32
  }
  func.func @transform_1(%arg0: i32) -> (i32, i32) {
    %c0_i32 = arith.constant 0 : i32
    %c0_i32_0 = arith.constant 0 : i32
    %c0_i32_1 = arith.constant 0 : i32
    return %c0_i32, %c0_i32_0 : i32, i32
  }
  func.func @transform_2(%arg0: i32) -> (i32, i32, i32) {
    %c0_i32 = arith.constant 0 : i32
    %c0_i32_0 = arith.constant 0 : i32
    %c0_i32_1 = arith.constant 0 : i32
    return %c0_i32, %arg0, %c0_i32_0 : i32, i32, i32
  }
  func.func @transform_3(%arg0: i32) -> (i32, i32) {
    %c0_i32 = arith.constant 0 : i32
    %c0_i32_0 = arith.constant 0 : i32
    return %arg0, %c0_i32 : i32, i32
  }
  func.func @transform_4(%arg0: i32) -> (i32, i32) {
    %c0_i32 = arith.constant 0 : i32
    %c0_i32_0 = arith.constant 0 : i32
    return %arg0, %c0_i32 : i32, i32
  }
}

module attributes {stable_mosaic.version = 14 : i64} {
  func.func @_bn_body(%arg0: i32, %arg1: i32, %arg2: memref<2000x128xf32, #tpu.memory_space<vmem>>, %arg3: memref<2000x128xf32, #tpu.memory_space<vmem>>, %arg4: memref<2x2000x128xf32, #tpu.memory_space<vmem>>, %arg5: memref<1x256xf32, #tpu.memory_space<vmem>>, %arg6: memref<1x256xf32, #tpu.memory_space<vmem>>, %arg7: memref<1x256xf32, #tpu.memory_space<vmem>>, %arg8: memref<2000x256xf32, #tpu.memory_space<vmem>>, %arg9: memref<1x256xf32, #tpu.memory_space<vmem>>, %arg10: memref<1x256xf32, #tpu.memory_space<vmem>>) attributes {dimension_semantics = [#tpu.dimension_semantics<arbitrary>, #tpu.dimension_semantics<arbitrary>], iteration_bounds = array<i64: 2, 5>, scalar_prefetch = 0 : i64, scratch_operands = 2 : i64, tpu.core_type = #tpu.core_type<tc>, window_params = [{transform_indices = @transform_0, window_bounds = array<i64: 2000, 128>}, {transform_indices = @transform_1, window_bounds = array<i64: 2000, 128>}, {transform_indices = @transform_2, window_bounds = array<i64: 2, 2000, 128>}, {pipeline_mode = #tpu.pipeline_mode<synchronous>, transform_indices = @transform_3, window_bounds = array<i64: 1, 256>}, {pipeline_mode = #tpu.pipeline_mode<synchronous>, transform_indices = @transform_4, window_bounds = array<i64: 1, 256>}, {pipeline_mode = #tpu.pipeline_mode<synchronous>, transform_indices = @transform_5, window_bounds = array<i64: 1, 256>}, {transform_indices = @transform_6, window_bounds = array<i64: 2000, 256>}]} {
    %get3A = arith.constant 0 : index
    %get3A_0 = arith.constant 0 : index
    %get3A_1 = arith.constant 0 : index
    %get3A_2 = vector.load %arg4[%get3A, %get3A_0, %get3A_1] : memref<2x2000x128xf32, #tpu.memory_space<vmem>>, vector<1x2000x1xf32>
    %get3A_3 = vector.shape_cast %get3A_2 : vector<1x2000x1xf32> to vector<2000x1xf32>
    %get3A_4 = arith.constant 1 : index
    %get3A_5 = arith.constant 0 : index
    %get3A_6 = arith.constant 0 : index
    %get3A_7 = vector.load %arg4[%get3A_4, %get3A_5, %get3A_6] : memref<2x2000x128xf32, #tpu.memory_space<vmem>>, vector<1x2000x1xf32>
    %get3A_8 = vector.shape_cast %get3A_7 : vector<1x2000x1xf32> to vector<2000x1xf32>
    %add3A = arith.addf %get3A_3, %get3A_8 : vector<2000x1xf32>
    %add3A_9 = arith.constant 1.000000e+00 : f32
    %add3A_10 = vector.broadcast %add3A_9 : f32 to vector<2000x1xf32>
    %add3A_11 = arith.addf %add3A, %add3A_10 : vector<2000x1xf32>
    %rsqrt3A = math.rsqrt %add3A_11 : vector<2000x1xf32>
    %get3A_12 = arith.constant 0 : index
    %get3A_13 = arith.constant 0 : index
    %get3A_14 = vector.load %arg2[%get3A_12, %get3A_13] : memref<2000x128xf32, #tpu.memory_space<vmem>>, vector<2000x128xf32>
    %mul3A = vector.broadcast %rsqrt3A : vector<2000x1xf32> to vector<2000x128xf32>
    %mul3A_15 = arith.mulf %get3A_14, %mul3A : vector<2000x128xf32>
    %get3A_16 = arith.constant 0 : index
    %get3A_17 = arith.constant 0 : index
    %get3A_18 = vector.load %arg5[%get3A_16, %get3A_17] : memref<1x256xf32, #tpu.memory_space<vmem>>, vector<1x128xf32>
    %add3A_19 = vector.broadcast %get3A_18 : vector<1x128xf32> to vector<2000x128xf32>
    %add3A_20 = arith.addf %mul3A_15, %add3A_19 : vector<2000x128xf32>
    %max3A = arith.constant 0.000000e+00 : f32
    %max3A_21 = vector.broadcast %max3A : f32 to vector<2000x128xf32>
    %max3A_22 = arith.maximumf %add3A_20, %max3A_21 : vector<2000x128xf32>
    %get3A_23 = arith.constant 0 : index
    %get3A_24 = arith.constant 0 : index
    %get3A_25 = vector.load %arg3[%get3A_23, %get3A_24] : memref<2000x128xf32, #tpu.memory_space<vmem>>, vector<2000x128xf32>
    %mul3A_26 = vector.broadcast %rsqrt3A : vector<2000x1xf32> to vector<2000x128xf32>
    %mul3A_27 = arith.mulf %get3A_25, %mul3A_26 : vector<2000x128xf32>
    %get3A_28 = arith.constant 0 : index
    %get3A_29 = arith.constant 128 : index
    %get3A_30 = vector.load %arg5[%get3A_28, %get3A_29] : memref<1x256xf32, #tpu.memory_space<vmem>>, vector<1x128xf32>
    %add3A_31 = vector.broadcast %get3A_30 : vector<1x128xf32> to vector<2000x128xf32>
    %add3A_32 = arith.addf %mul3A_27, %add3A_31 : vector<2000x128xf32>
    %max3A_33 = arith.constant 0.000000e+00 : f32
    %max3A_34 = vector.broadcast %max3A_33 : f32 to vector<2000x128xf32>
    %max3A_35 = arith.maximumf %add3A_32, %max3A_34 : vector<2000x128xf32>
    %concatenate3A = tpu.concatenate %max3A_22, %max3A_35 in 1 : vector<2000x128xf32>, vector<2000x128xf32> -> vector<2000x256xf32>
    %eq3A = arith.constant 0 : i32
    %eq3A_36 = arith.cmpi eq, %arg0, %eq3A : i32
    %eq3A_37 = arith.constant 0 : i32
    %eq3A_38 = arith.cmpi eq, %arg1, %eq3A_37 : i32
    %and3A = arith.andi %eq3A_36, %eq3A_38 : i1
    %convert_element_type3A = arith.extui %and3A : i1 to i32
    %cond3A = arith.constant 0 : i32
    %cond3A_39 = arith.cmpi ne, %convert_element_type3A, %cond3A : i32
    scf.if %cond3A_39 {
      %broadcast_in_dim3A = arith.constant 0.000000e+00 : f32
      %broadcast_in_dim3A_50 = vector.broadcast %broadcast_in_dim3A : f32 to vector<1x256xf32>
      %swap3A = arith.constant 0 : index
      %swap3A_51 = arith.constant 0 : index
      %swap3A_52 = vector.load %arg9[%swap3A, %swap3A_51] : memref<1x256xf32, #tpu.memory_space<vmem>>, vector<1x256xf32>
      tpu.vector_store %arg9[%swap3A, %swap3A_51], %broadcast_in_dim3A_50 {strides = array<i32>} : memref<1x256xf32, #tpu.memory_space<vmem>>, vector<1x256xf32>,
      %broadcast_in_dim3A_53 = arith.constant 0.000000e+00 : f32
      %broadcast_in_dim3A_54 = vector.broadcast %broadcast_in_dim3A_53 : f32 to vector<1x256xf32>
      %swap3A_55 = arith.constant 0 : index
      %swap3A_56 = arith.constant 0 : index
      %swap3A_57 = vector.load %arg10[%swap3A_55, %swap3A_56] : memref<1x256xf32, #tpu.memory_space<vmem>>, vector<1x256xf32>
      tpu.vector_store %arg10[%swap3A_55, %swap3A_56], %broadcast_in_dim3A_54 {strides = array<i32>} : memref<1x256xf32, #tpu.memory_space<vmem>>, vector<1x256xf32>,
    } else {
    }
    %eq3A_40 = arith.constant 0 : i32
    %eq3A_41 = arith.cmpi eq, %arg0, %eq3A_40 : i32
    %convert_element_type3A_42 = arith.extui %eq3A_41 : i1 to i32
    %cond3A_43 = arith.constant 0 : i32
    %cond3A_44 = arith.cmpi ne, %convert_element_type3A_42, %cond3A_43 : i32
    scf.if %cond3A_44 {
      %get3A_50 = arith.constant 0 : index
      %get3A_51 = arith.constant 0 : index
      %get3A_52 = vector.load %arg9[%get3A_50, %get3A_51] : memref<1x256xf32, #tpu.memory_space<vmem>>, vector<1x256xf32>
      %reduce_sum3A = arith.constant dense<0.000000e+00> : vector<256xf32>
      %reduce_sum3A_53 = vector.multi_reduction <add>, %concatenate3A, %reduce_sum3A [0] : vector<2000x256xf32> to vector<256xf32>
      %broadcast_in_dim3A = vector.shape_cast %reduce_sum3A_53 : vector<256xf32> to vector<1x256xf32>
      %add3A_54 = arith.addf %get3A_52, %broadcast_in_dim3A : vector<1x256xf32>
      %swap3A = arith.constant 0 : index
      %swap3A_55 = arith.constant 0 : index
      %swap3A_56 = vector.load %arg9[%swap3A, %swap3A_55] : memref<1x256xf32, #tpu.memory_space<vmem>>, vector<1x256xf32>
      tpu.vector_store %arg9[%swap3A, %swap3A_55], %add3A_54 {strides = array<i32>} : memref<1x256xf32, #tpu.memory_space<vmem>>, vector<1x256xf32>,
      %get3A_57 = arith.constant 0 : index
      %get3A_58 = arith.constant 0 : index
      %get3A_59 = vector.load %arg10[%get3A_57, %get3A_58] : memref<1x256xf32, #tpu.memory_space<vmem>>, vector<1x256xf32>
      %mul3A_60 = arith.mulf %concatenate3A, %concatenate3A : vector<2000x256xf32>
      %reduce_sum3A_61 = arith.constant dense<0.000000e+00> : vector<256xf32>
      %reduce_sum3A_62 = vector.multi_reduction <add>, %mul3A_60, %reduce_sum3A_61 [0] : vector<2000x256xf32> to vector<256xf32>
      %broadcast_in_dim3A_63 = vector.shape_cast %reduce_sum3A_62 : vector<256xf32> to vector<1x256xf32>
      %add3A_64 = arith.addf %get3A_59, %broadcast_in_dim3A_63 : vector<1x256xf32>
      %swap3A_65 = arith.constant 0 : index
      %swap3A_66 = arith.constant 0 : index
      %swap3A_67 = vector.load %arg10[%swap3A_65, %swap3A_66] : memref<1x256xf32, #tpu.memory_space<vmem>>, vector<1x256xf32>
      tpu.vector_store %arg10[%swap3A_65, %swap3A_66], %add3A_64 {strides = array<i32>} : memref<1x256xf32, #tpu.memory_space<vmem>>, vector<1x256xf32>,
      %swap3A_68 = arith.constant 0 : index
      %swap3A_69 = arith.constant 0 : index
      %swap3A_70 = vector.load %arg8[%swap3A_68, %swap3A_69] : memref<2000x256xf32, #tpu.memory_space<vmem>>, vector<2000x256xf32>
      tpu.vector_store %arg8[%swap3A_68, %swap3A_69], %concatenate3A {strides = array<i32>} : memref<2000x256xf32, #tpu.memory_space<vmem>>, vector<2000x256xf32>,
    } else {
    }
    %eq3A_45 = arith.constant 1 : i32
    %eq3A_46 = arith.cmpi eq, %arg0, %eq3A_45 : i32
    %convert_element_type3A_47 = arith.extui %eq3A_46 : i1 to i32
    %cond3A_48 = arith.constant 0 : i32
    %cond3A_49 = arith.cmpi ne, %convert_element_type3A_47, %cond3A_48 : i32
    scf.if %cond3A_49 {
      %get3A_50 = arith.constant 0 : index
      %get3A_51 = arith.constant 0 : index
      %get3A_52 = vector.load %arg9[%get3A_50, %get3A_51] : memref<1x256xf32, #tpu.memory_space<vmem>>, vector<1x256xf32>
      %mul3A_53 = arith.constant 9.99999974E-5 : f32
      %mul3A_54 = vector.broadcast %mul3A_53 : f32 to vector<1x256xf32>
      %mul3A_55 = arith.mulf %get3A_52, %mul3A_54 : vector<1x256xf32>
      %get3A_56 = arith.constant 0 : index
      %get3A_57 = arith.constant 0 : index
      %get3A_58 = vector.load %arg10[%get3A_56, %get3A_57] : memref<1x256xf32, #tpu.memory_space<vmem>>, vector<1x256xf32>
      %mul3A_59 = arith.constant 9.99999974E-5 : f32
      %mul3A_60 = vector.broadcast %mul3A_59 : f32 to vector<1x256xf32>
      %mul3A_61 = arith.mulf %get3A_58, %mul3A_60 : vector<1x256xf32>
      %mul3A_62 = arith.mulf %mul3A_55, %mul3A_55 : vector<1x256xf32>
      %sub3A = arith.subf %mul3A_61, %mul3A_62 : vector<1x256xf32>
      %add3A_63 = arith.constant 9.99999974E-6 : f32
      %add3A_64 = vector.broadcast %add3A_63 : f32 to vector<1x256xf32>
      %add3A_65 = arith.addf %sub3A, %add3A_64 : vector<1x256xf32>
      %rsqrt3A_66 = math.rsqrt %add3A_65 : vector<1x256xf32>
      %get3A_67 = arith.constant 0 : index
      %get3A_68 = arith.constant 0 : index
      %get3A_69 = vector.load %arg6[%get3A_67, %get3A_68] : memref<1x256xf32, #tpu.memory_space<vmem>>, vector<1x256xf32>
      %sub3A_70 = vector.broadcast %mul3A_55 : vector<1x256xf32> to vector<2000x256xf32>
      %sub3A_71 = arith.subf %concatenate3A, %sub3A_70 : vector<2000x256xf32>
      %mul3A_72 = vector.broadcast %get3A_69 : vector<1x256xf32> to vector<2000x256xf32>
      %mul3A_73 = arith.mulf %mul3A_72, %sub3A_71 : vector<2000x256xf32>
      %mul3A_74 = vector.broadcast %rsqrt3A_66 : vector<1x256xf32> to vector<2000x256xf32>
      %mul3A_75 = arith.mulf %mul3A_73, %mul3A_74 : vector<2000x256xf32>
      %get3A_76 = arith.constant 0 : index
      %get3A_77 = arith.constant 0 : index
      %get3A_78 = vector.load %arg7[%get3A_76, %get3A_77] : memref<1x256xf32, #tpu.memory_space<vmem>>, vector<1x256xf32>
      %add3A_79 = vector.broadcast %get3A_78 : vector<1x256xf32> to vector<2000x256xf32>
      %add3A_80 = arith.addf %mul3A_75, %add3A_79 : vector<2000x256xf32>
      %swap3A = arith.constant 0 : index
      %swap3A_81 = arith.constant 0 : index
      %swap3A_82 = vector.load %arg8[%swap3A, %swap3A_81] : memref<2000x256xf32, #tpu.memory_space<vmem>>, vector<2000x256xf32>
      tpu.vector_store %arg8[%swap3A, %swap3A_81], %add3A_80 {strides = array<i32>} : memref<2000x256xf32, #tpu.memory_space<vmem>>, vector<2000x256xf32>,
    } else {
    }
    return
  }
  func.func @transform_0(%arg0: i32, %arg1: i32) -> (i32, i32) {
    %c0_i32 = arith.constant 0 : i32
    %c0_i32_0 = arith.constant 0 : i32
    return %arg1, %c0_i32 : i32, i32
  }
  func.func @transform_1(%arg0: i32, %arg1: i32) -> (i32, i32) {
    %c0_i32 = arith.constant 0 : i32
    %c0_i32_0 = arith.constant 0 : i32
    return %arg1, %c0_i32 : i32, i32
  }
  func.func @transform_2(%arg0: i32, %arg1: i32) -> (i32, i32, i32) {
    %c0_i32 = arith.constant 0 : i32
    %c0_i32_0 = arith.constant 0 : i32
    %c0_i32_1 = arith.constant 0 : i32
    return %c0_i32, %arg1, %c0_i32_0 : i32, i32, i32
  }
  func.func @transform_3(%arg0: i32, %arg1: i32) -> (i32, i32) {
    %c0_i32 = arith.constant 0 : i32
    %c0_i32_0 = arith.constant 0 : i32
    %c0_i32_1 = arith.constant 0 : i32
    return %c0_i32, %c0_i32_0 : i32, i32
  }
  func.func @transform_4(%arg0: i32, %arg1: i32) -> (i32, i32) {
    %c0_i32 = arith.constant 0 : i32
    %c0_i32_0 = arith.constant 0 : i32
    %c0_i32_1 = arith.constant 0 : i32
    return %c0_i32, %c0_i32_0 : i32, i32
  }
  func.func @transform_5(%arg0: i32, %arg1: i32) -> (i32, i32) {
    %c0_i32 = arith.constant 0 : i32
    %c0_i32_0 = arith.constant 0 : i32
    %c0_i32_1 = arith.constant 0 : i32
    return %c0_i32, %c0_i32_0 : i32, i32
  }
  func.func @transform_6(%arg0: i32, %arg1: i32) -> (i32, i32) {
    %c0_i32 = arith.constant 0 : i32
    %c0_i32_0 = arith.constant 0 : i32
    return %arg1, %c0_i32 : i32, i32
  }
}

</mosaic_0001>

<sc_bundles>
// kernel: kernel.6.cloned.1.call-start
scs
__scs_entry_jumppad:
0x0: {  	(pc) =	sbr.rel $0x88, $3  }
0x1: {  	(tag) =	ssettag $0x0;
	lr =	simm.s32 $0x1  }
0x2: {  	[smem:$0x3F9B] =	sst lr;
	_ =	strace $0xD0000000  }
0x3: {  	_ = 	snop  }
0x4: {  	_ = 	snop  }
0x5: {  	_ = 	snop  }
0x6: {  	_ = 	snop  }
0x7: {  	_ = 	snop  }
__scs_overlays_trampoline_lowered:
0x8: {  	[smem:$0x3FAA] =	sst s0  }
0x9: {  	[smem:$0x3FAB] =	sst s1  }
0xa: {  	[smem:$0x3FAC] =	sst s2  }
0xb: {  	[smem:$0x3FAD] =	sst s3  }
0xc: {  	[smem:$0x3FAE] =	sst s4  }
0xd: {  	[smem:$0x3FAF] =	sst s5  }
0xe: {  	[smem:$0x3FB0] =	sst s6  }
0xf: {  	[smem:$0x3FB1] =	sst s7  }
0x10: {  	[smem:$0x3FB2] =	sst s8  }
0x11: {  	[smem:$0x3FB3] =	sst s9;
	s0 =	simm.s32 @!p0 $0x0  }
0x12: {  	s1 =	sld [smem:$0x3F99];
	s0 =	simm.s32 @p0 $0x1  }
0x13: {  	[smem:$0x3FB4] =	sst s0;
	s0 =	simm.s32 @!p1 $0x0  }
0x14: {  	s2 =	sld [smem:$0x3F98];
	s0 =	simm.s32 @p1 $0x1  }
0x15: {  	[smem:$0x3FB5] =	sst s0;
	s0 =	simm.s32 @!p2 $0x0  }
0x16: {  	s3 =	sld [smem:$0x3FDB];
	s0 =	simm.s32 @p2 $0x1  }
0x17: {  	s4 =	simm.s32 $0x1BF5;
	[smem:$0x3FB7] =	sst s0  }
0x18: {  	s0 =	sld [smem:$0x3F9A];
	_ =	swait.ge [sflag:s4], $0x0  }
0x19: {  	s7 =	sld [smem:$0x3F9B]  }
0x1a: {  	s8 =	sadd.s32 $0xFFFFE003, lr  }
0x1b: {  	s9 =	sadd.s32 $0xFFFFFEF7, lr;
	s5 =	simm.s32 $0xFFFFFFFF;
	p2 =	slt.u32 s8, $0xFFFFF086  }
0x1c: {  	p1 =	slt.u32 s9, $0xF7A;
	s5 =	simm.s32 @!p2 $0x0  }
0x1d: {  	s5 =	simm.s32 @p1 $0x1;
	p0 =	seq.s32 s7, s2  }
0x1e: {  	s7 =	smul.u32 @!p0 $0xF7A, s2;
	p2 =	seq.s32 @!p0 s5, $0x0  }
0x1f: {  	s9 =	smul.u32 $0xF7A, s1;
	s8 =	simm.s32 @!p0 $0x1BF5;
	p2 =	por !p2, p0  }
0x20: {  	[sflag:s8] =	ssyncset.s32 @!p0 $0xFFFFF086;
	s6 =	sadd.s32 @!p0 s3, s7;
	s7 =	simm.s32 @!p0 $0x108  }
0x21: {  	s3 =	sadd.s32 s3, s9;
	s6 =	sadd.s32 @!p0 $0x88, s6;
	s7 =	simm.s32 @p2 $0x1082  }
0x22: {  	[simem:s7], [sflag:s8] =	dma.local @!p0 [hbm:s6], $0xF7A  }
0x23: {  	s9 =	sor.u32 $0xD0000000, s2;
	s6 =	simm.s32 $0x108;
	_ =	swait.ge @!p0 [sflag:s8], $0x0  }
0x24: {  	s3 =	sadd.s32 $0x88, s3;
	s6 =	simm.s32 @!p1 $0x1082;
	[sflag:s4] =	ssyncset.s32 $0xFFFFF086  }
0x25: {  	[simem:s6], [sflag:s4] =	dma.local [hbm:s3], $0xF7A  }
0x26: {  	[smem:$0x3F9B] =	sst s1;
	(tag) =	ssettag s2;
	_ =	strace s9  }
0x27: {  	s1 =	sld [smem:$0x3FAB]  }
0x28: {  	s2 =	sld [smem:$0x3FAC]  }
0x29: {  	s4 =	sld [smem:$0x3FAE]  }
0x2a: {  	p0 =	seq.s32 s5, $0x0;
	s5 =	sld [smem:$0x3FAF]  }
0x2b: {  	s6 =	sld [smem:$0x3FB0]  }
0x2c: {  	s7 =	sld [smem:$0x3FB1]  }
0x2d: {  	s3 =	simm.s32 $0x108;
	s8 =	sld [smem:$0x3FB2]  }
0x2e: {  	s3 =	simm.s32 @!p0 $0x1082;
	s9 =	sld [smem:$0x3FB3]  }
0x2f: {  	lr =	sadd.s32 s0, s3;
	s0 =	sld [smem:$0x3FAA]  }
0x30: {  	s3 =	sld [smem:$0x3FAD]  }
0x31: {  	[smem:$0x3FB6] =	sst s10  }
0x32: {  	s10 =	sld [smem:$0x3FB4];
	_ =	sdelay $0x3  }
0x33: {  	p0 =	seq.s32 s10, $0x1;
	s10 =	sld [smem:$0x3FB6];
	_ =	sdelay $0x3  }
0x34: {  	[smem:$0x3FB6] =	sst s10  }
0x35: {  	s10 =	sld [smem:$0x3FB5];
	_ =	sdelay $0x3  }
0x36: {  	p1 =	seq.s32 s10, $0x1;
	s10 =	sld [smem:$0x3FB6];
	_ =	sdelay $0x3  }
0x37: {  	[smem:$0x3FB6] =	sst s10  }
0x38: {  	s10 =	sld [smem:$0x3FB7]  }
0x39: {  	_ = 	snop;
	(pc) =	sbr.ind lr, $3  }
0x3a: {  	_ = 	snop  }
0x3b: {  	_ = 	snop  }
0x3c: {  	p2 =	seq.s32 s10, $0x1;
	s10 =	sld [smem:$0x3FB6]  }
0x3d: {  	_ =	shalt  }
0x3e: {  	_ =	shalt  }
0x3f: {  	_ =	shalt  }
0x40: {  	_ =	shalt  }
0x41: {  	_ =	shalt  }
0x42: {  	_ =	shalt  }
0x43: {  	_ =	shalt  }
0x44: {  	_ =	shalt  }
0x45: {  	_ =	shalt  }
0x46: {  	_ =	shalt  }
0x47: {  	_ =	shalt  }
0x48: {  	_ =	shalt  }
0x49: {  	_ =	shalt  }
0x4a: {  	_ =	shalt  }
0x4b: {  	_ =	shalt  }
0x4c: {  	_ =	shalt  }
0x4d: {  	_ =	shalt  }
0x4e: {  	_ =	shalt  }
0x4f: {  	_ =	shalt  }
0x50: {  	_ =	shalt  }
0x51: {  	_ =	shalt  }
0x52: {  	_ =	shalt  }
0x53: {  	_ =	shalt  }
0x54: {  	_ =	shalt  }
0x55: {  	_ =	shalt  }
0x56: {  	_ =	shalt  }
0x57: {  	_ =	shalt  }
0x58: {  	_ =	shalt  }
0x59: {  	_ =	shalt  }
0x5a: {  	_ =	shalt  }
0x5b: {  	_ =	shalt  }
0x5c: {  	_ =	shalt  }
0x5d: {  	_ =	shalt  }
0x5e: {  	_ =	shalt  }
0x5f: {  	_ =	shalt  }
0x60: {  	_ =	shalt  }
0x61: {  	_ =	shalt  }
0x62: {  	_ =	shalt  }
0x63: {  	_ =	shalt  }
0x64: {  	_ =	shalt  }
0x65: {  	_ =	shalt  }
0x66: {  	_ =	shalt  }
0x67: {  	_ =	shalt  }
0x68: {  	_ =	shalt  }
0x69: {  	_ =	shalt  }
0x6a: {  	_ =	shalt  }
0x6b: {  	_ =	shalt  }
0x6c: {  	_ =	shalt  }
0x6d: {  	_ =	shalt  }
0x6e: {  	_ =	shalt  }
0x6f: {  	_ =	shalt  }
0x70: {  	_ =	shalt  }
0x71: {  	_ =	shalt  }
0x72: {  	_ =	shalt  }
0x73: {  	_ =	shalt  }
0x74: {  	_ =	shalt  }
0x75: {  	_ =	shalt  }
0x76: {  	_ =	shalt  }
0x77: {  	_ =	shalt  }
0x78: {  	_ =	shalt  }
0x79: {  	_ =	shalt  }
0x7a: {  	_ =	shalt  }
0x7b: {  	_ =	shalt  }
0x7c: {  	_ =	shalt  }
0x7d: {  	_ =	shalt  }
0x7e: {  	_ =	shalt  }
0x7f: {  	_ =	shalt  }
0x80: {  	_ =	shalt  }
0x81: {  	_ =	shalt  }
0x82: {  	_ =	shalt  }
0x83: {  	_ =	shalt  }
0x84: {  	_ =	shalt  }
0x85: {  	_ =	shalt  }
0x86: {  	_ =	shalt  }
0x87: {  	_ =	shalt  }
.Lfunc_end0:
.L_simem_size_0:
called_computation_lowered:
.L_overlay_start_0:
0x88: {  	s2 =	sld [smem:$0x3FD9]  }
0x89: {  	s3 =	sld [smem:$0x3FFE];
	_ =	sdelay $0x1  }
0x8a: {  	s1 =	srdreg.scid  }
0x8b: {  	s0 =	sand.u32 $0x1, s1  }
0x8c: {  	s17 =	sshll.u32 s0, $0xA;
	s2 =	sadd.s32 s3, s2  }
0x8d: {  	s2 =	sadd.s32 s2, s17  }
0x8e: {  	[smem:$0x3FC2] =	sst s2  }
0x8f: {  	_ = 	snop  }
0x90: {  	s2 =	sld [smem:$0x3FD0];
	(tm) =	ssettm $0x1  }
0x91: {  	s18 =	sld [smem:$0x3FFB];
	_ =	sdelay $0x3  }
0x92: {  	_ =	strace s18  }
0x93: {  	s3 =	sld [smem:$0x3FFC];
	_ =	sdelay $0x3  }
0x94: {  	_ =	strace s3  }
0x95: {  	s3 =	sld [smem:$0x3FFD];
	_ =	sdelay $0x3  }
0x96: {  	_ =	strace s3  }
0x97: {  	_ =	strace $0x8FFFFFFF  }
0x98: {  	s19 =	sld [smem:$0x3FDB];
	_ =	sdelay $0x1  }
0x99: {  	s4 =	simm.s32 $_scs_section_size  }
0x9a: {  	s5 =	simm.s32 $_size__tile_overlayer_lowered;
	s6 =	simm.s32 $_tile_overlayer_lowered  }
0x9b: {  	s22 =	simm.s32 $0x1BFF;
	s21 =	sshll.u32 s6, $0x1;
	s3 =	sadd.s32 s4, s19  }
0x9c: {  	s7 =	simm.s32 $0x0;
	s20 =	sshll.u32 s5, $0x1;
	s5 =	sadd.s32 s21, s3  }
0x9d: {  	[timem:s7], [sflag:s22] =	dma.local [hbm:s5], s20  }
0x9e: {  	_ =	swait.ge [sflag:s22], s20  }
0x9f: {  	s4 =	ssub.s32 $0x0, s20;
	[sflag:s22] =	ssyncset.done $0x0  }
0xa0: {  	[sflag:s22] =	ssyncadd.s32 s4;
	_ =	sdelay $0x1  }
0xa1: {  	s23 =	simm.s32 $0x1B8B  }
0xa2: {  	_ =	swait.ge [sflag:s23], $0x1  }
0xa3: {  	[sflag:s23] =	ssyncset.done $0x0  }
0xa4: {  	s25 =	simm.s32 $0x1B8E;
	s24 =	sld [smem:$0x3FFE];
	[sflag:s23] =	ssyncadd.s32 $0xFFFFFFFF  }
0xa5: {  	s26 =	simm.s32 $execute0_lowered;
	[smem:$0x3FD2] =	sst s25  }
0xa6: {  	s5 =	sshll.u32 s26, $0x1;
	_ =	strace $0x80000046;
	[dreg:$0x1] =	wrdreg $0xFFFFFFFF  }
0xa7: {  	s28 =	simm.s32 $_size_execute0_lowered;
	s3 =	sadd.s32 s3, s5;
	[dreg:$0x0] =	wrdreg $0x0  }
0xa8: {  	s5 =	sshll.u32 s28, $0x1;
	[dreg:$0x2] =	wrdreg s3  }
0xa9: {  	[dreg:$0x3] =	wrdreg s5  }
0xaa: {  	[dreg:$0x4] =	wrdreg $0xC0  }
0xab: {  	_ =	task [dreg:s7], $0x5FFFF  }
0xac: {  	[dreg:$0x1] =	wrdreg $0xFFFFFFFF  }
0xad: {  	[dreg:$0x0] =	wrdreg $0x60  }
0xae: {  	[dreg:$0x2] =	wrdreg s2  }
0xaf: {  	[dreg:$0x3] =	wrdreg s24  }
0xb0: {  	[dreg:$0x4] =	wrdreg $0x0  }
0xb1: {  	[dreg:$0x5] =	wrdreg $0x9  }
0xb2: {  	_ =	task.clear_ibuf [dreg:s7], $0x6FFFF;
	_ =	strace $0x90000046  }
0xb3: {  	s29 =	simm.s32 $0x9;
	_ =	strace $0x80000048  }
0xb4: {  	_ =	swait.ge [sflag:s29], $0x1  }
0xb5: {  	[sflag:s29] =	ssyncadd.s32 $0xFFFFFFFF  }
0xb6: {  	_ =	strace $0x90000048  }
0xb7: {  	_ =	sfence  }
0xb8: {  	s30 =	sld [smem:$0x0];
	_ =	sdelay $0x2  }
0xb9: {  	s31 =	sshll.u32 s1, $0xD;
	s1 =	sshrl.u32 s1, $0x2  }
0xba: {  	s3 =	sand.u32 $0x4000, s31;
	s1 =	sadd.s32 s1, s30  }
0xbb: {  	s0 =	sor.u32 s3, s0;
	s1 =	sshll.u32 s1, $0x11  }
0xbc: {  	s0 =	sor.u32 s1, s0  }
0xbd: {  	s0 =	sadd.s32 $0x8F2B, s0  }
0xbe: {  	[sflag:s0] =	ssyncadd.remote.s32 $0x1  }
0xbf: {  	_ =	sfence.sel $0xFFFF  }
0xc0: {  	[dreg:$0x0] =	wrdreg $0xFFFFFFFF;
	(pc) =	sbr.abs _section_cstart, $3  }
0xc1: {  	[dreg:$0x1] =	wrdreg $0xFFFFFFFF  }
0xc2: {  	_ =	task.clear_ibuf [dreg:s7], $0x2FFFF;
	_ =	strace $0x9FFFFFFF  }
0xc3: {  	(tm) =	ssettm $0x7FFFFFFF  }
tec
execute0_lowered:
.L_overlay_start_1:
0x0: {  	(tag) =	ssettag $0x1  }
0x1: {  	s7 =	rddreg [dreg:$0x0]  }
0x2: {  	s5 =	rddreg [dreg:$0x1]  }
0x3: {  	s0 =	srdreg.scid;
	s2 =	rddreg [dreg:$0x2]  }
0x4: {  	s1 =	stileid.u32;
	s3 =	simm.s32 $0x0;
	s13 =	simm.s32 $0x14000  }
0x5: {  	s14 =	simm.s32 $0x80;
	s15 =	simm.s32 $0x0;
	s8 =	smul.u32 $0x14000, s1  }
0x6: {  	s6 =	sand.u32 $0x1, s0;
	s0 =	rddreg [dreg:$0x3];
	s11 =	smul.u32 $0x50000, s1  }
0x7: {  	[smem:$0x7FF] =	sst s3;
	s31 =	sshll.u32 s1, $0x6;
	s4 =	smul.u32 $0x140000, s6  }
0x8: {  	_ =	strace $0x80000047;
	s9 =	ssub.s32 $0x2, s6;
	s6 =	sshll.u32 s6, $0x4  }
0x9: {  	s10 =	sshrl.u32 s9, $0x1;
	s6 =	sor.u32 s1, s6;
	s30 =	sshrl.u32 s11, $0x2  }
0xa: {  	s11 =	simm.s32 $0x1;
	s8 =	sadd.s32 s8, s4;
	s4 =	sadd.s32 $0x8000, s5  }
0xb: {  	s9 =	ssub.s32 s9, s10;
	s12 =	smul.u32 $0x280, s6;
	s10 =	sadd.s32 s30, s2  }
0xc: {  	s6 =	sor.u32 $0x1C01, s31;
	s8 =	sshrl.u32 s8, $0x3;
	s9 =	smax.u32 s9, $0x1  }
0xd: {  	s10 =	sshrl.u32 s10, $0x3;
	s8 =	sadd.s32 s8, s5;
	s5 =	sadd.s32 $0x8800, s5  }
0xe: {  	s7 =	sadd.s32 s7, s12;
	s12 =	simm.s32 $0x15400;
	s8 =	sadd.s32 $0xB000, s8  }
.LBB2_1:
0xf: {  	[spmem:s10], [sflag:s6] =	dma.local [hbm:s5], $0x2800  }
0x10: {  	_ =	swait.ge [sflag:s11], $0x2800  }
0x11: {  	[sflag:s11] =	ssyncset.done $0x0  }
0x12: {  	[sflag:s11] =	ssyncadd.s32 $0xFFFFD800  }
0x13: {  	[tilespmem:s12], [sflag:$0x1] =	stream.linear.gather [hbm4b:s4+s3], $0x4000, $0x38;
	[tilespmem:$0x19400] =	vst v63  }
0x14: {  	_ =	swait.ge [sflag:s11], $0x4000  }
0x15: {  	[sflag:s11] =	ssyncset.done $0x0  }
0x16: {  	[sflag:s11] =	ssyncadd.s32 $0xFFFFC000  }
0x17: {  	[tilespmem:s13], [sflag:$0x1] =	stream.linear.gather [hbm4b:s7+s3], $0x1400, $0x38;
	[tilespmem:$0x19400] =	vst v63  }
0x18: {  	_ =	swait.ge [sflag:s11], $0x1400  }
0x19: {  	[sflag:s11] =	ssyncset.done $0x0  }
0x1a: {  	[sflag:s11] =	ssyncadd.s32 $0xFFFFEC00  }
0x1b: {  	s16 =	simm.s32 $0x14000;
	[bflag:$0x0] =	sbarrier.arrive $0xFFFF  }
0x1c: {  	[spmem:s2] =	stream.indirect.scatter.add.f32 [tilespmem:s12], [sflag:$0x1], $0x80, s16, s14, $0xb8;
	[tilespmem:$0x19400] =	vst v63  }
0x1d: {  	s16 =	simm.s32 $0x200;
	_ =	swait.ge [sflag:s11], $0x4000  }
.LBB2_2:
0x1e: {  	s17 =	sshra.s32 s16, $0x2;
	[sflag:s11] =	ssyncset.done $0x0;
	p0 =	sne.s32 s16, $0x4E00  }
.Ltmp0:
0x1f: {  	s17 =	sadd.s32 $0x14000, s17;
	[sflag:s11] =	ssyncadd.s32 $0xFFFFC000;
	(pc) =	sbr.rel @p0 .LBB2_2-.Ltmp0, $3  }
0x20: {  	[spmem:s2] =	stream.indirect.scatter.add.f32 [tilespmem:s12], [sflag:$0x1], $0x80, s17, s14, $0xb8;
	[tilespmem:$0x19400] =	vst v63  }
0x21: {  	s16 =	sadd.s32 $0x200, s16;
	_ =	sdelay $0x1  }
0x22: {  	_ =	swait.ge [sflag:s11], $0x4000  }
0x23: {  	[sflag:s11] =	ssyncset.done $0x0;
	s15 =	sadd.s32 $0x1, s15  }
0x24: {  	[sflag:s11] =	ssyncadd.s32 $0xFFFFC000;
	p0 =	sne.s32 s15, s9  }
.Ltmp1:
0x25: {  	[bflag:$0x0] =	sbarrier.arrive $0xFFFF;
	(pc) =	sbr.rel @p0 .LBB2_1-.Ltmp1, $4  }
0x26: {  	[hbm:s8], [sflag:s6] =	dma.local [spmem:s10], $0x2800  }
0x27: {  	_ =	swait.ge [sflag:s11], $0x2800  }
0x28: {  	[sflag:s11] =	ssyncset.done $0x0  }
0x29: {  	[sflag:s11] =	ssyncadd.s32 $0xFFFFD800  }
0x2a: {  	_ =	sfence.sel $0x180000  }
0x2b: {  	[bflag:$0x0] =	sbarrier.arrive $0xFFFF  }
0x2c: {  	p0 =	sne.s32 s1, $0x0;
	_ =	strace $0x90000047  }
0x2d: {  	s0 =	sadd.s32 @!p0 $0x100000, s0;
	[bflag:$0x2] =	sbarrier.arrive $0xFFFF  }
0x2e: {  	[sflag:s0] =	ssyncadd.tile.s32 @!p0 $0x1;
	_ =	shalt  }
.Lfunc_end2:
_tile_overlayer_lowered:
.L_overlay_start_2:
0x2f: {  	(tag) =	ssettag $0x2  }
0x30: {  	s0 =	rddreg [dreg:$0x0];
	s2 =	stileid.u32  }
0x31: {  	s1 =	rddreg [dreg:$0x1];
	p0 =	sne.s32 s2, $0x0  }
0x32: {  	s3 =	rddreg [dreg:$0x2];
	[bflag:$0x3] =	sbarrier.arrive $0xFFFF;
	s2 =	simm.s32 @!p0 $0x1C01  }
0x33: {  	[timem:s3], [sflag:s2] =	dma.local @!p0 [hbm:s0], s1  }
0x34: {  	s0 =	simm.s32 @!p0 $0x1  }
0x35: {  	_ =	swait.ge @!p0 [sflag:s0], s1  }
0x36: {  	s1 =	ssub.s32 @!p0 $0x0, s1;
	[sflag:s0] =	ssyncset.done @!p0 $0x0  }
0x37: {  	[sflag:s0] =	ssyncadd.s32 @!p0 s1  }
0x38: {  	[bflag:$0x3] =	sbarrier.arrive $0xFFFF  }
0x39: {  	_ =	shalt  }

// kernel: kernel.9.cloned.1.call-start
scs
__scs_entry_jumppad:
0x0: {  	(pc) =	sbr.rel $0x88, $3  }
0x1: {  	(tag) =	ssettag $0x0;
	lr =	simm.s32 $0x1  }
0x2: {  	[smem:$0x3F9B] =	sst lr;
	_ =	strace $0xD0000000  }
0x3: {  	_ = 	snop  }
0x4: {  	_ = 	snop  }
0x5: {  	_ = 	snop  }
0x6: {  	_ = 	snop  }
0x7: {  	_ = 	snop  }
__scs_overlays_trampoline_lowered:
0x8: {  	[smem:$0x3FAA] =	sst s0  }
0x9: {  	[smem:$0x3FAB] =	sst s1  }
0xa: {  	[smem:$0x3FAC] =	sst s2  }
0xb: {  	[smem:$0x3FAD] =	sst s3  }
0xc: {  	[smem:$0x3FAE] =	sst s4  }
0xd: {  	[smem:$0x3FAF] =	sst s5  }
0xe: {  	[smem:$0x3FB0] =	sst s6  }
0xf: {  	[smem:$0x3FB1] =	sst s7  }
0x10: {  	[smem:$0x3FB2] =	sst s8  }
0x11: {  	[smem:$0x3FB3] =	sst s9;
	s0 =	simm.s32 @!p0 $0x0  }
0x12: {  	s1 =	sld [smem:$0x3F99];
	s0 =	simm.s32 @p0 $0x1  }
0x13: {  	[smem:$0x3FB4] =	sst s0;
	s0 =	simm.s32 @!p1 $0x0  }
0x14: {  	s2 =	sld [smem:$0x3F98];
	s0 =	simm.s32 @p1 $0x1  }
0x15: {  	[smem:$0x3FB5] =	sst s0;
	s0 =	simm.s32 @!p2 $0x0  }
0x16: {  	s3 =	sld [smem:$0x3FDB];
	s0 =	simm.s32 @p2 $0x1  }
0x17: {  	s4 =	simm.s32 $0x1BF5;
	[smem:$0x3FB7] =	sst s0  }
0x18: {  	s0 =	sld [smem:$0x3F9A];
	_ =	swait.ge [sflag:s4], $0x0  }
0x19: {  	s7 =	sld [smem:$0x3F9B]  }
0x1a: {  	s8 =	sadd.s32 $0xFFFFE003, lr  }
0x1b: {  	s9 =	sadd.s32 $0xFFFFFEF7, lr;
	s5 =	simm.s32 $0xFFFFFFFF;
	p2 =	slt.u32 s8, $0xFFFFF086  }
0x1c: {  	p1 =	slt.u32 s9, $0xF7A;
	s5 =	simm.s32 @!p2 $0x0  }
0x1d: {  	s5 =	simm.s32 @p1 $0x1;
	p0 =	seq.s32 s7, s2  }
0x1e: {  	s7 =	smul.u32 @!p0 $0xF7A, s2;
	p2 =	seq.s32 @!p0 s5, $0x0  }
0x1f: {  	s9 =	smul.u32 $0xF7A, s1;
	s8 =	simm.s32 @!p0 $0x1BF5;
	p2 =	por !p2, p0  }
0x20: {  	[sflag:s8] =	ssyncset.s32 @!p0 $0xFFFFF086;
	s6 =	sadd.s32 @!p0 s3, s7;
	s7 =	simm.s32 @!p0 $0x108  }
0x21: {  	s3 =	sadd.s32 s3, s9;
	s6 =	sadd.s32 @!p0 $0x88, s6;
	s7 =	simm.s32 @p2 $0x1082  }
0x22: {  	[simem:s7], [sflag:s8] =	dma.local @!p0 [hbm:s6], $0xF7A  }
0x23: {  	s9 =	sor.u32 $0xD0000000, s2;
	s6 =	simm.s32 $0x108;
	_ =	swait.ge @!p0 [sflag:s8], $0x0  }
0x24: {  	s3 =	sadd.s32 $0x88, s3;
	s6 =	simm.s32 @!p1 $0x1082;
	[sflag:s4] =	ssyncset.s32 $0xFFFFF086  }
0x25: {  	[simem:s6], [sflag:s4] =	dma.local [hbm:s3], $0xF7A  }
0x26: {  	[smem:$0x3F9B] =	sst s1;
	(tag) =	ssettag s2;
	_ =	strace s9  }
0x27: {  	s1 =	sld [smem:$0x3FAB]  }
0x28: {  	s2 =	sld [smem:$0x3FAC]  }
0x29: {  	s4 =	sld [smem:$0x3FAE]  }
0x2a: {  	p0 =	seq.s32 s5, $0x0;
	s5 =	sld [smem:$0x3FAF]  }
0x2b: {  	s6 =	sld [smem:$0x3FB0]  }
0x2c: {  	s7 =	sld [smem:$0x3FB1]  }
0x2d: {  	s3 =	simm.s32 $0x108;
	s8 =	sld [smem:$0x3FB2]  }
0x2e: {  	s3 =	simm.s32 @!p0 $0x1082;
	s9 =	sld [smem:$0x3FB3]  }
0x2f: {  	lr =	sadd.s32 s0, s3;
	s0 =	sld [smem:$0x3FAA]  }
0x30: {  	s3 =	sld [smem:$0x3FAD]  }
0x31: {  	[smem:$0x3FB6] =	sst s10  }
0x32: {  	s10 =	sld [smem:$0x3FB4];
	_ =	sdelay $0x3  }
0x33: {  	p0 =	seq.s32 s10, $0x1;
	s10 =	sld [smem:$0x3FB6];
	_ =	sdelay $0x3  }
0x34: {  	[smem:$0x3FB6] =	sst s10  }
0x35: {  	s10 =	sld [smem:$0x3FB5];
	_ =	sdelay $0x3  }
0x36: {  	p1 =	seq.s32 s10, $0x1;
	s10 =	sld [smem:$0x3FB6];
	_ =	sdelay $0x3  }
0x37: {  	[smem:$0x3FB6] =	sst s10  }
0x38: {  	s10 =	sld [smem:$0x3FB7]  }
0x39: {  	_ = 	snop;
	(pc) =	sbr.ind lr, $3  }
0x3a: {  	_ = 	snop  }
0x3b: {  	_ = 	snop  }
0x3c: {  	p2 =	seq.s32 s10, $0x1;
	s10 =	sld [smem:$0x3FB6]  }
0x3d: {  	_ =	shalt  }
0x3e: {  	_ =	shalt  }
0x3f: {  	_ =	shalt  }
0x40: {  	_ =	shalt  }
0x41: {  	_ =	shalt  }
0x42: {  	_ =	shalt  }
0x43: {  	_ =	shalt  }
0x44: {  	_ =	shalt  }
0x45: {  	_ =	shalt  }
0x46: {  	_ =	shalt  }
0x47: {  	_ =	shalt  }
0x48: {  	_ =	shalt  }
0x49: {  	_ =	shalt  }
0x4a: {  	_ =	shalt  }
0x4b: {  	_ =	shalt  }
0x4c: {  	_ =	shalt  }
0x4d: {  	_ =	shalt  }
0x4e: {  	_ =	shalt  }
0x4f: {  	_ =	shalt  }
0x50: {  	_ =	shalt  }
0x51: {  	_ =	shalt  }
0x52: {  	_ =	shalt  }
0x53: {  	_ =	shalt  }
0x54: {  	_ =	shalt  }
0x55: {  	_ =	shalt  }
0x56: {  	_ =	shalt  }
0x57: {  	_ =	shalt  }
0x58: {  	_ =	shalt  }
0x59: {  	_ =	shalt  }
0x5a: {  	_ =	shalt  }
0x5b: {  	_ =	shalt  }
0x5c: {  	_ =	shalt  }
0x5d: {  	_ =	shalt  }
0x5e: {  	_ =	shalt  }
0x5f: {  	_ =	shalt  }
0x60: {  	_ =	shalt  }
0x61: {  	_ =	shalt  }
0x62: {  	_ =	shalt  }
0x63: {  	_ =	shalt  }
0x64: {  	_ =	shalt  }
0x65: {  	_ =	shalt  }
0x66: {  	_ =	shalt  }
0x67: {  	_ =	shalt  }
0x68: {  	_ =	shalt  }
0x69: {  	_ =	shalt  }
0x6a: {  	_ =	shalt  }
0x6b: {  	_ =	shalt  }
0x6c: {  	_ =	shalt  }
0x6d: {  	_ =	shalt  }
0x6e: {  	_ =	shalt  }
0x6f: {  	_ =	shalt  }
0x70: {  	_ =	shalt  }
0x71: {  	_ =	shalt  }
0x72: {  	_ =	shalt  }
0x73: {  	_ =	shalt  }
0x74: {  	_ =	shalt  }
0x75: {  	_ =	shalt  }
0x76: {  	_ =	shalt  }
0x77: {  	_ =	shalt  }
0x78: {  	_ =	shalt  }
0x79: {  	_ =	shalt  }
0x7a: {  	_ =	shalt  }
0x7b: {  	_ =	shalt  }
0x7c: {  	_ =	shalt  }
0x7d: {  	_ =	shalt  }
0x7e: {  	_ =	shalt  }
0x7f: {  	_ =	shalt  }
0x80: {  	_ =	shalt  }
0x81: {  	_ =	shalt  }
0x82: {  	_ =	shalt  }
0x83: {  	_ =	shalt  }
0x84: {  	_ =	shalt  }
0x85: {  	_ =	shalt  }
0x86: {  	_ =	shalt  }
0x87: {  	_ =	shalt  }
.Lfunc_end0:
.L_simem_size_0:
called_computation.1_lowered:
.L_overlay_start_0:
0x88: {  	s2 =	sld [smem:$0x3FD9]  }
0x89: {  	s3 =	sld [smem:$0x3FFE];
	_ =	sdelay $0x1  }
0x8a: {  	s1 =	srdreg.scid  }
0x8b: {  	s0 =	sand.u32 $0x1, s1  }
0x8c: {  	s17 =	sshll.u32 s0, $0xA;
	s2 =	sadd.s32 s3, s2  }
0x8d: {  	s2 =	sadd.s32 s2, s17  }
0x8e: {  	[smem:$0x3FC2] =	sst s2  }
0x8f: {  	_ = 	snop  }
0x90: {  	s2 =	sld [smem:$0x3FD0];
	(tm) =	ssettm $0x1  }
0x91: {  	s18 =	sld [smem:$0x3FFB];
	_ =	sdelay $0x3  }
0x92: {  	_ =	strace s18  }
0x93: {  	s3 =	sld [smem:$0x3FFC];
	_ =	sdelay $0x3  }
0x94: {  	_ =	strace s3  }
0x95: {  	s3 =	sld [smem:$0x3FFD];
	_ =	sdelay $0x3  }
0x96: {  	_ =	strace s3  }
0x97: {  	_ =	strace $0x8FFFFFFF  }
0x98: {  	s19 =	sld [smem:$0x3FDB];
	_ =	sdelay $0x1  }
0x99: {  	s4 =	simm.s32 $_scs_section_size  }
0x9a: {  	s5 =	simm.s32 $_size__tile_overlayer_lowered;
	s6 =	simm.s32 $_tile_overlayer_lowered  }
0x9b: {  	s22 =	simm.s32 $0x1BFF;
	s21 =	sshll.u32 s6, $0x1;
	s3 =	sadd.s32 s4, s19  }
0x9c: {  	s7 =	simm.s32 $0x0;
	s20 =	sshll.u32 s5, $0x1;
	s5 =	sadd.s32 s21, s3  }
0x9d: {  	[timem:s7], [sflag:s22] =	dma.local [hbm:s5], s20  }
0x9e: {  	_ =	swait.ge [sflag:s22], s20  }
0x9f: {  	s4 =	ssub.s32 $0x0, s20;
	[sflag:s22] =	ssyncset.done $0x0  }
0xa0: {  	[sflag:s22] =	ssyncadd.s32 s4;
	_ =	sdelay $0x1  }
0xa1: {  	s23 =	simm.s32 $0x1B8B  }
0xa2: {  	_ =	swait.ge [sflag:s23], $0x1  }
0xa3: {  	[sflag:s23] =	ssyncset.done $0x0  }
0xa4: {  	s25 =	simm.s32 $0x1B8E;
	s24 =	sld [smem:$0x3FFE];
	[sflag:s23] =	ssyncadd.s32 $0xFFFFFFFF  }
0xa5: {  	s26 =	simm.s32 $execute0_lowered;
	[smem:$0x3FD2] =	sst s25  }
0xa6: {  	s5 =	sshll.u32 s26, $0x1;
	_ =	strace $0x80000049;
	[dreg:$0x1] =	wrdreg $0xFFFFFFFF  }
0xa7: {  	s28 =	simm.s32 $_size_execute0_lowered;
	s3 =	sadd.s32 s3, s5;
	[dreg:$0x0] =	wrdreg $0x0  }
0xa8: {  	s5 =	sshll.u32 s28, $0x1;
	[dreg:$0x2] =	wrdreg s3  }
0xa9: {  	[dreg:$0x3] =	wrdreg s5  }
0xaa: {  	[dreg:$0x4] =	wrdreg $0xC0  }
0xab: {  	_ =	task [dreg:s7], $0x5FFFF  }
0xac: {  	[dreg:$0x1] =	wrdreg $0xFFFFFFFF  }
0xad: {  	[dreg:$0x0] =	wrdreg $0x60  }
0xae: {  	[dreg:$0x2] =	wrdreg s2  }
0xaf: {  	[dreg:$0x3] =	wrdreg s24  }
0xb0: {  	[dreg:$0x4] =	wrdreg $0x0  }
0xb1: {  	[dreg:$0x5] =	wrdreg $0x9  }
0xb2: {  	_ =	task.clear_ibuf [dreg:s7], $0x6FFFF;
	_ =	strace $0x90000049  }
0xb3: {  	s29 =	simm.s32 $0x9;
	_ =	strace $0x8000004B  }
0xb4: {  	_ =	swait.ge [sflag:s29], $0x1  }
0xb5: {  	[sflag:s29] =	ssyncadd.s32 $0xFFFFFFFF  }
0xb6: {  	_ =	strace $0x9000004B  }
0xb7: {  	_ =	sfence  }
0xb8: {  	s30 =	sld [smem:$0x0];
	_ =	sdelay $0x2  }
0xb9: {  	s31 =	sshll.u32 s1, $0xD;
	s1 =	sshrl.u32 s1, $0x2  }
0xba: {  	s3 =	sand.u32 $0x4000, s31;
	s1 =	sadd.s32 s1, s30  }
0xbb: {  	s0 =	sor.u32 s3, s0;
	s1 =	sshll.u32 s1, $0x11  }
0xbc: {  	s0 =	sor.u32 s1, s0  }
0xbd: {  	s0 =	sadd.s32 $0x8F2B, s0  }
0xbe: {  	[sflag:s0] =	ssyncadd.remote.s32 $0x1  }
0xbf: {  	_ =	sfence.sel $0xFFFF  }
0xc0: {  	[dreg:$0x0] =	wrdreg $0xFFFFFFFF;
	(pc) =	sbr.abs _section_cstart, $3  }
0xc1: {  	[dreg:$0x1] =	wrdreg $0xFFFFFFFF  }
0xc2: {  	_ =	task.clear_ibuf [dreg:s7], $0x2FFFF;
	_ =	strace $0x9FFFFFFF  }
0xc3: {  	(tm) =	ssettm $0x7FFFFFFF  }
tec
execute0_lowered:
.L_overlay_start_1:
0x0: {  	(tag) =	ssettag $0x1  }
0x1: {  	s2 =	rddreg [dreg:$0x0]  }
0x2: {  	s0 =	rddreg [dreg:$0x1]  }
0x3: {  	s3 =	rddreg [dreg:$0x2];
	s11 =	stileid.u32  }
0x4: {  	s5 =	simm.s32 $0x0;
	s4 =	srdreg.scid;
	s28 =	simm.s32 $0x1A0C0  }
0x5: {  	s29 =	simm.s32 $0x1E240;
	s30 =	simm.s32 $0x1C0C0;
	s31 =	simm.s32 $0x1  }
0x6: {  	s12 =	simm.s32 $0x7;
	s13 =	simm.s32 $0x8;
	s1 =	smul.u32 $0x500, s11  }
0x7: {  	s14 =	simm.s32 $0x0;
	[smem:$0x7FF] =	sst s5;
	s6 =	smul.u32 $0x2780, s11  }
0x8: {  	s4 =	sand.u32 $0x1, s4;
	s8 =	smul.u32 $0x4F000, s11;
	s5 =	sadd.s32 $0x5B000, s0  }
0x9: {  	s20 =	sadd.s32 $0x25080, s2;
	s22 =	sadd.s32 $0xA7280, s0;
	s24 =	sadd.s32 $0x80080, s0  }
0xa: {  	p1 =	seq.s32 s11, $0xF;
	_ =	strace $0x8000004A;
	[dreg:$0x5] =	wrdreg s20  }
0xb: {  	s7 =	ssub.s32 $0x2, s4;
	p0 =	seq.s32 s4, $0x1;
	[dreg:$0x8] =	wrdreg s22  }
0xc: {  	[dreg:$0xa] =	wrdreg s24;
	s22 =	simm.s32 $0x1E0C0;
	s24 =	simm.s32 $0x1E140  }
0xd: {  	s1 =	sadd.s32 s1, s0;
	s9 =	sshrl.u32 s7, $0x1;
	s10 =	sadd.s32 s6, s0  }
0xe: {  	s8 =	sshrl.u32 s8, $0x2;
	s19 =	sadd.s32 s2, s6;
	s23 =	sadd.s32 s5, s6  }
0xf: {  	s0 =	sadd.s32 $0xCE480, s0;
	s6 =	simm.s32 $0x1E3C0;
	s7 =	ssub.s32 s7, s9  }
0x10: {  	s4 =	sadd.s32 s8, s3;
	[dreg:$0x4] =	wrdreg s19;
	s8 =	sadd.s32 $0x128400, s3  }
0x11: {  	s1 =	sadd.s32 $0x3000, s1;
	s21 =	sadd.s32 $0x82200, s10;
	[dreg:$0x9] =	wrdreg s23  }
0x12: {  	s25 =	sadd.s32 $0xA9400, s10;
	[dreg:$0xc] =	wrdreg s0;
	s0 =	sshll.u32 @!p1 s11, $0x6  }
0x13: {  	s23 =	simm.s32 $0x160C0;
	s19 =	simm.s32 $0x3;
	[dreg:$0x6] =	wrdreg s1  }
0x14: {  	s9 =	simm.s32 $0x1E440;
	s10 =	simm.s32 $0x5;
	[dreg:$0x7] =	wrdreg s21  }
.Ltmp0:
0x15: {  	s11 =	simm.s32 $0x6;
	[dreg:$0xb] =	wrdreg s25;
	(pc) =	sbr.rel .LBB2_1-.Ltmp0, $4  }
0x16: {  	s26 =	smax.u32 s7, $0x1;
	s16 =	sshrl.u32 @p1 s8, $0x3;
	s17 =	sor.u32 @!p1 $0x1C09, s0  }
0x17: {  	s18 =	sshrl.u32 @!p1 s4, $0x3;
	s21 =	simm.s32 $0x40;
	s25 =	simm.s32 $0x180C0  }
0x18: {  	s0 =	simm.s32 $0x1E2C0;
	s1 =	simm.s32 $0x2;
	s4 =	simm.s32 $0x1E340  }
0x19: {  	s7 =	simm.s32 $0x4;
	[dreg:$0xd] =	wrdreg s26;
	s26 =	simm.s32 $0x1E1C0  }
.LBB2_9:
0x1a: {  	_ =	swait.ge [sflag:s11], $0x2000  }
0x1b: {  	[sflag:s11] =	ssyncset.done $0x0  }
0x1c: {  	[sflag:s11] =	ssyncadd.s32 $0xFFFFE000  }
0x1d: {  	_ =	swait.ge [sflag:s12], $0x2000  }
0x1e: {  	[sflag:s12] =	ssyncset.done $0x0  }
0x1f: {  	[sflag:s12] =	ssyncadd.s32 $0xFFFFE000  }
0x20: {  	_ =	swait.ge [sflag:s13], $0x2000  }
0x21: {  	[sflag:s13] =	ssyncset.done $0x0  }
0x22: {  	[sflag:s13] =	ssyncadd.s32 $0xFFFFE000  }
0x23: {  	[bflag:$0x0] =	sbarrier.arrive $0xFFFF  }
0x24: {  	s8 =	simm.s32 @p1 $0x1FC9;
	s15 =	rddreg [dreg:$0xc]  }
0x25: {  	[hbm:s15], [sflag:s8] =	dma.local @p1 [spmem:s16], $0x2080  }
0x26: {  	s8 =	simm.s32 @p1 $0x9  }
0x27: {  	_ =	swait.ge @p1 [sflag:s8], $0x2080  }
0x28: {  	[sflag:s8] =	ssyncset.done @p1 $0x0  }
0x29: {  	[sflag:s8] =	ssyncadd.s32 @p1 $0xFFFFDF80;
	s8 =	rddreg [dreg:$0xb]  }
0x2a: {  	[hbm:s8], [sflag:s17] =	dma.local @!p1 [spmem:s18], $0x2780  }
0x2b: {  	s8 =	simm.s32 @!p1 $0x9  }
0x2c: {  	_ =	swait.ge @!p1 [sflag:s8], $0x2780  }
0x2d: {  	[sflag:s8] =	ssyncset.done @!p1 $0x0  }
0x2e: {  	[sflag:s8] =	ssyncadd.s32 @!p1 $0xFFFFD880  }
.LBB2_10:
0x2f: {  	s14 =	sadd.s32 $0x1, s14;
	s8 =	rddreg [dreg:$0xd]  }
0x30: {  	p2 =	sne.s32 s14, s8  }
.Ltmp1:
0x31: {  	_ = 	snop;
	(pc) =	sbr.rel @!p2 .LBB2_11-.Ltmp1, $1  }
0x32: {  	_ =	sdelay $0x3  }
.LBB2_1:
.Ltmp2:
0x33: {  	(pc) =	sbr.rel @!p0 .LBB2_2-.Ltmp2, $1  }
0x34: {  	_ =	sdelay $0x3  }
0x35: {  	s8 =	simm.s32 @p1 $0x1FC9;
	s15 =	rddreg [dreg:$0xa]  }
0x36: {  	[spmem:s16], [sflag:s8] =	dma.local @p1 [hbm:s15], $0x2080  }
0x37: {  	s8 =	simm.s32 @p1 $0x9  }
0x38: {  	_ =	swait.ge @p1 [sflag:s8], $0x2080  }
0x39: {  	[sflag:s8] =	ssyncset.done @p1 $0x0  }
0x3a: {  	[sflag:s8] =	ssyncadd.s32 @p1 $0xFFFFDF80;
	s8 =	rddreg [dreg:$0x9]  }
0x3b: {  	[spmem:s18], [sflag:s17] =	dma.local @!p1 [hbm:s8], $0x2780  }
0x3c: {  	s8 =	simm.s32 @!p1 $0x9  }
0x3d: {  	_ =	swait.ge @!p1 [sflag:s8], $0x2780  }
0x3e: {  	s20 =	simm.s32 $0x138C0;
	[sflag:s8] =	ssyncset.done @!p1 $0x0  }
0x3f: {  	s15 =	rddreg [dreg:$0x6];
	[sflag:s8] =	ssyncadd.s32 @!p1 $0xFFFFD880;
	s8 =	simm.s32 $0x0  }
0x40: {  	[tilespmem:s20], [sflag:$0x9] =	stream.linear.gather [hbm4b:s15+s8], $0x2800, $0x38;
	[tilespmem:$0x1E4C0] =	vst v63  }
0x41: {  	s20 =	simm.s32 $0x9  }
0x42: {  	_ =	swait.ge [sflag:s20], $0x2800  }
0x43: {  	[sflag:s20] =	ssyncset.done $0x0  }
0x44: {  	[sflag:s20] =	ssyncadd.s32 $0xFFFFD800  }
0x45: {  	[bflag:$0x0] =	sbarrier.arrive $0xFFFF  }
0x46: {  	v0 =	vld [tilespmem:$0x138C0];
	_ =	sdelay $0x1  }
0x47: {  	v1 =	vld [tilespmem:$0x138D0];
	_ =	sdelay $0x1  }
0x48: {  	v2 =	vld [tilespmem:$0x138E0]  }
0x49: {  	v3 =	vshrl.u32 v0, $0xE  }
0x4a: {  	v24 =	vld [tilespmem:$0x138F0];
	v0 =	vand.u32 $0x3FFF, v0;
	[tilespmem:$0x1E0C0] =	vst v3  }
0x4b: {  	v25 =	vshrl.u32 v1, $0xE;
	[tilespmem:$0x1E2C0] =	vst v0  }
0x4c: {  	v26 =	vand.u32 $0x3FFF, v1;
	[tilespmem:$0x1E0D0] =	vst v25  }
0x4d: {  	v27 =	vshrl.u32 v2, $0xE;
	[tilespmem:$0x1E2D0] =	vst v26  }
0x4e: {  	v28 =	vand.u32 $0x3FFF, v2;
	[tilespmem:$0x1E0E0] =	vst v27  }
0x4f: {  	v29 =	vshrl.u32 v24, $0xE;
	[tilespmem:$0x1E2E0] =	vst v28  }
0x50: {  	v30 =	vand.u32 $0x3FFF, v24;
	[tilespmem:$0x1E0F0] =	vst v29  }
0x51: {  	[tilespmem:$0x1E2F0] =	vst v30  }
0x52: {  	[tilespmem:s23], [sflag:$0x1] =	stream.indirect.gather [hbm4b:s5+s21], $0x80, s22, s21, $0xb8;
	[tilespmem:$0x1E4C0] =	vst v63  }
0x53: {  	v31 =	vld [tilespmem:$0x13900];
	_ =	sdelay $0x1  }
0x54: {  	v32 =	vld [tilespmem:$0x13910];
	_ =	sdelay $0x1  }
0x55: {  	v33 =	vld [tilespmem:$0x13920]  }
0x56: {  	v34 =	vshrl.u32 v31, $0xE  }
0x57: {  	v35 =	vld [tilespmem:$0x13930];
	v0 =	vand.u32 $0x3FFF, v31;
	[tilespmem:$0x1E140] =	vst v34  }
0x58: {  	v36 =	vshrl.u32 v32, $0xE;
	[tilespmem:$0x1E340] =	vst v0  }
0x59: {  	v37 =	vand.u32 $0x3FFF, v32;
	[tilespmem:$0x1E150] =	vst v36  }
0x5a: {  	v38 =	vshrl.u32 v33, $0xE;
	[tilespmem:$0x1E350] =	vst v37  }
0x5b: {  	v39 =	vand.u32 $0x3FFF, v33;
	[tilespmem:$0x1E160] =	vst v38  }
0x5c: {  	v40 =	vshrl.u32 v35, $0xE;
	[tilespmem:$0x1E360] =	vst v39  }
0x5d: {  	v41 =	vand.u32 $0x3FFF, v35;
	[tilespmem:$0x1E170] =	vst v40  }
0x5e: {  	[tilespmem:$0x1E370] =	vst v41  }
0x5f: {  	[tilespmem:s25], [sflag:$0x2] =	stream.indirect.gather [hbm4b:s5+s21], $0x80, s24, s21, $0xb8;
	[tilespmem:$0x1E4C0] =	vst v63  }
0x60: {  	v42 =	vld [tilespmem:$0x13940];
	_ =	sdelay $0x1  }
0x61: {  	v43 =	vld [tilespmem:$0x13950];
	_ =	sdelay $0x1  }
0x62: {  	v44 =	vld [tilespmem:$0x13960]  }
0x63: {  	v45 =	vshrl.u32 v42, $0xE  }
0x64: {  	v46 =	vld [tilespmem:$0x13970];
	v0 =	vand.u32 $0x3FFF, v42;
	[tilespmem:$0x1E1C0] =	vst v45  }
0x65: {  	v47 =	vshrl.u32 v43, $0xE;
	[tilespmem:$0x1E3C0] =	vst v0  }
0x66: {  	v48 =	vand.u32 $0x3FFF, v43;
	[tilespmem:$0x1E1D0] =	vst v47  }
0x67: {  	v49 =	vshrl.u32 v44, $0xE;
	[tilespmem:$0x1E3D0] =	vst v48  }
0x68: {  	v50 =	vand.u32 $0x3FFF, v44;
	[tilespmem:$0x1E1E0] =	vst v49  }
0x69: {  	v51 =	vshrl.u32 v46, $0xE;
	[tilespmem:$0x1E3E0] =	vst v50  }
0x6a: {  	v52 =	vand.u32 $0x3FFF, v46;
	[tilespmem:$0x1E1F0] =	vst v51  }
0x6b: {  	[tilespmem:$0x1E3F0] =	vst v52  }
0x6c: {  	[tilespmem:s28], [sflag:$0x3] =	stream.indirect.gather [hbm4b:s5+s21], $0x80, s26, s21, $0xb8;
	[tilespmem:$0x1E4C0] =	vst v63  }
0x6d: {  	v53 =	vld [tilespmem:$0x13980];
	_ =	sdelay $0x1  }
0x6e: {  	v54 =	vld [tilespmem:$0x13990];
	_ =	sdelay $0x1  }
0x6f: {  	v55 =	vld [tilespmem:$0x139A0]  }
0x70: {  	v56 =	vshrl.u32 v53, $0xE  }
0x71: {  	v57 =	vld [tilespmem:$0x139B0];
	v0 =	vand.u32 $0x3FFF, v53;
	[tilespmem:$0x1E240] =	vst v56  }
0x72: {  	v58 =	vshrl.u32 v54, $0xE;
	[tilespmem:$0x1E440] =	vst v0  }
0x73: {  	v59 =	vand.u32 $0x3FFF, v54;
	[tilespmem:$0x1E250] =	vst v58  }
0x74: {  	v60 =	vshrl.u32 v55, $0xE;
	[tilespmem:$0x1E450] =	vst v59  }
0x75: {  	v61 =	vand.u32 $0x3FFF, v55;
	[tilespmem:$0x1E260] =	vst v60  }
0x76: {  	v62 =	vshrl.u32 v57, $0xE;
	[tilespmem:$0x1E460] =	vst v61  }
0x77: {  	v63 =	vand.u32 $0x3FFF, v57;
	[tilespmem:$0x1E270] =	vst v62  }
0x78: {  	s8 =	simm.s32 $0x7C0;
	[tilespmem:$0x1E470] =	vst v63  }
0x79: {  	[tilespmem:s30], [sflag:$0x4] =	stream.indirect.gather [hbm4b:s5+s21], $0x80, s29, s21, $0xb8;
	[tilespmem:$0x1E4C0] =	vst v63  }
.LBB2_7:
0x7a: {  	_ =	swait.ge [sflag:s31], $0x2000  }
0x7b: {  	[sflag:s31] =	ssyncset.done $0x0  }
0x7c: {  	[sflag:s31] =	ssyncadd.s32 $0xFFFFE000  }
0x7d: {  	[spmem:s3] =	stream.indirect.scatter.add.f32 [tilespmem:s23], [sflag:$0x5], $0x80, s0, s21, $0xb8;
	[tilespmem:$0x1E4C0] =	vst v63  }
0x7e: {  	_ =	swait.ge [sflag:s1], $0x2000  }
0x7f: {  	[sflag:s1] =	ssyncset.done $0x0  }
0x80: {  	[sflag:s1] =	ssyncadd.s32 $0xFFFFE000  }
0x81: {  	[spmem:s3] =	stream.indirect.scatter.add.f32 [tilespmem:s25], [sflag:$0x6], $0x80, s4, s21, $0xb8;
	[tilespmem:$0x1E4C0] =	vst v63  }
0x82: {  	_ =	swait.ge [sflag:s19], $0x2000  }
0x83: {  	[sflag:s19] =	ssyncset.done $0x0  }
0x84: {  	[sflag:s19] =	ssyncadd.s32 $0xFFFFE000  }
0x85: {  	[spmem:s3] =	stream.indirect.scatter.add.f32 [tilespmem:s28], [sflag:$0x7], $0x80, s6, s21, $0xb8;
	[tilespmem:$0x1E4C0] =	vst v63  }
0x86: {  	_ =	swait.ge [sflag:s7], $0x2000  }
0x87: {  	p2 =	seq.s32 s8, $0xA3C0;
	[sflag:s7] =	ssyncset.done $0x0  }
.Ltmp3:
0x88: {  	[sflag:s7] =	ssyncadd.s32 $0xFFFFE000;
	(pc) =	sbr.rel @p2 .LBB2_9-.Ltmp3, $4  }
0x89: {  	[spmem:s3] =	stream.indirect.scatter.add.f32 [tilespmem:s30], [sflag:$0x8], $0x80, s9, s21, $0xb8;
	[tilespmem:$0x1E4C0] =	vst v63  }
0x8a: {  	_ =	swait.ge [sflag:s10], $0x2000  }
0x8b: {  	[sflag:s10] =	ssyncset.done $0x0  }
0x8c: {  	[sflag:s10] =	ssyncadd.s32 $0xFFFFE000  }
0x8d: {  	s15 =	sshra.s32 s8, $0x2  }
0x8e: {  	v0 =	vld [tilespmem:s15+$0x137D0];
	_ =	sdelay $0x4  }
0x8f: {  	v1 =	vshrl.u32 v0, $0xE  }
0x90: {  	v0 =	vand.u32 $0x3FFF, v0;
	[tilespmem:$0x1E0C0] =	vst v1  }
0x91: {  	[tilespmem:$0x1E2C0] =	vst v0  }
0x92: {  	v0 =	vld [tilespmem:s15+$0x137E0];
	_ =	sdelay $0x4  }
0x93: {  	v46 =	vshrl.u32 v0, $0xE  }
0x94: {  	v0 =	vand.u32 $0x3FFF, v0;
	[tilespmem:$0x1E0D0] =	vst v46  }
0x95: {  	[tilespmem:$0x1E2D0] =	vst v0  }
0x96: {  	v0 =	vld [tilespmem:s15+$0x137F0];
	_ =	sdelay $0x4  }
0x97: {  	v47 =	vshrl.u32 v0, $0xE  }
0x98: {  	v0 =	vand.u32 $0x3FFF, v0;
	[tilespmem:$0x1E0E0] =	vst v47  }
0x99: {  	[tilespmem:$0x1E2E0] =	vst v0  }
0x9a: {  	v0 =	vld [tilespmem:s15+$0x13800];
	_ =	sdelay $0x4  }
0x9b: {  	v48 =	vshrl.u32 v0, $0xE  }
0x9c: {  	v0 =	vand.u32 $0x3FFF, v0;
	[tilespmem:$0x1E0F0] =	vst v48  }
0x9d: {  	[tilespmem:$0x1E2F0] =	vst v0  }
0x9e: {  	[tilespmem:s23], [sflag:$0x1] =	stream.indirect.gather [hbm4b:s5+s21], $0x80, s22, s21, $0xb8;
	[tilespmem:$0x1E4C0] =	vst v63  }
0x9f: {  	_ =	swait.ge [sflag:s11], $0x2000  }
0xa0: {  	[sflag:s11] =	ssyncset.done $0x0  }
0xa1: {  	[sflag:s11] =	ssyncadd.s32 $0xFFFFE000  }
0xa2: {  	v49 =	vld [tilespmem:s15+$0x13810];
	_ =	sdelay $0x4  }
0xa3: {  	v50 =	vshrl.u32 v49, $0xE  }
0xa4: {  	v0 =	vand.u32 $0x3FFF, v49;
	[tilespmem:$0x1E140] =	vst v50  }
0xa5: {  	[tilespmem:$0x1E340] =	vst v0  }
0xa6: {  	v0 =	vld [tilespmem:s15+$0x13820];
	_ =	sdelay $0x4  }
0xa7: {  	v51 =	vshrl.u32 v0, $0xE  }
0xa8: {  	v0 =	vand.u32 $0x3FFF, v0;
	[tilespmem:$0x1E150] =	vst v51  }
0xa9: {  	[tilespmem:$0x1E350] =	vst v0  }
0xaa: {  	v0 =	vld [tilespmem:s15+$0x13830];
	_ =	sdelay $0x4  }
0xab: {  	v52 =	vshrl.u32 v0, $0xE  }
0xac: {  	v0 =	vand.u32 $0x3FFF, v0;
	[tilespmem:$0x1E160] =	vst v52  }
0xad: {  	[tilespmem:$0x1E360] =	vst v0  }
0xae: {  	v0 =	vld [tilespmem:s15+$0x13840];
	_ =	sdelay $0x4  }
0xaf: {  	v53 =	vshrl.u32 v0, $0xE  }
0xb0: {  	v0 =	vand.u32 $0x3FFF, v0;
	[tilespmem:$0x1E170] =	vst v53  }
0xb1: {  	[tilespmem:$0x1E370] =	vst v0  }
0xb2: {  	[tilespmem:s25], [sflag:$0x2] =	stream.indirect.gather [hbm4b:s5+s21], $0x80, s24, s21, $0xb8;
	[tilespmem:$0x1E4C0] =	vst v63  }
0xb3: {  	_ =	swait.ge [sflag:s12], $0x2000  }
0xb4: {  	[sflag:s12] =	ssyncset.done $0x0  }
0xb5: {  	[sflag:s12] =	ssyncadd.s32 $0xFFFFE000  }
0xb6: {  	v54 =	vld [tilespmem:s15+$0x13850];
	_ =	sdelay $0x4  }
0xb7: {  	v55 =	vshrl.u32 v54, $0xE  }
0xb8: {  	v0 =	vand.u32 $0x3FFF, v54;
	[tilespmem:$0x1E1C0] =	vst v55  }
0xb9: {  	[tilespmem:$0x1E3C0] =	vst v0  }
0xba: {  	v0 =	vld [tilespmem:s15+$0x13860];
	_ =	sdelay $0x4  }
0xbb: {  	v56 =	vshrl.u32 v0, $0xE  }
0xbc: {  	v0 =	vand.u32 $0x3FFF, v0;
	[tilespmem:$0x1E1D0] =	vst v56  }
0xbd: {  	[tilespmem:$0x1E3D0] =	vst v0  }
0xbe: {  	v0 =	vld [tilespmem:s15+$0x13870];
	_ =	sdelay $0x4  }
0xbf: {  	v57 =	vshrl.u32 v0, $0xE  }
0xc0: {  	v0 =	vand.u32 $0x3FFF, v0;
	[tilespmem:$0x1E1E0] =	vst v57  }
0xc1: {  	[tilespmem:$0x1E3E0] =	vst v0  }
0xc2: {  	v0 =	vld [tilespmem:s15+$0x13880];
	_ =	sdelay $0x4  }
0xc3: {  	v58 =	vshrl.u32 v0, $0xE  }
0xc4: {  	v0 =	vand.u32 $0x3FFF, v0;
	[tilespmem:$0x1E1F0] =	vst v58  }
0xc5: {  	[tilespmem:$0x1E3F0] =	vst v0  }
0xc6: {  	[tilespmem:s28], [sflag:$0x3] =	stream.indirect.gather [hbm4b:s5+s21], $0x80, s26, s21, $0xb8;
	[tilespmem:$0x1E4C0] =	vst v63  }
0xc7: {  	_ =	swait.ge [sflag:s13], $0x2000  }
0xc8: {  	[sflag:s13] =	ssyncset.done $0x0  }
0xc9: {  	[sflag:s13] =	ssyncadd.s32 $0xFFFFE000  }
0xca: {  	v59 =	vld [tilespmem:s15+$0x13890];
	_ =	sdelay $0x4  }
0xcb: {  	v60 =	vshrl.u32 v59, $0xE  }
0xcc: {  	v0 =	vand.u32 $0x3FFF, v59;
	[tilespmem:$0x1E240] =	vst v60  }
0xcd: {  	[tilespmem:$0x1E440] =	vst v0  }
0xce: {  	v0 =	vld [tilespmem:s15+$0x138A0];
	_ =	sdelay $0x4  }
0xcf: {  	v61 =	vshrl.u32 v0, $0xE  }
0xd0: {  	v0 =	vand.u32 $0x3FFF, v0;
	[tilespmem:$0x1E250] =	vst v61  }
0xd1: {  	[tilespmem:$0x1E450] =	vst v0  }
0xd2: {  	v0 =	vld [tilespmem:s15+$0x138B0];
	_ =	sdelay $0x4  }
0xd3: {  	v62 =	vshrl.u32 v0, $0xE  }
0xd4: {  	v0 =	vand.u32 $0x3FFF, v0;
	[tilespmem:$0x1E260] =	vst v62  }
0xd5: {  	[tilespmem:$0x1E460] =	vst v0  }
0xd6: {  	v0 =	vld [tilespmem:s15+$0x138C0];
	_ =	sdelay $0x3  }
.Ltmp4:
0xd7: {  	_ = 	snop;
	(pc) =	sbr.rel .LBB2_7-.Ltmp4, $4  }
0xd8: {  	v63 =	vshrl.u32 v0, $0xE  }
0xd9: {  	v0 =	vand.u32 $0x3FFF, v0;
	[tilespmem:$0x1E270] =	vst v63  }
0xda: {  	s8 =	sadd.s32 $0x400, s8;
	[tilespmem:$0x1E470] =	vst v0  }
0xdb: {  	[tilespmem:s30], [sflag:$0x4] =	stream.indirect.gather [hbm4b:s5+s21], $0x80, s29, s21, $0xb8;
	[tilespmem:$0x1E4C0] =	vst v63  }
.LBB2_2:
0xdc: {  	s8 =	simm.s32 @p1 $0x1FC9;
	s15 =	rddreg [dreg:$0x5]  }
0xdd: {  	[spmem:s16], [sflag:s8] =	dma.local @p1 [hbm:s15], $0x2080  }
0xde: {  	s8 =	simm.s32 @p1 $0x9  }
0xdf: {  	_ =	swait.ge @p1 [sflag:s8], $0x2080  }
0xe0: {  	[sflag:s8] =	ssyncset.done @p1 $0x0  }
0xe1: {  	[sflag:s8] =	ssyncadd.s32 @p1 $0xFFFFDF80;
	s8 =	rddreg [dreg:$0x4]  }
0xe2: {  	[spmem:s18], [sflag:s17] =	dma.local @!p1 [hbm:s8], $0x2780  }
0xe3: {  	s8 =	simm.s32 @!p1 $0x9  }
0xe4: {  	_ =	swait.ge @!p1 [sflag:s8], $0x2780  }
0xe5: {  	s20 =	simm.s32 $0x138C0;
	[sflag:s8] =	ssyncset.done @!p1 $0x0  }
0xe6: {  	s15 =	rddreg [dreg:$0x6];
	[sflag:s8] =	ssyncadd.s32 @!p1 $0xFFFFD880;
	s8 =	simm.s32 $0x0  }
0xe7: {  	[tilespmem:s20], [sflag:$0x9] =	stream.linear.gather [hbm4b:s15+s8], $0x2800, $0x38;
	[tilespmem:$0x1E4C0] =	vst v63  }
0xe8: {  	s20 =	simm.s32 $0x9  }
0xe9: {  	_ =	swait.ge [sflag:s20], $0x2800  }
0xea: {  	[sflag:s20] =	ssyncset.done $0x0  }
0xeb: {  	[sflag:s20] =	ssyncadd.s32 $0xFFFFD800  }
0xec: {  	[bflag:$0x0] =	sbarrier.arrive $0xFFFF  }
0xed: {  	v0 =	vld [tilespmem:$0x138C0];
	_ =	sdelay $0x1  }
0xee: {  	v1 =	vld [tilespmem:$0x138D0];
	_ =	sdelay $0x1  }
0xef: {  	v2 =	vld [tilespmem:$0x138E0]  }
0xf0: {  	v3 =	vshrl.u32 v0, $0xE  }
0xf1: {  	v24 =	vld [tilespmem:$0x138F0];
	v0 =	vand.u32 $0x3FFF, v0;
	[tilespmem:$0x1E0C0] =	vst v3  }
0xf2: {  	v25 =	vshrl.u32 v1, $0xE;
	[tilespmem:$0x1E2C0] =	vst v0  }
0xf3: {  	v26 =	vand.u32 $0x3FFF, v1;
	[tilespmem:$0x1E0D0] =	vst v25  }
0xf4: {  	v27 =	vshrl.u32 v2, $0xE;
	[tilespmem:$0x1E2D0] =	vst v26  }
0xf5: {  	v28 =	vand.u32 $0x3FFF, v2;
	[tilespmem:$0x1E0E0] =	vst v27  }
0xf6: {  	v29 =	vshrl.u32 v24, $0xE;
	[tilespmem:$0x1E2E0] =	vst v28  }
0xf7: {  	v30 =	vand.u32 $0x3FFF, v24;
	[tilespmem:$0x1E0F0] =	vst v29  }
0xf8: {  	[tilespmem:$0x1E2F0] =	vst v30  }
0xf9: {  	[tilespmem:s23], [sflag:$0x1] =	stream.indirect.gather [hbm4b:s2+s21], $0x80, s22, s21, $0xb8;
	[tilespmem:$0x1E4C0] =	vst v63  }
0xfa: {  	v31 =	vld [tilespmem:$0x13900];
	_ =	sdelay $0x1  }
0xfb: {  	v32 =	vld [tilespmem:$0x13910];
	_ =	sdelay $0x1  }
0xfc: {  	v33 =	vld [tilespmem:$0x13920]  }
0xfd: {  	v34 =	vshrl.u32 v31, $0xE  }
0xfe: {  	v35 =	vld [tilespmem:$0x13930];
	v0 =	vand.u32 $0x3FFF, v31;
	[tilespmem:$0x1E140] =	vst v34  }
0xff: {  	v36 =	vshrl.u32 v32, $0xE;
	[tilespmem:$0x1E340] =	vst v0  }
0x100: {  	v37 =	vand.u32 $0x3FFF, v32;
	[tilespmem:$0x1E150] =	vst v36  }
0x101: {  	v38 =	vshrl.u32 v33, $0xE;
	[tilespmem:$0x1E350] =	vst v37  }
0x102: {  	v39 =	vand.u32 $0x3FFF, v33;
	[tilespmem:$0x1E160] =	vst v38  }
0x103: {  	v40 =	vshrl.u32 v35, $0xE;
	[tilespmem:$0x1E360] =	vst v39  }
0x104: {  	v41 =	vand.u32 $0x3FFF, v35;
	[tilespmem:$0x1E170] =	vst v40  }
0x105: {  	[tilespmem:$0x1E370] =	vst v41  }
0x106: {  	[tilespmem:s25], [sflag:$0x2] =	stream.indirect.gather [hbm4b:s2+s21], $0x80, s24, s21, $0xb8;
	[tilespmem:$0x1E4C0] =	vst v63  }
0x107: {  	v42 =	vld [tilespmem:$0x13940];
	_ =	sdelay $0x1  }
0x108: {  	v43 =	vld [tilespmem:$0x13950];
	_ =	sdelay $0x1  }
0x109: {  	v44 =	vld [tilespmem:$0x13960]  }
0x10a: {  	v45 =	vshrl.u32 v42, $0xE  }
0x10b: {  	v46 =	vld [tilespmem:$0x13970];
	v0 =	vand.u32 $0x3FFF, v42;
	[tilespmem:$0x1E1C0] =	vst v45  }
0x10c: {  	v47 =	vshrl.u32 v43, $0xE;
	[tilespmem:$0x1E3C0] =	vst v0  }
0x10d: {  	v48 =	vand.u32 $0x3FFF, v43;
	[tilespmem:$0x1E1D0] =	vst v47  }
0x10e: {  	v49 =	vshrl.u32 v44, $0xE;
	[tilespmem:$0x1E3D0] =	vst v48  }
0x10f: {  	v50 =	vand.u32 $0x3FFF, v44;
	[tilespmem:$0x1E1E0] =	vst v49  }
0x110: {  	v51 =	vshrl.u32 v46, $0xE;
	[tilespmem:$0x1E3E0] =	vst v50  }
0x111: {  	v52 =	vand.u32 $0x3FFF, v46;
	[tilespmem:$0x1E1F0] =	vst v51  }
0x112: {  	[tilespmem:$0x1E3F0] =	vst v52  }
0x113: {  	[tilespmem:s28], [sflag:$0x3] =	stream.indirect.gather [hbm4b:s2+s21], $0x80, s26, s21, $0xb8;
	[tilespmem:$0x1E4C0] =	vst v63  }
0x114: {  	v53 =	vld [tilespmem:$0x13980];
	_ =	sdelay $0x1  }
0x115: {  	v54 =	vld [tilespmem:$0x13990];
	_ =	sdelay $0x1  }
0x116: {  	v55 =	vld [tilespmem:$0x139A0]  }
0x117: {  	v56 =	vshrl.u32 v53, $0xE  }
0x118: {  	v57 =	vld [tilespmem:$0x139B0];
	v0 =	vand.u32 $0x3FFF, v53;
	[tilespmem:$0x1E240] =	vst v56  }
0x119: {  	v58 =	vshrl.u32 v54, $0xE;
	[tilespmem:$0x1E440] =	vst v0  }
0x11a: {  	v59 =	vand.u32 $0x3FFF, v54;
	[tilespmem:$0x1E250] =	vst v58  }
0x11b: {  	v60 =	vshrl.u32 v55, $0xE;
	[tilespmem:$0x1E450] =	vst v59  }
0x11c: {  	v61 =	vand.u32 $0x3FFF, v55;
	[tilespmem:$0x1E260] =	vst v60  }
0x11d: {  	v62 =	vshrl.u32 v57, $0xE;
	[tilespmem:$0x1E460] =	vst v61  }
0x11e: {  	v63 =	vand.u32 $0x3FFF, v57;
	[tilespmem:$0x1E270] =	vst v62  }
0x11f: {  	s8 =	simm.s32 $0x7C0;
	[tilespmem:$0x1E470] =	vst v63  }
0x120: {  	[tilespmem:s30], [sflag:$0x4] =	stream.indirect.gather [hbm4b:s2+s21], $0x80, s29, s21, $0xb8;
	[tilespmem:$0x1E4C0] =	vst v63  }
.LBB2_3:
0x121: {  	_ =	swait.ge [sflag:s31], $0x2000  }
0x122: {  	[sflag:s31] =	ssyncset.done $0x0  }
0x123: {  	[sflag:s31] =	ssyncadd.s32 $0xFFFFE000  }
0x124: {  	[spmem:s3] =	stream.indirect.scatter.add.f32 [tilespmem:s23], [sflag:$0x5], $0x80, s0, s21, $0xb8;
	[tilespmem:$0x1E4C0] =	vst v63  }
0x125: {  	_ =	swait.ge [sflag:s1], $0x2000  }
0x126: {  	[sflag:s1] =	ssyncset.done $0x0  }
0x127: {  	[sflag:s1] =	ssyncadd.s32 $0xFFFFE000  }
0x128: {  	[spmem:s3] =	stream.indirect.scatter.add.f32 [tilespmem:s25], [sflag:$0x6], $0x80, s4, s21, $0xb8;
	[tilespmem:$0x1E4C0] =	vst v63  }
0x129: {  	_ =	swait.ge [sflag:s19], $0x2000  }
0x12a: {  	[sflag:s19] =	ssyncset.done $0x0  }
0x12b: {  	[sflag:s19] =	ssyncadd.s32 $0xFFFFE000  }
0x12c: {  	[spmem:s3] =	stream.indirect.scatter.add.f32 [tilespmem:s28], [sflag:$0x7], $0x80, s6, s21, $0xb8;
	[tilespmem:$0x1E4C0] =	vst v63  }
0x12d: {  	_ =	swait.ge [sflag:s7], $0x2000  }
0x12e: {  	p2 =	seq.s32 s8, $0xA3C0;
	[sflag:s7] =	ssyncset.done $0x0  }
.Ltmp5:
0x12f: {  	[sflag:s7] =	ssyncadd.s32 $0xFFFFE000;
	(pc) =	sbr.rel @p2 .LBB2_5-.Ltmp5, $4  }
0x130: {  	[spmem:s3] =	stream.indirect.scatter.add.f32 [tilespmem:s30], [sflag:$0x8], $0x80, s9, s21, $0xb8;
	[tilespmem:$0x1E4C0] =	vst v63  }
0x131: {  	_ =	swait.ge [sflag:s10], $0x2000  }
0x132: {  	[sflag:s10] =	ssyncset.done $0x0  }
0x133: {  	[sflag:s10] =	ssyncadd.s32 $0xFFFFE000  }
0x134: {  	s15 =	sshra.s32 s8, $0x2  }
0x135: {  	v0 =	vld [tilespmem:s15+$0x137D0];
	_ =	sdelay $0x4  }
0x136: {  	v1 =	vshrl.u32 v0, $0xE  }
0x137: {  	v0 =	vand.u32 $0x3FFF, v0;
	[tilespmem:$0x1E0C0] =	vst v1  }
0x138: {  	[tilespmem:$0x1E2C0] =	vst v0  }
0x139: {  	v0 =	vld [tilespmem:s15+$0x137E0];
	_ =	sdelay $0x4  }
0x13a: {  	v46 =	vshrl.u32 v0, $0xE  }
0x13b: {  	v0 =	vand.u32 $0x3FFF, v0;
	[tilespmem:$0x1E0D0] =	vst v46  }
0x13c: {  	[tilespmem:$0x1E2D0] =	vst v0  }
0x13d: {  	v0 =	vld [tilespmem:s15+$0x137F0];
	_ =	sdelay $0x4  }
0x13e: {  	v47 =	vshrl.u32 v0, $0xE  }
0x13f: {  	v0 =	vand.u32 $0x3FFF, v0;
	[tilespmem:$0x1E0E0] =	vst v47  }
0x140: {  	[tilespmem:$0x1E2E0] =	vst v0  }
0x141: {  	v0 =	vld [tilespmem:s15+$0x13800];
	_ =	sdelay $0x4  }
0x142: {  	v48 =	vshrl.u32 v0, $0xE  }
0x143: {  	v0 =	vand.u32 $0x3FFF, v0;
	[tilespmem:$0x1E0F0] =	vst v48  }
0x144: {  	[tilespmem:$0x1E2F0] =	vst v0  }
0x145: {  	[tilespmem:s23], [sflag:$0x1] =	stream.indirect.gather [hbm4b:s2+s21], $0x80, s22, s21, $0xb8;
	[tilespmem:$0x1E4C0] =	vst v63  }
0x146: {  	_ =	swait.ge [sflag:s11], $0x2000  }
0x147: {  	[sflag:s11] =	ssyncset.done $0x0  }
0x148: {  	[sflag:s11] =	ssyncadd.s32 $0xFFFFE000  }
0x149: {  	v49 =	vld [tilespmem:s15+$0x13810];
	_ =	sdelay $0x4  }
0x14a: {  	v50 =	vshrl.u32 v49, $0xE  }
0x14b: {  	v0 =	vand.u32 $0x3FFF, v49;
	[tilespmem:$0x1E140] =	vst v50  }
0x14c: {  	[tilespmem:$0x1E340] =	vst v0  }
0x14d: {  	v0 =	vld [tilespmem:s15+$0x13820];
	_ =	sdelay $0x4  }
0x14e: {  	v51 =	vshrl.u32 v0, $0xE  }
0x14f: {  	v0 =	vand.u32 $0x3FFF, v0;
	[tilespmem:$0x1E150] =	vst v51  }
0x150: {  	[tilespmem:$0x1E350] =	vst v0  }
0x151: {  	v0 =	vld [tilespmem:s15+$0x13830];
	_ =	sdelay $0x4  }
0x152: {  	v52 =	vshrl.u32 v0, $0xE  }
0x153: {  	v0 =	vand.u32 $0x3FFF, v0;
	[tilespmem:$0x1E160] =	vst v52  }
0x154: {  	[tilespmem:$0x1E360] =	vst v0  }
0x155: {  	v0 =	vld [tilespmem:s15+$0x13840];
	_ =	sdelay $0x4  }
0x156: {  	v53 =	vshrl.u32 v0, $0xE  }
0x157: {  	v0 =	vand.u32 $0x3FFF, v0;
	[tilespmem:$0x1E170] =	vst v53  }
0x158: {  	[tilespmem:$0x1E370] =	vst v0  }
0x159: {  	[tilespmem:s25], [sflag:$0x2] =	stream.indirect.gather [hbm4b:s2+s21], $0x80, s24, s21, $0xb8;
	[tilespmem:$0x1E4C0] =	vst v63  }
0x15a: {  	_ =	swait.ge [sflag:s12], $0x2000  }
0x15b: {  	[sflag:s12] =	ssyncset.done $0x0  }
0x15c: {  	[sflag:s12] =	ssyncadd.s32 $0xFFFFE000  }
0x15d: {  	v54 =	vld [tilespmem:s15+$0x13850];
	_ =	sdelay $0x4  }
0x15e: {  	v55 =	vshrl.u32 v54, $0xE  }
0x15f: {  	v0 =	vand.u32 $0x3FFF, v54;
	[tilespmem:$0x1E1C0] =	vst v55  }
0x160: {  	[tilespmem:$0x1E3C0] =	vst v0  }
0x161: {  	v0 =	vld [tilespmem:s15+$0x13860];
	_ =	sdelay $0x4  }
0x162: {  	v56 =	vshrl.u32 v0, $0xE  }
0x163: {  	v0 =	vand.u32 $0x3FFF, v0;
	[tilespmem:$0x1E1D0] =	vst v56  }
0x164: {  	[tilespmem:$0x1E3D0] =	vst v0  }
0x165: {  	v0 =	vld [tilespmem:s15+$0x13870];
	_ =	sdelay $0x4  }
0x166: {  	v57 =	vshrl.u32 v0, $0xE  }
0x167: {  	v0 =	vand.u32 $0x3FFF, v0;
	[tilespmem:$0x1E1E0] =	vst v57  }
0x168: {  	[tilespmem:$0x1E3E0] =	vst v0  }
0x169: {  	v0 =	vld [tilespmem:s15+$0x13880];
	_ =	sdelay $0x4  }
0x16a: {  	v58 =	vshrl.u32 v0, $0xE  }
0x16b: {  	v0 =	vand.u32 $0x3FFF, v0;
	[tilespmem:$0x1E1F0] =	vst v58  }
0x16c: {  	[tilespmem:$0x1E3F0] =	vst v0  }
0x16d: {  	[tilespmem:s28], [sflag:$0x3] =	stream.indirect.gather [hbm4b:s2+s21], $0x80, s26, s21, $0xb8;
	[tilespmem:$0x1E4C0] =	vst v63  }
0x16e: {  	_ =	swait.ge [sflag:s13], $0x2000  }
0x16f: {  	[sflag:s13] =	ssyncset.done $0x0  }
0x170: {  	[sflag:s13] =	ssyncadd.s32 $0xFFFFE000  }
0x171: {  	v59 =	vld [tilespmem:s15+$0x13890];
	_ =	sdelay $0x4  }
0x172: {  	v60 =	vshrl.u32 v59, $0xE  }
0x173: {  	v0 =	vand.u32 $0x3FFF, v59;
	[tilespmem:$0x1E240] =	vst v60  }
0x174: {  	[tilespmem:$0x1E440] =	vst v0  }
0x175: {  	v0 =	vld [tilespmem:s15+$0x138A0];
	_ =	sdelay $0x4  }
0x176: {  	v61 =	vshrl.u32 v0, $0xE  }
0x177: {  	v0 =	vand.u32 $0x3FFF, v0;
	[tilespmem:$0x1E250] =	vst v61  }
0x178: {  	[tilespmem:$0x1E450] =	vst v0  }
0x179: {  	v0 =	vld [tilespmem:s15+$0x138B0];
	_ =	sdelay $0x4  }
0x17a: {  	v62 =	vshrl.u32 v0, $0xE  }
0x17b: {  	v0 =	vand.u32 $0x3FFF, v0;
	[tilespmem:$0x1E260] =	vst v62  }
0x17c: {  	[tilespmem:$0x1E460] =	vst v0  }
0x17d: {  	v0 =	vld [tilespmem:s15+$0x138C0];
	_ =	sdelay $0x3  }
.Ltmp6:
0x17e: {  	_ = 	snop;
	(pc) =	sbr.rel .LBB2_3-.Ltmp6, $4  }
0x17f: {  	v63 =	vshrl.u32 v0, $0xE  }
0x180: {  	v0 =	vand.u32 $0x3FFF, v0;
	[tilespmem:$0x1E270] =	vst v63  }
0x181: {  	s8 =	sadd.s32 $0x400, s8;
	[tilespmem:$0x1E470] =	vst v0  }
0x182: {  	[tilespmem:s30], [sflag:$0x4] =	stream.indirect.gather [hbm4b:s2+s21], $0x80, s29, s21, $0xb8;
	[tilespmem:$0x1E4C0] =	vst v63  }
.LBB2_5:
0x183: {  	_ =	swait.ge [sflag:s11], $0x2000  }
0x184: {  	[sflag:s11] =	ssyncset.done $0x0  }
0x185: {  	[sflag:s11] =	ssyncadd.s32 $0xFFFFE000  }
0x186: {  	_ =	swait.ge [sflag:s12], $0x2000  }
0x187: {  	[sflag:s12] =	ssyncset.done $0x0  }
0x188: {  	[sflag:s12] =	ssyncadd.s32 $0xFFFFE000  }
0x189: {  	_ =	swait.ge [sflag:s13], $0x2000  }
0x18a: {  	[sflag:s13] =	ssyncset.done $0x0  }
0x18b: {  	[sflag:s13] =	ssyncadd.s32 $0xFFFFE000  }
0x18c: {  	[bflag:$0x0] =	sbarrier.arrive $0xFFFF  }
0x18d: {  	s8 =	simm.s32 @p1 $0x1FC9;
	s15 =	rddreg [dreg:$0x8]  }
0x18e: {  	[hbm:s15], [sflag:s8] =	dma.local @p1 [spmem:s16], $0x2080  }
0x18f: {  	s8 =	simm.s32 @p1 $0x9  }
0x190: {  	_ =	swait.ge @p1 [sflag:s8], $0x2080  }
0x191: {  	[sflag:s8] =	ssyncset.done @p1 $0x0  }
0x192: {  	[sflag:s8] =	ssyncadd.s32 @p1 $0xFFFFDF80;
	s8 =	rddreg [dreg:$0x7]  }
0x193: {  	[hbm:s8], [sflag:s17] =	dma.local @!p1 [spmem:s18], $0x2780  }
.Ltmp7:
0x194: {  	_ = 	snop;
	(pc) =	sbr.rel .LBB2_10-.Ltmp7, $4  }
0x195: {  	s8 =	simm.s32 @!p1 $0x9  }
0x196: {  	_ =	swait.ge @!p1 [sflag:s8], $0x2780  }
0x197: {  	[sflag:s8] =	ssyncset.done @!p1 $0x0  }
0x198: {  	[sflag:s8] =	ssyncadd.s32 @!p1 $0xFFFFD880  }
.LBB2_11:
0x199: {  	_ =	sfence.sel $0x180000  }
0x19a: {  	[bflag:$0x0] =	sbarrier.arrive $0xFFFF  }
0x19b: {  	_ =	strace $0x9000004A  }
0x19c: {  	s0 =	stileid.u32;
	[bflag:$0x2] =	sbarrier.arrive $0xFFFF  }
0x19d: {  	p0 =	sne.s32 s0, $0x0;
	s0 =	rddreg [dreg:$0x3]  }
0x19e: {  	s0 =	sadd.s32 @!p0 $0x100000, s0  }
0x19f: {  	[sflag:s0] =	ssyncadd.tile.s32 @!p0 $0x1;
	_ =	shalt  }
.Lfunc_end2:
_tile_overlayer_lowered:
.L_overlay_start_2:
0x1a0: {  	(tag) =	ssettag $0x2  }
0x1a1: {  	s0 =	rddreg [dreg:$0x0];
	s2 =	stileid.u32  }
0x1a2: {  	s1 =	rddreg [dreg:$0x1];
	p0 =	sne.s32 s2, $0x0  }
0x1a3: {  	s3 =	rddreg [dreg:$0x2];
	[bflag:$0x3] =	sbarrier.arrive $0xFFFF;
	s2 =	simm.s32 @!p0 $0x1C09  }
0x1a4: {  	[timem:s3], [sflag:s2] =	dma.local @!p0 [hbm:s0], s1  }
0x1a5: {  	s0 =	simm.s32 @!p0 $0x9  }
0x1a6: {  	_ =	swait.ge @!p0 [sflag:s0], s1  }
0x1a7: {  	s1 =	ssub.s32 @!p0 $0x0, s1;
	[sflag:s0] =	ssyncset.done @!p0 $0x0  }
0x1a8: {  	[sflag:s0] =	ssyncadd.s32 @!p0 s1  }
0x1a9: {  	[bflag:$0x3] =	sbarrier.arrive $0xFFFF  }
0x1aa: {  	_ =	shalt  }

</sc_bundles>
